<compile_context>
chip_gen: v7x
topology: tpu7x:2x2x1
jax: 0.10.2.dev20260603
libtpu: 0.0.44.dev20260713+nightly
codegen_flags: <defaults>
</compile_context>

<pallas_src>
import functools

import jax
import jax.numpy as jnp
from jax import lax
from jax.experimental import pallas as pl
from jax.experimental.pallas import tpu as pltpu
from jax.experimental.pallas import tpu_sc as plsc

_B = 4096
_L = 200
_DIM = 16
_N = _B * _L
_V = 1000000

_NC = 2
_NS = 16
_NW = _NC * _NS
_BB = _B // _NW
_QROWS = _V // 4

_FW = 896
_FCHUNKS = _V // _FW
_FTAILV = _V - _FCHUNKS * _FW
_FPT = (_FCHUNKS + _NW - 1) // _NW


def _build_format():
    mesh = plsc.VectorSubcoreMesh(core_axis_name="c", subcore_axis_name="s")

    @functools.partial(
        pl.kernel,
        mesh=mesh,
        out_type=jax.ShapeDtypeStruct((_QROWS, 128), jnp.float32),
        compiler_params=pltpu.CompilerParams(
            use_tc_tiling_on_sc=True, needs_layout_passes=False
        ),
        scratch_types=[
            pltpu.VMEM((32, _FW), jnp.float32),
            pltpu.VMEM((32, _FW), jnp.float32),
            pltpu.VMEM((_FW // 4, 128), jnp.float32),
            pltpu.VMEM((_FW // 4, 128), jnp.float32),
            pltpu.SemaphoreType.DMA,
            pltpu.SemaphoreType.DMA,
            pltpu.SemaphoreType.DMA,
            pltpu.SemaphoreType.DMA,
        ],
    )
    def format_table(
        tbl_t, tail_in, quads_out,
        colA, colB, rowA, rowB, isemA, isemB, osemA, osemB,
    ):
        wid = lax.axis_index("s") * _NC + lax.axis_index("c")
        lane = lax.iota(jnp.int32, 16)

        @pl.when(wid == 0)
        def _():
            pltpu.sync_copy(
                tail_in, quads_out.at[pl.ds(_FCHUNKS * _FW // 4, _FTAILV // 4)]
            )

        def cix(t):
            return wid + t * _NW

        def in_copy(t, col, isem):
            v0 = pl.multiple_of(cix(t) * _FW, 128)
            return pltpu.make_async_copy(tbl_t.at[:, pl.ds(v0, _FW)], col, isem)

        def out_copy(t, row, osem):
            r0 = pl.multiple_of(cix(t) * (_FW // 4), 8)
            return pltpu.make_async_copy(
                row, quads_out.at[pl.ds(r0, _FW // 4)], osem
            )

        def transpose(col, row):
            def cbody(cc, carry):
                rot = (lane + cc) % 16

                def mbody(mg, carry2):
                    for sub in range(8):
                        uv = (mg * 8 + sub) * 16 + rot
                        rv = uv // 4
                        cbase = (uv % 4) * 32
                        for half in range(2):
                            kv = lane + half * 16
                            v = plsc.load_gather(col, [kv, uv])
                            plsc.store_scatter(row, [rv, cbase + kv], v)
                    return carry2

                lax.fori_loop(0, _FW // 128, mbody, 0)
                return carry

            lax.fori_loop(0, 16, cbody, 0)

        @pl.when(cix(0) < _FCHUNKS)
        def _():
            in_copy(0, colA, isemA).start()

        def body(i, carry):
            t0 = 2 * i
            t1 = t0 + 1

            @pl.when(cix(t1) < _FCHUNKS)
            def _():
                in_copy(t1, colB, isemB).start()

            @pl.when(cix(t0) < _FCHUNKS)
            def _():
                in_copy(t0, colA, isemA).wait()

                @pl.when(i > 0)
                def _():
                    out_copy(t0 - 2, rowA, osemA).wait()

                transpose(colA, rowA)
                out_copy(t0, rowA, osemA).start()

            @pl.when(cix(t0 + 2) < _FCHUNKS)
            def _():
                in_copy(t0 + 2, colA, isemA).start()

            @pl.when(cix(t1) < _FCHUNKS)
            def _():
                in_copy(t1, colB, isemB).wait()

                @pl.when(i > 0)
                def _():
                    out_copy(t1 - 2, rowB, osemB).wait()

                transpose(colB, rowB)
                out_copy(t1, rowB, osemB).start()

            return carry

        lax.fori_loop(0, (_FPT + 1) // 2, body, 0)

        last_even = ((_FPT + 1) // 2) * 2 - 2

        @pl.when(cix(last_even) < _FCHUNKS)
        def _():
            out_copy(last_even, rowA, osemA).wait()

        @pl.when(cix(last_even) >= _FCHUNKS)
        def _():
            out_copy(last_even - 2, rowA, osemA).wait()

        out_copy(last_even - 1, rowB, osemB).wait()

    return format_table


def _build():
    mesh = plsc.VectorSubcoreMesh(core_axis_name="c", subcore_axis_name="s")

    @functools.partial(
        pl.kernel,
        mesh=mesh,
        out_type=(
            jax.ShapeDtypeStruct((_L, 2, _NW, 8, _BB), jnp.float32),
            jax.ShapeDtypeStruct((_L, 2, _NW, 8, _BB), jnp.float32),
        ),
        compiler_params=pltpu.CompilerParams(
            use_tc_tiling_on_sc=True, needs_layout_passes=False
        ),
        scratch_types=[
            pltpu.VMEM((_L, _BB), jnp.int32),
            pltpu.VMEM((_L, _BB), jnp.int32),
            pltpu.VMEM((_BB, _BB), jnp.float32),
            pltpu.VMEM((_BB, _BB), jnp.float32),
            pltpu.VMEM((2, 8, _BB), jnp.float32),
            pltpu.VMEM((2, 8, _BB), jnp.float32),
            pltpu.VMEM((2, 8, _BB), jnp.float32),
            pltpu.VMEM((2, 8, _BB), jnp.float32),
            pltpu.SemaphoreType.DMA,
            pltpu.SemaphoreType.DMA,
            pltpu.SemaphoreType.DMA,
            pltpu.SemaphoreType.DMA,
        ],
    )
    def gather_planes(
        qidx_hbm, off_hbm, quad_hbm, re_hbm, im_hbm,
        qidx_v, off_v, g0, g1, rt0, it0, rt1, it1,
        gsem0, gsem1, osem0, osem1,
    ):
        wid = lax.axis_index("s") * _NC + lax.axis_index("c")

        rows = pl.ds(wid * _L, _L)
        pltpu.sync_copy(qidx_hbm.at[rows], qidx_v)
        pltpu.sync_copy(off_hbm.at[rows], off_v)

        lane = lax.iota(jnp.int32, 16)
        jvs = [m * 16 + lane for m in range(_BB // 16)]

        def fire_gather(l, g, gsem):
            pltpu.async_copy(quad_hbm.at[qidx_v.at[l]], g, gsem)

        def wait_gather(l, g, gsem):
            pltpu.make_async_copy(quad_hbm.at[qidx_v.at[l]], g, gsem).wait()

        def transpose(l, src, dre, dim):
            lv = jnp.full((16,), l, jnp.int32)
            offs = [
                plsc.load_gather(off_v, [lv, jvs[m]])
                for m in range(_BB // 16)
            ]

            def cbody(cg, carry):
                for sub in range(2):
                    rot = (lane + (cg * 2 + sub)) % 16
                    t1 = rot // 8
                    e0 = rot % 8
                    for m in range(_BB // 16):
                        jv = jvs[m]
                        col = offs[m] + rot
                        plsc.store_scatter(
                            dre, [t1, e0, jv], plsc.load_gather(src, [jv, col])
                        )
                        plsc.store_scatter(
                            dim, [t1, e0, jv],
                            plsc.load_gather(src, [jv, col + _DIM]),
                        )
                return carry

            lax.fori_loop(0, _DIM // 2, cbody, 0)

        def fire_out(l, rt, it, osem):
            pltpu.async_copy(rt, re_hbm.at[l, :, wid], osem)
            pltpu.async_copy(it, im_hbm.at[l, :, wid], osem)

        def wait_out(l, rt, it, osem):
            pltpu.make_async_copy(rt, re_hbm.at[l, :, wid], osem).wait()
            pltpu.make_async_copy(it, im_hbm.at[l, :, wid], osem).wait()

        fire_gather(0, g0, gsem0)

        def body(i, carry):
            l0 = 2 * i
            l1 = l0 + 1
            fire_gather(l1, g1, gsem1)

            wait_gather(l0, g0, gsem0)

            @pl.when(i > 0)
            def _():
                wait_out(l0 - 2, rt0, it0, osem0)

            transpose(l0, g0, rt0, it0)
            fire_out(l0, rt0, it0, osem0)

            @pl.when(i < _L // 2 - 1)
            def _():
                fire_gather(l0 + 2, g0, gsem0)

            wait_gather(l1, g1, gsem1)

            @pl.when(i > 0)
            def _():
                wait_out(l1 - 2, rt1, it1, osem1)

            transpose(l1, g1, rt1, it1)
            fire_out(l1, rt1, it1, osem1)
            return carry

        lax.fori_loop(0, _L // 2, body, 0)

        wait_out(_L - 2, rt0, it0, osem0)
        wait_out(_L - 1, rt1, it1, osem1)

    return gather_planes


_FORMAT = _build_format()
_GATHER = _build()


def kernel(ids, embed_weight):
    blocked = ids.reshape(_NW, _BB, _L).transpose(0, 2, 1)
    qidx = (blocked // 4).reshape(_NW * _L, _BB)
    off = ((blocked % 4) * 32).reshape(_NW * _L, _BB)
    tail = embed_weight[_FCHUNKS * _FW:].reshape(_FTAILV // 4, 128)
    quads = _FORMAT(embed_weight.T, tail)
    re4, im4 = _GATHER(qidx, off, quads)

    def conv(x):
        return x.transpose(2, 4, 0, 1, 3).reshape(_B, _L, _DIM)

    return lax.complex(conv(re4), conv(im4))

# --- scband reference (transcript-rebuilt; emitter-appended) ---
"""Pipeline reference for scband-token-embedding-9938554323646 (READ-ONLY COPY).

The authoritative reference and input builder live on the scoring server;
editing this copy changes nothing except your own understanding.
"""

import jax, jax.numpy as jnp
import numpy as np

VOCAB = 1000000
DIM = 16
B = 4096
L = 200


def setup_inputs(seed: int = 0) -> dict:
    key = jax.random.key(seed)
    k1, k2 = jax.random.split(key)
    ids = jax.random.randint(k1, (B, L), 0, VOCAB, dtype=jnp.int32)
    embed_weight = jax.random.normal(k2, (VOCAB, DIM * 2), dtype=jnp.float32) * 0.02
    return {"ids": ids, "embed_weight": embed_weight}


def reference(ids, embed_weight):
    # emb = self.embed(ids)
    emb = jnp.take(embed_weight, ids, axis=0)
    # return emb[..., :dim] + 1j * emb[..., dim:]
    out = (emb[..., :DIM] + 1j * emb[..., DIM:]).astype(jnp.complex64)
    return out

if __name__ == "__main__":
    import jax
    _d = setup_inputs()
    print(jax.jit(kernel)(*tuple(_d.values())))

</pallas_src>

<mosaic_0001>
#map = affine_map<(d0, d1) -> (0, 0)>
module attributes {stable_mosaic.version = 14 : i64} {
  func.func @format_table(%arg0: i32, %arg1: i32, %arg2: memref<32x1000000xf32, #tpu.memory_space<hbm>>, %arg3: memref<16x128xf32, #tpu.memory_space<hbm>>, %arg4: memref<250000x128xf32, #tpu.memory_space<hbm>>, %arg5: memref<32x896xf32, #tpu.memory_space<vmem>>, %arg6: memref<32x896xf32, #tpu.memory_space<vmem>>, %arg7: memref<224x128xf32, #tpu.memory_space<vmem>>, %arg8: memref<224x128xf32, #tpu.memory_space<vmem>>, %arg9: memref<!tpu.dma_semaphore, #tpu.memory_space<semaphore_mem>>, %arg10: memref<!tpu.dma_semaphore, #tpu.memory_space<semaphore_mem>>, %arg11: memref<!tpu.dma_semaphore, #tpu.memory_space<semaphore_mem>>, %arg12: memref<!tpu.dma_semaphore, #tpu.memory_space<semaphore_mem>>) attributes {dimension_semantics = [#tpu.dimension_semantics<core_parallel>, #tpu.dimension_semantics<subcore_parallel>], iteration_bounds = array<i64: 2, 16>, scalar_prefetch = 0 : i64, scratch_operands = 8 : i64, tpu.core_type = #tpu.core_type<sc_vector_subcore>, window_params = [{transform_indices = #map}, {transform_indices = #map}, {transform_indices = #map}]} {
    %mul3A = arith.constant 2 : i32
    %mul3A_0 = arith.muli %arg1, %mul3A : i32
    %add3A = arith.addi %mul3A_0, %arg0 : i32
    %iota3A = tpu.iota {dimensions = array<i32: 0>} : vector<16xi32>
    %eq3A = arith.constant 0 : i32
    %eq3A_1 = arith.cmpi eq, %add3A, %eq3A : i32
    %convert_element_type3A = arith.extui %eq3A_1 : i1 to i32
    %cond3A = arith.constant 0 : i32
    %cond3A_2 = arith.cmpi ne, %convert_element_type3A, %cond3A : i32
    scf.if %cond3A_2 {
      "tpu.region"() ({
        %run_scoped3A = tpu.sem_alloc : memref<!tpu.dma_semaphore, #tpu.memory_space<semaphore_mem>>
        %dma_start3A = arith.constant 249984 : i32
        %dma_start3A_34 = arith.constant 0 : i32
        %dma_start3A_35 = tpu.memref_slice %arg4[%dma_start3A, %dma_start3A_34] : memref<250000x128xf32, #tpu.memory_space<hbm>> -> memref<16x128xf32, #tpu.memory_space<hbm>>
        tpu.enqueue_dma source(%arg3 : memref<16x128xf32, #tpu.memory_space<hbm>>) target(%dma_start3A_35 : memref<16x128xf32, #tpu.memory_space<hbm>>) target_semaphore(%run_scoped3A : memref<!tpu.dma_semaphore, #tpu.memory_space<semaphore_mem>>)
        %dma_wait3A_36 = arith.constant 249984 : i32
        %dma_wait3A_37 = arith.constant 0 : i32
        %dma_wait3A_38 = tpu.memref_slice %arg4[%dma_wait3A_36, %dma_wait3A_37] : memref<250000x128xf32, #tpu.memory_space<hbm>> -> memref<16x128xf32, #tpu.memory_space<hbm>>
        tpu.wait_dma2 semaphore(%run_scoped3A : memref<!tpu.dma_semaphore, #tpu.memory_space<semaphore_mem>>) src(%arg3 : memref<16x128xf32, #tpu.memory_space<hbm>>) dst(%dma_wait3A_38 : memref<16x128xf32, #tpu.memory_space<hbm>>)
        tpu.yield
      }) : () -> ()
    } else {
    }
    %add3A_3 = arith.constant 0 : i32
    %add3A_4 = arith.addi %add3A, %add3A_3 : i32
    %lt3A = arith.constant 1116 : i32
    %lt3A_5 = arith.cmpi slt, %add3A_4, %lt3A : i32
    %convert_element_type3A_6 = arith.extui %lt3A_5 : i1 to i32
    %cond3A_7 = arith.constant 0 : i32
    %cond3A_8 = arith.cmpi ne, %convert_element_type3A_6, %cond3A_7 : i32
    scf.if %cond3A_8 {
      %add3A_34 = arith.constant 0 : i32
      %add3A_35 = arith.addi %add3A, %add3A_34 : i32
      %mul3A_36 = arith.constant 896 : i32
      %mul3A_37 = arith.muli %add3A_35, %mul3A_36 : i32
      %multiple_of3A_38 = tpu.assume_multiple %mul3A_37, 128 : i32
      %dma_start3A = arith.constant 0 : i32
      %dma_start3A_39 = tpu.memref_slice %arg2[%dma_start3A, %multiple_of3A_38] : memref<32x1000000xf32, #tpu.memory_space<hbm>> -> memref<32x896xf32, #tpu.memory_space<hbm>>
      %dma_start3A_40 = arith.constant 0 : i32
      %dma_start3A_41 = tpu.memref_slice %arg2[%dma_start3A_40, %multiple_of3A_38] : memref<32x1000000xf32, #tpu.memory_space<hbm>> -> memref<32x896xf32, #tpu.memory_space<hbm>>
      tpu.enqueue_dma source(%dma_start3A_41 : memref<32x896xf32, #tpu.memory_space<hbm>>) target(%arg5 : memref<32x896xf32, #tpu.memory_space<vmem>>) target_semaphore(%arg9 : memref<!tpu.dma_semaphore, #tpu.memory_space<semaphore_mem>>)
    } else {
    }
    %scan3A = arith.constant 0 : i32
    %scan3A_9 = arith.constant 0 : i32
    %scan3A_10 = arith.constant 18 : i32
    %scan3A_11 = arith.addi %scan3A_9, %scan3A_10 : i32
    %scan3A_12 = arith.constant 1 : i32
    scf.for %scan3A_34 = %scan3A_9 to %scan3A_11 step %scan3A_12  : i32 {
      %mul3A_35 = arith.constant 2 : i32
      %mul3A_36 = arith.muli %mul3A_35, %scan3A_34 : i32
      %add3A_37 = arith.constant 1 : i32
      %add3A_38 = arith.addi %mul3A_36, %add3A_37 : i32
      %mul3A_39 = arith.constant 32 : i32
      %mul3A_40 = arith.muli %add3A_38, %mul3A_39 : i32
      %add3A_41 = arith.addi %add3A, %mul3A_40 : i32
      %lt3A_42 = arith.constant 1116 : i32
      %lt3A_43 = arith.cmpi slt, %add3A_41, %lt3A_42 : i32
      %convert_element_type3A_44 = arith.extui %lt3A_43 : i1 to i32
      %cond3A_45 = arith.constant 0 : i32
      %cond3A_46 = arith.cmpi ne, %convert_element_type3A_44, %cond3A_45 : i32
      scf.if %cond3A_46 {
        %mul3A_73 = arith.constant 32 : i32
        %mul3A_74 = arith.muli %add3A_38, %mul3A_73 : i32
        %add3A_75 = arith.addi %add3A, %mul3A_74 : i32
        %mul3A_76 = arith.constant 896 : i32
        %mul3A_77 = arith.muli %add3A_75, %mul3A_76 : i32
        %multiple_of3A_78 = tpu.assume_multiple %mul3A_77, 128 : i32
        %dma_start3A = arith.constant 0 : i32
        %dma_start3A_79 = tpu.memref_slice %arg2[%dma_start3A, %multiple_of3A_78] : memref<32x1000000xf32, #tpu.memory_space<hbm>> -> memref<32x896xf32, #tpu.memory_space<hbm>>
        %dma_start3A_80 = arith.constant 0 : i32
        %dma_start3A_81 = tpu.memref_slice %arg2[%dma_start3A_80, %multiple_of3A_78] : memref<32x1000000xf32, #tpu.memory_space<hbm>> -> memref<32x896xf32, #tpu.memory_space<hbm>>
        tpu.enqueue_dma source(%dma_start3A_81 : memref<32x896xf32, #tpu.memory_space<hbm>>) target(%arg6 : memref<32x896xf32, #tpu.memory_space<vmem>>) target_semaphore(%arg10 : memref<!tpu.dma_semaphore, #tpu.memory_space<semaphore_mem>>)
      } else {
      }
      %mul3A_47 = arith.constant 32 : i32
      %mul3A_48 = arith.muli %mul3A_36, %mul3A_47 : i32
      %add3A_49 = arith.addi %add3A, %mul3A_48 : i32
      %lt3A_50 = arith.constant 1116 : i32
      %lt3A_51 = arith.cmpi slt, %add3A_49, %lt3A_50 : i32
      %convert_element_type3A_52 = arith.extui %lt3A_51 : i1 to i32
      %cond3A_53 = arith.constant 0 : i32
      %cond3A_54 = arith.cmpi ne, %convert_element_type3A_52, %cond3A_53 : i32
      scf.if %cond3A_54 {
        %mul3A_73 = arith.constant 32 : i32
        %mul3A_74 = arith.muli %mul3A_36, %mul3A_73 : i32
        %add3A_75 = arith.addi %add3A, %mul3A_74 : i32
        %mul3A_76 = arith.constant 896 : i32
        %mul3A_77 = arith.muli %add3A_75, %mul3A_76 : i32
        %multiple_of3A_78 = tpu.assume_multiple %mul3A_77, 128 : i32
        %dma_wait3A_79 = arith.constant 0 : i32
        %dma_wait3A_80 = tpu.memref_slice %arg2[%dma_wait3A_79, %multiple_of3A_78] : memref<32x1000000xf32, #tpu.memory_space<hbm>> -> memref<32x896xf32, #tpu.memory_space<hbm>>
        %dma_wait3A_81 = arith.constant 0 : i32
        %dma_wait3A_82 = tpu.memref_slice %arg2[%dma_wait3A_81, %multiple_of3A_78] : memref<32x1000000xf32, #tpu.memory_space<hbm>> -> memref<32x896xf32, #tpu.memory_space<hbm>>
        tpu.wait_dma2 semaphore(%arg9 : memref<!tpu.dma_semaphore, #tpu.memory_space<semaphore_mem>>) src(%dma_wait3A_82 : memref<32x896xf32, #tpu.memory_space<hbm>>) dst(%arg5 : memref<32x896xf32, #tpu.memory_space<vmem>>)
        %gt3A = arith.constant 0 : i32
        %gt3A_83 = arith.cmpi sgt, %scan3A_34, %gt3A : i32
        %convert_element_type3A_84 = arith.extui %gt3A_83 : i1 to i32
        %cond3A_85 = arith.constant 0 : i32
        %cond3A_86 = arith.cmpi ne, %convert_element_type3A_84, %cond3A_85 : i32
        scf.if %cond3A_86 {
          %sub3A = arith.constant 2 : i32
          %sub3A_102 = arith.subi %mul3A_36, %sub3A : i32
          %mul3A_103 = arith.constant 32 : i32
          %mul3A_104 = arith.muli %sub3A_102, %mul3A_103 : i32
          %add3A_105 = arith.addi %add3A, %mul3A_104 : i32
          %mul3A_106 = arith.constant 224 : i32
          %mul3A_107 = arith.muli %add3A_105, %mul3A_106 : i32
          %multiple_of3A_108 = tpu.assume_multiple %mul3A_107, 8 : i32
          %dma_wait3A_109 = arith.constant 0 : i32
          %dma_wait3A_110 = tpu.memref_slice %arg4[%multiple_of3A_108, %dma_wait3A_109] : memref<250000x128xf32, #tpu.memory_space<hbm>> -> memref<224x128xf32, #tpu.memory_space<hbm>>
          %dma_wait3A_111 = arith.constant 0 : i32
          %dma_wait3A_112 = tpu.memref_slice %arg4[%multiple_of3A_108, %dma_wait3A_111] : memref<250000x128xf32, #tpu.memory_space<hbm>> -> memref<224x128xf32, #tpu.memory_space<hbm>>
          tpu.wait_dma2 semaphore(%arg11 : memref<!tpu.dma_semaphore, #tpu.memory_space<semaphore_mem>>) src(%arg7 : memref<224x128xf32, #tpu.memory_space<vmem>>) dst(%dma_wait3A_112 : memref<224x128xf32, #tpu.memory_space<hbm>>)
        } else {
        }
        %scan3A_87 = arith.constant 0 : i32
        %scan3A_88 = arith.constant 0 : i32
        %scan3A_89 = arith.constant 16 : i32
        %scan3A_90 = arith.addi %scan3A_88, %scan3A_89 : i32
        %scan3A_91 = arith.constant 1 : i32
        scf.for %scan3A_102 = %scan3A_88 to %scan3A_90 step %scan3A_91  : i32 {
          %add3A_103 = vector.broadcast %scan3A_102 : i32 to vector<16xi32>
          %add3A_104 = arith.addi %iota3A, %add3A_103 : vector<16xi32>
          %jit3A = arith.constant 16 : i32
          %eq3A_105 = arith.constant 0 : i32
          %eq3A_106 = arith.cmpi eq, %jit3A, %eq3A_105 : i32
          %jit3A_107 = arith.constant 1 : i32
          %select_n3A = arith.select %eq3A_106, %jit3A_107, %jit3A : i32
          %rem3A = vector.broadcast %select_n3A : i32 to vector<16xi32>
          %rem3A_108 = arith.remsi %add3A_104, %rem3A : vector<16xi32>
          %ne3A = arith.constant 0 : i32
          %ne3A_109 = vector.broadcast %ne3A : i32 to vector<16xi32>
          %ne3A_110 = arith.cmpi ne, %rem3A_108, %ne3A_109 : vector<16xi32>
          %lt3A_111 = arith.constant 0 : i32
          %lt3A_112 = vector.broadcast %lt3A_111 : i32 to vector<16xi32>
          %lt3A_113 = arith.cmpi slt, %rem3A_108, %lt3A_112 : vector<16xi32>
          %lt3A_114 = arith.constant 0 : i32
          %lt3A_115 = arith.cmpi slt, %select_n3A, %lt3A_114 : i32
          %ne3A_116 = vector.broadcast %lt3A_115 : i1 to vector<16xi1>
          %ne3A_117 = vector.broadcast %ne3A_116 : vector<16xi1> to vector<16xi1>
          %ne3A_118 = arith.xori %lt3A_113, %ne3A_117 : vector<16xi1>
          %and3A = arith.andi %ne3A_118, %ne3A_110 : vector<16xi1>
          %add3A_119 = vector.broadcast %select_n3A : i32 to vector<16xi32>
          %add3A_120 = arith.addi %rem3A_108, %add3A_119 : vector<16xi32>
          %select_n3A_121 = arith.select %and3A, %add3A_120, %rem3A_108 : vector<16xi1>, vector<16xi32>
          %scan3A_122 = arith.constant 0 : i32
          %scan3A_123 = arith.constant 0 : i32
          %scan3A_124 = arith.constant 7 : i32
          %scan3A_125 = arith.addi %scan3A_123, %scan3A_124 : i32
          %scan3A_126 = arith.constant 1 : i32
          scf.for %scan3A_128 = %scan3A_123 to %scan3A_125 step %scan3A_126  : i32 {
            %mul3A_129 = arith.constant 8 : i32
            %mul3A_130 = arith.muli %scan3A_128, %mul3A_129 : i32
            %add3A_131 = arith.constant 0 : i32
            %add3A_132 = arith.addi %mul3A_130, %add3A_131 : i32
            %mul3A_133 = arith.constant 16 : i32
            %mul3A_134 = arith.muli %add3A_132, %mul3A_133 : i32
            %add3A_135 = vector.broadcast %mul3A_134 : i32 to vector<16xi32>
            %add3A_136 = arith.addi %add3A_135, %select_n3A_121 : vector<16xi32>
            %jit3A_137 = arith.constant 4 : i32
            %div3A = vector.broadcast %jit3A_137 : i32 to vector<16xi32>
            %div3A_138 = arith.divsi %add3A_136, %div3A : vector<16xi32>
            %sign3A = arith.constant 0 : i32
            %sign3A_139 = vector.broadcast %sign3A : i32 to vector<16xi32>
            %sign3A_140 = arith.cmpi sgt, %add3A_136, %sign3A_139 : vector<16xi32>
            %sign3A_141 = arith.extui %sign3A_140 : vector<16xi1> to vector<16xi32>
            %sign3A_142 = arith.constant 0 : i32
            %sign3A_143 = vector.broadcast %sign3A_142 : i32 to vector<16xi32>
            %sign3A_144 = arith.cmpi slt, %add3A_136, %sign3A_143 : vector<16xi32>
            %sign3A_145 = arith.extui %sign3A_144 : vector<16xi1> to vector<16xi32>
            %sign3A_146 = arith.subi %sign3A_141, %sign3A_145 : vector<16xi32>
            %sign3A_147 = arith.constant 0 : i32
            %sign3A_148 = arith.cmpi sgt, %jit3A_137, %sign3A_147 : i32
            %sign3A_149 = arith.extui %sign3A_148 : i1 to i32
            %sign3A_150 = arith.constant 0 : i32
            %sign3A_151 = arith.cmpi slt, %jit3A_137, %sign3A_150 : i32
            %sign3A_152 = arith.extui %sign3A_151 : i1 to i32
            %sign3A_153 = arith.subi %sign3A_149, %sign3A_152 : i32
            %ne3A_154 = vector.broadcast %sign3A_153 : i32 to vector<16xi32>
            %ne3A_155 = arith.cmpi ne, %sign3A_146, %ne3A_154 : vector<16xi32>
            %rem3A_156 = vector.broadcast %jit3A_137 : i32 to vector<16xi32>
            %rem3A_157 = arith.remsi %add3A_136, %rem3A_156 : vector<16xi32>
            %ne3A_158 = arith.constant 0 : i32
            %ne3A_159 = vector.broadcast %ne3A_158 : i32 to vector<16xi32>
            %ne3A_160 = arith.cmpi ne, %rem3A_157, %ne3A_159 : vector<16xi32>
            %and3A_161 = arith.andi %ne3A_155, %ne3A_160 : vector<16xi1>
            %sub3A = arith.constant 1 : i32
            %sub3A_162 = vector.broadcast %sub3A : i32 to vector<16xi32>
            %sub3A_163 = arith.subi %div3A_138, %sub3A_162 : vector<16xi32>
            %select_n3A_164 = arith.select %and3A_161, %sub3A_163, %div3A_138 : vector<16xi1>, vector<16xi32>
            %jit3A_165 = arith.constant 4 : i32
            %eq3A_166 = arith.constant 0 : i32
            %eq3A_167 = arith.cmpi eq, %jit3A_165, %eq3A_166 : i32
            %jit3A_168 = arith.constant 1 : i32
            %select_n3A_169 = arith.select %eq3A_167, %jit3A_168, %jit3A_165 : i32
            %rem3A_170 = vector.broadcast %select_n3A_169 : i32 to vector<16xi32>
            %rem3A_171 = arith.remsi %add3A_136, %rem3A_170 : vector<16xi32>
            %ne3A_172 = arith.constant 0 : i32
            %ne3A_173 = vector.broadcast %ne3A_172 : i32 to vector<16xi32>
            %ne3A_174 = arith.cmpi ne, %rem3A_171, %ne3A_173 : vector<16xi32>
            %lt3A_175 = arith.constant 0 : i32
            %lt3A_176 = vector.broadcast %lt3A_175 : i32 to vector<16xi32>
            %lt3A_177 = arith.cmpi slt, %rem3A_171, %lt3A_176 : vector<16xi32>
            %lt3A_178 = arith.constant 0 : i32
            %lt3A_179 = arith.cmpi slt, %select_n3A_169, %lt3A_178 : i32
            %ne3A_180 = vector.broadcast %lt3A_179 : i1 to vector<16xi1>
            %ne3A_181 = vector.broadcast %ne3A_180 : vector<16xi1> to vector<16xi1>
            %ne3A_182 = arith.xori %lt3A_177, %ne3A_181 : vector<16xi1>
            %and3A_183 = arith.andi %ne3A_182, %ne3A_174 : vector<16xi1>
            %add3A_184 = vector.broadcast %select_n3A_169 : i32 to vector<16xi32>
            %add3A_185 = arith.addi %rem3A_171, %add3A_184 : vector<16xi32>
            %select_n3A_186 = arith.select %and3A_183, %add3A_185, %rem3A_171 : vector<16xi1>, vector<16xi32>
            %mul3A_187 = arith.constant 32 : i32
            %mul3A_188 = vector.broadcast %mul3A_187 : i32 to vector<16xi32>
            %mul3A_189 = arith.muli %select_n3A_186, %mul3A_188 : vector<16xi32>
            %add3A_190 = arith.constant 0 : i32
            %add3A_191 = vector.broadcast %add3A_190 : i32 to vector<16xi32>
            %add3A_192 = arith.addi %iota3A, %add3A_191 : vector<16xi32>
            %gather3A = tpu.vector_load_idx %arg5[%add3A_192, %add3A_136] : memref<32x896xf32, #tpu.memory_space<vmem>>[vector<16xi32>, vector<16xi32>], vector<16xf32>,
            %add3A_193 = arith.addi %mul3A_189, %add3A_192 : vector<16xi32>
            tpu.vector_store_idx %arg7[%select_n3A_164, %add3A_193], %gather3A : memref<224x128xf32, #tpu.memory_space<vmem>>[vector<16xi32>, vector<16xi32>], vector<16xf32>,
            %add3A_194 = arith.constant 16 : i32
            %add3A_195 = vector.broadcast %add3A_194 : i32 to vector<16xi32>
            %add3A_196 = arith.addi %iota3A, %add3A_195 : vector<16xi32>
            %gather3A_197 = tpu.vector_load_idx %arg5[%add3A_196, %add3A_136] : memref<32x896xf32, #tpu.memory_space<vmem>>[vector<16xi32>, vector<16xi32>], vector<16xf32>,
            %add3A_198 = arith.addi %mul3A_189, %add3A_196 : vector<16xi32>
            tpu.vector_store_idx %arg7[%select_n3A_164, %add3A_198], %gather3A_197 : memref<224x128xf32, #tpu.memory_space<vmem>>[vector<16xi32>, vector<16xi32>], vector<16xf32>,
            %mul3A_199 = arith.constant 8 : i32
            %mul3A_200 = arith.muli %scan3A_128, %mul3A_199 : i32
            %add3A_201 = arith.constant 1 : i32
            %add3A_202 = arith.addi %mul3A_200, %add3A_201 : i32
            %mul3A_203 = arith.constant 16 : i32
            %mul3A_204 = arith.muli %add3A_202, %mul3A_203 : i32
            %add3A_205 = vector.broadcast %mul3A_204 : i32 to vector<16xi32>
            %add3A_206 = arith.addi %add3A_205, %select_n3A_121 : vector<16xi32>
            %jit3A_207 = arith.constant 4 : i32
            %div3A_208 = vector.broadcast %jit3A_207 : i32 to vector<16xi32>
            %div3A_209 = arith.divsi %add3A_206, %div3A_208 : vector<16xi32>
            %sign3A_210 = arith.constant 0 : i32
            %sign3A_211 = vector.broadcast %sign3A_210 : i32 to vector<16xi32>
            %sign3A_212 = arith.cmpi sgt, %add3A_206, %sign3A_211 : vector<16xi32>
            %sign3A_213 = arith.extui %sign3A_212 : vector<16xi1> to vector<16xi32>
            %sign3A_214 = arith.constant 0 : i32
            %sign3A_215 = vector.broadcast %sign3A_214 : i32 to vector<16xi32>
            %sign3A_216 = arith.cmpi slt, %add3A_206, %sign3A_215 : vector<16xi32>
            %sign3A_217 = arith.extui %sign3A_216 : vector<16xi1> to vector<16xi32>
            %sign3A_218 = arith.subi %sign3A_213, %sign3A_217 : vector<16xi32>
            %sign3A_219 = arith.constant 0 : i32
            %sign3A_220 = arith.cmpi sgt, %jit3A_207, %sign3A_219 : i32
            %sign3A_221 = arith.extui %sign3A_220 : i1 to i32
            %sign3A_222 = arith.constant 0 : i32
            %sign3A_223 = arith.cmpi slt, %jit3A_207, %sign3A_222 : i32
            %sign3A_224 = arith.extui %sign3A_223 : i1 to i32
            %sign3A_225 = arith.subi %sign3A_221, %sign3A_224 : i32
            %ne3A_226 = vector.broadcast %sign3A_225 : i32 to vector<16xi32>
            %ne3A_227 = arith.cmpi ne, %sign3A_218, %ne3A_226 : vector<16xi32>
            %rem3A_228 = vector.broadcast %jit3A_207 : i32 to vector<16xi32>
            %rem3A_229 = arith.remsi %add3A_206, %rem3A_228 : vector<16xi32>
            %ne3A_230 = arith.constant 0 : i32
            %ne3A_231 = vector.broadcast %ne3A_230 : i32 to vector<16xi32>
            %ne3A_232 = arith.cmpi ne, %rem3A_229, %ne3A_231 : vector<16xi32>
            %and3A_233 = arith.andi %ne3A_227, %ne3A_232 : vector<16xi1>
            %sub3A_234 = arith.constant 1 : i32
            %sub3A_235 = vector.broadcast %sub3A_234 : i32 to vector<16xi32>
            %sub3A_236 = arith.subi %div3A_209, %sub3A_235 : vector<16xi32>
            %select_n3A_237 = arith.select %and3A_233, %sub3A_236, %div3A_209 : vector<16xi1>, vector<16xi32>
            %jit3A_238 = arith.constant 4 : i32
            %eq3A_239 = arith.constant 0 : i32
            %eq3A_240 = arith.cmpi eq, %jit3A_238, %eq3A_239 : i32
            %jit3A_241 = arith.constant 1 : i32
            %select_n3A_242 = arith.select %eq3A_240, %jit3A_241, %jit3A_238 : i32
            %rem3A_243 = vector.broadcast %select_n3A_242 : i32 to vector<16xi32>
            %rem3A_244 = arith.remsi %add3A_206, %rem3A_243 : vector<16xi32>
            %ne3A_245 = arith.constant 0 : i32
            %ne3A_246 = vector.broadcast %ne3A_245 : i32 to vector<16xi32>
            %ne3A_247 = arith.cmpi ne, %rem3A_244, %ne3A_246 : vector<16xi32>
            %lt3A_248 = arith.constant 0 : i32
            %lt3A_249 = vector.broadcast %lt3A_248 : i32 to vector<16xi32>
            %lt3A_250 = arith.cmpi slt, %rem3A_244, %lt3A_249 : vector<16xi32>
            %lt3A_251 = arith.constant 0 : i32
            %lt3A_252 = arith.cmpi slt, %select_n3A_242, %lt3A_251 : i32
            %ne3A_253 = vector.broadcast %lt3A_252 : i1 to vector<16xi1>
            %ne3A_254 = vector.broadcast %ne3A_253 : vector<16xi1> to vector<16xi1>
            %ne3A_255 = arith.xori %lt3A_250, %ne3A_254 : vector<16xi1>
            %and3A_256 = arith.andi %ne3A_255, %ne3A_247 : vector<16xi1>
            %add3A_257 = vector.broadcast %select_n3A_242 : i32 to vector<16xi32>
            %add3A_258 = arith.addi %rem3A_244, %add3A_257 : vector<16xi32>
            %select_n3A_259 = arith.select %and3A_256, %add3A_258, %rem3A_244 : vector<16xi1>, vector<16xi32>
            %mul3A_260 = arith.constant 32 : i32
            %mul3A_261 = vector.broadcast %mul3A_260 : i32 to vector<16xi32>
            %mul3A_262 = arith.muli %select_n3A_259, %mul3A_261 : vector<16xi32>
            %add3A_263 = arith.constant 0 : i32
            %add3A_264 = vector.broadcast %add3A_263 : i32 to vector<16xi32>
            %add3A_265 = arith.addi %iota3A, %add3A_264 : vector<16xi32>
            %gather3A_266 = tpu.vector_load_idx %arg5[%add3A_265, %add3A_206] : memref<32x896xf32, #tpu.memory_space<vmem>>[vector<16xi32>, vector<16xi32>], vector<16xf32>,
            %add3A_267 = arith.addi %mul3A_262, %add3A_265 : vector<16xi32>
            tpu.vector_store_idx %arg7[%select_n3A_237, %add3A_267], %gather3A_266 : memref<224x128xf32, #tpu.memory_space<vmem>>[vector<16xi32>, vector<16xi32>], vector<16xf32>,
            %add3A_268 = arith.constant 16 : i32
            %add3A_269 = vector.broadcast %add3A_268 : i32 to vector<16xi32>
            %add3A_270 = arith.addi %iota3A, %add3A_269 : vector<16xi32>
            %gather3A_271 = tpu.vector_load_idx %arg5[%add3A_270, %add3A_206] : memref<32x896xf32, #tpu.memory_space<vmem>>[vector<16xi32>, vector<16xi32>], vector<16xf32>,
            %add3A_272 = arith.addi %mul3A_262, %add3A_270 : vector<16xi32>
            tpu.vector_store_idx %arg7[%select_n3A_237, %add3A_272], %gather3A_271 : memref<224x128xf32, #tpu.memory_space<vmem>>[vector<16xi32>, vector<16xi32>], vector<16xf32>,
            %mul3A_273 = arith.constant 8 : i32
            %mul3A_274 = arith.muli %scan3A_128, %mul3A_273 : i32
            %add3A_275 = arith.constant 2 : i32
            %add3A_276 = arith.addi %mul3A_274, %add3A_275 : i32
            %mul3A_277 = arith.constant 16 : i32
            %mul3A_278 = arith.muli %add3A_276, %mul3A_277 : i32
            %add3A_279 = vector.broadcast %mul3A_278 : i32 to vector<16xi32>
            %add3A_280 = arith.addi %add3A_279, %select_n3A_121 : vector<16xi32>
            %jit3A_281 = arith.constant 4 : i32
            %div3A_282 = vector.broadcast %jit3A_281 : i32 to vector<16xi32>
            %div3A_283 = arith.divsi %add3A_280, %div3A_282 : vector<16xi32>
            %sign3A_284 = arith.constant 0 : i32
            %sign3A_285 = vector.broadcast %sign3A_284 : i32 to vector<16xi32>
            %sign3A_286 = arith.cmpi sgt, %add3A_280, %sign3A_285 : vector<16xi32>
            %sign3A_287 = arith.extui %sign3A_286 : vector<16xi1> to vector<16xi32>
            %sign3A_288 = arith.constant 0 : i32
            %sign3A_289 = vector.broadcast %sign3A_288 : i32 to vector<16xi32>
            %sign3A_290 = arith.cmpi slt, %add3A_280, %sign3A_289 : vector<16xi32>
            %sign3A_291 = arith.extui %sign3A_290 : vector<16xi1> to vector<16xi32>
            %sign3A_292 = arith.subi %sign3A_287, %sign3A_291 : vector<16xi32>
            %sign3A_293 = arith.constant 0 : i32
            %sign3A_294 = arith.cmpi sgt, %jit3A_281, %sign3A_293 : i32
            %sign3A_295 = arith.extui %sign3A_294 : i1 to i32
            %sign3A_296 = arith.constant 0 : i32
            %sign3A_297 = arith.cmpi slt, %jit3A_281, %sign3A_296 : i32
            %sign3A_298 = arith.extui %sign3A_297 : i1 to i32
            %sign3A_299 = arith.subi %sign3A_295, %sign3A_298 : i32
            %ne3A_300 = vector.broadcast %sign3A_299 : i32 to vector<16xi32>
            %ne3A_301 = arith.cmpi ne, %sign3A_292, %ne3A_300 : vector<16xi32>
            %rem3A_302 = vector.broadcast %jit3A_281 : i32 to vector<16xi32>
            %rem3A_303 = arith.remsi %add3A_280, %rem3A_302 : vector<16xi32>
            %ne3A_304 = arith.constant 0 : i32
            %ne3A_305 = vector.broadcast %ne3A_304 : i32 to vector<16xi32>
            %ne3A_306 = arith.cmpi ne, %rem3A_303, %ne3A_305 : vector<16xi32>
            %and3A_307 = arith.andi %ne3A_301, %ne3A_306 : vector<16xi1>
            %sub3A_308 = arith.constant 1 : i32
            %sub3A_309 = vector.broadcast %sub3A_308 : i32 to vector<16xi32>
            %sub3A_310 = arith.subi %div3A_283, %sub3A_309 : vector<16xi32>
            %select_n3A_311 = arith.select %and3A_307, %sub3A_310, %div3A_283 : vector<16xi1>, vector<16xi32>
            %jit3A_312 = arith.constant 4 : i32
            %eq3A_313 = arith.constant 0 : i32
            %eq3A_314 = arith.cmpi eq, %jit3A_312, %eq3A_313 : i32
            %jit3A_315 = arith.constant 1 : i32
            %select_n3A_316 = arith.select %eq3A_314, %jit3A_315, %jit3A_312 : i32
            %rem3A_317 = vector.broadcast %select_n3A_316 : i32 to vector<16xi32>
            %rem3A_318 = arith.remsi %add3A_280, %rem3A_317 : vector<16xi32>
            %ne3A_319 = arith.constant 0 : i32
            %ne3A_320 = vector.broadcast %ne3A_319 : i32 to vector<16xi32>
            %ne3A_321 = arith.cmpi ne, %rem3A_318, %ne3A_320 : vector<16xi32>
            %lt3A_322 = arith.constant 0 : i32
            %lt3A_323 = vector.broadcast %lt3A_322 : i32 to vector<16xi32>
            %lt3A_324 = arith.cmpi slt, %rem3A_318, %lt3A_323 : vector<16xi32>
            %lt3A_325 = arith.constant 0 : i32
            %lt3A_326 = arith.cmpi slt, %select_n3A_316, %lt3A_325 : i32
            %ne3A_327 = vector.broadcast %lt3A_326 : i1 to vector<16xi1>
            %ne3A_328 = vector.broadcast %ne3A_327 : vector<16xi1> to vector<16xi1>
            %ne3A_329 = arith.xori %lt3A_324, %ne3A_328 : vector<16xi1>
            %and3A_330 = arith.andi %ne3A_329, %ne3A_321 : vector<16xi1>
            %add3A_331 = vector.broadcast %select_n3A_316 : i32 to vector<16xi32>
            %add3A_332 = arith.addi %rem3A_318, %add3A_331 : vector<16xi32>
            %select_n3A_333 = arith.select %and3A_330, %add3A_332, %rem3A_318 : vector<16xi1>, vector<16xi32>
            %mul3A_334 = arith.constant 32 : i32
            %mul3A_335 = vector.broadcast %mul3A_334 : i32 to vector<16xi32>
            %mul3A_336 = arith.muli %select_n3A_333, %mul3A_335 : vector<16xi32>
            %add3A_337 = arith.constant 0 : i32
            %add3A_338 = vector.broadcast %add3A_337 : i32 to vector<16xi32>
            %add3A_339 = arith.addi %iota3A, %add3A_338 : vector<16xi32>
            %gather3A_340 = tpu.vector_load_idx %arg5[%add3A_339, %add3A_280] : memref<32x896xf32, #tpu.memory_space<vmem>>[vector<16xi32>, vector<16xi32>], vector<16xf32>,
            %add3A_341 = arith.addi %mul3A_336, %add3A_339 : vector<16xi32>
            tpu.vector_store_idx %arg7[%select_n3A_311, %add3A_341], %gather3A_340 : memref<224x128xf32, #tpu.memory_space<vmem>>[vector<16xi32>, vector<16xi32>], vector<16xf32>,
            %add3A_342 = arith.constant 16 : i32
            %add3A_343 = vector.broadcast %add3A_342 : i32 to vector<16xi32>
            %add3A_344 = arith.addi %iota3A, %add3A_343 : vector<16xi32>
            %gather3A_345 = tpu.vector_load_idx %arg5[%add3A_344, %add3A_280] : memref<32x896xf32, #tpu.memory_space<vmem>>[vector<16xi32>, vector<16xi32>], vector<16xf32>,
            %add3A_346 = arith.addi %mul3A_336, %add3A_344 : vector<16xi32>
            tpu.vector_store_idx %arg7[%select_n3A_311, %add3A_346], %gather3A_345 : memref<224x128xf32, #tpu.memory_space<vmem>>[vector<16xi32>, vector<16xi32>], vector<16xf32>,
            %mul3A_347 = arith.constant 8 : i32
            %mul3A_348 = arith.muli %scan3A_128, %mul3A_347 : i32
            %add3A_349 = arith.constant 3 : i32
            %add3A_350 = arith.addi %mul3A_348, %add3A_349 : i32
            %mul3A_351 = arith.constant 16 : i32
            %mul3A_352 = arith.muli %add3A_350, %mul3A_351 : i32
            %add3A_353 = vector.broadcast %mul3A_352 : i32 to vector<16xi32>
            %add3A_354 = arith.addi %add3A_353, %select_n3A_121 : vector<16xi32>
            %jit3A_355 = arith.constant 4 : i32
            %div3A_356 = vector.broadcast %jit3A_355 : i32 to vector<16xi32>
            %div3A_357 = arith.divsi %add3A_354, %div3A_356 : vector<16xi32>
            %sign3A_358 = arith.constant 0 : i32
            %sign3A_359 = vector.broadcast %sign3A_358 : i32 to vector<16xi32>
            %sign3A_360 = arith.cmpi sgt, %add3A_354, %sign3A_359 : vector<16xi32>
            %sign3A_361 = arith.extui %sign3A_360 : vector<16xi1> to vector<16xi32>
            %sign3A_362 = arith.constant 0 : i32
            %sign3A_363 = vector.broadcast %sign3A_362 : i32 to vector<16xi32>
            %sign3A_364 = arith.cmpi slt, %add3A_354, %sign3A_363 : vector<16xi32>
            %sign3A_365 = arith.extui %sign3A_364 : vector<16xi1> to vector<16xi32>
            %sign3A_366 = arith.subi %sign3A_361, %sign3A_365 : vector<16xi32>
            %sign3A_367 = arith.constant 0 : i32
            %sign3A_368 = arith.cmpi sgt, %jit3A_355, %sign3A_367 : i32
            %sign3A_369 = arith.extui %sign3A_368 : i1 to i32
            %sign3A_370 = arith.constant 0 : i32
            %sign3A_371 = arith.cmpi slt, %jit3A_355, %sign3A_370 : i32
            %sign3A_372 = arith.extui %sign3A_371 : i1 to i32
            %sign3A_373 = arith.subi %sign3A_369, %sign3A_372 : i32
            %ne3A_374 = vector.broadcast %sign3A_373 : i32 to vector<16xi32>
            %ne3A_375 = arith.cmpi ne, %sign3A_366, %ne3A_374 : vector<16xi32>
            %rem3A_376 = vector.broadcast %jit3A_355 : i32 to vector<16xi32>
            %rem3A_377 = arith.remsi %add3A_354, %rem3A_376 : vector<16xi32>
            %ne3A_378 = arith.constant 0 : i32
            %ne3A_379 = vector.broadcast %ne3A_378 : i32 to vector<16xi32>
            %ne3A_380 = arith.cmpi ne, %rem3A_377, %ne3A_379 : vector<16xi32>
            %and3A_381 = arith.andi %ne3A_375, %ne3A_380 : vector<16xi1>
            %sub3A_382 = arith.constant 1 : i32
            %sub3A_383 = vector.broadcast %sub3A_382 : i32 to vector<16xi32>
            %sub3A_384 = arith.subi %div3A_357, %sub3A_383 : vector<16xi32>
            %select_n3A_385 = arith.select %and3A_381, %sub3A_384, %div3A_357 : vector<16xi1>, vector<16xi32>
            %jit3A_386 = arith.constant 4 : i32
            %eq3A_387 = arith.constant 0 : i32
            %eq3A_388 = arith.cmpi eq, %jit3A_386, %eq3A_387 : i32
            %jit3A_389 = arith.constant 1 : i32
            %select_n3A_390 = arith.select %eq3A_388, %jit3A_389, %jit3A_386 : i32
            %rem3A_391 = vector.broadcast %select_n3A_390 : i32 to vector<16xi32>
            %rem3A_392 = arith.remsi %add3A_354, %rem3A_391 : vector<16xi32>
            %ne3A_393 = arith.constant 0 : i32
            %ne3A_394 = vector.broadcast %ne3A_393 : i32 to vector<16xi32>
            %ne3A_395 = arith.cmpi ne, %rem3A_392, %ne3A_394 : vector<16xi32>
            %lt3A_396 = arith.constant 0 : i32
            %lt3A_397 = vector.broadcast %lt3A_396 : i32 to vector<16xi32>
            %lt3A_398 = arith.cmpi slt, %rem3A_392, %lt3A_397 : vector<16xi32>
            %lt3A_399 = arith.constant 0 : i32
            %lt3A_400 = arith.cmpi slt, %select_n3A_390, %lt3A_399 : i32
            %ne3A_401 = vector.broadcast %lt3A_400 : i1 to vector<16xi1>
            %ne3A_402 = vector.broadcast %ne3A_401 : vector<16xi1> to vector<16xi1>
            %ne3A_403 = arith.xori %lt3A_398, %ne3A_402 : vector<16xi1>
            %and3A_404 = arith.andi %ne3A_403, %ne3A_395 : vector<16xi1>
            %add3A_405 = vector.broadcast %select_n3A_390 : i32 to vector<16xi32>
            %add3A_406 = arith.addi %rem3A_392, %add3A_405 : vector<16xi32>
            %select_n3A_407 = arith.select %and3A_404, %add3A_406, %rem3A_392 : vector<16xi1>, vector<16xi32>
            %mul3A_408 = arith.constant 32 : i32
            %mul3A_409 = vector.broadcast %mul3A_408 : i32 to vector<16xi32>
            %mul3A_410 = arith.muli %select_n3A_407, %mul3A_409 : vector<16xi32>
            %add3A_411 = arith.constant 0 : i32
            %add3A_412 = vector.broadcast %add3A_411 : i32 to vector<16xi32>
            %add3A_413 = arith.addi %iota3A, %add3A_412 : vector<16xi32>
            %gather3A_414 = tpu.vector_load_idx %arg5[%add3A_413, %add3A_354] : memref<32x896xf32, #tpu.memory_space<vmem>>[vector<16xi32>, vector<16xi32>], vector<16xf32>,
            %add3A_415 = arith.addi %mul3A_410, %add3A_413 : vector<16xi32>
            tpu.vector_store_idx %arg7[%select_n3A_385, %add3A_415], %gather3A_414 : memref<224x128xf32, #tpu.memory_space<vmem>>[vector<16xi32>, vector<16xi32>], vector<16xf32>,
            %add3A_416 = arith.constant 16 : i32
            %add3A_417 = vector.broadcast %add3A_416 : i32 to vector<16xi32>
            %add3A_418 = arith.addi %iota3A, %add3A_417 : vector<16xi32>
            %gather3A_419 = tpu.vector_load_idx %arg5[%add3A_418, %add3A_354] : memref<32x896xf32, #tpu.memory_space<vmem>>[vector<16xi32>, vector<16xi32>], vector<16xf32>,
            %add3A_420 = arith.addi %mul3A_410, %add3A_418 : vector<16xi32>
            tpu.vector_store_idx %arg7[%select_n3A_385, %add3A_420], %gather3A_419 : memref<224x128xf32, #tpu.memory_space<vmem>>[vector<16xi32>, vector<16xi32>], vector<16xf32>,
            %mul3A_421 = arith.constant 8 : i32
            %mul3A_422 = arith.muli %scan3A_128, %mul3A_421 : i32
            %add3A_423 = arith.constant 4 : i32
            %add3A_424 = arith.addi %mul3A_422, %add3A_423 : i32
            %mul3A_425 = arith.constant 16 : i32
            %mul3A_426 = arith.muli %add3A_424, %mul3A_425 : i32
            %add3A_427 = vector.broadcast %mul3A_426 : i32 to vector<16xi32>
            %add3A_428 = arith.addi %add3A_427, %select_n3A_121 : vector<16xi32>
            %jit3A_429 = arith.constant 4 : i32
            %div3A_430 = vector.broadcast %jit3A_429 : i32 to vector<16xi32>
            %div3A_431 = arith.divsi %add3A_428, %div3A_430 : vector<16xi32>
            %sign3A_432 = arith.constant 0 : i32
            %sign3A_433 = vector.broadcast %sign3A_432 : i32 to vector<16xi32>
            %sign3A_434 = arith.cmpi sgt, %add3A_428, %sign3A_433 : vector<16xi32>
            %sign3A_435 = arith.extui %sign3A_434 : vector<16xi1> to vector<16xi32>
            %sign3A_436 = arith.constant 0 : i32
            %sign3A_437 = vector.broadcast %sign3A_436 : i32 to vector<16xi32>
            %sign3A_438 = arith.cmpi slt, %add3A_428, %sign3A_437 : vector<16xi32>
            %sign3A_439 = arith.extui %sign3A_438 : vector<16xi1> to vector<16xi32>
            %sign3A_440 = arith.subi %sign3A_435, %sign3A_439 : vector<16xi32>
            %sign3A_441 = arith.constant 0 : i32
            %sign3A_442 = arith.cmpi sgt, %jit3A_429, %sign3A_441 : i32
            %sign3A_443 = arith.extui %sign3A_442 : i1 to i32
            %sign3A_444 = arith.constant 0 : i32
            %sign3A_445 = arith.cmpi slt, %jit3A_429, %sign3A_444 : i32
            %sign3A_446 = arith.extui %sign3A_445 : i1 to i32
            %sign3A_447 = arith.subi %sign3A_443, %sign3A_446 : i32
            %ne3A_448 = vector.broadcast %sign3A_447 : i32 to vector<16xi32>
            %ne3A_449 = arith.cmpi ne, %sign3A_440, %ne3A_448 : vector<16xi32>
            %rem3A_450 = vector.broadcast %jit3A_429 : i32 to vector<16xi32>
            %rem3A_451 = arith.remsi %add3A_428, %rem3A_450 : vector<16xi32>
            %ne3A_452 = arith.constant 0 : i32
            %ne3A_453 = vector.broadcast %ne3A_452 : i32 to vector<16xi32>
            %ne3A_454 = arith.cmpi ne, %rem3A_451, %ne3A_453 : vector<16xi32>
            %and3A_455 = arith.andi %ne3A_449, %ne3A_454 : vector<16xi1>
            %sub3A_456 = arith.constant 1 : i32
            %sub3A_457 = vector.broadcast %sub3A_456 : i32 to vector<16xi32>
            %sub3A_458 = arith.subi %div3A_431, %sub3A_457 : vector<16xi32>
            %select_n3A_459 = arith.select %and3A_455, %sub3A_458, %div3A_431 : vector<16xi1>, vector<16xi32>
            %jit3A_460 = arith.constant 4 : i32
            %eq3A_461 = arith.constant 0 : i32
            %eq3A_462 = arith.cmpi eq, %jit3A_460, %eq3A_461 : i32
            %jit3A_463 = arith.constant 1 : i32
            %select_n3A_464 = arith.select %eq3A_462, %jit3A_463, %jit3A_460 : i32
            %rem3A_465 = vector.broadcast %select_n3A_464 : i32 to vector<16xi32>
            %rem3A_466 = arith.remsi %add3A_428, %rem3A_465 : vector<16xi32>
            %ne3A_467 = arith.constant 0 : i32
            %ne3A_468 = vector.broadcast %ne3A_467 : i32 to vector<16xi32>
            %ne3A_469 = arith.cmpi ne, %rem3A_466, %ne3A_468 : vector<16xi32>
            %lt3A_470 = arith.constant 0 : i32
            %lt3A_471 = vector.broadcast %lt3A_470 : i32 to vector<16xi32>
            %lt3A_472 = arith.cmpi slt, %rem3A_466, %lt3A_471 : vector<16xi32>
            %lt3A_473 = arith.constant 0 : i32
            %lt3A_474 = arith.cmpi slt, %select_n3A_464, %lt3A_473 : i32
            %ne3A_475 = vector.broadcast %lt3A_474 : i1 to vector<16xi1>
            %ne3A_476 = vector.broadcast %ne3A_475 : vector<16xi1> to vector<16xi1>
            %ne3A_477 = arith.xori %lt3A_472, %ne3A_476 : vector<16xi1>
            %and3A_478 = arith.andi %ne3A_477, %ne3A_469 : vector<16xi1>
            %add3A_479 = vector.broadcast %select_n3A_464 : i32 to vector<16xi32>
            %add3A_480 = arith.addi %rem3A_466, %add3A_479 : vector<16xi32>
            %select_n3A_481 = arith.select %and3A_478, %add3A_480, %rem3A_466 : vector<16xi1>, vector<16xi32>
            %mul3A_482 = arith.constant 32 : i32
            %mul3A_483 = vector.broadcast %mul3A_482 : i32 to vector<16xi32>
            %mul3A_484 = arith.muli %select_n3A_481, %mul3A_483 : vector<16xi32>
            %add3A_485 = arith.constant 0 : i32
            %add3A_486 = vector.broadcast %add3A_485 : i32 to vector<16xi32>
            %add3A_487 = arith.addi %iota3A, %add3A_486 : vector<16xi32>
            %gather3A_488 = tpu.vector_load_idx %arg5[%add3A_487, %add3A_428] : memref<32x896xf32, #tpu.memory_space<vmem>>[vector<16xi32>, vector<16xi32>], vector<16xf32>,
            %add3A_489 = arith.addi %mul3A_484, %add3A_487 : vector<16xi32>
            tpu.vector_store_idx %arg7[%select_n3A_459, %add3A_489], %gather3A_488 : memref<224x128xf32, #tpu.memory_space<vmem>>[vector<16xi32>, vector<16xi32>], vector<16xf32>,
            %add3A_490 = arith.constant 16 : i32
            %add3A_491 = vector.broadcast %add3A_490 : i32 to vector<16xi32>
            %add3A_492 = arith.addi %iota3A, %add3A_491 : vector<16xi32>
            %gather3A_493 = tpu.vector_load_idx %arg5[%add3A_492, %add3A_428] : memref<32x896xf32, #tpu.memory_space<vmem>>[vector<16xi32>, vector<16xi32>], vector<16xf32>,
            %add3A_494 = arith.addi %mul3A_484, %add3A_492 : vector<16xi32>
            tpu.vector_store_idx %arg7[%select_n3A_459, %add3A_494], %gather3A_493 : memref<224x128xf32, #tpu.memory_space<vmem>>[vector<16xi32>, vector<16xi32>], vector<16xf32>,
            %mul3A_495 = arith.constant 8 : i32
            %mul3A_496 = arith.muli %scan3A_128, %mul3A_495 : i32
            %add3A_497 = arith.constant 5 : i32
            %add3A_498 = arith.addi %mul3A_496, %add3A_497 : i32
            %mul3A_499 = arith.constant 16 : i32
            %mul3A_500 = arith.muli %add3A_498, %mul3A_499 : i32
            %add3A_501 = vector.broadcast %mul3A_500 : i32 to vector<16xi32>
            %add3A_502 = arith.addi %add3A_501, %select_n3A_121 : vector<16xi32>
            %jit3A_503 = arith.constant 4 : i32
            %div3A_504 = vector.broadcast %jit3A_503 : i32 to vector<16xi32>
            %div3A_505 = arith.divsi %add3A_502, %div3A_504 : vector<16xi32>
            %sign3A_506 = arith.constant 0 : i32
            %sign3A_507 = vector.broadcast %sign3A_506 : i32 to vector<16xi32>
            %sign3A_508 = arith.cmpi sgt, %add3A_502, %sign3A_507 : vector<16xi32>
            %sign3A_509 = arith.extui %sign3A_508 : vector<16xi1> to vector<16xi32>
            %sign3A_510 = arith.constant 0 : i32
            %sign3A_511 = vector.broadcast %sign3A_510 : i32 to vector<16xi32>
            %sign3A_512 = arith.cmpi slt, %add3A_502, %sign3A_511 : vector<16xi32>
            %sign3A_513 = arith.extui %sign3A_512 : vector<16xi1> to vector<16xi32>
            %sign3A_514 = arith.subi %sign3A_509, %sign3A_513 : vector<16xi32>
            %sign3A_515 = arith.constant 0 : i32
            %sign3A_516 = arith.cmpi sgt, %jit3A_503, %sign3A_515 : i32
            %sign3A_517 = arith.extui %sign3A_516 : i1 to i32
            %sign3A_518 = arith.constant 0 : i32
            %sign3A_519 = arith.cmpi slt, %jit3A_503, %sign3A_518 : i32
            %sign3A_520 = arith.extui %sign3A_519 : i1 to i32
            %sign3A_521 = arith.subi %sign3A_517, %sign3A_520 : i32
            %ne3A_522 = vector.broadcast %sign3A_521 : i32 to vector<16xi32>
            %ne3A_523 = arith.cmpi ne, %sign3A_514, %ne3A_522 : vector<16xi32>
            %rem3A_524 = vector.broadcast %jit3A_503 : i32 to vector<16xi32>
            %rem3A_525 = arith.remsi %add3A_502, %rem3A_524 : vector<16xi32>
            %ne3A_526 = arith.constant 0 : i32
            %ne3A_527 = vector.broadcast %ne3A_526 : i32 to vector<16xi32>
            %ne3A_528 = arith.cmpi ne, %rem3A_525, %ne3A_527 : vector<16xi32>
            %and3A_529 = arith.andi %ne3A_523, %ne3A_528 : vector<16xi1>
            %sub3A_530 = arith.constant 1 : i32
            %sub3A_531 = vector.broadcast %sub3A_530 : i32 to vector<16xi32>
            %sub3A_532 = arith.subi %div3A_505, %sub3A_531 : vector<16xi32>
            %select_n3A_533 = arith.select %and3A_529, %sub3A_532, %div3A_505 : vector<16xi1>, vector<16xi32>
            %jit3A_534 = arith.constant 4 : i32
            %eq3A_535 = arith.constant 0 : i32
            %eq3A_536 = arith.cmpi eq, %jit3A_534, %eq3A_535 : i32
            %jit3A_537 = arith.constant 1 : i32
            %select_n3A_538 = arith.select %eq3A_536, %jit3A_537, %jit3A_534 : i32
            %rem3A_539 = vector.broadcast %select_n3A_538 : i32 to vector<16xi32>
            %rem3A_540 = arith.remsi %add3A_502, %rem3A_539 : vector<16xi32>
            %ne3A_541 = arith.constant 0 : i32
            %ne3A_542 = vector.broadcast %ne3A_541 : i32 to vector<16xi32>
            %ne3A_543 = arith.cmpi ne, %rem3A_540, %ne3A_542 : vector<16xi32>
            %lt3A_544 = arith.constant 0 : i32
            %lt3A_545 = vector.broadcast %lt3A_544 : i32 to vector<16xi32>
            %lt3A_546 = arith.cmpi slt, %rem3A_540, %lt3A_545 : vector<16xi32>
            %lt3A_547 = arith.constant 0 : i32
            %lt3A_548 = arith.cmpi slt, %select_n3A_538, %lt3A_547 : i32
            %ne3A_549 = vector.broadcast %lt3A_548 : i1 to vector<16xi1>
            %ne3A_550 = vector.broadcast %ne3A_549 : vector<16xi1> to vector<16xi1>
            %ne3A_551 = arith.xori %lt3A_546, %ne3A_550 : vector<16xi1>
            %and3A_552 = arith.andi %ne3A_551, %ne3A_543 : vector<16xi1>
            %add3A_553 = vector.broadcast %select_n3A_538 : i32 to vector<16xi32>
            %add3A_554 = arith.addi %rem3A_540, %add3A_553 : vector<16xi32>
            %select_n3A_555 = arith.select %and3A_552, %add3A_554, %rem3A_540 : vector<16xi1>, vector<16xi32>
            %mul3A_556 = arith.constant 32 : i32
            %mul3A_557 = vector.broadcast %mul3A_556 : i32 to vector<16xi32>
            %mul3A_558 = arith.muli %select_n3A_555, %mul3A_557 : vector<16xi32>
            %add3A_559 = arith.constant 0 : i32
            %add3A_560 = vector.broadcast %add3A_559 : i32 to vector<16xi32>
            %add3A_561 = arith.addi %iota3A, %add3A_560 : vector<16xi32>
            %gather3A_562 = tpu.vector_load_idx %arg5[%add3A_561, %add3A_502] : memref<32x896xf32, #tpu.memory_space<vmem>>[vector<16xi32>, vector<16xi32>], vector<16xf32>,
            %add3A_563 = arith.addi %mul3A_558, %add3A_561 : vector<16xi32>
            tpu.vector_store_idx %arg7[%select_n3A_533, %add3A_563], %gather3A_562 : memref<224x128xf32, #tpu.memory_space<vmem>>[vector<16xi32>, vector<16xi32>], vector<16xf32>,
            %add3A_564 = arith.constant 16 : i32
            %add3A_565 = vector.broadcast %add3A_564 : i32 to vector<16xi32>
            %add3A_566 = arith.addi %iota3A, %add3A_565 : vector<16xi32>
            %gather3A_567 = tpu.vector_load_idx %arg5[%add3A_566, %add3A_502] : memref<32x896xf32, #tpu.memory_space<vmem>>[vector<16xi32>, vector<16xi32>], vector<16xf32>,
            %add3A_568 = arith.addi %mul3A_558, %add3A_566 : vector<16xi32>
            tpu.vector_store_idx %arg7[%select_n3A_533, %add3A_568], %gather3A_567 : memref<224x128xf32, #tpu.memory_space<vmem>>[vector<16xi32>, vector<16xi32>], vector<16xf32>,
            %mul3A_569 = arith.constant 8 : i32
            %mul3A_570 = arith.muli %scan3A_128, %mul3A_569 : i32
            %add3A_571 = arith.constant 6 : i32
            %add3A_572 = arith.addi %mul3A_570, %add3A_571 : i32
            %mul3A_573 = arith.constant 16 : i32
            %mul3A_574 = arith.muli %add3A_572, %mul3A_573 : i32
            %add3A_575 = vector.broadcast %mul3A_574 : i32 to vector<16xi32>
            %add3A_576 = arith.addi %add3A_575, %select_n3A_121 : vector<16xi32>
            %jit3A_577 = arith.constant 4 : i32
            %div3A_578 = vector.broadcast %jit3A_577 : i32 to vector<16xi32>
            %div3A_579 = arith.divsi %add3A_576, %div3A_578 : vector<16xi32>
            %sign3A_580 = arith.constant 0 : i32
            %sign3A_581 = vector.broadcast %sign3A_580 : i32 to vector<16xi32>
            %sign3A_582 = arith.cmpi sgt, %add3A_576, %sign3A_581 : vector<16xi32>
            %sign3A_583 = arith.extui %sign3A_582 : vector<16xi1> to vector<16xi32>
            %sign3A_584 = arith.constant 0 : i32
            %sign3A_585 = vector.broadcast %sign3A_584 : i32 to vector<16xi32>
            %sign3A_586 = arith.cmpi slt, %add3A_576, %sign3A_585 : vector<16xi32>
            %sign3A_587 = arith.extui %sign3A_586 : vector<16xi1> to vector<16xi32>
            %sign3A_588 = arith.subi %sign3A_583, %sign3A_587 : vector<16xi32>
            %sign3A_589 = arith.constant 0 : i32
            %sign3A_590 = arith.cmpi sgt, %jit3A_577, %sign3A_589 : i32
            %sign3A_591 = arith.extui %sign3A_590 : i1 to i32
            %sign3A_592 = arith.constant 0 : i32
            %sign3A_593 = arith.cmpi slt, %jit3A_577, %sign3A_592 : i32
            %sign3A_594 = arith.extui %sign3A_593 : i1 to i32
            %sign3A_595 = arith.subi %sign3A_591, %sign3A_594 : i32
            %ne3A_596 = vector.broadcast %sign3A_595 : i32 to vector<16xi32>
            %ne3A_597 = arith.cmpi ne, %sign3A_588, %ne3A_596 : vector<16xi32>
            %rem3A_598 = vector.broadcast %jit3A_577 : i32 to vector<16xi32>
            %rem3A_599 = arith.remsi %add3A_576, %rem3A_598 : vector<16xi32>
            %ne3A_600 = arith.constant 0 : i32
            %ne3A_601 = vector.broadcast %ne3A_600 : i32 to vector<16xi32>
            %ne3A_602 = arith.cmpi ne, %rem3A_599, %ne3A_601 : vector<16xi32>
            %and3A_603 = arith.andi %ne3A_597, %ne3A_602 : vector<16xi1>
            %sub3A_604 = arith.constant 1 : i32
            %sub3A_605 = vector.broadcast %sub3A_604 : i32 to vector<16xi32>
            %sub3A_606 = arith.subi %div3A_579, %sub3A_605 : vector<16xi32>
            %select_n3A_607 = arith.select %and3A_603, %sub3A_606, %div3A_579 : vector<16xi1>, vector<16xi32>
            %jit3A_608 = arith.constant 4 : i32
            %eq3A_609 = arith.constant 0 : i32
            %eq3A_610 = arith.cmpi eq, %jit3A_608, %eq3A_609 : i32
            %jit3A_611 = arith.constant 1 : i32
            %select_n3A_612 = arith.select %eq3A_610, %jit3A_611, %jit3A_608 : i32
            %rem3A_613 = vector.broadcast %select_n3A_612 : i32 to vector<16xi32>
            %rem3A_614 = arith.remsi %add3A_576, %rem3A_613 : vector<16xi32>
            %ne3A_615 = arith.constant 0 : i32
            %ne3A_616 = vector.broadcast %ne3A_615 : i32 to vector<16xi32>
            %ne3A_617 = arith.cmpi ne, %rem3A_614, %ne3A_616 : vector<16xi32>
            %lt3A_618 = arith.constant 0 : i32
            %lt3A_619 = vector.broadcast %lt3A_618 : i32 to vector<16xi32>
            %lt3A_620 = arith.cmpi slt, %rem3A_614, %lt3A_619 : vector<16xi32>
            %lt3A_621 = arith.constant 0 : i32
            %lt3A_622 = arith.cmpi slt, %select_n3A_612, %lt3A_621 : i32
            %ne3A_623 = vector.broadcast %lt3A_622 : i1 to vector<16xi1>
            %ne3A_624 = vector.broadcast %ne3A_623 : vector<16xi1> to vector<16xi1>
            %ne3A_625 = arith.xori %lt3A_620, %ne3A_624 : vector<16xi1>
            %and3A_626 = arith.andi %ne3A_625, %ne3A_617 : vector<16xi1>
            %add3A_627 = vector.broadcast %select_n3A_612 : i32 to vector<16xi32>
            %add3A_628 = arith.addi %rem3A_614, %add3A_627 : vector<16xi32>
            %select_n3A_629 = arith.select %and3A_626, %add3A_628, %rem3A_614 : vector<16xi1>, vector<16xi32>
            %mul3A_630 = arith.constant 32 : i32
            %mul3A_631 = vector.broadcast %mul3A_630 : i32 to vector<16xi32>
            %mul3A_632 = arith.muli %select_n3A_629, %mul3A_631 : vector<16xi32>
            %add3A_633 = arith.constant 0 : i32
            %add3A_634 = vector.broadcast %add3A_633 : i32 to vector<16xi32>
            %add3A_635 = arith.addi %iota3A, %add3A_634 : vector<16xi32>
            %gather3A_636 = tpu.vector_load_idx %arg5[%add3A_635, %add3A_576] : memref<32x896xf32, #tpu.memory_space<vmem>>[vector<16xi32>, vector<16xi32>], vector<16xf32>,
            %add3A_637 = arith.addi %mul3A_632, %add3A_635 : vector<16xi32>
            tpu.vector_store_idx %arg7[%select_n3A_607, %add3A_637], %gather3A_636 : memref<224x128xf32, #tpu.memory_space<vmem>>[vector<16xi32>, vector<16xi32>], vector<16xf32>,
            %add3A_638 = arith.constant 16 : i32
            %add3A_639 = vector.broadcast %add3A_638 : i32 to vector<16xi32>
            %add3A_640 = arith.addi %iota3A, %add3A_639 : vector<16xi32>
            %gather3A_641 = tpu.vector_load_idx %arg5[%add3A_640, %add3A_576] : memref<32x896xf32, #tpu.memory_space<vmem>>[vector<16xi32>, vector<16xi32>], vector<16xf32>,
            %add3A_642 = arith.addi %mul3A_632, %add3A_640 : vector<16xi32>
            tpu.vector_store_idx %arg7[%select_n3A_607, %add3A_642], %gather3A_641 : memref<224x128xf32, #tpu.memory_space<vmem>>[vector<16xi32>, vector<16xi32>], vector<16xf32>,
            %mul3A_643 = arith.constant 8 : i32
            %mul3A_644 = arith.muli %scan3A_128, %mul3A_643 : i32
            %add3A_645 = arith.constant 7 : i32
            %add3A_646 = arith.addi %mul3A_644, %add3A_645 : i32
            %mul3A_647 = arith.constant 16 : i32
            %mul3A_648 = arith.muli %add3A_646, %mul3A_647 : i32
            %add3A_649 = vector.broadcast %mul3A_648 : i32 to vector<16xi32>
            %add3A_650 = arith.addi %add3A_649, %select_n3A_121 : vector<16xi32>
            %jit3A_651 = arith.constant 4 : i32
            %div3A_652 = vector.broadcast %jit3A_651 : i32 to vector<16xi32>
            %div3A_653 = arith.divsi %add3A_650, %div3A_652 : vector<16xi32>
            %sign3A_654 = arith.constant 0 : i32
            %sign3A_655 = vector.broadcast %sign3A_654 : i32 to vector<16xi32>
            %sign3A_656 = arith.cmpi sgt, %add3A_650, %sign3A_655 : vector<16xi32>
            %sign3A_657 = arith.extui %sign3A_656 : vector<16xi1> to vector<16xi32>
            %sign3A_658 = arith.constant 0 : i32
            %sign3A_659 = vector.broadcast %sign3A_658 : i32 to vector<16xi32>
            %sign3A_660 = arith.cmpi slt, %add3A_650, %sign3A_659 : vector<16xi32>
            %sign3A_661 = arith.extui %sign3A_660 : vector<16xi1> to vector<16xi32>
            %sign3A_662 = arith.subi %sign3A_657, %sign3A_661 : vector<16xi32>
            %sign3A_663 = arith.constant 0 : i32
            %sign3A_664 = arith.cmpi sgt, %jit3A_651, %sign3A_663 : i32
            %sign3A_665 = arith.extui %sign3A_664 : i1 to i32
            %sign3A_666 = arith.constant 0 : i32
            %sign3A_667 = arith.cmpi slt, %jit3A_651, %sign3A_666 : i32
            %sign3A_668 = arith.extui %sign3A_667 : i1 to i32
            %sign3A_669 = arith.subi %sign3A_665, %sign3A_668 : i32
            %ne3A_670 = vector.broadcast %sign3A_669 : i32 to vector<16xi32>
            %ne3A_671 = arith.cmpi ne, %sign3A_662, %ne3A_670 : vector<16xi32>
            %rem3A_672 = vector.broadcast %jit3A_651 : i32 to vector<16xi32>
            %rem3A_673 = arith.remsi %add3A_650, %rem3A_672 : vector<16xi32>
            %ne3A_674 = arith.constant 0 : i32
            %ne3A_675 = vector.broadcast %ne3A_674 : i32 to vector<16xi32>
            %ne3A_676 = arith.cmpi ne, %rem3A_673, %ne3A_675 : vector<16xi32>
            %and3A_677 = arith.andi %ne3A_671, %ne3A_676 : vector<16xi1>
            %sub3A_678 = arith.constant 1 : i32
            %sub3A_679 = vector.broadcast %sub3A_678 : i32 to vector<16xi32>
            %sub3A_680 = arith.subi %div3A_653, %sub3A_679 : vector<16xi32>
            %select_n3A_681 = arith.select %and3A_677, %sub3A_680, %div3A_653 : vector<16xi1>, vector<16xi32>
            %jit3A_682 = arith.constant 4 : i32
            %eq3A_683 = arith.constant 0 : i32
            %eq3A_684 = arith.cmpi eq, %jit3A_682, %eq3A_683 : i32
            %jit3A_685 = arith.constant 1 : i32
            %select_n3A_686 = arith.select %eq3A_684, %jit3A_685, %jit3A_682 : i32
            %rem3A_687 = vector.broadcast %select_n3A_686 : i32 to vector<16xi32>
            %rem3A_688 = arith.remsi %add3A_650, %rem3A_687 : vector<16xi32>
            %ne3A_689 = arith.constant 0 : i32
            %ne3A_690 = vector.broadcast %ne3A_689 : i32 to vector<16xi32>
            %ne3A_691 = arith.cmpi ne, %rem3A_688, %ne3A_690 : vector<16xi32>
            %lt3A_692 = arith.constant 0 : i32
            %lt3A_693 = vector.broadcast %lt3A_692 : i32 to vector<16xi32>
            %lt3A_694 = arith.cmpi slt, %rem3A_688, %lt3A_693 : vector<16xi32>
            %lt3A_695 = arith.constant 0 : i32
            %lt3A_696 = arith.cmpi slt, %select_n3A_686, %lt3A_695 : i32
            %ne3A_697 = vector.broadcast %lt3A_696 : i1 to vector<16xi1>
            %ne3A_698 = vector.broadcast %ne3A_697 : vector<16xi1> to vector<16xi1>
            %ne3A_699 = arith.xori %lt3A_694, %ne3A_698 : vector<16xi1>
            %and3A_700 = arith.andi %ne3A_699, %ne3A_691 : vector<16xi1>
            %add3A_701 = vector.broadcast %select_n3A_686 : i32 to vector<16xi32>
            %add3A_702 = arith.addi %rem3A_688, %add3A_701 : vector<16xi32>
            %select_n3A_703 = arith.select %and3A_700, %add3A_702, %rem3A_688 : vector<16xi1>, vector<16xi32>
            %mul3A_704 = arith.constant 32 : i32
            %mul3A_705 = vector.broadcast %mul3A_704 : i32 to vector<16xi32>
            %mul3A_706 = arith.muli %select_n3A_703, %mul3A_705 : vector<16xi32>
            %add3A_707 = arith.constant 0 : i32
            %add3A_708 = vector.broadcast %add3A_707 : i32 to vector<16xi32>
            %add3A_709 = arith.addi %iota3A, %add3A_708 : vector<16xi32>
            %gather3A_710 = tpu.vector_load_idx %arg5[%add3A_709, %add3A_650] : memref<32x896xf32, #tpu.memory_space<vmem>>[vector<16xi32>, vector<16xi32>], vector<16xf32>,
            %add3A_711 = arith.addi %mul3A_706, %add3A_709 : vector<16xi32>
            tpu.vector_store_idx %arg7[%select_n3A_681, %add3A_711], %gather3A_710 : memref<224x128xf32, #tpu.memory_space<vmem>>[vector<16xi32>, vector<16xi32>], vector<16xf32>,
            %add3A_712 = arith.constant 16 : i32
            %add3A_713 = vector.broadcast %add3A_712 : i32 to vector<16xi32>
            %add3A_714 = arith.addi %iota3A, %add3A_713 : vector<16xi32>
            %gather3A_715 = tpu.vector_load_idx %arg5[%add3A_714, %add3A_650] : memref<32x896xf32, #tpu.memory_space<vmem>>[vector<16xi32>, vector<16xi32>], vector<16xf32>,
            %add3A_716 = arith.addi %mul3A_706, %add3A_714 : vector<16xi32>
            tpu.vector_store_idx %arg7[%select_n3A_681, %add3A_716], %gather3A_715 : memref<224x128xf32, #tpu.memory_space<vmem>>[vector<16xi32>, vector<16xi32>], vector<16xf32>,
          }
          %scan3A_127 = arith.constant 7 : i32
        }
        %scan3A_92 = arith.constant 16 : i32
        %mul3A_93 = arith.constant 32 : i32
        %mul3A_94 = arith.muli %mul3A_36, %mul3A_93 : i32
        %add3A_95 = arith.addi %add3A, %mul3A_94 : i32
        %mul3A_96 = arith.constant 224 : i32
        %mul3A_97 = arith.muli %add3A_95, %mul3A_96 : i32
        %multiple_of3A_98 = tpu.assume_multiple %mul3A_97, 8 : i32
        %dma_start3A = arith.constant 0 : i32
        %dma_start3A_99 = tpu.memref_slice %arg4[%multiple_of3A_98, %dma_start3A] : memref<250000x128xf32, #tpu.memory_space<hbm>> -> memref<224x128xf32, #tpu.memory_space<hbm>>
        %dma_start3A_100 = arith.constant 0 : i32
        %dma_start3A_101 = tpu.memref_slice %arg4[%multiple_of3A_98, %dma_start3A_100] : memref<250000x128xf32, #tpu.memory_space<hbm>> -> memref<224x128xf32, #tpu.memory_space<hbm>>
        tpu.enqueue_dma source(%arg7 : memref<224x128xf32, #tpu.memory_space<vmem>>) target(%dma_start3A_101 : memref<224x128xf32, #tpu.memory_space<hbm>>) target_semaphore(%arg11 : memref<!tpu.dma_semaphore, #tpu.memory_space<semaphore_mem>>)
      } else {
      }
      %add3A_55 = arith.constant 2 : i32
      %add3A_56 = arith.addi %mul3A_36, %add3A_55 : i32
      %mul3A_57 = arith.constant 32 : i32
      %mul3A_58 = arith.muli %add3A_56, %mul3A_57 : i32
      %add3A_59 = arith.addi %add3A, %mul3A_58 : i32
      %lt3A_60 = arith.constant 1116 : i32
      %lt3A_61 = arith.cmpi slt, %add3A_59, %lt3A_60 : i32
      %convert_element_type3A_62 = arith.extui %lt3A_61 : i1 to i32
      %cond3A_63 = arith.constant 0 : i32
      %cond3A_64 = arith.cmpi ne, %convert_element_type3A_62, %cond3A_63 : i32
      scf.if %cond3A_64 {
        %add3A_73 = arith.constant 2 : i32
        %add3A_74 = arith.addi %mul3A_36, %add3A_73 : i32
        %mul3A_75 = arith.constant 32 : i32
        %mul3A_76 = arith.muli %add3A_74, %mul3A_75 : i32
        %add3A_77 = arith.addi %add3A, %mul3A_76 : i32
        %mul3A_78 = arith.constant 896 : i32
        %mul3A_79 = arith.muli %add3A_77, %mul3A_78 : i32
        %multiple_of3A_80 = tpu.assume_multiple %mul3A_79, 128 : i32
        %dma_start3A = arith.constant 0 : i32
        %dma_start3A_81 = tpu.memref_slice %arg2[%dma_start3A, %multiple_of3A_80] : memref<32x1000000xf32, #tpu.memory_space<hbm>> -> memref<32x896xf32, #tpu.memory_space<hbm>>
        %dma_start3A_82 = arith.constant 0 : i32
        %dma_start3A_83 = tpu.memref_slice %arg2[%dma_start3A_82, %multiple_of3A_80] : memref<32x1000000xf32, #tpu.memory_space<hbm>> -> memref<32x896xf32, #tpu.memory_space<hbm>>
        tpu.enqueue_dma source(%dma_start3A_83 : memref<32x896xf32, #tpu.memory_space<hbm>>) target(%arg5 : memref<32x896xf32, #tpu.memory_space<vmem>>) target_semaphore(%arg9 : memref<!tpu.dma_semaphore, #tpu.memory_space<semaphore_mem>>)
      } else {
      }
      %mul3A_65 = arith.constant 32 : i32
      %mul3A_66 = arith.muli %add3A_38, %mul3A_65 : i32
      %add3A_67 = arith.addi %add3A, %mul3A_66 : i32
      %lt3A_68 = arith.constant 1116 : i32
      %lt3A_69 = arith.cmpi slt, %add3A_67, %lt3A_68 : i32
      %convert_element_type3A_70 = arith.extui %lt3A_69 : i1 to i32
      %cond3A_71 = arith.constant 0 : i32
      %cond3A_72 = arith.cmpi ne, %convert_element_type3A_70, %cond3A_71 : i32
      scf.if %cond3A_72 {
        %mul3A_73 = arith.constant 32 : i32
        %mul3A_74 = arith.muli %add3A_38, %mul3A_73 : i32
        %add3A_75 = arith.addi %add3A, %mul3A_74 : i32
        %mul3A_76 = arith.constant 896 : i32
        %mul3A_77 = arith.muli %add3A_75, %mul3A_76 : i32
        %multiple_of3A_78 = tpu.assume_multiple %mul3A_77, 128 : i32
        %dma_wait3A_79 = arith.constant 0 : i32
        %dma_wait3A_80 = tpu.memref_slice %arg2[%dma_wait3A_79, %multiple_of3A_78] : memref<32x1000000xf32, #tpu.memory_space<hbm>> -> memref<32x896xf32, #tpu.memory_space<hbm>>
        %dma_wait3A_81 = arith.constant 0 : i32
        %dma_wait3A_82 = tpu.memref_slice %arg2[%dma_wait3A_81, %multiple_of3A_78] : memref<32x1000000xf32, #tpu.memory_space<hbm>> -> memref<32x896xf32, #tpu.memory_space<hbm>>
        tpu.wait_dma2 semaphore(%arg10 : memref<!tpu.dma_semaphore, #tpu.memory_space<semaphore_mem>>) src(%dma_wait3A_82 : memref<32x896xf32, #tpu.memory_space<hbm>>) dst(%arg6 : memref<32x896xf32, #tpu.memory_space<vmem>>)
        %gt3A = arith.constant 0 : i32
        %gt3A_83 = arith.cmpi sgt, %scan3A_34, %gt3A : i32
        %convert_element_type3A_84 = arith.extui %gt3A_83 : i1 to i32
        %cond3A_85 = arith.constant 0 : i32
        %cond3A_86 = arith.cmpi ne, %convert_element_type3A_84, %cond3A_85 : i32
        scf.if %cond3A_86 {
          %sub3A = arith.constant 2 : i32
          %sub3A_102 = arith.subi %add3A_38, %sub3A : i32
          %mul3A_103 = arith.constant 32 : i32
          %mul3A_104 = arith.muli %sub3A_102, %mul3A_103 : i32
          %add3A_105 = arith.addi %add3A, %mul3A_104 : i32
          %mul3A_106 = arith.constant 224 : i32
          %mul3A_107 = arith.muli %add3A_105, %mul3A_106 : i32
          %multiple_of3A_108 = tpu.assume_multiple %mul3A_107, 8 : i32
          %dma_wait3A_109 = arith.constant 0 : i32
          %dma_wait3A_110 = tpu.memref_slice %arg4[%multiple_of3A_108, %dma_wait3A_109] : memref<250000x128xf32, #tpu.memory_space<hbm>> -> memref<224x128xf32, #tpu.memory_space<hbm>>
          %dma_wait3A_111 = arith.constant 0 : i32
          %dma_wait3A_112 = tpu.memref_slice %arg4[%multiple_of3A_108, %dma_wait3A_111] : memref<250000x128xf32, #tpu.memory_space<hbm>> -> memref<224x128xf32, #tpu.memory_space<hbm>>
          tpu.wait_dma2 semaphore(%arg12 : memref<!tpu.dma_semaphore, #tpu.memory_space<semaphore_mem>>) src(%arg8 : memref<224x128xf32, #tpu.memory_space<vmem>>) dst(%dma_wait3A_112 : memref<224x128xf32, #tpu.memory_space<hbm>>)
        } else {
        }
        %scan3A_87 = arith.constant 0 : i32
        %scan3A_88 = arith.constant 0 : i32
        %scan3A_89 = arith.constant 16 : i32
        %scan3A_90 = arith.addi %scan3A_88, %scan3A_89 : i32
        %scan3A_91 = arith.constant 1 : i32
        scf.for %scan3A_102 = %scan3A_88 to %scan3A_90 step %scan3A_91  : i32 {
          %add3A_103 = vector.broadcast %scan3A_102 : i32 to vector<16xi32>
          %add3A_104 = arith.addi %iota3A, %add3A_103 : vector<16xi32>
          %jit3A = arith.constant 16 : i32
          %eq3A_105 = arith.constant 0 : i32
          %eq3A_106 = arith.cmpi eq, %jit3A, %eq3A_105 : i32
          %jit3A_107 = arith.constant 1 : i32
          %select_n3A = arith.select %eq3A_106, %jit3A_107, %jit3A : i32
          %rem3A = vector.broadcast %select_n3A : i32 to vector<16xi32>
          %rem3A_108 = arith.remsi %add3A_104, %rem3A : vector<16xi32>
          %ne3A = arith.constant 0 : i32
          %ne3A_109 = vector.broadcast %ne3A : i32 to vector<16xi32>
          %ne3A_110 = arith.cmpi ne, %rem3A_108, %ne3A_109 : vector<16xi32>
          %lt3A_111 = arith.constant 0 : i32
          %lt3A_112 = vector.broadcast %lt3A_111 : i32 to vector<16xi32>
          %lt3A_113 = arith.cmpi slt, %rem3A_108, %lt3A_112 : vector<16xi32>
          %lt3A_114 = arith.constant 0 : i32
          %lt3A_115 = arith.cmpi slt, %select_n3A, %lt3A_114 : i32
          %ne3A_116 = vector.broadcast %lt3A_115 : i1 to vector<16xi1>
          %ne3A_117 = vector.broadcast %ne3A_116 : vector<16xi1> to vector<16xi1>
          %ne3A_118 = arith.xori %lt3A_113, %ne3A_117 : vector<16xi1>
          %and3A = arith.andi %ne3A_118, %ne3A_110 : vector<16xi1>
          %add3A_119 = vector.broadcast %select_n3A : i32 to vector<16xi32>
          %add3A_120 = arith.addi %rem3A_108, %add3A_119 : vector<16xi32>
          %select_n3A_121 = arith.select %and3A, %add3A_120, %rem3A_108 : vector<16xi1>, vector<16xi32>
          %scan3A_122 = arith.constant 0 : i32
          %scan3A_123 = arith.constant 0 : i32
          %scan3A_124 = arith.constant 7 : i32
          %scan3A_125 = arith.addi %scan3A_123, %scan3A_124 : i32
          %scan3A_126 = arith.constant 1 : i32
          scf.for %scan3A_128 = %scan3A_123 to %scan3A_125 step %scan3A_126  : i32 {
            %mul3A_129 = arith.constant 8 : i32
            %mul3A_130 = arith.muli %scan3A_128, %mul3A_129 : i32
            %add3A_131 = arith.constant 0 : i32
            %add3A_132 = arith.addi %mul3A_130, %add3A_131 : i32
            %mul3A_133 = arith.constant 16 : i32
            %mul3A_134 = arith.muli %add3A_132, %mul3A_133 : i32
            %add3A_135 = vector.broadcast %mul3A_134 : i32 to vector<16xi32>
            %add3A_136 = arith.addi %add3A_135, %select_n3A_121 : vector<16xi32>
            %jit3A_137 = arith.constant 4 : i32
            %div3A = vector.broadcast %jit3A_137 : i32 to vector<16xi32>
            %div3A_138 = arith.divsi %add3A_136, %div3A : vector<16xi32>
            %sign3A = arith.constant 0 : i32
            %sign3A_139 = vector.broadcast %sign3A : i32 to vector<16xi32>
            %sign3A_140 = arith.cmpi sgt, %add3A_136, %sign3A_139 : vector<16xi32>
            %sign3A_141 = arith.extui %sign3A_140 : vector<16xi1> to vector<16xi32>
            %sign3A_142 = arith.constant 0 : i32
            %sign3A_143 = vector.broadcast %sign3A_142 : i32 to vector<16xi32>
            %sign3A_144 = arith.cmpi slt, %add3A_136, %sign3A_143 : vector<16xi32>
            %sign3A_145 = arith.extui %sign3A_144 : vector<16xi1> to vector<16xi32>
            %sign3A_146 = arith.subi %sign3A_141, %sign3A_145 : vector<16xi32>
            %sign3A_147 = arith.constant 0 : i32
            %sign3A_148 = arith.cmpi sgt, %jit3A_137, %sign3A_147 : i32
            %sign3A_149 = arith.extui %sign3A_148 : i1 to i32
            %sign3A_150 = arith.constant 0 : i32
            %sign3A_151 = arith.cmpi slt, %jit3A_137, %sign3A_150 : i32
            %sign3A_152 = arith.extui %sign3A_151 : i1 to i32
            %sign3A_153 = arith.subi %sign3A_149, %sign3A_152 : i32
            %ne3A_154 = vector.broadcast %sign3A_153 : i32 to vector<16xi32>
            %ne3A_155 = arith.cmpi ne, %sign3A_146, %ne3A_154 : vector<16xi32>
            %rem3A_156 = vector.broadcast %jit3A_137 : i32 to vector<16xi32>
            %rem3A_157 = arith.remsi %add3A_136, %rem3A_156 : vector<16xi32>
            %ne3A_158 = arith.constant 0 : i32
            %ne3A_159 = vector.broadcast %ne3A_158 : i32 to vector<16xi32>
            %ne3A_160 = arith.cmpi ne, %rem3A_157, %ne3A_159 : vector<16xi32>
            %and3A_161 = arith.andi %ne3A_155, %ne3A_160 : vector<16xi1>
            %sub3A = arith.constant 1 : i32
            %sub3A_162 = vector.broadcast %sub3A : i32 to vector<16xi32>
            %sub3A_163 = arith.subi %div3A_138, %sub3A_162 : vector<16xi32>
            %select_n3A_164 = arith.select %and3A_161, %sub3A_163, %div3A_138 : vector<16xi1>, vector<16xi32>
            %jit3A_165 = arith.constant 4 : i32
            %eq3A_166 = arith.constant 0 : i32
            %eq3A_167 = arith.cmpi eq, %jit3A_165, %eq3A_166 : i32
            %jit3A_168 = arith.constant 1 : i32
            %select_n3A_169 = arith.select %eq3A_167, %jit3A_168, %jit3A_165 : i32
            %rem3A_170 = vector.broadcast %select_n3A_169 : i32 to vector<16xi32>
            %rem3A_171 = arith.remsi %add3A_136, %rem3A_170 : vector<16xi32>
            %ne3A_172 = arith.constant 0 : i32
            %ne3A_173 = vector.broadcast %ne3A_172 : i32 to vector<16xi32>
            %ne3A_174 = arith.cmpi ne, %rem3A_171, %ne3A_173 : vector<16xi32>
            %lt3A_175 = arith.constant 0 : i32
            %lt3A_176 = vector.broadcast %lt3A_175 : i32 to vector<16xi32>
            %lt3A_177 = arith.cmpi slt, %rem3A_171, %lt3A_176 : vector<16xi32>
            %lt3A_178 = arith.constant 0 : i32
            %lt3A_179 = arith.cmpi slt, %select_n3A_169, %lt3A_178 : i32
            %ne3A_180 = vector.broadcast %lt3A_179 : i1 to vector<16xi1>
            %ne3A_181 = vector.broadcast %ne3A_180 : vector<16xi1> to vector<16xi1>
            %ne3A_182 = arith.xori %lt3A_177, %ne3A_181 : vector<16xi1>
            %and3A_183 = arith.andi %ne3A_182, %ne3A_174 : vector<16xi1>
            %add3A_184 = vector.broadcast %select_n3A_169 : i32 to vector<16xi32>
            %add3A_185 = arith.addi %rem3A_171, %add3A_184 : vector<16xi32>
            %select_n3A_186 = arith.select %and3A_183, %add3A_185, %rem3A_171 : vector<16xi1>, vector<16xi32>
            %mul3A_187 = arith.constant 32 : i32
            %mul3A_188 = vector.broadcast %mul3A_187 : i32 to vector<16xi32>
            %mul3A_189 = arith.muli %select_n3A_186, %mul3A_188 : vector<16xi32>
            %add3A_190 = arith.constant 0 : i32
            %add3A_191 = vector.broadcast %add3A_190 : i32 to vector<16xi32>
            %add3A_192 = arith.addi %iota3A, %add3A_191 : vector<16xi32>
            %gather3A = tpu.vector_load_idx %arg6[%add3A_192, %add3A_136] : memref<32x896xf32, #tpu.memory_space<vmem>>[vector<16xi32>, vector<16xi32>], vector<16xf32>,
            %add3A_193 = arith.addi %mul3A_189, %add3A_192 : vector<16xi32>
            tpu.vector_store_idx %arg8[%select_n3A_164, %add3A_193], %gather3A : memref<224x128xf32, #tpu.memory_space<vmem>>[vector<16xi32>, vector<16xi32>], vector<16xf32>,
            %add3A_194 = arith.constant 16 : i32
            %add3A_195 = vector.broadcast %add3A_194 : i32 to vector<16xi32>
            %add3A_196 = arith.addi %iota3A, %add3A_195 : vector<16xi32>
            %gather3A_197 = tpu.vector_load_idx %arg6[%add3A_196, %add3A_136] : memref<32x896xf32, #tpu.memory_space<vmem>>[vector<16xi32>, vector<16xi32>], vector<16xf32>,
            %add3A_198 = arith.addi %mul3A_189, %add3A_196 : vector<16xi32>
            tpu.vector_store_idx %arg8[%select_n3A_164, %add3A_198], %gather3A_197 : memref<224x128xf32, #tpu.memory_space<vmem>>[vector<16xi32>, vector<16xi32>], vector<16xf32>,
            %mul3A_199 = arith.constant 8 : i32
            %mul3A_200 = arith.muli %scan3A_128, %mul3A_199 : i32
            %add3A_201 = arith.constant 1 : i32
            %add3A_202 = arith.addi %mul3A_200, %add3A_201 : i32
            %mul3A_203 = arith.constant 16 : i32
            %mul3A_204 = arith.muli %add3A_202, %mul3A_203 : i32
            %add3A_205 = vector.broadcast %mul3A_204 : i32 to vector<16xi32>
            %add3A_206 = arith.addi %add3A_205, %select_n3A_121 : vector<16xi32>
            %jit3A_207 = arith.constant 4 : i32
            %div3A_208 = vector.broadcast %jit3A_207 : i32 to vector<16xi32>
            %div3A_209 = arith.divsi %add3A_206, %div3A_208 : vector<16xi32>
            %sign3A_210 = arith.constant 0 : i32
            %sign3A_211 = vector.broadcast %sign3A_210 : i32 to vector<16xi32>
            %sign3A_212 = arith.cmpi sgt, %add3A_206, %sign3A_211 : vector<16xi32>
            %sign3A_213 = arith.extui %sign3A_212 : vector<16xi1> to vector<16xi32>
            %sign3A_214 = arith.constant 0 : i32
            %sign3A_215 = vector.broadcast %sign3A_214 : i32 to vector<16xi32>
            %sign3A_216 = arith.cmpi slt, %add3A_206, %sign3A_215 : vector<16xi32>
            %sign3A_217 = arith.extui %sign3A_216 : vector<16xi1> to vector<16xi32>
            %sign3A_218 = arith.subi %sign3A_213, %sign3A_217 : vector<16xi32>
            %sign3A_219 = arith.constant 0 : i32
            %sign3A_220 = arith.cmpi sgt, %jit3A_207, %sign3A_219 : i32
            %sign3A_221 = arith.extui %sign3A_220 : i1 to i32
            %sign3A_222 = arith.constant 0 : i32
            %sign3A_223 = arith.cmpi slt, %jit3A_207, %sign3A_222 : i32
            %sign3A_224 = arith.extui %sign3A_223 : i1 to i32
            %sign3A_225 = arith.subi %sign3A_221, %sign3A_224 : i32
            %ne3A_226 = vector.broadcast %sign3A_225 : i32 to vector<16xi32>
            %ne3A_227 = arith.cmpi ne, %sign3A_218, %ne3A_226 : vector<16xi32>
            %rem3A_228 = vector.broadcast %jit3A_207 : i32 to vector<16xi32>
            %rem3A_229 = arith.remsi %add3A_206, %rem3A_228 : vector<16xi32>
            %ne3A_230 = arith.constant 0 : i32
            %ne3A_231 = vector.broadcast %ne3A_230 : i32 to vector<16xi32>
            %ne3A_232 = arith.cmpi ne, %rem3A_229, %ne3A_231 : vector<16xi32>
            %and3A_233 = arith.andi %ne3A_227, %ne3A_232 : vector<16xi1>
            %sub3A_234 = arith.constant 1 : i32
            %sub3A_235 = vector.broadcast %sub3A_234 : i32 to vector<16xi32>
            %sub3A_236 = arith.subi %div3A_209, %sub3A_235 : vector<16xi32>
            %select_n3A_237 = arith.select %and3A_233, %sub3A_236, %div3A_209 : vector<16xi1>, vector<16xi32>
            %jit3A_238 = arith.constant 4 : i32
            %eq3A_239 = arith.constant 0 : i32
            %eq3A_240 = arith.cmpi eq, %jit3A_238, %eq3A_239 : i32
            %jit3A_241 = arith.constant 1 : i32
            %select_n3A_242 = arith.select %eq3A_240, %jit3A_241, %jit3A_238 : i32
            %rem3A_243 = vector.broadcast %select_n3A_242 : i32 to vector<16xi32>
            %rem3A_244 = arith.remsi %add3A_206, %rem3A_243 : vector<16xi32>
            %ne3A_245 = arith.constant 0 : i32
            %ne3A_246 = vector.broadcast %ne3A_245 : i32 to vector<16xi32>
            %ne3A_247 = arith.cmpi ne, %rem3A_244, %ne3A_246 : vector<16xi32>
            %lt3A_248 = arith.constant 0 : i32
            %lt3A_249 = vector.broadcast %lt3A_248 : i32 to vector<16xi32>
            %lt3A_250 = arith.cmpi slt, %rem3A_244, %lt3A_249 : vector<16xi32>
            %lt3A_251 = arith.constant 0 : i32
            %lt3A_252 = arith.cmpi slt, %select_n3A_242, %lt3A_251 : i32
            %ne3A_253 = vector.broadcast %lt3A_252 : i1 to vector<16xi1>
            %ne3A_254 = vector.broadcast %ne3A_253 : vector<16xi1> to vector<16xi1>
            %ne3A_255 = arith.xori %lt3A_250, %ne3A_254 : vector<16xi1>
            %and3A_256 = arith.andi %ne3A_255, %ne3A_247 : vector<16xi1>
            %add3A_257 = vector.broadcast %select_n3A_242 : i32 to vector<16xi32>
            %add3A_258 = arith.addi %rem3A_244, %add3A_257 : vector<16xi32>
            %select_n3A_259 = arith.select %and3A_256, %add3A_258, %rem3A_244 : vector<16xi1>, vector<16xi32>
            %mul3A_260 = arith.constant 32 : i32
            %mul3A_261 = vector.broadcast %mul3A_260 : i32 to vector<16xi32>
            %mul3A_262 = arith.muli %select_n3A_259, %mul3A_261 : vector<16xi32>
            %add3A_263 = arith.constant 0 : i32
            %add3A_264 = vector.broadcast %add3A_263 : i32 to vector<16xi32>
            %add3A_265 = arith.addi %iota3A, %add3A_264 : vector<16xi32>
            %gather3A_266 = tpu.vector_load_idx %arg6[%add3A_265, %add3A_206] : memref<32x896xf32, #tpu.memory_space<vmem>>[vector<16xi32>, vector<16xi32>], vector<16xf32>,
            %add3A_267 = arith.addi %mul3A_262, %add3A_265 : vector<16xi32>
            tpu.vector_store_idx %arg8[%select_n3A_237, %add3A_267], %gather3A_266 : memref<224x128xf32, #tpu.memory_space<vmem>>[vector<16xi32>, vector<16xi32>], vector<16xf32>,
            %add3A_268 = arith.constant 16 : i32
            %add3A_269 = vector.broadcast %add3A_268 : i32 to vector<16xi32>
            %add3A_270 = arith.addi %iota3A, %add3A_269 : vector<16xi32>
            %gather3A_271 = tpu.vector_load_idx %arg6[%add3A_270, %add3A_206] : memref<32x896xf32, #tpu.memory_space<vmem>>[vector<16xi32>, vector<16xi32>], vector<16xf32>,
            %add3A_272 = arith.addi %mul3A_262, %add3A_270 : vector<16xi32>
            tpu.vector_store_idx %arg8[%select_n3A_237, %add3A_272], %gather3A_271 : memref<224x128xf32, #tpu.memory_space<vmem>>[vector<16xi32>, vector<16xi32>], vector<16xf32>,
            %mul3A_273 = arith.constant 8 : i32
            %mul3A_274 = arith.muli %scan3A_128, %mul3A_273 : i32
            %add3A_275 = arith.constant 2 : i32
            %add3A_276 = arith.addi %mul3A_274, %add3A_275 : i32
            %mul3A_277 = arith.constant 16 : i32
            %mul3A_278 = arith.muli %add3A_276, %mul3A_277 : i32
            %add3A_279 = vector.broadcast %mul3A_278 : i32 to vector<16xi32>
            %add3A_280 = arith.addi %add3A_279, %select_n3A_121 : vector<16xi32>
            %jit3A_281 = arith.constant 4 : i32
            %div3A_282 = vector.broadcast %jit3A_281 : i32 to vector<16xi32>
            %div3A_283 = arith.divsi %add3A_280, %div3A_282 : vector<16xi32>
            %sign3A_284 = arith.constant 0 : i32
            %sign3A_285 = vector.broadcast %sign3A_284 : i32 to vector<16xi32>
            %sign3A_286 = arith.cmpi sgt, %add3A_280, %sign3A_285 : vector<16xi32>
            %sign3A_287 = arith.extui %sign3A_286 : vector<16xi1> to vector<16xi32>
            %sign3A_288 = arith.constant 0 : i32
            %sign3A_289 = vector.broadcast %sign3A_288 : i32 to vector<16xi32>
            %sign3A_290 = arith.cmpi slt, %add3A_280, %sign3A_289 : vector<16xi32>
            %sign3A_291 = arith.extui %sign3A_290 : vector<16xi1> to vector<16xi32>
            %sign3A_292 = arith.subi %sign3A_287, %sign3A_291 : vector<16xi32>
            %sign3A_293 = arith.constant 0 : i32
            %sign3A_294 = arith.cmpi sgt, %jit3A_281, %sign3A_293 : i32
            %sign3A_295 = arith.extui %sign3A_294 : i1 to i32
            %sign3A_296 = arith.constant 0 : i32
            %sign3A_297 = arith.cmpi slt, %jit3A_281, %sign3A_296 : i32
            %sign3A_298 = arith.extui %sign3A_297 : i1 to i32
            %sign3A_299 = arith.subi %sign3A_295, %sign3A_298 : i32
            %ne3A_300 = vector.broadcast %sign3A_299 : i32 to vector<16xi32>
            %ne3A_301 = arith.cmpi ne, %sign3A_292, %ne3A_300 : vector<16xi32>
            %rem3A_302 = vector.broadcast %jit3A_281 : i32 to vector<16xi32>
            %rem3A_303 = arith.remsi %add3A_280, %rem3A_302 : vector<16xi32>
            %ne3A_304 = arith.constant 0 : i32
            %ne3A_305 = vector.broadcast %ne3A_304 : i32 to vector<16xi32>
            %ne3A_306 = arith.cmpi ne, %rem3A_303, %ne3A_305 : vector<16xi32>
            %and3A_307 = arith.andi %ne3A_301, %ne3A_306 : vector<16xi1>
            %sub3A_308 = arith.constant 1 : i32
            %sub3A_309 = vector.broadcast %sub3A_308 : i32 to vector<16xi32>
            %sub3A_310 = arith.subi %div3A_283, %sub3A_309 : vector<16xi32>
            %select_n3A_311 = arith.select %and3A_307, %sub3A_310, %div3A_283 : vector<16xi1>, vector<16xi32>
            %jit3A_312 = arith.constant 4 : i32
            %eq3A_313 = arith.constant 0 : i32
            %eq3A_314 = arith.cmpi eq, %jit3A_312, %eq3A_313 : i32
            %jit3A_315 = arith.constant 1 : i32
            %select_n3A_316 = arith.select %eq3A_314, %jit3A_315, %jit3A_312 : i32
            %rem3A_317 = vector.broadcast %select_n3A_316 : i32 to vector<16xi32>
            %rem3A_318 = arith.remsi %add3A_280, %rem3A_317 : vector<16xi32>
            %ne3A_319 = arith.constant 0 : i32
            %ne3A_320 = vector.broadcast %ne3A_319 : i32 to vector<16xi32>
            %ne3A_321 = arith.cmpi ne, %rem3A_318, %ne3A_320 : vector<16xi32>
            %lt3A_322 = arith.constant 0 : i32
            %lt3A_323 = vector.broadcast %lt3A_322 : i32 to vector<16xi32>
            %lt3A_324 = arith.cmpi slt, %rem3A_318, %lt3A_323 : vector<16xi32>
            %lt3A_325 = arith.constant 0 : i32
            %lt3A_326 = arith.cmpi slt, %select_n3A_316, %lt3A_325 : i32
            %ne3A_327 = vector.broadcast %lt3A_326 : i1 to vector<16xi1>
            %ne3A_328 = vector.broadcast %ne3A_327 : vector<16xi1> to vector<16xi1>
            %ne3A_329 = arith.xori %lt3A_324, %ne3A_328 : vector<16xi1>
            %and3A_330 = arith.andi %ne3A_329, %ne3A_321 : vector<16xi1>
            %add3A_331 = vector.broadcast %select_n3A_316 : i32 to vector<16xi32>
            %add3A_332 = arith.addi %rem3A_318, %add3A_331 : vector<16xi32>
            %select_n3A_333 = arith.select %and3A_330, %add3A_332, %rem3A_318 : vector<16xi1>, vector<16xi32>
            %mul3A_334 = arith.constant 32 : i32
            %mul3A_335 = vector.broadcast %mul3A_334 : i32 to vector<16xi32>
            %mul3A_336 = arith.muli %select_n3A_333, %mul3A_335 : vector<16xi32>
            %add3A_337 = arith.constant 0 : i32
            %add3A_338 = vector.broadcast %add3A_337 : i32 to vector<16xi32>
            %add3A_339 = arith.addi %iota3A, %add3A_338 : vector<16xi32>
            %gather3A_340 = tpu.vector_load_idx %arg6[%add3A_339, %add3A_280] : memref<32x896xf32, #tpu.memory_space<vmem>>[vector<16xi32>, vector<16xi32>], vector<16xf32>,
            %add3A_341 = arith.addi %mul3A_336, %add3A_339 : vector<16xi32>
            tpu.vector_store_idx %arg8[%select_n3A_311, %add3A_341], %gather3A_340 : memref<224x128xf32, #tpu.memory_space<vmem>>[vector<16xi32>, vector<16xi32>], vector<16xf32>,
            %add3A_342 = arith.constant 16 : i32
            %add3A_343 = vector.broadcast %add3A_342 : i32 to vector<16xi32>
            %add3A_344 = arith.addi %iota3A, %add3A_343 : vector<16xi32>
            %gather3A_345 = tpu.vector_load_idx %arg6[%add3A_344, %add3A_280] : memref<32x896xf32, #tpu.memory_space<vmem>>[vector<16xi32>, vector<16xi32>], vector<16xf32>,
            %add3A_346 = arith.addi %mul3A_336, %add3A_344 : vector<16xi32>
            tpu.vector_store_idx %arg8[%select_n3A_311, %add3A_346], %gather3A_345 : memref<224x128xf32, #tpu.memory_space<vmem>>[vector<16xi32>, vector<16xi32>], vector<16xf32>,
            %mul3A_347 = arith.constant 8 : i32
            %mul3A_348 = arith.muli %scan3A_128, %mul3A_347 : i32
            %add3A_349 = arith.constant 3 : i32
            %add3A_350 = arith.addi %mul3A_348, %add3A_349 : i32
            %mul3A_351 = arith.constant 16 : i32
            %mul3A_352 = arith.muli %add3A_350, %mul3A_351 : i32
            %add3A_353 = vector.broadcast %mul3A_352 : i32 to vector<16xi32>
            %add3A_354 = arith.addi %add3A_353, %select_n3A_121 : vector<16xi32>
            %jit3A_355 = arith.constant 4 : i32
            %div3A_356 = vector.broadcast %jit3A_355 : i32 to vector<16xi32>
            %div3A_357 = arith.divsi %add3A_354, %div3A_356 : vector<16xi32>
            %sign3A_358 = arith.constant 0 : i32
            %sign3A_359 = vector.broadcast %sign3A_358 : i32 to vector<16xi32>
            %sign3A_360 = arith.cmpi sgt, %add3A_354, %sign3A_359 : vector<16xi32>
            %sign3A_361 = arith.extui %sign3A_360 : vector<16xi1> to vector<16xi32>
            %sign3A_362 = arith.constant 0 : i32
            %sign3A_363 = vector.broadcast %sign3A_362 : i32 to vector<16xi32>
            %sign3A_364 = arith.cmpi slt, %add3A_354, %sign3A_363 : vector<16xi32>
            %sign3A_365 = arith.extui %sign3A_364 : vector<16xi1> to vector<16xi32>
            %sign3A_366 = arith.subi %sign3A_361, %sign3A_365 : vector<16xi32>
            %sign3A_367 = arith.constant 0 : i32
            %sign3A_368 = arith.cmpi sgt, %jit3A_355, %sign3A_367 : i32
            %sign3A_369 = arith.extui %sign3A_368 : i1 to i32
            %sign3A_370 = arith.constant 0 : i32
            %sign3A_371 = arith.cmpi slt, %jit3A_355, %sign3A_370 : i32
            %sign3A_372 = arith.extui %sign3A_371 : i1 to i32
            %sign3A_373 = arith.subi %sign3A_369, %sign3A_372 : i32
            %ne3A_374 = vector.broadcast %sign3A_373 : i32 to vector<16xi32>
            %ne3A_375 = arith.cmpi ne, %sign3A_366, %ne3A_374 : vector<16xi32>
            %rem3A_376 = vector.broadcast %jit3A_355 : i32 to vector<16xi32>
            %rem3A_377 = arith.remsi %add3A_354, %rem3A_376 : vector<16xi32>
            %ne3A_378 = arith.constant 0 : i32
            %ne3A_379 = vector.broadcast %ne3A_378 : i32 to vector<16xi32>
            %ne3A_380 = arith.cmpi ne, %rem3A_377, %ne3A_379 : vector<16xi32>
            %and3A_381 = arith.andi %ne3A_375, %ne3A_380 : vector<16xi1>
            %sub3A_382 = arith.constant 1 : i32
            %sub3A_383 = vector.broadcast %sub3A_382 : i32 to vector<16xi32>
            %sub3A_384 = arith.subi %div3A_357, %sub3A_383 : vector<16xi32>
            %select_n3A_385 = arith.select %and3A_381, %sub3A_384, %div3A_357 : vector<16xi1>, vector<16xi32>
            %jit3A_386 = arith.constant 4 : i32
            %eq3A_387 = arith.constant 0 : i32
            %eq3A_388 = arith.cmpi eq, %jit3A_386, %eq3A_387 : i32
            %jit3A_389 = arith.constant 1 : i32
            %select_n3A_390 = arith.select %eq3A_388, %jit3A_389, %jit3A_386 : i32
            %rem3A_391 = vector.broadcast %select_n3A_390 : i32 to vector<16xi32>
            %rem3A_392 = arith.remsi %add3A_354, %rem3A_391 : vector<16xi32>
            %ne3A_393 = arith.constant 0 : i32
            %ne3A_394 = vector.broadcast %ne3A_393 : i32 to vector<16xi32>
            %ne3A_395 = arith.cmpi ne, %rem3A_392, %ne3A_394 : vector<16xi32>
            %lt3A_396 = arith.constant 0 : i32
            %lt3A_397 = vector.broadcast %lt3A_396 : i32 to vector<16xi32>
            %lt3A_398 = arith.cmpi slt, %rem3A_392, %lt3A_397 : vector<16xi32>
            %lt3A_399 = arith.constant 0 : i32
            %lt3A_400 = arith.cmpi slt, %select_n3A_390, %lt3A_399 : i32
            %ne3A_401 = vector.broadcast %lt3A_400 : i1 to vector<16xi1>
            %ne3A_402 = vector.broadcast %ne3A_401 : vector<16xi1> to vector<16xi1>
            %ne3A_403 = arith.xori %lt3A_398, %ne3A_402 : vector<16xi1>
            %and3A_404 = arith.andi %ne3A_403, %ne3A_395 : vector<16xi1>
            %add3A_405 = vector.broadcast %select_n3A_390 : i32 to vector<16xi32>
            %add3A_406 = arith.addi %rem3A_392, %add3A_405 : vector<16xi32>
            %select_n3A_407 = arith.select %and3A_404, %add3A_406, %rem3A_392 : vector<16xi1>, vector<16xi32>
            %mul3A_408 = arith.constant 32 : i32
            %mul3A_409 = vector.broadcast %mul3A_408 : i32 to vector<16xi32>
            %mul3A_410 = arith.muli %select_n3A_407, %mul3A_409 : vector<16xi32>
            %add3A_411 = arith.constant 0 : i32
            %add3A_412 = vector.broadcast %add3A_411 : i32 to vector<16xi32>
            %add3A_413 = arith.addi %iota3A, %add3A_412 : vector<16xi32>
            %gather3A_414 = tpu.vector_load_idx %arg6[%add3A_413, %add3A_354] : memref<32x896xf32, #tpu.memory_space<vmem>>[vector<16xi32>, vector<16xi32>], vector<16xf32>,
            %add3A_415 = arith.addi %mul3A_410, %add3A_413 : vector<16xi32>
            tpu.vector_store_idx %arg8[%select_n3A_385, %add3A_415], %gather3A_414 : memref<224x128xf32, #tpu.memory_space<vmem>>[vector<16xi32>, vector<16xi32>], vector<16xf32>,
            %add3A_416 = arith.constant 16 : i32
            %add3A_417 = vector.broadcast %add3A_416 : i32 to vector<16xi32>
            %add3A_418 = arith.addi %iota3A, %add3A_417 : vector<16xi32>
            %gather3A_419 = tpu.vector_load_idx %arg6[%add3A_418, %add3A_354] : memref<32x896xf32, #tpu.memory_space<vmem>>[vector<16xi32>, vector<16xi32>], vector<16xf32>,
            %add3A_420 = arith.addi %mul3A_410, %add3A_418 : vector<16xi32>
            tpu.vector_store_idx %arg8[%select_n3A_385, %add3A_420], %gather3A_419 : memref<224x128xf32, #tpu.memory_space<vmem>>[vector<16xi32>, vector<16xi32>], vector<16xf32>,
            %mul3A_421 = arith.constant 8 : i32
            %mul3A_422 = arith.muli %scan3A_128, %mul3A_421 : i32
            %add3A_423 = arith.constant 4 : i32
            %add3A_424 = arith.addi %mul3A_422, %add3A_423 : i32
            %mul3A_425 = arith.constant 16 : i32
            %mul3A_426 = arith.muli %add3A_424, %mul3A_425 : i32
            %add3A_427 = vector.broadcast %mul3A_426 : i32 to vector<16xi32>
            %add3A_428 = arith.addi %add3A_427, %select_n3A_121 : vector<16xi32>
            %jit3A_429 = arith.constant 4 : i32
            %div3A_430 = vector.broadcast %jit3A_429 : i32 to vector<16xi32>
            %div3A_431 = arith.divsi %add3A_428, %div3A_430 : vector<16xi32>
            %sign3A_432 = arith.constant 0 : i32
            %sign3A_433 = vector.broadcast %sign3A_432 : i32 to vector<16xi32>
            %sign3A_434 = arith.cmpi sgt, %add3A_428, %sign3A_433 : vector<16xi32>
            %sign3A_435 = arith.extui %sign3A_434 : vector<16xi1> to vector<16xi32>
            %sign3A_436 = arith.constant 0 : i32
            %sign3A_437 = vector.broadcast %sign3A_436 : i32 to vector<16xi32>
            %sign3A_438 = arith.cmpi slt, %add3A_428, %sign3A_437 : vector<16xi32>
            %sign3A_439 = arith.extui %sign3A_438 : vector<16xi1> to vector<16xi32>
            %sign3A_440 = arith.subi %sign3A_435, %sign3A_439 : vector<16xi32>
            %sign3A_441 = arith.constant 0 : i32
            %sign3A_442 = arith.cmpi sgt, %jit3A_429, %sign3A_441 : i32
            %sign3A_443 = arith.extui %sign3A_442 : i1 to i32
            %sign3A_444 = arith.constant 0 : i32
            %sign3A_445 = arith.cmpi slt, %jit3A_429, %sign3A_444 : i32
            %sign3A_446 = arith.extui %sign3A_445 : i1 to i32
            %sign3A_447 = arith.subi %sign3A_443, %sign3A_446 : i32
            %ne3A_448 = vector.broadcast %sign3A_447 : i32 to vector<16xi32>
            %ne3A_449 = arith.cmpi ne, %sign3A_440, %ne3A_448 : vector<16xi32>
            %rem3A_450 = vector.broadcast %jit3A_429 : i32 to vector<16xi32>
            %rem3A_451 = arith.remsi %add3A_428, %rem3A_450 : vector<16xi32>
            %ne3A_452 = arith.constant 0 : i32
            %ne3A_453 = vector.broadcast %ne3A_452 : i32 to vector<16xi32>
            %ne3A_454 = arith.cmpi ne, %rem3A_451, %ne3A_453 : vector<16xi32>
            %and3A_455 = arith.andi %ne3A_449, %ne3A_454 : vector<16xi1>
            %sub3A_456 = arith.constant 1 : i32
            %sub3A_457 = vector.broadcast %sub3A_456 : i32 to vector<16xi32>
            %sub3A_458 = arith.subi %div3A_431, %sub3A_457 : vector<16xi32>
            %select_n3A_459 = arith.select %and3A_455, %sub3A_458, %div3A_431 : vector<16xi1>, vector<16xi32>
            %jit3A_460 = arith.constant 4 : i32
            %eq3A_461 = arith.constant 0 : i32
            %eq3A_462 = arith.cmpi eq, %jit3A_460, %eq3A_461 : i32
            %jit3A_463 = arith.constant 1 : i32
            %select_n3A_464 = arith.select %eq3A_462, %jit3A_463, %jit3A_460 : i32
            %rem3A_465 = vector.broadcast %select_n3A_464 : i32 to vector<16xi32>
            %rem3A_466 = arith.remsi %add3A_428, %rem3A_465 : vector<16xi32>
            %ne3A_467 = arith.constant 0 : i32
            %ne3A_468 = vector.broadcast %ne3A_467 : i32 to vector<16xi32>
            %ne3A_469 = arith.cmpi ne, %rem3A_466, %ne3A_468 : vector<16xi32>
            %lt3A_470 = arith.constant 0 : i32
            %lt3A_471 = vector.broadcast %lt3A_470 : i32 to vector<16xi32>
            %lt3A_472 = arith.cmpi slt, %rem3A_466, %lt3A_471 : vector<16xi32>
            %lt3A_473 = arith.constant 0 : i32
            %lt3A_474 = arith.cmpi slt, %select_n3A_464, %lt3A_473 : i32
            %ne3A_475 = vector.broadcast %lt3A_474 : i1 to vector<16xi1>
            %ne3A_476 = vector.broadcast %ne3A_475 : vector<16xi1> to vector<16xi1>
            %ne3A_477 = arith.xori %lt3A_472, %ne3A_476 : vector<16xi1>
            %and3A_478 = arith.andi %ne3A_477, %ne3A_469 : vector<16xi1>
            %add3A_479 = vector.broadcast %select_n3A_464 : i32 to vector<16xi32>
            %add3A_480 = arith.addi %rem3A_466, %add3A_479 : vector<16xi32>
            %select_n3A_481 = arith.select %and3A_478, %add3A_480, %rem3A_466 : vector<16xi1>, vector<16xi32>
            %mul3A_482 = arith.constant 32 : i32
            %mul3A_483 = vector.broadcast %mul3A_482 : i32 to vector<16xi32>
            %mul3A_484 = arith.muli %select_n3A_481, %mul3A_483 : vector<16xi32>
            %add3A_485 = arith.constant 0 : i32
            %add3A_486 = vector.broadcast %add3A_485 : i32 to vector<16xi32>
            %add3A_487 = arith.addi %iota3A, %add3A_486 : vector<16xi32>
            %gather3A_488 = tpu.vector_load_idx %arg6[%add3A_487, %add3A_428] : memref<32x896xf32, #tpu.memory_space<vmem>>[vector<16xi32>, vector<16xi32>], vector<16xf32>,
            %add3A_489 = arith.addi %mul3A_484, %add3A_487 : vector<16xi32>
            tpu.vector_store_idx %arg8[%select_n3A_459, %add3A_489], %gather3A_488 : memref<224x128xf32, #tpu.memory_space<vmem>>[vector<16xi32>, vector<16xi32>], vector<16xf32>,
            %add3A_490 = arith.constant 16 : i32
            %add3A_491 = vector.broadcast %add3A_490 : i32 to vector<16xi32>
            %add3A_492 = arith.addi %iota3A, %add3A_491 : vector<16xi32>
            %gather3A_493 = tpu.vector_load_idx %arg6[%add3A_492, %add3A_428] : memref<32x896xf32, #tpu.memory_space<vmem>>[vector<16xi32>, vector<16xi32>], vector<16xf32>,
            %add3A_494 = arith.addi %mul3A_484, %add3A_492 : vector<16xi32>
            tpu.vector_store_idx %arg8[%select_n3A_459, %add3A_494], %gather3A_493 : memref<224x128xf32, #tpu.memory_space<vmem>>[vector<16xi32>, vector<16xi32>], vector<16xf32>,
            %mul3A_495 = arith.constant 8 : i32
            %mul3A_496 = arith.muli %scan3A_128, %mul3A_495 : i32
            %add3A_497 = arith.constant 5 : i32
            %add3A_498 = arith.addi %mul3A_496, %add3A_497 : i32
            %mul3A_499 = arith.constant 16 : i32
            %mul3A_500 = arith.muli %add3A_498, %mul3A_499 : i32
            %add3A_501 = vector.broadcast %mul3A_500 : i32 to vector<16xi32>
            %add3A_502 = arith.addi %add3A_501, %select_n3A_121 : vector<16xi32>
            %jit3A_503 = arith.constant 4 : i32
            %div3A_504 = vector.broadcast %jit3A_503 : i32 to vector<16xi32>
            %div3A_505 = arith.divsi %add3A_502, %div3A_504 : vector<16xi32>
            %sign3A_506 = arith.constant 0 : i32
            %sign3A_507 = vector.broadcast %sign3A_506 : i32 to vector<16xi32>
            %sign3A_508 = arith.cmpi sgt, %add3A_502, %sign3A_507 : vector<16xi32>
            %sign3A_509 = arith.extui %sign3A_508 : vector<16xi1> to vector<16xi32>
            %sign3A_510 = arith.constant 0 : i32
            %sign3A_511 = vector.broadcast %sign3A_510 : i32 to vector<16xi32>
            %sign3A_512 = arith.cmpi slt, %add3A_502, %sign3A_511 : vector<16xi32>
            %sign3A_513 = arith.extui %sign3A_512 : vector<16xi1> to vector<16xi32>
            %sign3A_514 = arith.subi %sign3A_509, %sign3A_513 : vector<16xi32>
            %sign3A_515 = arith.constant 0 : i32
            %sign3A_516 = arith.cmpi sgt, %jit3A_503, %sign3A_515 : i32
            %sign3A_517 = arith.extui %sign3A_516 : i1 to i32
            %sign3A_518 = arith.constant 0 : i32
            %sign3A_519 = arith.cmpi slt, %jit3A_503, %sign3A_518 : i32
            %sign3A_520 = arith.extui %sign3A_519 : i1 to i32
            %sign3A_521 = arith.subi %sign3A_517, %sign3A_520 : i32
            %ne3A_522 = vector.broadcast %sign3A_521 : i32 to vector<16xi32>
            %ne3A_523 = arith.cmpi ne, %sign3A_514, %ne3A_522 : vector<16xi32>
            %rem3A_524 = vector.broadcast %jit3A_503 : i32 to vector<16xi32>
            %rem3A_525 = arith.remsi %add3A_502, %rem3A_524 : vector<16xi32>
            %ne3A_526 = arith.constant 0 : i32
            %ne3A_527 = vector.broadcast %ne3A_526 : i32 to vector<16xi32>
            %ne3A_528 = arith.cmpi ne, %rem3A_525, %ne3A_527 : vector<16xi32>
            %and3A_529 = arith.andi %ne3A_523, %ne3A_528 : vector<16xi1>
            %sub3A_530 = arith.constant 1 : i32
            %sub3A_531 = vector.broadcast %sub3A_530 : i32 to vector<16xi32>
            %sub3A_532 = arith.subi %div3A_505, %sub3A_531 : vector<16xi32>
            %select_n3A_533 = arith.select %and3A_529, %sub3A_532, %div3A_505 : vector<16xi1>, vector<16xi32>
            %jit3A_534 = arith.constant 4 : i32
            %eq3A_535 = arith.constant 0 : i32
            %eq3A_536 = arith.cmpi eq, %jit3A_534, %eq3A_535 : i32
            %jit3A_537 = arith.constant 1 : i32
            %select_n3A_538 = arith.select %eq3A_536, %jit3A_537, %jit3A_534 : i32
            %rem3A_539 = vector.broadcast %select_n3A_538 : i32 to vector<16xi32>
            %rem3A_540 = arith.remsi %add3A_502, %rem3A_539 : vector<16xi32>
            %ne3A_541 = arith.constant 0 : i32
            %ne3A_542 = vector.broadcast %ne3A_541 : i32 to vector<16xi32>
            %ne3A_543 = arith.cmpi ne, %rem3A_540, %ne3A_542 : vector<16xi32>
            %lt3A_544 = arith.constant 0 : i32
            %lt3A_545 = vector.broadcast %lt3A_544 : i32 to vector<16xi32>
            %lt3A_546 = arith.cmpi slt, %rem3A_540, %lt3A_545 : vector<16xi32>
            %lt3A_547 = arith.constant 0 : i32
            %lt3A_548 = arith.cmpi slt, %select_n3A_538, %lt3A_547 : i32
            %ne3A_549 = vector.broadcast %lt3A_548 : i1 to vector<16xi1>
            %ne3A_550 = vector.broadcast %ne3A_549 : vector<16xi1> to vector<16xi1>
            %ne3A_551 = arith.xori %lt3A_546, %ne3A_550 : vector<16xi1>
            %and3A_552 = arith.andi %ne3A_551, %ne3A_543 : vector<16xi1>
            %add3A_553 = vector.broadcast %select_n3A_538 : i32 to vector<16xi32>
            %add3A_554 = arith.addi %rem3A_540, %add3A_553 : vector<16xi32>
            %select_n3A_555 = arith.select %and3A_552, %add3A_554, %rem3A_540 : vector<16xi1>, vector<16xi32>
            %mul3A_556 = arith.constant 32 : i32
            %mul3A_557 = vector.broadcast %mul3A_556 : i32 to vector<16xi32>
            %mul3A_558 = arith.muli %select_n3A_555, %mul3A_557 : vector<16xi32>
            %add3A_559 = arith.constant 0 : i32
            %add3A_560 = vector.broadcast %add3A_559 : i32 to vector<16xi32>
            %add3A_561 = arith.addi %iota3A, %add3A_560 : vector<16xi32>
            %gather3A_562 = tpu.vector_load_idx %arg6[%add3A_561, %add3A_502] : memref<32x896xf32, #tpu.memory_space<vmem>>[vector<16xi32>, vector<16xi32>], vector<16xf32>,
            %add3A_563 = arith.addi %mul3A_558, %add3A_561 : vector<16xi32>
            tpu.vector_store_idx %arg8[%select_n3A_533, %add3A_563], %gather3A_562 : memref<224x128xf32, #tpu.memory_space<vmem>>[vector<16xi32>, vector<16xi32>], vector<16xf32>,
            %add3A_564 = arith.constant 16 : i32
            %add3A_565 = vector.broadcast %add3A_564 : i32 to vector<16xi32>
            %add3A_566 = arith.addi %iota3A, %add3A_565 : vector<16xi32>
            %gather3A_567 = tpu.vector_load_idx %arg6[%add3A_566, %add3A_502] : memref<32x896xf32, #tpu.memory_space<vmem>>[vector<16xi32>, vector<16xi32>], vector<16xf32>,
            %add3A_568 = arith.addi %mul3A_558, %add3A_566 : vector<16xi32>
            tpu.vector_store_idx %arg8[%select_n3A_533, %add3A_568], %gather3A_567 : memref<224x128xf32, #tpu.memory_space<vmem>>[vector<16xi32>, vector<16xi32>], vector<16xf32>,
            %mul3A_569 = arith.constant 8 : i32
            %mul3A_570 = arith.muli %scan3A_128, %mul3A_569 : i32
            %add3A_571 = arith.constant 6 : i32
            %add3A_572 = arith.addi %mul3A_570, %add3A_571 : i32
            %mul3A_573 = arith.constant 16 : i32
            %mul3A_574 = arith.muli %add3A_572, %mul3A_573 : i32
            %add3A_575 = vector.broadcast %mul3A_574 : i32 to vector<16xi32>
            %add3A_576 = arith.addi %add3A_575, %select_n3A_121 : vector<16xi32>
            %jit3A_577 = arith.constant 4 : i32
            %div3A_578 = vector.broadcast %jit3A_577 : i32 to vector<16xi32>
            %div3A_579 = arith.divsi %add3A_576, %div3A_578 : vector<16xi32>
            %sign3A_580 = arith.constant 0 : i32
            %sign3A_581 = vector.broadcast %sign3A_580 : i32 to vector<16xi32>
            %sign3A_582 = arith.cmpi sgt, %add3A_576, %sign3A_581 : vector<16xi32>
            %sign3A_583 = arith.extui %sign3A_582 : vector<16xi1> to vector<16xi32>
            %sign3A_584 = arith.constant 0 : i32
            %sign3A_585 = vector.broadcast %sign3A_584 : i32 to vector<16xi32>
            %sign3A_586 = arith.cmpi slt, %add3A_576, %sign3A_585 : vector<16xi32>
            %sign3A_587 = arith.extui %sign3A_586 : vector<16xi1> to vector<16xi32>
            %sign3A_588 = arith.subi %sign3A_583, %sign3A_587 : vector<16xi32>
            %sign3A_589 = arith.constant 0 : i32
            %sign3A_590 = arith.cmpi sgt, %jit3A_577, %sign3A_589 : i32
            %sign3A_591 = arith.extui %sign3A_590 : i1 to i32
            %sign3A_592 = arith.constant 0 : i32
            %sign3A_593 = arith.cmpi slt, %jit3A_577, %sign3A_592 : i32
            %sign3A_594 = arith.extui %sign3A_593 : i1 to i32
            %sign3A_595 = arith.subi %sign3A_591, %sign3A_594 : i32
            %ne3A_596 = vector.broadcast %sign3A_595 : i32 to vector<16xi32>
            %ne3A_597 = arith.cmpi ne, %sign3A_588, %ne3A_596 : vector<16xi32>
            %rem3A_598 = vector.broadcast %jit3A_577 : i32 to vector<16xi32>
            %rem3A_599 = arith.remsi %add3A_576, %rem3A_598 : vector<16xi32>
            %ne3A_600 = arith.constant 0 : i32
            %ne3A_601 = vector.broadcast %ne3A_600 : i32 to vector<16xi32>
            %ne3A_602 = arith.cmpi ne, %rem3A_599, %ne3A_601 : vector<16xi32>
            %and3A_603 = arith.andi %ne3A_597, %ne3A_602 : vector<16xi1>
            %sub3A_604 = arith.constant 1 : i32
            %sub3A_605 = vector.broadcast %sub3A_604 : i32 to vector<16xi32>
            %sub3A_606 = arith.subi %div3A_579, %sub3A_605 : vector<16xi32>
            %select_n3A_607 = arith.select %and3A_603, %sub3A_606, %div3A_579 : vector<16xi1>, vector<16xi32>
            %jit3A_608 = arith.constant 4 : i32
            %eq3A_609 = arith.constant 0 : i32
            %eq3A_610 = arith.cmpi eq, %jit3A_608, %eq3A_609 : i32
            %jit3A_611 = arith.constant 1 : i32
            %select_n3A_612 = arith.select %eq3A_610, %jit3A_611, %jit3A_608 : i32
            %rem3A_613 = vector.broadcast %select_n3A_612 : i32 to vector<16xi32>
            %rem3A_614 = arith.remsi %add3A_576, %rem3A_613 : vector<16xi32>
            %ne3A_615 = arith.constant 0 : i32
            %ne3A_616 = vector.broadcast %ne3A_615 : i32 to vector<16xi32>
            %ne3A_617 = arith.cmpi ne, %rem3A_614, %ne3A_616 : vector<16xi32>
            %lt3A_618 = arith.constant 0 : i32
            %lt3A_619 = vector.broadcast %lt3A_618 : i32 to vector<16xi32>
            %lt3A_620 = arith.cmpi slt, %rem3A_614, %lt3A_619 : vector<16xi32>
            %lt3A_621 = arith.constant 0 : i32
            %lt3A_622 = arith.cmpi slt, %select_n3A_612, %lt3A_621 : i32
            %ne3A_623 = vector.broadcast %lt3A_622 : i1 to vector<16xi1>
            %ne3A_624 = vector.broadcast %ne3A_623 : vector<16xi1> to vector<16xi1>
            %ne3A_625 = arith.xori %lt3A_620, %ne3A_624 : vector<16xi1>
            %and3A_626 = arith.andi %ne3A_625, %ne3A_617 : vector<16xi1>
            %add3A_627 = vector.broadcast %select_n3A_612 : i32 to vector<16xi32>
            %add3A_628 = arith.addi %rem3A_614, %add3A_627 : vector<16xi32>
            %select_n3A_629 = arith.select %and3A_626, %add3A_628, %rem3A_614 : vector<16xi1>, vector<16xi32>
            %mul3A_630 = arith.constant 32 : i32
            %mul3A_631 = vector.broadcast %mul3A_630 : i32 to vector<16xi32>
            %mul3A_632 = arith.muli %select_n3A_629, %mul3A_631 : vector<16xi32>
            %add3A_633 = arith.constant 0 : i32
            %add3A_634 = vector.broadcast %add3A_633 : i32 to vector<16xi32>
            %add3A_635 = arith.addi %iota3A, %add3A_634 : vector<16xi32>
            %gather3A_636 = tpu.vector_load_idx %arg6[%add3A_635, %add3A_576] : memref<32x896xf32, #tpu.memory_space<vmem>>[vector<16xi32>, vector<16xi32>], vector<16xf32>,
            %add3A_637 = arith.addi %mul3A_632, %add3A_635 : vector<16xi32>
            tpu.vector_store_idx %arg8[%select_n3A_607, %add3A_637], %gather3A_636 : memref<224x128xf32, #tpu.memory_space<vmem>>[vector<16xi32>, vector<16xi32>], vector<16xf32>,
            %add3A_638 = arith.constant 16 : i32
            %add3A_639 = vector.broadcast %add3A_638 : i32 to vector<16xi32>
            %add3A_640 = arith.addi %iota3A, %add3A_639 : vector<16xi32>
            %gather3A_641 = tpu.vector_load_idx %arg6[%add3A_640, %add3A_576] : memref<32x896xf32, #tpu.memory_space<vmem>>[vector<16xi32>, vector<16xi32>], vector<16xf32>,
            %add3A_642 = arith.addi %mul3A_632, %add3A_640 : vector<16xi32>
            tpu.vector_store_idx %arg8[%select_n3A_607, %add3A_642], %gather3A_641 : memref<224x128xf32, #tpu.memory_space<vmem>>[vector<16xi32>, vector<16xi32>], vector<16xf32>,
            %mul3A_643 = arith.constant 8 : i32
            %mul3A_644 = arith.muli %scan3A_128, %mul3A_643 : i32
            %add3A_645 = arith.constant 7 : i32
            %add3A_646 = arith.addi %mul3A_644, %add3A_645 : i32
            %mul3A_647 = arith.constant 16 : i32
            %mul3A_648 = arith.muli %add3A_646, %mul3A_647 : i32
            %add3A_649 = vector.broadcast %mul3A_648 : i32 to vector<16xi32>
            %add3A_650 = arith.addi %add3A_649, %select_n3A_121 : vector<16xi32>
            %jit3A_651 = arith.constant 4 : i32
            %div3A_652 = vector.broadcast %jit3A_651 : i32 to vector<16xi32>
            %div3A_653 = arith.divsi %add3A_650, %div3A_652 : vector<16xi32>
            %sign3A_654 = arith.constant 0 : i32
            %sign3A_655 = vector.broadcast %sign3A_654 : i32 to vector<16xi32>
            %sign3A_656 = arith.cmpi sgt, %add3A_650, %sign3A_655 : vector<16xi32>
            %sign3A_657 = arith.extui %sign3A_656 : vector<16xi1> to vector<16xi32>
            %sign3A_658 = arith.constant 0 : i32
            %sign3A_659 = vector.broadcast %sign3A_658 : i32 to vector<16xi32>
            %sign3A_660 = arith.cmpi slt, %add3A_650, %sign3A_659 : vector<16xi32>
            %sign3A_661 = arith.extui %sign3A_660 : vector<16xi1> to vector<16xi32>
            %sign3A_662 = arith.subi %sign3A_657, %sign3A_661 : vector<16xi32>
            %sign3A_663 = arith.constant 0 : i32
            %sign3A_664 = arith.cmpi sgt, %jit3A_651, %sign3A_663 : i32
            %sign3A_665 = arith.extui %sign3A_664 : i1 to i32
            %sign3A_666 = arith.constant 0 : i32
            %sign3A_667 = arith.cmpi slt, %jit3A_651, %sign3A_666 : i32
            %sign3A_668 = arith.extui %sign3A_667 : i1 to i32
            %sign3A_669 = arith.subi %sign3A_665, %sign3A_668 : i32
            %ne3A_670 = vector.broadcast %sign3A_669 : i32 to vector<16xi32>
            %ne3A_671 = arith.cmpi ne, %sign3A_662, %ne3A_670 : vector<16xi32>
            %rem3A_672 = vector.broadcast %jit3A_651 : i32 to vector<16xi32>
            %rem3A_673 = arith.remsi %add3A_650, %rem3A_672 : vector<16xi32>
            %ne3A_674 = arith.constant 0 : i32
            %ne3A_675 = vector.broadcast %ne3A_674 : i32 to vector<16xi32>
            %ne3A_676 = arith.cmpi ne, %rem3A_673, %ne3A_675 : vector<16xi32>
            %and3A_677 = arith.andi %ne3A_671, %ne3A_676 : vector<16xi1>
            %sub3A_678 = arith.constant 1 : i32
            %sub3A_679 = vector.broadcast %sub3A_678 : i32 to vector<16xi32>
            %sub3A_680 = arith.subi %div3A_653, %sub3A_679 : vector<16xi32>
            %select_n3A_681 = arith.select %and3A_677, %sub3A_680, %div3A_653 : vector<16xi1>, vector<16xi32>
            %jit3A_682 = arith.constant 4 : i32
            %eq3A_683 = arith.constant 0 : i32
            %eq3A_684 = arith.cmpi eq, %jit3A_682, %eq3A_683 : i32
            %jit3A_685 = arith.constant 1 : i32
            %select_n3A_686 = arith.select %eq3A_684, %jit3A_685, %jit3A_682 : i32
            %rem3A_687 = vector.broadcast %select_n3A_686 : i32 to vector<16xi32>
            %rem3A_688 = arith.remsi %add3A_650, %rem3A_687 : vector<16xi32>
            %ne3A_689 = arith.constant 0 : i32
            %ne3A_690 = vector.broadcast %ne3A_689 : i32 to vector<16xi32>
            %ne3A_691 = arith.cmpi ne, %rem3A_688, %ne3A_690 : vector<16xi32>
            %lt3A_692 = arith.constant 0 : i32
            %lt3A_693 = vector.broadcast %lt3A_692 : i32 to vector<16xi32>
            %lt3A_694 = arith.cmpi slt, %rem3A_688, %lt3A_693 : vector<16xi32>
            %lt3A_695 = arith.constant 0 : i32
            %lt3A_696 = arith.cmpi slt, %select_n3A_686, %lt3A_695 : i32
            %ne3A_697 = vector.broadcast %lt3A_696 : i1 to vector<16xi1>
            %ne3A_698 = vector.broadcast %ne3A_697 : vector<16xi1> to vector<16xi1>
            %ne3A_699 = arith.xori %lt3A_694, %ne3A_698 : vector<16xi1>
            %and3A_700 = arith.andi %ne3A_699, %ne3A_691 : vector<16xi1>
            %add3A_701 = vector.broadcast %select_n3A_686 : i32 to vector<16xi32>
            %add3A_702 = arith.addi %rem3A_688, %add3A_701 : vector<16xi32>
            %select_n3A_703 = arith.select %and3A_700, %add3A_702, %rem3A_688 : vector<16xi1>, vector<16xi32>
            %mul3A_704 = arith.constant 32 : i32
            %mul3A_705 = vector.broadcast %mul3A_704 : i32 to vector<16xi32>
            %mul3A_706 = arith.muli %select_n3A_703, %mul3A_705 : vector<16xi32>
            %add3A_707 = arith.constant 0 : i32
            %add3A_708 = vector.broadcast %add3A_707 : i32 to vector<16xi32>
            %add3A_709 = arith.addi %iota3A, %add3A_708 : vector<16xi32>
            %gather3A_710 = tpu.vector_load_idx %arg6[%add3A_709, %add3A_650] : memref<32x896xf32, #tpu.memory_space<vmem>>[vector<16xi32>, vector<16xi32>], vector<16xf32>,
            %add3A_711 = arith.addi %mul3A_706, %add3A_709 : vector<16xi32>
            tpu.vector_store_idx %arg8[%select_n3A_681, %add3A_711], %gather3A_710 : memref<224x128xf32, #tpu.memory_space<vmem>>[vector<16xi32>, vector<16xi32>], vector<16xf32>,
            %add3A_712 = arith.constant 16 : i32
            %add3A_713 = vector.broadcast %add3A_712 : i32 to vector<16xi32>
            %add3A_714 = arith.addi %iota3A, %add3A_713 : vector<16xi32>
            %gather3A_715 = tpu.vector_load_idx %arg6[%add3A_714, %add3A_650] : memref<32x896xf32, #tpu.memory_space<vmem>>[vector<16xi32>, vector<16xi32>], vector<16xf32>,
            %add3A_716 = arith.addi %mul3A_706, %add3A_714 : vector<16xi32>
            tpu.vector_store_idx %arg8[%select_n3A_681, %add3A_716], %gather3A_715 : memref<224x128xf32, #tpu.memory_space<vmem>>[vector<16xi32>, vector<16xi32>], vector<16xf32>,
          }
          %scan3A_127 = arith.constant 7 : i32
        }
        %scan3A_92 = arith.constant 16 : i32
        %mul3A_93 = arith.constant 32 : i32
        %mul3A_94 = arith.muli %add3A_38, %mul3A_93 : i32
        %add3A_95 = arith.addi %add3A, %mul3A_94 : i32
        %mul3A_96 = arith.constant 224 : i32
        %mul3A_97 = arith.muli %add3A_95, %mul3A_96 : i32
        %multiple_of3A_98 = tpu.assume_multiple %mul3A_97, 8 : i32
        %dma_start3A = arith.constant 0 : i32
        %dma_start3A_99 = tpu.memref_slice %arg4[%multiple_of3A_98, %dma_start3A] : memref<250000x128xf32, #tpu.memory_space<hbm>> -> memref<224x128xf32, #tpu.memory_space<hbm>>
        %dma_start3A_100 = arith.constant 0 : i32
        %dma_start3A_101 = tpu.memref_slice %arg4[%multiple_of3A_98, %dma_start3A_100] : memref<250000x128xf32, #tpu.memory_space<hbm>> -> memref<224x128xf32, #tpu.memory_space<hbm>>
        tpu.enqueue_dma source(%arg8 : memref<224x128xf32, #tpu.memory_space<vmem>>) target(%dma_start3A_101 : memref<224x128xf32, #tpu.memory_space<hbm>>) target_semaphore(%arg12 : memref<!tpu.dma_semaphore, #tpu.memory_space<semaphore_mem>>)
      } else {
      }
    }
    %scan3A_13 = arith.constant 18 : i32
    %add3A_14 = arith.constant 1088 : i32
    %add3A_15 = arith.addi %add3A, %add3A_14 : i32
    %lt3A_16 = arith.constant 1116 : i32
    %lt3A_17 = arith.cmpi slt, %add3A_15, %lt3A_16 : i32
    %convert_element_type3A_18 = arith.extui %lt3A_17 : i1 to i32
    %cond3A_19 = arith.constant 0 : i32
    %cond3A_20 = arith.cmpi ne, %convert_element_type3A_18, %cond3A_19 : i32
    scf.if %cond3A_20 {
      %add3A_34 = arith.constant 1088 : i32
      %add3A_35 = arith.addi %add3A, %add3A_34 : i32
      %mul3A_36 = arith.constant 224 : i32
      %mul3A_37 = arith.muli %add3A_35, %mul3A_36 : i32
      %multiple_of3A_38 = tpu.assume_multiple %mul3A_37, 8 : i32
      %dma_wait3A_39 = arith.constant 0 : i32
      %dma_wait3A_40 = tpu.memref_slice %arg4[%multiple_of3A_38, %dma_wait3A_39] : memref<250000x128xf32, #tpu.memory_space<hbm>> -> memref<224x128xf32, #tpu.memory_space<hbm>>
      %dma_wait3A_41 = arith.constant 0 : i32
      %dma_wait3A_42 = tpu.memref_slice %arg4[%multiple_of3A_38, %dma_wait3A_41] : memref<250000x128xf32, #tpu.memory_space<hbm>> -> memref<224x128xf32, #tpu.memory_space<hbm>>
      tpu.wait_dma2 semaphore(%arg11 : memref<!tpu.dma_semaphore, #tpu.memory_space<semaphore_mem>>) src(%arg7 : memref<224x128xf32, #tpu.memory_space<vmem>>) dst(%dma_wait3A_42 : memref<224x128xf32, #tpu.memory_space<hbm>>)
    } else {
    }
    %add3A_21 = arith.constant 1088 : i32
    %add3A_22 = arith.addi %add3A, %add3A_21 : i32
    %ge3A = arith.constant 1116 : i32
    %ge3A_23 = arith.cmpi sge, %add3A_22, %ge3A : i32
    %convert_element_type3A_24 = arith.extui %ge3A_23 : i1 to i32
    %cond3A_25 = arith.constant 0 : i32
    %cond3A_26 = arith.cmpi ne, %convert_element_type3A_24, %cond3A_25 : i32
    scf.if %cond3A_26 {
      %add3A_34 = arith.constant 1024 : i32
      %add3A_35 = arith.addi %add3A, %add3A_34 : i32
      %mul3A_36 = arith.constant 224 : i32
      %mul3A_37 = arith.muli %add3A_35, %mul3A_36 : i32
      %multiple_of3A_38 = tpu.assume_multiple %mul3A_37, 8 : i32
      %dma_wait3A_39 = arith.constant 0 : i32
      %dma_wait3A_40 = tpu.memref_slice %arg4[%multiple_of3A_38, %dma_wait3A_39] : memref<250000x128xf32, #tpu.memory_space<hbm>> -> memref<224x128xf32, #tpu.memory_space<hbm>>
      %dma_wait3A_41 = arith.constant 0 : i32
      %dma_wait3A_42 = tpu.memref_slice %arg4[%multiple_of3A_38, %dma_wait3A_41] : memref<250000x128xf32, #tpu.memory_space<hbm>> -> memref<224x128xf32, #tpu.memory_space<hbm>>
      tpu.wait_dma2 semaphore(%arg11 : memref<!tpu.dma_semaphore, #tpu.memory_space<semaphore_mem>>) src(%arg7 : memref<224x128xf32, #tpu.memory_space<vmem>>) dst(%dma_wait3A_42 : memref<224x128xf32, #tpu.memory_space<hbm>>)
    } else {
    }
    %add3A_27 = arith.constant 1056 : i32
    %add3A_28 = arith.addi %add3A, %add3A_27 : i32
    %mul3A_29 = arith.constant 224 : i32
    %mul3A_30 = arith.muli %add3A_28, %mul3A_29 : i32
    %multiple_of3A = tpu.assume_multiple %mul3A_30, 8 : i32
    %dma_wait3A = arith.constant 0 : i32
    %dma_wait3A_31 = tpu.memref_slice %arg4[%multiple_of3A, %dma_wait3A] : memref<250000x128xf32, #tpu.memory_space<hbm>> -> memref<224x128xf32, #tpu.memory_space<hbm>>
    %dma_wait3A_32 = arith.constant 0 : i32
    %dma_wait3A_33 = tpu.memref_slice %arg4[%multiple_of3A, %dma_wait3A_32] : memref<250000x128xf32, #tpu.memory_space<hbm>> -> memref<224x128xf32, #tpu.memory_space<hbm>>
    tpu.wait_dma2 semaphore(%arg12 : memref<!tpu.dma_semaphore, #tpu.memory_space<semaphore_mem>>) src(%arg8 : memref<224x128xf32, #tpu.memory_space<vmem>>) dst(%dma_wait3A_33 : memref<224x128xf32, #tpu.memory_space<hbm>>)
    return
  }
}

#map = affine_map<(d0, d1) -> (0, 0)>
#map1 = affine_map<(d0, d1) -> (0, 0, 0, 0, 0)>
module attributes {stable_mosaic.version = 14 : i64} {
  func.func @gather_planes(%arg0: i32, %arg1: i32, %arg2: memref<6400x128xi32, #tpu.memory_space<hbm>>, %arg3: memref<6400x128xi32, #tpu.memory_space<hbm>>, %arg4: memref<250000x128xf32, #tpu.memory_space<hbm>>, %arg5: memref<200x2x32x8x128xf32, #tpu.memory_space<hbm>>, %arg6: memref<200x2x32x8x128xf32, #tpu.memory_space<hbm>>, %arg7: memref<200x128xi32, #tpu.memory_space<vmem>>, %arg8: memref<200x128xi32, #tpu.memory_space<vmem>>, %arg9: memref<128x128xf32, #tpu.memory_space<vmem>>, %arg10: memref<128x128xf32, #tpu.memory_space<vmem>>, %arg11: memref<2x8x128xf32, #tpu.memory_space<vmem>>, %arg12: memref<2x8x128xf32, #tpu.memory_space<vmem>>, %arg13: memref<2x8x128xf32, #tpu.memory_space<vmem>>, %arg14: memref<2x8x128xf32, #tpu.memory_space<vmem>>, %arg15: memref<!tpu.dma_semaphore, #tpu.memory_space<semaphore_mem>>, %arg16: memref<!tpu.dma_semaphore, #tpu.memory_space<semaphore_mem>>, %arg17: memref<!tpu.dma_semaphore, #tpu.memory_space<semaphore_mem>>, %arg18: memref<!tpu.dma_semaphore, #tpu.memory_space<semaphore_mem>>) attributes {dimension_semantics = [#tpu.dimension_semantics<core_parallel>, #tpu.dimension_semantics<subcore_parallel>], iteration_bounds = array<i64: 2, 16>, scalar_prefetch = 0 : i64, scratch_operands = 12 : i64, tpu.core_type = #tpu.core_type<sc_vector_subcore>, window_params = [{transform_indices = #map}, {transform_indices = #map}, {transform_indices = #map}, {transform_indices = #map1}, {transform_indices = #map1}]} {
    %mul3A = arith.constant 2 : i32
    %mul3A_0 = arith.muli %arg1, %mul3A : i32
    %add3A = arith.addi %mul3A_0, %arg0 : i32
    %mul3A_1 = arith.constant 200 : i32
    %mul3A_2 = arith.muli %add3A, %mul3A_1 : i32
    "tpu.region"() ({
      %run_scoped3A = tpu.sem_alloc : memref<!tpu.dma_semaphore, #tpu.memory_space<semaphore_mem>>
      %dma_start3A_81 = arith.constant 0 : i32
      %dma_start3A_82 = tpu.memref_slice %arg2[%mul3A_2, %dma_start3A_81] : memref<6400x128xi32, #tpu.memory_space<hbm>> -> memref<200x128xi32, #tpu.memory_space<hbm>>
      %dma_start3A_83 = arith.constant 0 : i32
      %dma_start3A_84 = tpu.memref_slice %arg2[%mul3A_2, %dma_start3A_83] : memref<6400x128xi32, #tpu.memory_space<hbm>> -> memref<200x128xi32, #tpu.memory_space<hbm>>
      tpu.enqueue_dma source(%dma_start3A_84 : memref<200x128xi32, #tpu.memory_space<hbm>>) target(%arg7 : memref<200x128xi32, #tpu.memory_space<vmem>>) target_semaphore(%run_scoped3A : memref<!tpu.dma_semaphore, #tpu.memory_space<semaphore_mem>>)
      %dma_wait3A_85 = arith.constant 0 : i32
      %dma_wait3A_86 = tpu.memref_slice %arg2[%mul3A_2, %dma_wait3A_85] : memref<6400x128xi32, #tpu.memory_space<hbm>> -> memref<200x128xi32, #tpu.memory_space<hbm>>
      %dma_wait3A_87 = arith.constant 0 : i32
      %dma_wait3A_88 = tpu.memref_slice %arg2[%mul3A_2, %dma_wait3A_87] : memref<6400x128xi32, #tpu.memory_space<hbm>> -> memref<200x128xi32, #tpu.memory_space<hbm>>
      tpu.wait_dma2 semaphore(%run_scoped3A : memref<!tpu.dma_semaphore, #tpu.memory_space<semaphore_mem>>) src(%dma_wait3A_88 : memref<200x128xi32, #tpu.memory_space<hbm>>) dst(%arg7 : memref<200x128xi32, #tpu.memory_space<vmem>>)
      tpu.yield
    }) : () -> ()
    "tpu.region"() ({
      %run_scoped3A = tpu.sem_alloc : memref<!tpu.dma_semaphore, #tpu.memory_space<semaphore_mem>>
      %dma_start3A_81 = arith.constant 0 : i32
      %dma_start3A_82 = tpu.memref_slice %arg3[%mul3A_2, %dma_start3A_81] : memref<6400x128xi32, #tpu.memory_space<hbm>> -> memref<200x128xi32, #tpu.memory_space<hbm>>
      %dma_start3A_83 = arith.constant 0 : i32
      %dma_start3A_84 = tpu.memref_slice %arg3[%mul3A_2, %dma_start3A_83] : memref<6400x128xi32, #tpu.memory_space<hbm>> -> memref<200x128xi32, #tpu.memory_space<hbm>>
      tpu.enqueue_dma source(%dma_start3A_84 : memref<200x128xi32, #tpu.memory_space<hbm>>) target(%arg8 : memref<200x128xi32, #tpu.memory_space<vmem>>) target_semaphore(%run_scoped3A : memref<!tpu.dma_semaphore, #tpu.memory_space<semaphore_mem>>)
      %dma_wait3A_85 = arith.constant 0 : i32
      %dma_wait3A_86 = tpu.memref_slice %arg3[%mul3A_2, %dma_wait3A_85] : memref<6400x128xi32, #tpu.memory_space<hbm>> -> memref<200x128xi32, #tpu.memory_space<hbm>>
      %dma_wait3A_87 = arith.constant 0 : i32
      %dma_wait3A_88 = tpu.memref_slice %arg3[%mul3A_2, %dma_wait3A_87] : memref<6400x128xi32, #tpu.memory_space<hbm>> -> memref<200x128xi32, #tpu.memory_space<hbm>>
      tpu.wait_dma2 semaphore(%run_scoped3A : memref<!tpu.dma_semaphore, #tpu.memory_space<semaphore_mem>>) src(%dma_wait3A_88 : memref<200x128xi32, #tpu.memory_space<hbm>>) dst(%arg8 : memref<200x128xi32, #tpu.memory_space<vmem>>)
      tpu.yield
    }) : () -> ()
    %iota3A = tpu.iota {dimensions = array<i32: 0>} : vector<16xi32>
    %add3A_3 = arith.constant 0 : i32
    %add3A_4 = vector.broadcast %add3A_3 : i32 to vector<16xi32>
    %add3A_5 = arith.addi %add3A_4, %iota3A : vector<16xi32>
    %add3A_6 = arith.constant 16 : i32
    %add3A_7 = vector.broadcast %add3A_6 : i32 to vector<16xi32>
    %add3A_8 = arith.addi %add3A_7, %iota3A : vector<16xi32>
    %add3A_9 = arith.constant 32 : i32
    %add3A_10 = vector.broadcast %add3A_9 : i32 to vector<16xi32>
    %add3A_11 = arith.addi %add3A_10, %iota3A : vector<16xi32>
    %add3A_12 = arith.constant 48 : i32
    %add3A_13 = vector.broadcast %add3A_12 : i32 to vector<16xi32>
    %add3A_14 = arith.addi %add3A_13, %iota3A : vector<16xi32>
    %add3A_15 = arith.constant 64 : i32
    %add3A_16 = vector.broadcast %add3A_15 : i32 to vector<16xi32>
    %add3A_17 = arith.addi %add3A_16, %iota3A : vector<16xi32>
    %add3A_18 = arith.constant 80 : i32
    %add3A_19 = vector.broadcast %add3A_18 : i32 to vector<16xi32>
    %add3A_20 = arith.addi %add3A_19, %iota3A : vector<16xi32>
    %add3A_21 = arith.constant 96 : i32
    %add3A_22 = vector.broadcast %add3A_21 : i32 to vector<16xi32>
    %add3A_23 = arith.addi %add3A_22, %iota3A : vector<16xi32>
    %add3A_24 = arith.constant 112 : i32
    %add3A_25 = vector.broadcast %add3A_24 : i32 to vector<16xi32>
    %add3A_26 = arith.addi %add3A_25, %iota3A : vector<16xi32>
    %dma_start3A = arith.constant 0 : i32
    %dma_start3A_27 = arith.constant 0 : i32
    %dma_start3A_28 = tpu.memref_slice %arg7[%dma_start3A, %dma_start3A_27] : memref<200x128xi32, #tpu.memory_space<vmem>> -> memref<1x128xi32, #tpu.memory_space<vmem>>
    %dma_start3A_29 = tpu.memref_squeeze %dma_start3A_28 : memref<1x128xi32, #tpu.memory_space<vmem>> -> memref<128xi32, #tpu.memory_space<vmem>>
    %dma_start3A_30 = arith.constant 0 : i32
    %dma_start3A_31 = arith.constant 0 : i32
    %dma_start3A_32 = tpu.memref_slice %arg4[%dma_start3A_30, %dma_start3A_31] : memref<250000x128xf32, #tpu.memory_space<hbm>> -> memref<250000x128xf32, #tpu.memory_space<hbm>>
    tpu.enqueue_indirect_dma source(%dma_start3A_32 : memref<250000x128xf32, #tpu.memory_space<hbm>>) target(%arg9 : memref<128x128xf32, #tpu.memory_space<vmem>>) offsets(%dma_start3A_29 : memref<128xi32, #tpu.memory_space<vmem>>) semaphore(%arg15 : memref<!tpu.dma_semaphore, #tpu.memory_space<semaphore_mem>>)
    %scan3A = arith.constant 0 : i32
    %scan3A_33 = arith.constant 0 : i32
    %scan3A_34 = arith.constant 100 : i32
    %scan3A_35 = arith.addi %scan3A_33, %scan3A_34 : i32
    %scan3A_36 = arith.constant 1 : i32
    scf.for %scan3A_81 = %scan3A_33 to %scan3A_35 step %scan3A_36  : i32 {
      %mul3A_82 = arith.constant 2 : i32
      %mul3A_83 = arith.muli %mul3A_82, %scan3A_81 : i32
      %add3A_84 = arith.constant 1 : i32
      %add3A_85 = arith.addi %mul3A_83, %add3A_84 : i32
      %dma_start3A_86 = arith.constant 0 : i32
      %dma_start3A_87 = tpu.memref_slice %arg7[%add3A_85, %dma_start3A_86] : memref<200x128xi32, #tpu.memory_space<vmem>> -> memref<1x128xi32, #tpu.memory_space<vmem>>
      %dma_start3A_88 = tpu.memref_squeeze %dma_start3A_87 : memref<1x128xi32, #tpu.memory_space<vmem>> -> memref<128xi32, #tpu.memory_space<vmem>>
      %dma_start3A_89 = arith.constant 0 : i32
      %dma_start3A_90 = arith.constant 0 : i32
      %dma_start3A_91 = tpu.memref_slice %arg4[%dma_start3A_89, %dma_start3A_90] : memref<250000x128xf32, #tpu.memory_space<hbm>> -> memref<250000x128xf32, #tpu.memory_space<hbm>>
      tpu.enqueue_indirect_dma source(%dma_start3A_91 : memref<250000x128xf32, #tpu.memory_space<hbm>>) target(%arg10 : memref<128x128xf32, #tpu.memory_space<vmem>>) offsets(%dma_start3A_88 : memref<128xi32, #tpu.memory_space<vmem>>) semaphore(%arg16 : memref<!tpu.dma_semaphore, #tpu.memory_space<semaphore_mem>>)
      %dma_wait3A_92 = arith.constant 0 : i32
      %dma_wait3A_93 = tpu.memref_slice %arg7[%mul3A_83, %dma_wait3A_92] : memref<200x128xi32, #tpu.memory_space<vmem>> -> memref<1x128xi32, #tpu.memory_space<vmem>>
      %dma_wait3A_94 = tpu.memref_squeeze %dma_wait3A_93 : memref<1x128xi32, #tpu.memory_space<vmem>> -> memref<128xi32, #tpu.memory_space<vmem>>
      %dma_wait3A_95 = arith.constant 0 : i32
      %dma_wait3A_96 = arith.constant 0 : i32
      %dma_wait3A_97 = tpu.memref_slice %arg4[%dma_wait3A_95, %dma_wait3A_96] : memref<250000x128xf32, #tpu.memory_space<hbm>> -> memref<250000x128xf32, #tpu.memory_space<hbm>>
      tpu.wait_indirect_dma semaphore(%arg15 : memref<!tpu.dma_semaphore, #tpu.memory_space<semaphore_mem>>) src(%dma_wait3A_97 : memref<250000x128xf32, #tpu.memory_space<hbm>>) dst(%arg9 : memref<128x128xf32, #tpu.memory_space<vmem>>)
      %gt3A = arith.constant 0 : i32
      %gt3A_98 = arith.cmpi sgt, %scan3A_81, %gt3A : i32
      %convert_element_type3A = arith.extui %gt3A_98 : i1 to i32
      %cond3A = arith.constant 0 : i32
      %cond3A_99 = arith.cmpi ne, %convert_element_type3A, %cond3A : i32
      scf.if %cond3A_99 {
        %sub3A = arith.constant 2 : i32
        %sub3A_183 = arith.subi %mul3A_83, %sub3A : i32
        %dma_wait3A_184 = arith.constant 0 : i32
        %dma_wait3A_185 = arith.constant 0 : i32
        %dma_wait3A_186 = arith.constant 0 : i32
        %dma_wait3A_187 = tpu.memref_slice %arg5[%sub3A_183, %dma_wait3A_184, %add3A, %dma_wait3A_185, %dma_wait3A_186] : memref<200x2x32x8x128xf32, #tpu.memory_space<hbm>> -> memref<1x2x1x8x128xf32, #tpu.memory_space<hbm>>
        %dma_wait3A_188 = tpu.memref_squeeze %dma_wait3A_187 : memref<1x2x1x8x128xf32, #tpu.memory_space<hbm>> -> memref<2x8x128xf32, #tpu.memory_space<hbm>>
        %dma_wait3A_189 = arith.constant 0 : i32
        %dma_wait3A_190 = arith.constant 0 : i32
        %dma_wait3A_191 = arith.constant 0 : i32
        %dma_wait3A_192 = tpu.memref_slice %arg5[%sub3A_183, %dma_wait3A_189, %add3A, %dma_wait3A_190, %dma_wait3A_191] : memref<200x2x32x8x128xf32, #tpu.memory_space<hbm>> -> memref<1x2x1x8x128xf32, #tpu.memory_space<hbm>>
        %dma_wait3A_193 = tpu.memref_squeeze %dma_wait3A_192 : memref<1x2x1x8x128xf32, #tpu.memory_space<hbm>> -> memref<2x8x128xf32, #tpu.memory_space<hbm>>
        tpu.wait_dma2 semaphore(%arg17 : memref<!tpu.dma_semaphore, #tpu.memory_space<semaphore_mem>>) src(%arg11 : memref<2x8x128xf32, #tpu.memory_space<vmem>>) dst(%dma_wait3A_193 : memref<2x8x128xf32, #tpu.memory_space<hbm>>)
        %dma_wait3A_194 = arith.constant 0 : i32
        %dma_wait3A_195 = arith.constant 0 : i32
        %dma_wait3A_196 = arith.constant 0 : i32
        %dma_wait3A_197 = tpu.memref_slice %arg6[%sub3A_183, %dma_wait3A_194, %add3A, %dma_wait3A_195, %dma_wait3A_196] : memref<200x2x32x8x128xf32, #tpu.memory_space<hbm>> -> memref<1x2x1x8x128xf32, #tpu.memory_space<hbm>>
        %dma_wait3A_198 = tpu.memref_squeeze %dma_wait3A_197 : memref<1x2x1x8x128xf32, #tpu.memory_space<hbm>> -> memref<2x8x128xf32, #tpu.memory_space<hbm>>
        %dma_wait3A_199 = arith.constant 0 : i32
        %dma_wait3A_200 = arith.constant 0 : i32
        %dma_wait3A_201 = arith.constant 0 : i32
        %dma_wait3A_202 = tpu.memref_slice %arg6[%sub3A_183, %dma_wait3A_199, %add3A, %dma_wait3A_200, %dma_wait3A_201] : memref<200x2x32x8x128xf32, #tpu.memory_space<hbm>> -> memref<1x2x1x8x128xf32, #tpu.memory_space<hbm>>
        %dma_wait3A_203 = tpu.memref_squeeze %dma_wait3A_202 : memref<1x2x1x8x128xf32, #tpu.memory_space<hbm>> -> memref<2x8x128xf32, #tpu.memory_space<hbm>>
        tpu.wait_dma2 semaphore(%arg17 : memref<!tpu.dma_semaphore, #tpu.memory_space<semaphore_mem>>) src(%arg12 : memref<2x8x128xf32, #tpu.memory_space<vmem>>) dst(%dma_wait3A_203 : memref<2x8x128xf32, #tpu.memory_space<hbm>>)
      } else {
      }
      %broadcast_in_dim3A = vector.broadcast %mul3A_83 : i32 to vector<16xi32>
      %gather3A = tpu.vector_load_idx %arg8[%broadcast_in_dim3A, %add3A_5] : memref<200x128xi32, #tpu.memory_space<vmem>>[vector<16xi32>, vector<16xi32>], vector<16xi32>,
      %gather3A_100 = tpu.vector_load_idx %arg8[%broadcast_in_dim3A, %add3A_8] : memref<200x128xi32, #tpu.memory_space<vmem>>[vector<16xi32>, vector<16xi32>], vector<16xi32>,
      %gather3A_101 = tpu.vector_load_idx %arg8[%broadcast_in_dim3A, %add3A_11] : memref<200x128xi32, #tpu.memory_space<vmem>>[vector<16xi32>, vector<16xi32>], vector<16xi32>,
      %gather3A_102 = tpu.vector_load_idx %arg8[%broadcast_in_dim3A, %add3A_14] : memref<200x128xi32, #tpu.memory_space<vmem>>[vector<16xi32>, vector<16xi32>], vector<16xi32>,
      %gather3A_103 = tpu.vector_load_idx %arg8[%broadcast_in_dim3A, %add3A_17] : memref<200x128xi32, #tpu.memory_space<vmem>>[vector<16xi32>, vector<16xi32>], vector<16xi32>,
      %gather3A_104 = tpu.vector_load_idx %arg8[%broadcast_in_dim3A, %add3A_20] : memref<200x128xi32, #tpu.memory_space<vmem>>[vector<16xi32>, vector<16xi32>], vector<16xi32>,
      %gather3A_105 = tpu.vector_load_idx %arg8[%broadcast_in_dim3A, %add3A_23] : memref<200x128xi32, #tpu.memory_space<vmem>>[vector<16xi32>, vector<16xi32>], vector<16xi32>,
      %gather3A_106 = tpu.vector_load_idx %arg8[%broadcast_in_dim3A, %add3A_26] : memref<200x128xi32, #tpu.memory_space<vmem>>[vector<16xi32>, vector<16xi32>], vector<16xi32>,
      %scan3A_107 = arith.constant 0 : i32
      %scan3A_108 = arith.constant 0 : i32
      %scan3A_109 = arith.constant 8 : i32
      %scan3A_110 = arith.addi %scan3A_108, %scan3A_109 : i32
      %scan3A_111 = arith.constant 1 : i32
      scf.for %scan3A_183 = %scan3A_108 to %scan3A_110 step %scan3A_111  : i32 {
        %mul3A_184 = arith.constant 2 : i32
        %mul3A_185 = arith.muli %scan3A_183, %mul3A_184 : i32
        %add3A_186 = arith.constant 0 : i32
        %add3A_187 = arith.addi %mul3A_185, %add3A_186 : i32
        %add3A_188 = vector.broadcast %add3A_187 : i32 to vector<16xi32>
        %add3A_189 = arith.addi %iota3A, %add3A_188 : vector<16xi32>
        %jit3A = arith.constant 16 : i32
        %eq3A = arith.constant 0 : i32
        %eq3A_190 = arith.cmpi eq, %jit3A, %eq3A : i32
        %jit3A_191 = arith.constant 1 : i32
        %select_n3A = arith.select %eq3A_190, %jit3A_191, %jit3A : i32
        %rem3A = vector.broadcast %select_n3A : i32 to vector<16xi32>
        %rem3A_192 = arith.remsi %add3A_189, %rem3A : vector<16xi32>
        %ne3A = arith.constant 0 : i32
        %ne3A_193 = vector.broadcast %ne3A : i32 to vector<16xi32>
        %ne3A_194 = arith.cmpi ne, %rem3A_192, %ne3A_193 : vector<16xi32>
        %lt3A_195 = arith.constant 0 : i32
        %lt3A_196 = vector.broadcast %lt3A_195 : i32 to vector<16xi32>
        %lt3A_197 = arith.cmpi slt, %rem3A_192, %lt3A_196 : vector<16xi32>
        %lt3A_198 = arith.constant 0 : i32
        %lt3A_199 = arith.cmpi slt, %select_n3A, %lt3A_198 : i32
        %ne3A_200 = vector.broadcast %lt3A_199 : i1 to vector<16xi1>
        %ne3A_201 = vector.broadcast %ne3A_200 : vector<16xi1> to vector<16xi1>
        %ne3A_202 = arith.xori %lt3A_197, %ne3A_201 : vector<16xi1>
        %and3A = arith.andi %ne3A_202, %ne3A_194 : vector<16xi1>
        %add3A_203 = vector.broadcast %select_n3A : i32 to vector<16xi32>
        %add3A_204 = arith.addi %rem3A_192, %add3A_203 : vector<16xi32>
        %select_n3A_205 = arith.select %and3A, %add3A_204, %rem3A_192 : vector<16xi1>, vector<16xi32>
        %jit3A_206 = arith.constant 8 : i32
        %div3A = vector.broadcast %jit3A_206 : i32 to vector<16xi32>
        %div3A_207 = arith.divsi %select_n3A_205, %div3A : vector<16xi32>
        %sign3A = arith.constant 0 : i32
        %sign3A_208 = vector.broadcast %sign3A : i32 to vector<16xi32>
        %sign3A_209 = arith.cmpi sgt, %select_n3A_205, %sign3A_208 : vector<16xi32>
        %sign3A_210 = arith.extui %sign3A_209 : vector<16xi1> to vector<16xi32>
        %sign3A_211 = arith.constant 0 : i32
        %sign3A_212 = vector.broadcast %sign3A_211 : i32 to vector<16xi32>
        %sign3A_213 = arith.cmpi slt, %select_n3A_205, %sign3A_212 : vector<16xi32>
        %sign3A_214 = arith.extui %sign3A_213 : vector<16xi1> to vector<16xi32>
        %sign3A_215 = arith.subi %sign3A_210, %sign3A_214 : vector<16xi32>
        %sign3A_216 = arith.constant 0 : i32
        %sign3A_217 = arith.cmpi sgt, %jit3A_206, %sign3A_216 : i32
        %sign3A_218 = arith.extui %sign3A_217 : i1 to i32
        %sign3A_219 = arith.constant 0 : i32
        %sign3A_220 = arith.cmpi slt, %jit3A_206, %sign3A_219 : i32
        %sign3A_221 = arith.extui %sign3A_220 : i1 to i32
        %sign3A_222 = arith.subi %sign3A_218, %sign3A_221 : i32
        %ne3A_223 = vector.broadcast %sign3A_222 : i32 to vector<16xi32>
        %ne3A_224 = arith.cmpi ne, %sign3A_215, %ne3A_223 : vector<16xi32>
        %rem3A_225 = vector.broadcast %jit3A_206 : i32 to vector<16xi32>
        %rem3A_226 = arith.remsi %select_n3A_205, %rem3A_225 : vector<16xi32>
        %ne3A_227 = arith.constant 0 : i32
        %ne3A_228 = vector.broadcast %ne3A_227 : i32 to vector<16xi32>
        %ne3A_229 = arith.cmpi ne, %rem3A_226, %ne3A_228 : vector<16xi32>
        %and3A_230 = arith.andi %ne3A_224, %ne3A_229 : vector<16xi1>
        %sub3A = arith.constant 1 : i32
        %sub3A_231 = vector.broadcast %sub3A : i32 to vector<16xi32>
        %sub3A_232 = arith.subi %div3A_207, %sub3A_231 : vector<16xi32>
        %select_n3A_233 = arith.select %and3A_230, %sub3A_232, %div3A_207 : vector<16xi1>, vector<16xi32>
        %jit3A_234 = arith.constant 8 : i32
        %eq3A_235 = arith.constant 0 : i32
        %eq3A_236 = arith.cmpi eq, %jit3A_234, %eq3A_235 : i32
        %jit3A_237 = arith.constant 1 : i32
        %select_n3A_238 = arith.select %eq3A_236, %jit3A_237, %jit3A_234 : i32
        %rem3A_239 = vector.broadcast %select_n3A_238 : i32 to vector<16xi32>
        %rem3A_240 = arith.remsi %select_n3A_205, %rem3A_239 : vector<16xi32>
        %ne3A_241 = arith.constant 0 : i32
        %ne3A_242 = vector.broadcast %ne3A_241 : i32 to vector<16xi32>
        %ne3A_243 = arith.cmpi ne, %rem3A_240, %ne3A_242 : vector<16xi32>
        %lt3A_244 = arith.constant 0 : i32
        %lt3A_245 = vector.broadcast %lt3A_244 : i32 to vector<16xi32>
        %lt3A_246 = arith.cmpi slt, %rem3A_240, %lt3A_245 : vector<16xi32>
        %lt3A_247 = arith.constant 0 : i32
        %lt3A_248 = arith.cmpi slt, %select_n3A_238, %lt3A_247 : i32
        %ne3A_249 = vector.broadcast %lt3A_248 : i1 to vector<16xi1>
        %ne3A_250 = vector.broadcast %ne3A_249 : vector<16xi1> to vector<16xi1>
        %ne3A_251 = arith.xori %lt3A_246, %ne3A_250 : vector<16xi1>
        %and3A_252 = arith.andi %ne3A_251, %ne3A_243 : vector<16xi1>
        %add3A_253 = vector.broadcast %select_n3A_238 : i32 to vector<16xi32>
        %add3A_254 = arith.addi %rem3A_240, %add3A_253 : vector<16xi32>
        %select_n3A_255 = arith.select %and3A_252, %add3A_254, %rem3A_240 : vector<16xi1>, vector<16xi32>
        %add3A_256 = arith.addi %gather3A, %select_n3A_205 : vector<16xi32>
        %gather3A_257 = tpu.vector_load_idx %arg9[%add3A_5, %add3A_256] : memref<128x128xf32, #tpu.memory_space<vmem>>[vector<16xi32>, vector<16xi32>], vector<16xf32>,
        tpu.vector_store_idx %arg11[%select_n3A_233, %select_n3A_255, %add3A_5], %gather3A_257 : memref<2x8x128xf32, #tpu.memory_space<vmem>>[vector<16xi32>, vector<16xi32>, vector<16xi32>], vector<16xf32>,
        %add3A_258 = arith.constant 16 : i32
        %add3A_259 = vector.broadcast %add3A_258 : i32 to vector<16xi32>
        %add3A_260 = arith.addi %add3A_256, %add3A_259 : vector<16xi32>
        %gather3A_261 = tpu.vector_load_idx %arg9[%add3A_5, %add3A_260] : memref<128x128xf32, #tpu.memory_space<vmem>>[vector<16xi32>, vector<16xi32>], vector<16xf32>,
        tpu.vector_store_idx %arg12[%select_n3A_233, %select_n3A_255, %add3A_5], %gather3A_261 : memref<2x8x128xf32, #tpu.memory_space<vmem>>[vector<16xi32>, vector<16xi32>, vector<16xi32>], vector<16xf32>,
        %add3A_262 = arith.addi %gather3A_100, %select_n3A_205 : vector<16xi32>
        %gather3A_263 = tpu.vector_load_idx %arg9[%add3A_8, %add3A_262] : memref<128x128xf32, #tpu.memory_space<vmem>>[vector<16xi32>, vector<16xi32>], vector<16xf32>,
        tpu.vector_store_idx %arg11[%select_n3A_233, %select_n3A_255, %add3A_8], %gather3A_263 : memref<2x8x128xf32, #tpu.memory_space<vmem>>[vector<16xi32>, vector<16xi32>, vector<16xi32>], vector<16xf32>,
        %add3A_264 = arith.constant 16 : i32
        %add3A_265 = vector.broadcast %add3A_264 : i32 to vector<16xi32>
        %add3A_266 = arith.addi %add3A_262, %add3A_265 : vector<16xi32>
        %gather3A_267 = tpu.vector_load_idx %arg9[%add3A_8, %add3A_266] : memref<128x128xf32, #tpu.memory_space<vmem>>[vector<16xi32>, vector<16xi32>], vector<16xf32>,
        tpu.vector_store_idx %arg12[%select_n3A_233, %select_n3A_255, %add3A_8], %gather3A_267 : memref<2x8x128xf32, #tpu.memory_space<vmem>>[vector<16xi32>, vector<16xi32>, vector<16xi32>], vector<16xf32>,
        %add3A_268 = arith.addi %gather3A_101, %select_n3A_205 : vector<16xi32>
        %gather3A_269 = tpu.vector_load_idx %arg9[%add3A_11, %add3A_268] : memref<128x128xf32, #tpu.memory_space<vmem>>[vector<16xi32>, vector<16xi32>], vector<16xf32>,
        tpu.vector_store_idx %arg11[%select_n3A_233, %select_n3A_255, %add3A_11], %gather3A_269 : memref<2x8x128xf32, #tpu.memory_space<vmem>>[vector<16xi32>, vector<16xi32>, vector<16xi32>], vector<16xf32>,
        %add3A_270 = arith.constant 16 : i32
        %add3A_271 = vector.broadcast %add3A_270 : i32 to vector<16xi32>
        %add3A_272 = arith.addi %add3A_268, %add3A_271 : vector<16xi32>
        %gather3A_273 = tpu.vector_load_idx %arg9[%add3A_11, %add3A_272] : memref<128x128xf32, #tpu.memory_space<vmem>>[vector<16xi32>, vector<16xi32>], vector<16xf32>,
        tpu.vector_store_idx %arg12[%select_n3A_233, %select_n3A_255, %add3A_11], %gather3A_273 : memref<2x8x128xf32, #tpu.memory_space<vmem>>[vector<16xi32>, vector<16xi32>, vector<16xi32>], vector<16xf32>,
        %add3A_274 = arith.addi %gather3A_102, %select_n3A_205 : vector<16xi32>
        %gather3A_275 = tpu.vector_load_idx %arg9[%add3A_14, %add3A_274] : memref<128x128xf32, #tpu.memory_space<vmem>>[vector<16xi32>, vector<16xi32>], vector<16xf32>,
        tpu.vector_store_idx %arg11[%select_n3A_233, %select_n3A_255, %add3A_14], %gather3A_275 : memref<2x8x128xf32, #tpu.memory_space<vmem>>[vector<16xi32>, vector<16xi32>, vector<16xi32>], vector<16xf32>,
        %add3A_276 = arith.constant 16 : i32
        %add3A_277 = vector.broadcast %add3A_276 : i32 to vector<16xi32>
        %add3A_278 = arith.addi %add3A_274, %add3A_277 : vector<16xi32>
        %gather3A_279 = tpu.vector_load_idx %arg9[%add3A_14, %add3A_278] : memref<128x128xf32, #tpu.memory_space<vmem>>[vector<16xi32>, vector<16xi32>], vector<16xf32>,
        tpu.vector_store_idx %arg12[%select_n3A_233, %select_n3A_255, %add3A_14], %gather3A_279 : memref<2x8x128xf32, #tpu.memory_space<vmem>>[vector<16xi32>, vector<16xi32>, vector<16xi32>], vector<16xf32>,
        %add3A_280 = arith.addi %gather3A_103, %select_n3A_205 : vector<16xi32>
        %gather3A_281 = tpu.vector_load_idx %arg9[%add3A_17, %add3A_280] : memref<128x128xf32, #tpu.memory_space<vmem>>[vector<16xi32>, vector<16xi32>], vector<16xf32>,
        tpu.vector_store_idx %arg11[%select_n3A_233, %select_n3A_255, %add3A_17], %gather3A_281 : memref<2x8x128xf32, #tpu.memory_space<vmem>>[vector<16xi32>, vector<16xi32>, vector<16xi32>], vector<16xf32>,
        %add3A_282 = arith.constant 16 : i32
        %add3A_283 = vector.broadcast %add3A_282 : i32 to vector<16xi32>
        %add3A_284 = arith.addi %add3A_280, %add3A_283 : vector<16xi32>
        %gather3A_285 = tpu.vector_load_idx %arg9[%add3A_17, %add3A_284] : memref<128x128xf32, #tpu.memory_space<vmem>>[vector<16xi32>, vector<16xi32>], vector<16xf32>,
        tpu.vector_store_idx %arg12[%select_n3A_233, %select_n3A_255, %add3A_17], %gather3A_285 : memref<2x8x128xf32, #tpu.memory_space<vmem>>[vector<16xi32>, vector<16xi32>, vector<16xi32>], vector<16xf32>,
        %add3A_286 = arith.addi %gather3A_104, %select_n3A_205 : vector<16xi32>
        %gather3A_287 = tpu.vector_load_idx %arg9[%add3A_20, %add3A_286] : memref<128x128xf32, #tpu.memory_space<vmem>>[vector<16xi32>, vector<16xi32>], vector<16xf32>,
        tpu.vector_store_idx %arg11[%select_n3A_233, %select_n3A_255, %add3A_20], %gather3A_287 : memref<2x8x128xf32, #tpu.memory_space<vmem>>[vector<16xi32>, vector<16xi32>, vector<16xi32>], vector<16xf32>,
        %add3A_288 = arith.constant 16 : i32
        %add3A_289 = vector.broadcast %add3A_288 : i32 to vector<16xi32>
        %add3A_290 = arith.addi %add3A_286, %add3A_289 : vector<16xi32>
        %gather3A_291 = tpu.vector_load_idx %arg9[%add3A_20, %add3A_290] : memref<128x128xf32, #tpu.memory_space<vmem>>[vector<16xi32>, vector<16xi32>], vector<16xf32>,
        tpu.vector_store_idx %arg12[%select_n3A_233, %select_n3A_255, %add3A_20], %gather3A_291 : memref<2x8x128xf32, #tpu.memory_space<vmem>>[vector<16xi32>, vector<16xi32>, vector<16xi32>], vector<16xf32>,
        %add3A_292 = arith.addi %gather3A_105, %select_n3A_205 : vector<16xi32>
        %gather3A_293 = tpu.vector_load_idx %arg9[%add3A_23, %add3A_292] : memref<128x128xf32, #tpu.memory_space<vmem>>[vector<16xi32>, vector<16xi32>], vector<16xf32>,
        tpu.vector_store_idx %arg11[%select_n3A_233, %select_n3A_255, %add3A_23], %gather3A_293 : memref<2x8x128xf32, #tpu.memory_space<vmem>>[vector<16xi32>, vector<16xi32>, vector<16xi32>], vector<16xf32>,
        %add3A_294 = arith.constant 16 : i32
        %add3A_295 = vector.broadcast %add3A_294 : i32 to vector<16xi32>
        %add3A_296 = arith.addi %add3A_292, %add3A_295 : vector<16xi32>
        %gather3A_297 = tpu.vector_load_idx %arg9[%add3A_23, %add3A_296] : memref<128x128xf32, #tpu.memory_space<vmem>>[vector<16xi32>, vector<16xi32>], vector<16xf32>,
        tpu.vector_store_idx %arg12[%select_n3A_233, %select_n3A_255, %add3A_23], %gather3A_297 : memref<2x8x128xf32, #tpu.memory_space<vmem>>[vector<16xi32>, vector<16xi32>, vector<16xi32>], vector<16xf32>,
        %add3A_298 = arith.addi %gather3A_106, %select_n3A_205 : vector<16xi32>
        %gather3A_299 = tpu.vector_load_idx %arg9[%add3A_26, %add3A_298] : memref<128x128xf32, #tpu.memory_space<vmem>>[vector<16xi32>, vector<16xi32>], vector<16xf32>,
        tpu.vector_store_idx %arg11[%select_n3A_233, %select_n3A_255, %add3A_26], %gather3A_299 : memref<2x8x128xf32, #tpu.memory_space<vmem>>[vector<16xi32>, vector<16xi32>, vector<16xi32>], vector<16xf32>,
        %add3A_300 = arith.constant 16 : i32
        %add3A_301 = vector.broadcast %add3A_300 : i32 to vector<16xi32>
        %add3A_302 = arith.addi %add3A_298, %add3A_301 : vector<16xi32>
        %gather3A_303 = tpu.vector_load_idx %arg9[%add3A_26, %add3A_302] : memref<128x128xf32, #tpu.memory_space<vmem>>[vector<16xi32>, vector<16xi32>], vector<16xf32>,
        tpu.vector_store_idx %arg12[%select_n3A_233, %select_n3A_255, %add3A_26], %gather3A_303 : memref<2x8x128xf32, #tpu.memory_space<vmem>>[vector<16xi32>, vector<16xi32>, vector<16xi32>], vector<16xf32>,
        %mul3A_304 = arith.constant 2 : i32
        %mul3A_305 = arith.muli %scan3A_183, %mul3A_304 : i32
        %add3A_306 = arith.constant 1 : i32
        %add3A_307 = arith.addi %mul3A_305, %add3A_306 : i32
        %add3A_308 = vector.broadcast %add3A_307 : i32 to vector<16xi32>
        %add3A_309 = arith.addi %iota3A, %add3A_308 : vector<16xi32>
        %jit3A_310 = arith.constant 16 : i32
        %eq3A_311 = arith.constant 0 : i32
        %eq3A_312 = arith.cmpi eq, %jit3A_310, %eq3A_311 : i32
        %jit3A_313 = arith.constant 1 : i32
        %select_n3A_314 = arith.select %eq3A_312, %jit3A_313, %jit3A_310 : i32
        %rem3A_315 = vector.broadcast %select_n3A_314 : i32 to vector<16xi32>
        %rem3A_316 = arith.remsi %add3A_309, %rem3A_315 : vector<16xi32>
        %ne3A_317 = arith.constant 0 : i32
        %ne3A_318 = vector.broadcast %ne3A_317 : i32 to vector<16xi32>
        %ne3A_319 = arith.cmpi ne, %rem3A_316, %ne3A_318 : vector<16xi32>
        %lt3A_320 = arith.constant 0 : i32
        %lt3A_321 = vector.broadcast %lt3A_320 : i32 to vector<16xi32>
        %lt3A_322 = arith.cmpi slt, %rem3A_316, %lt3A_321 : vector<16xi32>
        %lt3A_323 = arith.constant 0 : i32
        %lt3A_324 = arith.cmpi slt, %select_n3A_314, %lt3A_323 : i32
        %ne3A_325 = vector.broadcast %lt3A_324 : i1 to vector<16xi1>
        %ne3A_326 = vector.broadcast %ne3A_325 : vector<16xi1> to vector<16xi1>
        %ne3A_327 = arith.xori %lt3A_322, %ne3A_326 : vector<16xi1>
        %and3A_328 = arith.andi %ne3A_327, %ne3A_319 : vector<16xi1>
        %add3A_329 = vector.broadcast %select_n3A_314 : i32 to vector<16xi32>
        %add3A_330 = arith.addi %rem3A_316, %add3A_329 : vector<16xi32>
        %select_n3A_331 = arith.select %and3A_328, %add3A_330, %rem3A_316 : vector<16xi1>, vector<16xi32>
        %jit3A_332 = arith.constant 8 : i32
        %div3A_333 = vector.broadcast %jit3A_332 : i32 to vector<16xi32>
        %div3A_334 = arith.divsi %select_n3A_331, %div3A_333 : vector<16xi32>
        %sign3A_335 = arith.constant 0 : i32
        %sign3A_336 = vector.broadcast %sign3A_335 : i32 to vector<16xi32>
        %sign3A_337 = arith.cmpi sgt, %select_n3A_331, %sign3A_336 : vector<16xi32>
        %sign3A_338 = arith.extui %sign3A_337 : vector<16xi1> to vector<16xi32>
        %sign3A_339 = arith.constant 0 : i32
        %sign3A_340 = vector.broadcast %sign3A_339 : i32 to vector<16xi32>
        %sign3A_341 = arith.cmpi slt, %select_n3A_331, %sign3A_340 : vector<16xi32>
        %sign3A_342 = arith.extui %sign3A_341 : vector<16xi1> to vector<16xi32>
        %sign3A_343 = arith.subi %sign3A_338, %sign3A_342 : vector<16xi32>
        %sign3A_344 = arith.constant 0 : i32
        %sign3A_345 = arith.cmpi sgt, %jit3A_332, %sign3A_344 : i32
        %sign3A_346 = arith.extui %sign3A_345 : i1 to i32
        %sign3A_347 = arith.constant 0 : i32
        %sign3A_348 = arith.cmpi slt, %jit3A_332, %sign3A_347 : i32
        %sign3A_349 = arith.extui %sign3A_348 : i1 to i32
        %sign3A_350 = arith.subi %sign3A_346, %sign3A_349 : i32
        %ne3A_351 = vector.broadcast %sign3A_350 : i32 to vector<16xi32>
        %ne3A_352 = arith.cmpi ne, %sign3A_343, %ne3A_351 : vector<16xi32>
        %rem3A_353 = vector.broadcast %jit3A_332 : i32 to vector<16xi32>
        %rem3A_354 = arith.remsi %select_n3A_331, %rem3A_353 : vector<16xi32>
        %ne3A_355 = arith.constant 0 : i32
        %ne3A_356 = vector.broadcast %ne3A_355 : i32 to vector<16xi32>
        %ne3A_357 = arith.cmpi ne, %rem3A_354, %ne3A_356 : vector<16xi32>
        %and3A_358 = arith.andi %ne3A_352, %ne3A_357 : vector<16xi1>
        %sub3A_359 = arith.constant 1 : i32
        %sub3A_360 = vector.broadcast %sub3A_359 : i32 to vector<16xi32>
        %sub3A_361 = arith.subi %div3A_334, %sub3A_360 : vector<16xi32>
        %select_n3A_362 = arith.select %and3A_358, %sub3A_361, %div3A_334 : vector<16xi1>, vector<16xi32>
        %jit3A_363 = arith.constant 8 : i32
        %eq3A_364 = arith.constant 0 : i32
        %eq3A_365 = arith.cmpi eq, %jit3A_363, %eq3A_364 : i32
        %jit3A_366 = arith.constant 1 : i32
        %select_n3A_367 = arith.select %eq3A_365, %jit3A_366, %jit3A_363 : i32
        %rem3A_368 = vector.broadcast %select_n3A_367 : i32 to vector<16xi32>
        %rem3A_369 = arith.remsi %select_n3A_331, %rem3A_368 : vector<16xi32>
        %ne3A_370 = arith.constant 0 : i32
        %ne3A_371 = vector.broadcast %ne3A_370 : i32 to vector<16xi32>
        %ne3A_372 = arith.cmpi ne, %rem3A_369, %ne3A_371 : vector<16xi32>
        %lt3A_373 = arith.constant 0 : i32
        %lt3A_374 = vector.broadcast %lt3A_373 : i32 to vector<16xi32>
        %lt3A_375 = arith.cmpi slt, %rem3A_369, %lt3A_374 : vector<16xi32>
        %lt3A_376 = arith.constant 0 : i32
        %lt3A_377 = arith.cmpi slt, %select_n3A_367, %lt3A_376 : i32
        %ne3A_378 = vector.broadcast %lt3A_377 : i1 to vector<16xi1>
        %ne3A_379 = vector.broadcast %ne3A_378 : vector<16xi1> to vector<16xi1>
        %ne3A_380 = arith.xori %lt3A_375, %ne3A_379 : vector<16xi1>
        %and3A_381 = arith.andi %ne3A_380, %ne3A_372 : vector<16xi1>
        %add3A_382 = vector.broadcast %select_n3A_367 : i32 to vector<16xi32>
        %add3A_383 = arith.addi %rem3A_369, %add3A_382 : vector<16xi32>
        %select_n3A_384 = arith.select %and3A_381, %add3A_383, %rem3A_369 : vector<16xi1>, vector<16xi32>
        %add3A_385 = arith.addi %gather3A, %select_n3A_331 : vector<16xi32>
        %gather3A_386 = tpu.vector_load_idx %arg9[%add3A_5, %add3A_385] : memref<128x128xf32, #tpu.memory_space<vmem>>[vector<16xi32>, vector<16xi32>], vector<16xf32>,
        tpu.vector_store_idx %arg11[%select_n3A_362, %select_n3A_384, %add3A_5], %gather3A_386 : memref<2x8x128xf32, #tpu.memory_space<vmem>>[vector<16xi32>, vector<16xi32>, vector<16xi32>], vector<16xf32>,
        %add3A_387 = arith.constant 16 : i32
        %add3A_388 = vector.broadcast %add3A_387 : i32 to vector<16xi32>
        %add3A_389 = arith.addi %add3A_385, %add3A_388 : vector<16xi32>
        %gather3A_390 = tpu.vector_load_idx %arg9[%add3A_5, %add3A_389] : memref<128x128xf32, #tpu.memory_space<vmem>>[vector<16xi32>, vector<16xi32>], vector<16xf32>,
        tpu.vector_store_idx %arg12[%select_n3A_362, %select_n3A_384, %add3A_5], %gather3A_390 : memref<2x8x128xf32, #tpu.memory_space<vmem>>[vector<16xi32>, vector<16xi32>, vector<16xi32>], vector<16xf32>,
        %add3A_391 = arith.addi %gather3A_100, %select_n3A_331 : vector<16xi32>
        %gather3A_392 = tpu.vector_load_idx %arg9[%add3A_8, %add3A_391] : memref<128x128xf32, #tpu.memory_space<vmem>>[vector<16xi32>, vector<16xi32>], vector<16xf32>,
        tpu.vector_store_idx %arg11[%select_n3A_362, %select_n3A_384, %add3A_8], %gather3A_392 : memref<2x8x128xf32, #tpu.memory_space<vmem>>[vector<16xi32>, vector<16xi32>, vector<16xi32>], vector<16xf32>,
        %add3A_393 = arith.constant 16 : i32
        %add3A_394 = vector.broadcast %add3A_393 : i32 to vector<16xi32>
        %add3A_395 = arith.addi %add3A_391, %add3A_394 : vector<16xi32>
        %gather3A_396 = tpu.vector_load_idx %arg9[%add3A_8, %add3A_395] : memref<128x128xf32, #tpu.memory_space<vmem>>[vector<16xi32>, vector<16xi32>], vector<16xf32>,
        tpu.vector_store_idx %arg12[%select_n3A_362, %select_n3A_384, %add3A_8], %gather3A_396 : memref<2x8x128xf32, #tpu.memory_space<vmem>>[vector<16xi32>, vector<16xi32>, vector<16xi32>], vector<16xf32>,
        %add3A_397 = arith.addi %gather3A_101, %select_n3A_331 : vector<16xi32>
        %gather3A_398 = tpu.vector_load_idx %arg9[%add3A_11, %add3A_397] : memref<128x128xf32, #tpu.memory_space<vmem>>[vector<16xi32>, vector<16xi32>], vector<16xf32>,
        tpu.vector_store_idx %arg11[%select_n3A_362, %select_n3A_384, %add3A_11], %gather3A_398 : memref<2x8x128xf32, #tpu.memory_space<vmem>>[vector<16xi32>, vector<16xi32>, vector<16xi32>], vector<16xf32>,
        %add3A_399 = arith.constant 16 : i32
        %add3A_400 = vector.broadcast %add3A_399 : i32 to vector<16xi32>
        %add3A_401 = arith.addi %add3A_397, %add3A_400 : vector<16xi32>
        %gather3A_402 = tpu.vector_load_idx %arg9[%add3A_11, %add3A_401] : memref<128x128xf32, #tpu.memory_space<vmem>>[vector<16xi32>, vector<16xi32>], vector<16xf32>,
        tpu.vector_store_idx %arg12[%select_n3A_362, %select_n3A_384, %add3A_11], %gather3A_402 : memref<2x8x128xf32, #tpu.memory_space<vmem>>[vector<16xi32>, vector<16xi32>, vector<16xi32>], vector<16xf32>,
        %add3A_403 = arith.addi %gather3A_102, %select_n3A_331 : vector<16xi32>
        %gather3A_404 = tpu.vector_load_idx %arg9[%add3A_14, %add3A_403] : memref<128x128xf32, #tpu.memory_space<vmem>>[vector<16xi32>, vector<16xi32>], vector<16xf32>,
        tpu.vector_store_idx %arg11[%select_n3A_362, %select_n3A_384, %add3A_14], %gather3A_404 : memref<2x8x128xf32, #tpu.memory_space<vmem>>[vector<16xi32>, vector<16xi32>, vector<16xi32>], vector<16xf32>,
        %add3A_405 = arith.constant 16 : i32
        %add3A_406 = vector.broadcast %add3A_405 : i32 to vector<16xi32>
        %add3A_407 = arith.addi %add3A_403, %add3A_406 : vector<16xi32>
        %gather3A_408 = tpu.vector_load_idx %arg9[%add3A_14, %add3A_407] : memref<128x128xf32, #tpu.memory_space<vmem>>[vector<16xi32>, vector<16xi32>], vector<16xf32>,
        tpu.vector_store_idx %arg12[%select_n3A_362, %select_n3A_384, %add3A_14], %gather3A_408 : memref<2x8x128xf32, #tpu.memory_space<vmem>>[vector<16xi32>, vector<16xi32>, vector<16xi32>], vector<16xf32>,
        %add3A_409 = arith.addi %gather3A_103, %select_n3A_331 : vector<16xi32>
        %gather3A_410 = tpu.vector_load_idx %arg9[%add3A_17, %add3A_409] : memref<128x128xf32, #tpu.memory_space<vmem>>[vector<16xi32>, vector<16xi32>], vector<16xf32>,
        tpu.vector_store_idx %arg11[%select_n3A_362, %select_n3A_384, %add3A_17], %gather3A_410 : memref<2x8x128xf32, #tpu.memory_space<vmem>>[vector<16xi32>, vector<16xi32>, vector<16xi32>], vector<16xf32>,
        %add3A_411 = arith.constant 16 : i32
        %add3A_412 = vector.broadcast %add3A_411 : i32 to vector<16xi32>
        %add3A_413 = arith.addi %add3A_409, %add3A_412 : vector<16xi32>
        %gather3A_414 = tpu.vector_load_idx %arg9[%add3A_17, %add3A_413] : memref<128x128xf32, #tpu.memory_space<vmem>>[vector<16xi32>, vector<16xi32>], vector<16xf32>,
        tpu.vector_store_idx %arg12[%select_n3A_362, %select_n3A_384, %add3A_17], %gather3A_414 : memref<2x8x128xf32, #tpu.memory_space<vmem>>[vector<16xi32>, vector<16xi32>, vector<16xi32>], vector<16xf32>,
        %add3A_415 = arith.addi %gather3A_104, %select_n3A_331 : vector<16xi32>
        %gather3A_416 = tpu.vector_load_idx %arg9[%add3A_20, %add3A_415] : memref<128x128xf32, #tpu.memory_space<vmem>>[vector<16xi32>, vector<16xi32>], vector<16xf32>,
        tpu.vector_store_idx %arg11[%select_n3A_362, %select_n3A_384, %add3A_20], %gather3A_416 : memref<2x8x128xf32, #tpu.memory_space<vmem>>[vector<16xi32>, vector<16xi32>, vector<16xi32>], vector<16xf32>,
        %add3A_417 = arith.constant 16 : i32
        %add3A_418 = vector.broadcast %add3A_417 : i32 to vector<16xi32>
        %add3A_419 = arith.addi %add3A_415, %add3A_418 : vector<16xi32>
        %gather3A_420 = tpu.vector_load_idx %arg9[%add3A_20, %add3A_419] : memref<128x128xf32, #tpu.memory_space<vmem>>[vector<16xi32>, vector<16xi32>], vector<16xf32>,
        tpu.vector_store_idx %arg12[%select_n3A_362, %select_n3A_384, %add3A_20], %gather3A_420 : memref<2x8x128xf32, #tpu.memory_space<vmem>>[vector<16xi32>, vector<16xi32>, vector<16xi32>], vector<16xf32>,
        %add3A_421 = arith.addi %gather3A_105, %select_n3A_331 : vector<16xi32>
        %gather3A_422 = tpu.vector_load_idx %arg9[%add3A_23, %add3A_421] : memref<128x128xf32, #tpu.memory_space<vmem>>[vector<16xi32>, vector<16xi32>], vector<16xf32>,
        tpu.vector_store_idx %arg11[%select_n3A_362, %select_n3A_384, %add3A_23], %gather3A_422 : memref<2x8x128xf32, #tpu.memory_space<vmem>>[vector<16xi32>, vector<16xi32>, vector<16xi32>], vector<16xf32>,
        %add3A_423 = arith.constant 16 : i32
        %add3A_424 = vector.broadcast %add3A_423 : i32 to vector<16xi32>
        %add3A_425 = arith.addi %add3A_421, %add3A_424 : vector<16xi32>
        %gather3A_426 = tpu.vector_load_idx %arg9[%add3A_23, %add3A_425] : memref<128x128xf32, #tpu.memory_space<vmem>>[vector<16xi32>, vector<16xi32>], vector<16xf32>,
        tpu.vector_store_idx %arg12[%select_n3A_362, %select_n3A_384, %add3A_23], %gather3A_426 : memref<2x8x128xf32, #tpu.memory_space<vmem>>[vector<16xi32>, vector<16xi32>, vector<16xi32>], vector<16xf32>,
        %add3A_427 = arith.addi %gather3A_106, %select_n3A_331 : vector<16xi32>
        %gather3A_428 = tpu.vector_load_idx %arg9[%add3A_26, %add3A_427] : memref<128x128xf32, #tpu.memory_space<vmem>>[vector<16xi32>, vector<16xi32>], vector<16xf32>,
        tpu.vector_store_idx %arg11[%select_n3A_362, %select_n3A_384, %add3A_26], %gather3A_428 : memref<2x8x128xf32, #tpu.memory_space<vmem>>[vector<16xi32>, vector<16xi32>, vector<16xi32>], vector<16xf32>,
        %add3A_429 = arith.constant 16 : i32
        %add3A_430 = vector.broadcast %add3A_429 : i32 to vector<16xi32>
        %add3A_431 = arith.addi %add3A_427, %add3A_430 : vector<16xi32>
        %gather3A_432 = tpu.vector_load_idx %arg9[%add3A_26, %add3A_431] : memref<128x128xf32, #tpu.memory_space<vmem>>[vector<16xi32>, vector<16xi32>], vector<16xf32>,
        tpu.vector_store_idx %arg12[%select_n3A_362, %select_n3A_384, %add3A_26], %gather3A_432 : memref<2x8x128xf32, #tpu.memory_space<vmem>>[vector<16xi32>, vector<16xi32>, vector<16xi32>], vector<16xf32>,
      }
      %scan3A_112 = arith.constant 8 : i32
      %dma_start3A_113 = arith.constant 0 : i32
      %dma_start3A_114 = arith.constant 0 : i32
      %dma_start3A_115 = arith.constant 0 : i32
      %dma_start3A_116 = tpu.memref_slice %arg5[%mul3A_83, %dma_start3A_113, %add3A, %dma_start3A_114, %dma_start3A_115] : memref<200x2x32x8x128xf32, #tpu.memory_space<hbm>> -> memref<1x2x1x8x128xf32, #tpu.memory_space<hbm>>
      %dma_start3A_117 = tpu.memref_squeeze %dma_start3A_116 : memref<1x2x1x8x128xf32, #tpu.memory_space<hbm>> -> memref<2x8x128xf32, #tpu.memory_space<hbm>>
      %dma_start3A_118 = arith.constant 0 : i32
      %dma_start3A_119 = arith.constant 0 : i32
      %dma_start3A_120 = arith.constant 0 : i32
      %dma_start3A_121 = tpu.memref_slice %arg5[%mul3A_83, %dma_start3A_118, %add3A, %dma_start3A_119, %dma_start3A_120] : memref<200x2x32x8x128xf32, #tpu.memory_space<hbm>> -> memref<1x2x1x8x128xf32, #tpu.memory_space<hbm>>
      %dma_start3A_122 = tpu.memref_squeeze %dma_start3A_121 : memref<1x2x1x8x128xf32, #tpu.memory_space<hbm>> -> memref<2x8x128xf32, #tpu.memory_space<hbm>>
      tpu.enqueue_dma source(%arg11 : memref<2x8x128xf32, #tpu.memory_space<vmem>>) target(%dma_start3A_122 : memref<2x8x128xf32, #tpu.memory_space<hbm>>) target_semaphore(%arg17 : memref<!tpu.dma_semaphore, #tpu.memory_space<semaphore_mem>>)
      %dma_start3A_123 = arith.constant 0 : i32
      %dma_start3A_124 = arith.constant 0 : i32
      %dma_start3A_125 = arith.constant 0 : i32
      %dma_start3A_126 = tpu.memref_slice %arg6[%mul3A_83, %dma_start3A_123, %add3A, %dma_start3A_124, %dma_start3A_125] : memref<200x2x32x8x128xf32, #tpu.memory_space<hbm>> -> memref<1x2x1x8x128xf32, #tpu.memory_space<hbm>>
      %dma_start3A_127 = tpu.memref_squeeze %dma_start3A_126 : memref<1x2x1x8x128xf32, #tpu.memory_space<hbm>> -> memref<2x8x128xf32, #tpu.memory_space<hbm>>
      %dma_start3A_128 = arith.constant 0 : i32
      %dma_start3A_129 = arith.constant 0 : i32
      %dma_start3A_130 = arith.constant 0 : i32
      %dma_start3A_131 = tpu.memref_slice %arg6[%mul3A_83, %dma_start3A_128, %add3A, %dma_start3A_129, %dma_start3A_130] : memref<200x2x32x8x128xf32, #tpu.memory_space<hbm>> -> memref<1x2x1x8x128xf32, #tpu.memory_space<hbm>>
      %dma_start3A_132 = tpu.memref_squeeze %dma_start3A_131 : memref<1x2x1x8x128xf32, #tpu.memory_space<hbm>> -> memref<2x8x128xf32, #tpu.memory_space<hbm>>
      tpu.enqueue_dma source(%arg12 : memref<2x8x128xf32, #tpu.memory_space<vmem>>) target(%dma_start3A_132 : memref<2x8x128xf32, #tpu.memory_space<hbm>>) target_semaphore(%arg17 : memref<!tpu.dma_semaphore, #tpu.memory_space<semaphore_mem>>)
      %lt3A = arith.constant 99 : i32
      %lt3A_133 = arith.cmpi slt, %scan3A_81, %lt3A : i32
      %convert_element_type3A_134 = arith.extui %lt3A_133 : i1 to i32
      %cond3A_135 = arith.constant 0 : i32
      %cond3A_136 = arith.cmpi ne, %convert_element_type3A_134, %cond3A_135 : i32
      scf.if %cond3A_136 {
        %add3A_183 = arith.constant 2 : i32
        %add3A_184 = arith.addi %mul3A_83, %add3A_183 : i32
        %dma_start3A_185 = arith.constant 0 : i32
        %dma_start3A_186 = tpu.memref_slice %arg7[%add3A_184, %dma_start3A_185] : memref<200x128xi32, #tpu.memory_space<vmem>> -> memref<1x128xi32, #tpu.memory_space<vmem>>
        %dma_start3A_187 = tpu.memref_squeeze %dma_start3A_186 : memref<1x128xi32, #tpu.memory_space<vmem>> -> memref<128xi32, #tpu.memory_space<vmem>>
        %dma_start3A_188 = arith.constant 0 : i32
        %dma_start3A_189 = arith.constant 0 : i32
        %dma_start3A_190 = tpu.memref_slice %arg4[%dma_start3A_188, %dma_start3A_189] : memref<250000x128xf32, #tpu.memory_space<hbm>> -> memref<250000x128xf32, #tpu.memory_space<hbm>>
        tpu.enqueue_indirect_dma source(%dma_start3A_190 : memref<250000x128xf32, #tpu.memory_space<hbm>>) target(%arg9 : memref<128x128xf32, #tpu.memory_space<vmem>>) offsets(%dma_start3A_187 : memref<128xi32, #tpu.memory_space<vmem>>) semaphore(%arg15 : memref<!tpu.dma_semaphore, #tpu.memory_space<semaphore_mem>>)
      } else {
      }
      %dma_wait3A_137 = arith.constant 0 : i32
      %dma_wait3A_138 = tpu.memref_slice %arg7[%add3A_85, %dma_wait3A_137] : memref<200x128xi32, #tpu.memory_space<vmem>> -> memref<1x128xi32, #tpu.memory_space<vmem>>
      %dma_wait3A_139 = tpu.memref_squeeze %dma_wait3A_138 : memref<1x128xi32, #tpu.memory_space<vmem>> -> memref<128xi32, #tpu.memory_space<vmem>>
      %dma_wait3A_140 = arith.constant 0 : i32
      %dma_wait3A_141 = arith.constant 0 : i32
      %dma_wait3A_142 = tpu.memref_slice %arg4[%dma_wait3A_140, %dma_wait3A_141] : memref<250000x128xf32, #tpu.memory_space<hbm>> -> memref<250000x128xf32, #tpu.memory_space<hbm>>
      tpu.wait_indirect_dma semaphore(%arg16 : memref<!tpu.dma_semaphore, #tpu.memory_space<semaphore_mem>>) src(%dma_wait3A_142 : memref<250000x128xf32, #tpu.memory_space<hbm>>) dst(%arg10 : memref<128x128xf32, #tpu.memory_space<vmem>>)
      %gt3A_143 = arith.constant 0 : i32
      %gt3A_144 = arith.cmpi sgt, %scan3A_81, %gt3A_143 : i32
      %convert_element_type3A_145 = arith.extui %gt3A_144 : i1 to i32
      %cond3A_146 = arith.constant 0 : i32
      %cond3A_147 = arith.cmpi ne, %convert_element_type3A_145, %cond3A_146 : i32
      scf.if %cond3A_147 {
        %sub3A = arith.constant 2 : i32
        %sub3A_183 = arith.subi %add3A_85, %sub3A : i32
        %dma_wait3A_184 = arith.constant 0 : i32
        %dma_wait3A_185 = arith.constant 0 : i32
        %dma_wait3A_186 = arith.constant 0 : i32
        %dma_wait3A_187 = tpu.memref_slice %arg5[%sub3A_183, %dma_wait3A_184, %add3A, %dma_wait3A_185, %dma_wait3A_186] : memref<200x2x32x8x128xf32, #tpu.memory_space<hbm>> -> memref<1x2x1x8x128xf32, #tpu.memory_space<hbm>>
        %dma_wait3A_188 = tpu.memref_squeeze %dma_wait3A_187 : memref<1x2x1x8x128xf32, #tpu.memory_space<hbm>> -> memref<2x8x128xf32, #tpu.memory_space<hbm>>
        %dma_wait3A_189 = arith.constant 0 : i32
        %dma_wait3A_190 = arith.constant 0 : i32
        %dma_wait3A_191 = arith.constant 0 : i32
        %dma_wait3A_192 = tpu.memref_slice %arg5[%sub3A_183, %dma_wait3A_189, %add3A, %dma_wait3A_190, %dma_wait3A_191] : memref<200x2x32x8x128xf32, #tpu.memory_space<hbm>> -> memref<1x2x1x8x128xf32, #tpu.memory_space<hbm>>
        %dma_wait3A_193 = tpu.memref_squeeze %dma_wait3A_192 : memref<1x2x1x8x128xf32, #tpu.memory_space<hbm>> -> memref<2x8x128xf32, #tpu.memory_space<hbm>>
        tpu.wait_dma2 semaphore(%arg18 : memref<!tpu.dma_semaphore, #tpu.memory_space<semaphore_mem>>) src(%arg13 : memref<2x8x128xf32, #tpu.memory_space<vmem>>) dst(%dma_wait3A_193 : memref<2x8x128xf32, #tpu.memory_space<hbm>>)
        %dma_wait3A_194 = arith.constant 0 : i32
        %dma_wait3A_195 = arith.constant 0 : i32
        %dma_wait3A_196 = arith.constant 0 : i32
        %dma_wait3A_197 = tpu.memref_slice %arg6[%sub3A_183, %dma_wait3A_194, %add3A, %dma_wait3A_195, %dma_wait3A_196] : memref<200x2x32x8x128xf32, #tpu.memory_space<hbm>> -> memref<1x2x1x8x128xf32, #tpu.memory_space<hbm>>
        %dma_wait3A_198 = tpu.memref_squeeze %dma_wait3A_197 : memref<1x2x1x8x128xf32, #tpu.memory_space<hbm>> -> memref<2x8x128xf32, #tpu.memory_space<hbm>>
        %dma_wait3A_199 = arith.constant 0 : i32
        %dma_wait3A_200 = arith.constant 0 : i32
        %dma_wait3A_201 = arith.constant 0 : i32
        %dma_wait3A_202 = tpu.memref_slice %arg6[%sub3A_183, %dma_wait3A_199, %add3A, %dma_wait3A_200, %dma_wait3A_201] : memref<200x2x32x8x128xf32, #tpu.memory_space<hbm>> -> memref<1x2x1x8x128xf32, #tpu.memory_space<hbm>>
        %dma_wait3A_203 = tpu.memref_squeeze %dma_wait3A_202 : memref<1x2x1x8x128xf32, #tpu.memory_space<hbm>> -> memref<2x8x128xf32, #tpu.memory_space<hbm>>
        tpu.wait_dma2 semaphore(%arg18 : memref<!tpu.dma_semaphore, #tpu.memory_space<semaphore_mem>>) src(%arg14 : memref<2x8x128xf32, #tpu.memory_space<vmem>>) dst(%dma_wait3A_203 : memref<2x8x128xf32, #tpu.memory_space<hbm>>)
      } else {
      }
      %broadcast_in_dim3A_148 = vector.broadcast %add3A_85 : i32 to vector<16xi32>
      %gather3A_149 = tpu.vector_load_idx %arg8[%broadcast_in_dim3A_148, %add3A_5] : memref<200x128xi32, #tpu.memory_space<vmem>>[vector<16xi32>, vector<16xi32>], vector<16xi32>,
      %gather3A_150 = tpu.vector_load_idx %arg8[%broadcast_in_dim3A_148, %add3A_8] : memref<200x128xi32, #tpu.memory_space<vmem>>[vector<16xi32>, vector<16xi32>], vector<16xi32>,
      %gather3A_151 = tpu.vector_load_idx %arg8[%broadcast_in_dim3A_148, %add3A_11] : memref<200x128xi32, #tpu.memory_space<vmem>>[vector<16xi32>, vector<16xi32>], vector<16xi32>,
      %gather3A_152 = tpu.vector_load_idx %arg8[%broadcast_in_dim3A_148, %add3A_14] : memref<200x128xi32, #tpu.memory_space<vmem>>[vector<16xi32>, vector<16xi32>], vector<16xi32>,
      %gather3A_153 = tpu.vector_load_idx %arg8[%broadcast_in_dim3A_148, %add3A_17] : memref<200x128xi32, #tpu.memory_space<vmem>>[vector<16xi32>, vector<16xi32>], vector<16xi32>,
      %gather3A_154 = tpu.vector_load_idx %arg8[%broadcast_in_dim3A_148, %add3A_20] : memref<200x128xi32, #tpu.memory_space<vmem>>[vector<16xi32>, vector<16xi32>], vector<16xi32>,
      %gather3A_155 = tpu.vector_load_idx %arg8[%broadcast_in_dim3A_148, %add3A_23] : memref<200x128xi32, #tpu.memory_space<vmem>>[vector<16xi32>, vector<16xi32>], vector<16xi32>,
      %gather3A_156 = tpu.vector_load_idx %arg8[%broadcast_in_dim3A_148, %add3A_26] : memref<200x128xi32, #tpu.memory_space<vmem>>[vector<16xi32>, vector<16xi32>], vector<16xi32>,
      %scan3A_157 = arith.constant 0 : i32
      %scan3A_158 = arith.constant 0 : i32
      %scan3A_159 = arith.constant 8 : i32
      %scan3A_160 = arith.addi %scan3A_158, %scan3A_159 : i32
      %scan3A_161 = arith.constant 1 : i32
      scf.for %scan3A_183 = %scan3A_158 to %scan3A_160 step %scan3A_161  : i32 {
        %mul3A_184 = arith.constant 2 : i32
        %mul3A_185 = arith.muli %scan3A_183, %mul3A_184 : i32
        %add3A_186 = arith.constant 0 : i32
        %add3A_187 = arith.addi %mul3A_185, %add3A_186 : i32
        %add3A_188 = vector.broadcast %add3A_187 : i32 to vector<16xi32>
        %add3A_189 = arith.addi %iota3A, %add3A_188 : vector<16xi32>
        %jit3A = arith.constant 16 : i32
        %eq3A = arith.constant 0 : i32
        %eq3A_190 = arith.cmpi eq, %jit3A, %eq3A : i32
        %jit3A_191 = arith.constant 1 : i32
        %select_n3A = arith.select %eq3A_190, %jit3A_191, %jit3A : i32
        %rem3A = vector.broadcast %select_n3A : i32 to vector<16xi32>
        %rem3A_192 = arith.remsi %add3A_189, %rem3A : vector<16xi32>
        %ne3A = arith.constant 0 : i32
        %ne3A_193 = vector.broadcast %ne3A : i32 to vector<16xi32>
        %ne3A_194 = arith.cmpi ne, %rem3A_192, %ne3A_193 : vector<16xi32>
        %lt3A_195 = arith.constant 0 : i32
        %lt3A_196 = vector.broadcast %lt3A_195 : i32 to vector<16xi32>
        %lt3A_197 = arith.cmpi slt, %rem3A_192, %lt3A_196 : vector<16xi32>
        %lt3A_198 = arith.constant 0 : i32
        %lt3A_199 = arith.cmpi slt, %select_n3A, %lt3A_198 : i32
        %ne3A_200 = vector.broadcast %lt3A_199 : i1 to vector<16xi1>
        %ne3A_201 = vector.broadcast %ne3A_200 : vector<16xi1> to vector<16xi1>
        %ne3A_202 = arith.xori %lt3A_197, %ne3A_201 : vector<16xi1>
        %and3A = arith.andi %ne3A_202, %ne3A_194 : vector<16xi1>
        %add3A_203 = vector.broadcast %select_n3A : i32 to vector<16xi32>
        %add3A_204 = arith.addi %rem3A_192, %add3A_203 : vector<16xi32>
        %select_n3A_205 = arith.select %and3A, %add3A_204, %rem3A_192 : vector<16xi1>, vector<16xi32>
        %jit3A_206 = arith.constant 8 : i32
        %div3A = vector.broadcast %jit3A_206 : i32 to vector<16xi32>
        %div3A_207 = arith.divsi %select_n3A_205, %div3A : vector<16xi32>
        %sign3A = arith.constant 0 : i32
        %sign3A_208 = vector.broadcast %sign3A : i32 to vector<16xi32>
        %sign3A_209 = arith.cmpi sgt, %select_n3A_205, %sign3A_208 : vector<16xi32>
        %sign3A_210 = arith.extui %sign3A_209 : vector<16xi1> to vector<16xi32>
        %sign3A_211 = arith.constant 0 : i32
        %sign3A_212 = vector.broadcast %sign3A_211 : i32 to vector<16xi32>
        %sign3A_213 = arith.cmpi slt, %select_n3A_205, %sign3A_212 : vector<16xi32>
        %sign3A_214 = arith.extui %sign3A_213 : vector<16xi1> to vector<16xi32>
        %sign3A_215 = arith.subi %sign3A_210, %sign3A_214 : vector<16xi32>
        %sign3A_216 = arith.constant 0 : i32
        %sign3A_217 = arith.cmpi sgt, %jit3A_206, %sign3A_216 : i32
        %sign3A_218 = arith.extui %sign3A_217 : i1 to i32
        %sign3A_219 = arith.constant 0 : i32
        %sign3A_220 = arith.cmpi slt, %jit3A_206, %sign3A_219 : i32
        %sign3A_221 = arith.extui %sign3A_220 : i1 to i32
        %sign3A_222 = arith.subi %sign3A_218, %sign3A_221 : i32
        %ne3A_223 = vector.broadcast %sign3A_222 : i32 to vector<16xi32>
        %ne3A_224 = arith.cmpi ne, %sign3A_215, %ne3A_223 : vector<16xi32>
        %rem3A_225 = vector.broadcast %jit3A_206 : i32 to vector<16xi32>
        %rem3A_226 = arith.remsi %select_n3A_205, %rem3A_225 : vector<16xi32>
        %ne3A_227 = arith.constant 0 : i32
        %ne3A_228 = vector.broadcast %ne3A_227 : i32 to vector<16xi32>
        %ne3A_229 = arith.cmpi ne, %rem3A_226, %ne3A_228 : vector<16xi32>
        %and3A_230 = arith.andi %ne3A_224, %ne3A_229 : vector<16xi1>
        %sub3A = arith.constant 1 : i32
        %sub3A_231 = vector.broadcast %sub3A : i32 to vector<16xi32>
        %sub3A_232 = arith.subi %div3A_207, %sub3A_231 : vector<16xi32>
        %select_n3A_233 = arith.select %and3A_230, %sub3A_232, %div3A_207 : vector<16xi1>, vector<16xi32>
        %jit3A_234 = arith.constant 8 : i32
        %eq3A_235 = arith.constant 0 : i32
        %eq3A_236 = arith.cmpi eq, %jit3A_234, %eq3A_235 : i32
        %jit3A_237 = arith.constant 1 : i32
        %select_n3A_238 = arith.select %eq3A_236, %jit3A_237, %jit3A_234 : i32
        %rem3A_239 = vector.broadcast %select_n3A_238 : i32 to vector<16xi32>
        %rem3A_240 = arith.remsi %select_n3A_205, %rem3A_239 : vector<16xi32>
        %ne3A_241 = arith.constant 0 : i32
        %ne3A_242 = vector.broadcast %ne3A_241 : i32 to vector<16xi32>
        %ne3A_243 = arith.cmpi ne, %rem3A_240, %ne3A_242 : vector<16xi32>
        %lt3A_244 = arith.constant 0 : i32
        %lt3A_245 = vector.broadcast %lt3A_244 : i32 to vector<16xi32>
        %lt3A_246 = arith.cmpi slt, %rem3A_240, %lt3A_245 : vector<16xi32>
        %lt3A_247 = arith.constant 0 : i32
        %lt3A_248 = arith.cmpi slt, %select_n3A_238, %lt3A_247 : i32
        %ne3A_249 = vector.broadcast %lt3A_248 : i1 to vector<16xi1>
        %ne3A_250 = vector.broadcast %ne3A_249 : vector<16xi1> to vector<16xi1>
        %ne3A_251 = arith.xori %lt3A_246, %ne3A_250 : vector<16xi1>
        %and3A_252 = arith.andi %ne3A_251, %ne3A_243 : vector<16xi1>
        %add3A_253 = vector.broadcast %select_n3A_238 : i32 to vector<16xi32>
        %add3A_254 = arith.addi %rem3A_240, %add3A_253 : vector<16xi32>
        %select_n3A_255 = arith.select %and3A_252, %add3A_254, %rem3A_240 : vector<16xi1>, vector<16xi32>
        %add3A_256 = arith.addi %gather3A_149, %select_n3A_205 : vector<16xi32>
        %gather3A_257 = tpu.vector_load_idx %arg10[%add3A_5, %add3A_256] : memref<128x128xf32, #tpu.memory_space<vmem>>[vector<16xi32>, vector<16xi32>], vector<16xf32>,
        tpu.vector_store_idx %arg13[%select_n3A_233, %select_n3A_255, %add3A_5], %gather3A_257 : memref<2x8x128xf32, #tpu.memory_space<vmem>>[vector<16xi32>, vector<16xi32>, vector<16xi32>], vector<16xf32>,
        %add3A_258 = arith.constant 16 : i32
        %add3A_259 = vector.broadcast %add3A_258 : i32 to vector<16xi32>
        %add3A_260 = arith.addi %add3A_256, %add3A_259 : vector<16xi32>
        %gather3A_261 = tpu.vector_load_idx %arg10[%add3A_5, %add3A_260] : memref<128x128xf32, #tpu.memory_space<vmem>>[vector<16xi32>, vector<16xi32>], vector<16xf32>,
        tpu.vector_store_idx %arg14[%select_n3A_233, %select_n3A_255, %add3A_5], %gather3A_261 : memref<2x8x128xf32, #tpu.memory_space<vmem>>[vector<16xi32>, vector<16xi32>, vector<16xi32>], vector<16xf32>,
        %add3A_262 = arith.addi %gather3A_150, %select_n3A_205 : vector<16xi32>
        %gather3A_263 = tpu.vector_load_idx %arg10[%add3A_8, %add3A_262] : memref<128x128xf32, #tpu.memory_space<vmem>>[vector<16xi32>, vector<16xi32>], vector<16xf32>,
        tpu.vector_store_idx %arg13[%select_n3A_233, %select_n3A_255, %add3A_8], %gather3A_263 : memref<2x8x128xf32, #tpu.memory_space<vmem>>[vector<16xi32>, vector<16xi32>, vector<16xi32>], vector<16xf32>,
        %add3A_264 = arith.constant 16 : i32
        %add3A_265 = vector.broadcast %add3A_264 : i32 to vector<16xi32>
        %add3A_266 = arith.addi %add3A_262, %add3A_265 : vector<16xi32>
        %gather3A_267 = tpu.vector_load_idx %arg10[%add3A_8, %add3A_266] : memref<128x128xf32, #tpu.memory_space<vmem>>[vector<16xi32>, vector<16xi32>], vector<16xf32>,
        tpu.vector_store_idx %arg14[%select_n3A_233, %select_n3A_255, %add3A_8], %gather3A_267 : memref<2x8x128xf32, #tpu.memory_space<vmem>>[vector<16xi32>, vector<16xi32>, vector<16xi32>], vector<16xf32>,
        %add3A_268 = arith.addi %gather3A_151, %select_n3A_205 : vector<16xi32>
        %gather3A_269 = tpu.vector_load_idx %arg10[%add3A_11, %add3A_268] : memref<128x128xf32, #tpu.memory_space<vmem>>[vector<16xi32>, vector<16xi32>], vector<16xf32>,
        tpu.vector_store_idx %arg13[%select_n3A_233, %select_n3A_255, %add3A_11], %gather3A_269 : memref<2x8x128xf32, #tpu.memory_space<vmem>>[vector<16xi32>, vector<16xi32>, vector<16xi32>], vector<16xf32>,
        %add3A_270 = arith.constant 16 : i32
        %add3A_271 = vector.broadcast %add3A_270 : i32 to vector<16xi32>
        %add3A_272 = arith.addi %add3A_268, %add3A_271 : vector<16xi32>
        %gather3A_273 = tpu.vector_load_idx %arg10[%add3A_11, %add3A_272] : memref<128x128xf32, #tpu.memory_space<vmem>>[vector<16xi32>, vector<16xi32>], vector<16xf32>,
        tpu.vector_store_idx %arg14[%select_n3A_233, %select_n3A_255, %add3A_11], %gather3A_273 : memref<2x8x128xf32, #tpu.memory_space<vmem>>[vector<16xi32>, vector<16xi32>, vector<16xi32>], vector<16xf32>,
        %add3A_274 = arith.addi %gather3A_152, %select_n3A_205 : vector<16xi32>
        %gather3A_275 = tpu.vector_load_idx %arg10[%add3A_14, %add3A_274] : memref<128x128xf32, #tpu.memory_space<vmem>>[vector<16xi32>, vector<16xi32>], vector<16xf32>,
        tpu.vector_store_idx %arg13[%select_n3A_233, %select_n3A_255, %add3A_14], %gather3A_275 : memref<2x8x128xf32, #tpu.memory_space<vmem>>[vector<16xi32>, vector<16xi32>, vector<16xi32>], vector<16xf32>,
        %add3A_276 = arith.constant 16 : i32
        %add3A_277 = vector.broadcast %add3A_276 : i32 to vector<16xi32>
        %add3A_278 = arith.addi %add3A_274, %add3A_277 : vector<16xi32>
        %gather3A_279 = tpu.vector_load_idx %arg10[%add3A_14, %add3A_278] : memref<128x128xf32, #tpu.memory_space<vmem>>[vector<16xi32>, vector<16xi32>], vector<16xf32>,
        tpu.vector_store_idx %arg14[%select_n3A_233, %select_n3A_255, %add3A_14], %gather3A_279 : memref<2x8x128xf32, #tpu.memory_space<vmem>>[vector<16xi32>, vector<16xi32>, vector<16xi32>], vector<16xf32>,
        %add3A_280 = arith.addi %gather3A_153, %select_n3A_205 : vector<16xi32>
        %gather3A_281 = tpu.vector_load_idx %arg10[%add3A_17, %add3A_280] : memref<128x128xf32, #tpu.memory_space<vmem>>[vector<16xi32>, vector<16xi32>], vector<16xf32>,
        tpu.vector_store_idx %arg13[%select_n3A_233, %select_n3A_255, %add3A_17], %gather3A_281 : memref<2x8x128xf32, #tpu.memory_space<vmem>>[vector<16xi32>, vector<16xi32>, vector<16xi32>], vector<16xf32>,
        %add3A_282 = arith.constant 16 : i32
        %add3A_283 = vector.broadcast %add3A_282 : i32 to vector<16xi32>
        %add3A_284 = arith.addi %add3A_280, %add3A_283 : vector<16xi32>
        %gather3A_285 = tpu.vector_load_idx %arg10[%add3A_17, %add3A_284] : memref<128x128xf32, #tpu.memory_space<vmem>>[vector<16xi32>, vector<16xi32>], vector<16xf32>,
        tpu.vector_store_idx %arg14[%select_n3A_233, %select_n3A_255, %add3A_17], %gather3A_285 : memref<2x8x128xf32, #tpu.memory_space<vmem>>[vector<16xi32>, vector<16xi32>, vector<16xi32>], vector<16xf32>,
        %add3A_286 = arith.addi %gather3A_154, %select_n3A_205 : vector<16xi32>
        %gather3A_287 = tpu.vector_load_idx %arg10[%add3A_20, %add3A_286] : memref<128x128xf32, #tpu.memory_space<vmem>>[vector<16xi32>, vector<16xi32>], vector<16xf32>,
        tpu.vector_store_idx %arg13[%select_n3A_233, %select_n3A_255, %add3A_20], %gather3A_287 : memref<2x8x128xf32, #tpu.memory_space<vmem>>[vector<16xi32>, vector<16xi32>, vector<16xi32>], vector<16xf32>,
        %add3A_288 = arith.constant 16 : i32
        %add3A_289 = vector.broadcast %add3A_288 : i32 to vector<16xi32>
        %add3A_290 = arith.addi %add3A_286, %add3A_289 : vector<16xi32>
        %gather3A_291 = tpu.vector_load_idx %arg10[%add3A_20, %add3A_290] : memref<128x128xf32, #tpu.memory_space<vmem>>[vector<16xi32>, vector<16xi32>], vector<16xf32>,
        tpu.vector_store_idx %arg14[%select_n3A_233, %select_n3A_255, %add3A_20], %gather3A_291 : memref<2x8x128xf32, #tpu.memory_space<vmem>>[vector<16xi32>, vector<16xi32>, vector<16xi32>], vector<16xf32>,
        %add3A_292 = arith.addi %gather3A_155, %select_n3A_205 : vector<16xi32>
        %gather3A_293 = tpu.vector_load_idx %arg10[%add3A_23, %add3A_292] : memref<128x128xf32, #tpu.memory_space<vmem>>[vector<16xi32>, vector<16xi32>], vector<16xf32>,
        tpu.vector_store_idx %arg13[%select_n3A_233, %select_n3A_255, %add3A_23], %gather3A_293 : memref<2x8x128xf32, #tpu.memory_space<vmem>>[vector<16xi32>, vector<16xi32>, vector<16xi32>], vector<16xf32>,
        %add3A_294 = arith.constant 16 : i32
        %add3A_295 = vector.broadcast %add3A_294 : i32 to vector<16xi32>
        %add3A_296 = arith.addi %add3A_292, %add3A_295 : vector<16xi32>
        %gather3A_297 = tpu.vector_load_idx %arg10[%add3A_23, %add3A_296] : memref<128x128xf32, #tpu.memory_space<vmem>>[vector<16xi32>, vector<16xi32>], vector<16xf32>,
        tpu.vector_store_idx %arg14[%select_n3A_233, %select_n3A_255, %add3A_23], %gather3A_297 : memref<2x8x128xf32, #tpu.memory_space<vmem>>[vector<16xi32>, vector<16xi32>, vector<16xi32>], vector<16xf32>,
        %add3A_298 = arith.addi %gather3A_156, %select_n3A_205 : vector<16xi32>
        %gather3A_299 = tpu.vector_load_idx %arg10[%add3A_26, %add3A_298] : memref<128x128xf32, #tpu.memory_space<vmem>>[vector<16xi32>, vector<16xi32>], vector<16xf32>,
        tpu.vector_store_idx %arg13[%select_n3A_233, %select_n3A_255, %add3A_26], %gather3A_299 : memref<2x8x128xf32, #tpu.memory_space<vmem>>[vector<16xi32>, vector<16xi32>, vector<16xi32>], vector<16xf32>,
        %add3A_300 = arith.constant 16 : i32
        %add3A_301 = vector.broadcast %add3A_300 : i32 to vector<16xi32>
        %add3A_302 = arith.addi %add3A_298, %add3A_301 : vector<16xi32>
        %gather3A_303 = tpu.vector_load_idx %arg10[%add3A_26, %add3A_302] : memref<128x128xf32, #tpu.memory_space<vmem>>[vector<16xi32>, vector<16xi32>], vector<16xf32>,
        tpu.vector_store_idx %arg14[%select_n3A_233, %select_n3A_255, %add3A_26], %gather3A_303 : memref<2x8x128xf32, #tpu.memory_space<vmem>>[vector<16xi32>, vector<16xi32>, vector<16xi32>], vector<16xf32>,
        %mul3A_304 = arith.constant 2 : i32
        %mul3A_305 = arith.muli %scan3A_183, %mul3A_304 : i32
        %add3A_306 = arith.constant 1 : i32
        %add3A_307 = arith.addi %mul3A_305, %add3A_306 : i32
        %add3A_308 = vector.broadcast %add3A_307 : i32 to vector<16xi32>
        %add3A_309 = arith.addi %iota3A, %add3A_308 : vector<16xi32>
        %jit3A_310 = arith.constant 16 : i32
        %eq3A_311 = arith.constant 0 : i32
        %eq3A_312 = arith.cmpi eq, %jit3A_310, %eq3A_311 : i32
        %jit3A_313 = arith.constant 1 : i32
        %select_n3A_314 = arith.select %eq3A_312, %jit3A_313, %jit3A_310 : i32
        %rem3A_315 = vector.broadcast %select_n3A_314 : i32 to vector<16xi32>
        %rem3A_316 = arith.remsi %add3A_309, %rem3A_315 : vector<16xi32>
        %ne3A_317 = arith.constant 0 : i32
        %ne3A_318 = vector.broadcast %ne3A_317 : i32 to vector<16xi32>
        %ne3A_319 = arith.cmpi ne, %rem3A_316, %ne3A_318 : vector<16xi32>
        %lt3A_320 = arith.constant 0 : i32
        %lt3A_321 = vector.broadcast %lt3A_320 : i32 to vector<16xi32>
        %lt3A_322 = arith.cmpi slt, %rem3A_316, %lt3A_321 : vector<16xi32>
        %lt3A_323 = arith.constant 0 : i32
        %lt3A_324 = arith.cmpi slt, %select_n3A_314, %lt3A_323 : i32
        %ne3A_325 = vector.broadcast %lt3A_324 : i1 to vector<16xi1>
        %ne3A_326 = vector.broadcast %ne3A_325 : vector<16xi1> to vector<16xi1>
        %ne3A_327 = arith.xori %lt3A_322, %ne3A_326 : vector<16xi1>
        %and3A_328 = arith.andi %ne3A_327, %ne3A_319 : vector<16xi1>
        %add3A_329 = vector.broadcast %select_n3A_314 : i32 to vector<16xi32>
        %add3A_330 = arith.addi %rem3A_316, %add3A_329 : vector<16xi32>
        %select_n3A_331 = arith.select %and3A_328, %add3A_330, %rem3A_316 : vector<16xi1>, vector<16xi32>
        %jit3A_332 = arith.constant 8 : i32
        %div3A_333 = vector.broadcast %jit3A_332 : i32 to vector<16xi32>
        %div3A_334 = arith.divsi %select_n3A_331, %div3A_333 : vector<16xi32>
        %sign3A_335 = arith.constant 0 : i32
        %sign3A_336 = vector.broadcast %sign3A_335 : i32 to vector<16xi32>
        %sign3A_337 = arith.cmpi sgt, %select_n3A_331, %sign3A_336 : vector<16xi32>
        %sign3A_338 = arith.extui %sign3A_337 : vector<16xi1> to vector<16xi32>
        %sign3A_339 = arith.constant 0 : i32
        %sign3A_340 = vector.broadcast %sign3A_339 : i32 to vector<16xi32>
        %sign3A_341 = arith.cmpi slt, %select_n3A_331, %sign3A_340 : vector<16xi32>
        %sign3A_342 = arith.extui %sign3A_341 : vector<16xi1> to vector<16xi32>
        %sign3A_343 = arith.subi %sign3A_338, %sign3A_342 : vector<16xi32>
        %sign3A_344 = arith.constant 0 : i32
        %sign3A_345 = arith.cmpi sgt, %jit3A_332, %sign3A_344 : i32
        %sign3A_346 = arith.extui %sign3A_345 : i1 to i32
        %sign3A_347 = arith.constant 0 : i32
        %sign3A_348 = arith.cmpi slt, %jit3A_332, %sign3A_347 : i32
        %sign3A_349 = arith.extui %sign3A_348 : i1 to i32
        %sign3A_350 = arith.subi %sign3A_346, %sign3A_349 : i32
        %ne3A_351 = vector.broadcast %sign3A_350 : i32 to vector<16xi32>
        %ne3A_352 = arith.cmpi ne, %sign3A_343, %ne3A_351 : vector<16xi32>
        %rem3A_353 = vector.broadcast %jit3A_332 : i32 to vector<16xi32>
        %rem3A_354 = arith.remsi %select_n3A_331, %rem3A_353 : vector<16xi32>
        %ne3A_355 = arith.constant 0 : i32
        %ne3A_356 = vector.broadcast %ne3A_355 : i32 to vector<16xi32>
        %ne3A_357 = arith.cmpi ne, %rem3A_354, %ne3A_356 : vector<16xi32>
        %and3A_358 = arith.andi %ne3A_352, %ne3A_357 : vector<16xi1>
        %sub3A_359 = arith.constant 1 : i32
        %sub3A_360 = vector.broadcast %sub3A_359 : i32 to vector<16xi32>
        %sub3A_361 = arith.subi %div3A_334, %sub3A_360 : vector<16xi32>
        %select_n3A_362 = arith.select %and3A_358, %sub3A_361, %div3A_334 : vector<16xi1>, vector<16xi32>
        %jit3A_363 = arith.constant 8 : i32
        %eq3A_364 = arith.constant 0 : i32
        %eq3A_365 = arith.cmpi eq, %jit3A_363, %eq3A_364 : i32
        %jit3A_366 = arith.constant 1 : i32
        %select_n3A_367 = arith.select %eq3A_365, %jit3A_366, %jit3A_363 : i32
        %rem3A_368 = vector.broadcast %select_n3A_367 : i32 to vector<16xi32>
        %rem3A_369 = arith.remsi %select_n3A_331, %rem3A_368 : vector<16xi32>
        %ne3A_370 = arith.constant 0 : i32
        %ne3A_371 = vector.broadcast %ne3A_370 : i32 to vector<16xi32>
        %ne3A_372 = arith.cmpi ne, %rem3A_369, %ne3A_371 : vector<16xi32>
        %lt3A_373 = arith.constant 0 : i32
        %lt3A_374 = vector.broadcast %lt3A_373 : i32 to vector<16xi32>
        %lt3A_375 = arith.cmpi slt, %rem3A_369, %lt3A_374 : vector<16xi32>
        %lt3A_376 = arith.constant 0 : i32
        %lt3A_377 = arith.cmpi slt, %select_n3A_367, %lt3A_376 : i32
        %ne3A_378 = vector.broadcast %lt3A_377 : i1 to vector<16xi1>
        %ne3A_379 = vector.broadcast %ne3A_378 : vector<16xi1> to vector<16xi1>
        %ne3A_380 = arith.xori %lt3A_375, %ne3A_379 : vector<16xi1>
        %and3A_381 = arith.andi %ne3A_380, %ne3A_372 : vector<16xi1>
        %add3A_382 = vector.broadcast %select_n3A_367 : i32 to vector<16xi32>
        %add3A_383 = arith.addi %rem3A_369, %add3A_382 : vector<16xi32>
        %select_n3A_384 = arith.select %and3A_381, %add3A_383, %rem3A_369 : vector<16xi1>, vector<16xi32>
        %add3A_385 = arith.addi %gather3A_149, %select_n3A_331 : vector<16xi32>
        %gather3A_386 = tpu.vector_load_idx %arg10[%add3A_5, %add3A_385] : memref<128x128xf32, #tpu.memory_space<vmem>>[vector<16xi32>, vector<16xi32>], vector<16xf32>,
        tpu.vector_store_idx %arg13[%select_n3A_362, %select_n3A_384, %add3A_5], %gather3A_386 : memref<2x8x128xf32, #tpu.memory_space<vmem>>[vector<16xi32>, vector<16xi32>, vector<16xi32>], vector<16xf32>,
        %add3A_387 = arith.constant 16 : i32
        %add3A_388 = vector.broadcast %add3A_387 : i32 to vector<16xi32>
        %add3A_389 = arith.addi %add3A_385, %add3A_388 : vector<16xi32>
        %gather3A_390 = tpu.vector_load_idx %arg10[%add3A_5, %add3A_389] : memref<128x128xf32, #tpu.memory_space<vmem>>[vector<16xi32>, vector<16xi32>], vector<16xf32>,
        tpu.vector_store_idx %arg14[%select_n3A_362, %select_n3A_384, %add3A_5], %gather3A_390 : memref<2x8x128xf32, #tpu.memory_space<vmem>>[vector<16xi32>, vector<16xi32>, vector<16xi32>], vector<16xf32>,
        %add3A_391 = arith.addi %gather3A_150, %select_n3A_331 : vector<16xi32>
        %gather3A_392 = tpu.vector_load_idx %arg10[%add3A_8, %add3A_391] : memref<128x128xf32, #tpu.memory_space<vmem>>[vector<16xi32>, vector<16xi32>], vector<16xf32>,
        tpu.vector_store_idx %arg13[%select_n3A_362, %select_n3A_384, %add3A_8], %gather3A_392 : memref<2x8x128xf32, #tpu.memory_space<vmem>>[vector<16xi32>, vector<16xi32>, vector<16xi32>], vector<16xf32>,
        %add3A_393 = arith.constant 16 : i32
        %add3A_394 = vector.broadcast %add3A_393 : i32 to vector<16xi32>
        %add3A_395 = arith.addi %add3A_391, %add3A_394 : vector<16xi32>
        %gather3A_396 = tpu.vector_load_idx %arg10[%add3A_8, %add3A_395] : memref<128x128xf32, #tpu.memory_space<vmem>>[vector<16xi32>, vector<16xi32>], vector<16xf32>,
        tpu.vector_store_idx %arg14[%select_n3A_362, %select_n3A_384, %add3A_8], %gather3A_396 : memref<2x8x128xf32, #tpu.memory_space<vmem>>[vector<16xi32>, vector<16xi32>, vector<16xi32>], vector<16xf32>,
        %add3A_397 = arith.addi %gather3A_151, %select_n3A_331 : vector<16xi32>
        %gather3A_398 = tpu.vector_load_idx %arg10[%add3A_11, %add3A_397] : memref<128x128xf32, #tpu.memory_space<vmem>>[vector<16xi32>, vector<16xi32>], vector<16xf32>,
        tpu.vector_store_idx %arg13[%select_n3A_362, %select_n3A_384, %add3A_11], %gather3A_398 : memref<2x8x128xf32, #tpu.memory_space<vmem>>[vector<16xi32>, vector<16xi32>, vector<16xi32>], vector<16xf32>,
        %add3A_399 = arith.constant 16 : i32
        %add3A_400 = vector.broadcast %add3A_399 : i32 to vector<16xi32>
        %add3A_401 = arith.addi %add3A_397, %add3A_400 : vector<16xi32>
        %gather3A_402 = tpu.vector_load_idx %arg10[%add3A_11, %add3A_401] : memref<128x128xf32, #tpu.memory_space<vmem>>[vector<16xi32>, vector<16xi32>], vector<16xf32>,
        tpu.vector_store_idx %arg14[%select_n3A_362, %select_n3A_384, %add3A_11], %gather3A_402 : memref<2x8x128xf32, #tpu.memory_space<vmem>>[vector<16xi32>, vector<16xi32>, vector<16xi32>], vector<16xf32>,
        %add3A_403 = arith.addi %gather3A_152, %select_n3A_331 : vector<16xi32>
        %gather3A_404 = tpu.vector_load_idx %arg10[%add3A_14, %add3A_403] : memref<128x128xf32, #tpu.memory_space<vmem>>[vector<16xi32>, vector<16xi32>], vector<16xf32>,
        tpu.vector_store_idx %arg13[%select_n3A_362, %select_n3A_384, %add3A_14], %gather3A_404 : memref<2x8x128xf32, #tpu.memory_space<vmem>>[vector<16xi32>, vector<16xi32>, vector<16xi32>], vector<16xf32>,
        %add3A_405 = arith.constant 16 : i32
        %add3A_406 = vector.broadcast %add3A_405 : i32 to vector<16xi32>
        %add3A_407 = arith.addi %add3A_403, %add3A_406 : vector<16xi32>
        %gather3A_408 = tpu.vector_load_idx %arg10[%add3A_14, %add3A_407] : memref<128x128xf32, #tpu.memory_space<vmem>>[vector<16xi32>, vector<16xi32>], vector<16xf32>,
        tpu.vector_store_idx %arg14[%select_n3A_362, %select_n3A_384, %add3A_14], %gather3A_408 : memref<2x8x128xf32, #tpu.memory_space<vmem>>[vector<16xi32>, vector<16xi32>, vector<16xi32>], vector<16xf32>,
        %add3A_409 = arith.addi %gather3A_153, %select_n3A_331 : vector<16xi32>
        %gather3A_410 = tpu.vector_load_idx %arg10[%add3A_17, %add3A_409] : memref<128x128xf32, #tpu.memory_space<vmem>>[vector<16xi32>, vector<16xi32>], vector<16xf32>,
        tpu.vector_store_idx %arg13[%select_n3A_362, %select_n3A_384, %add3A_17], %gather3A_410 : memref<2x8x128xf32, #tpu.memory_space<vmem>>[vector<16xi32>, vector<16xi32>, vector<16xi32>], vector<16xf32>,
        %add3A_411 = arith.constant 16 : i32
        %add3A_412 = vector.broadcast %add3A_411 : i32 to vector<16xi32>
        %add3A_413 = arith.addi %add3A_409, %add3A_412 : vector<16xi32>
        %gather3A_414 = tpu.vector_load_idx %arg10[%add3A_17, %add3A_413] : memref<128x128xf32, #tpu.memory_space<vmem>>[vector<16xi32>, vector<16xi32>], vector<16xf32>,
        tpu.vector_store_idx %arg14[%select_n3A_362, %select_n3A_384, %add3A_17], %gather3A_414 : memref<2x8x128xf32, #tpu.memory_space<vmem>>[vector<16xi32>, vector<16xi32>, vector<16xi32>], vector<16xf32>,
        %add3A_415 = arith.addi %gather3A_154, %select_n3A_331 : vector<16xi32>
        %gather3A_416 = tpu.vector_load_idx %arg10[%add3A_20, %add3A_415] : memref<128x128xf32, #tpu.memory_space<vmem>>[vector<16xi32>, vector<16xi32>], vector<16xf32>,
        tpu.vector_store_idx %arg13[%select_n3A_362, %select_n3A_384, %add3A_20], %gather3A_416 : memref<2x8x128xf32, #tpu.memory_space<vmem>>[vector<16xi32>, vector<16xi32>, vector<16xi32>], vector<16xf32>,
        %add3A_417 = arith.constant 16 : i32
        %add3A_418 = vector.broadcast %add3A_417 : i32 to vector<16xi32>
        %add3A_419 = arith.addi %add3A_415, %add3A_418 : vector<16xi32>
        %gather3A_420 = tpu.vector_load_idx %arg10[%add3A_20, %add3A_419] : memref<128x128xf32, #tpu.memory_space<vmem>>[vector<16xi32>, vector<16xi32>], vector<16xf32>,
        tpu.vector_store_idx %arg14[%select_n3A_362, %select_n3A_384, %add3A_20], %gather3A_420 : memref<2x8x128xf32, #tpu.memory_space<vmem>>[vector<16xi32>, vector<16xi32>, vector<16xi32>], vector<16xf32>,
        %add3A_421 = arith.addi %gather3A_155, %select_n3A_331 : vector<16xi32>
        %gather3A_422 = tpu.vector_load_idx %arg10[%add3A_23, %add3A_421] : memref<128x128xf32, #tpu.memory_space<vmem>>[vector<16xi32>, vector<16xi32>], vector<16xf32>,
        tpu.vector_store_idx %arg13[%select_n3A_362, %select_n3A_384, %add3A_23], %gather3A_422 : memref<2x8x128xf32, #tpu.memory_space<vmem>>[vector<16xi32>, vector<16xi32>, vector<16xi32>], vector<16xf32>,
        %add3A_423 = arith.constant 16 : i32
        %add3A_424 = vector.broadcast %add3A_423 : i32 to vector<16xi32>
        %add3A_425 = arith.addi %add3A_421, %add3A_424 : vector<16xi32>
        %gather3A_426 = tpu.vector_load_idx %arg10[%add3A_23, %add3A_425] : memref<128x128xf32, #tpu.memory_space<vmem>>[vector<16xi32>, vector<16xi32>], vector<16xf32>,
        tpu.vector_store_idx %arg14[%select_n3A_362, %select_n3A_384, %add3A_23], %gather3A_426 : memref<2x8x128xf32, #tpu.memory_space<vmem>>[vector<16xi32>, vector<16xi32>, vector<16xi32>], vector<16xf32>,
        %add3A_427 = arith.addi %gather3A_156, %select_n3A_331 : vector<16xi32>
        %gather3A_428 = tpu.vector_load_idx %arg10[%add3A_26, %add3A_427] : memref<128x128xf32, #tpu.memory_space<vmem>>[vector<16xi32>, vector<16xi32>], vector<16xf32>,
        tpu.vector_store_idx %arg13[%select_n3A_362, %select_n3A_384, %add3A_26], %gather3A_428 : memref<2x8x128xf32, #tpu.memory_space<vmem>>[vector<16xi32>, vector<16xi32>, vector<16xi32>], vector<16xf32>,
        %add3A_429 = arith.constant 16 : i32
        %add3A_430 = vector.broadcast %add3A_429 : i32 to vector<16xi32>
        %add3A_431 = arith.addi %add3A_427, %add3A_430 : vector<16xi32>
        %gather3A_432 = tpu.vector_load_idx %arg10[%add3A_26, %add3A_431] : memref<128x128xf32, #tpu.memory_space<vmem>>[vector<16xi32>, vector<16xi32>], vector<16xf32>,
        tpu.vector_store_idx %arg14[%select_n3A_362, %select_n3A_384, %add3A_26], %gather3A_432 : memref<2x8x128xf32, #tpu.memory_space<vmem>>[vector<16xi32>, vector<16xi32>, vector<16xi32>], vector<16xf32>,
      }
      %scan3A_162 = arith.constant 8 : i32
      %dma_start3A_163 = arith.constant 0 : i32
      %dma_start3A_164 = arith.constant 0 : i32
      %dma_start3A_165 = arith.constant 0 : i32
      %dma_start3A_166 = tpu.memref_slice %arg5[%add3A_85, %dma_start3A_163, %add3A, %dma_start3A_164, %dma_start3A_165] : memref<200x2x32x8x128xf32, #tpu.memory_space<hbm>> -> memref<1x2x1x8x128xf32, #tpu.memory_space<hbm>>
      %dma_start3A_167 = tpu.memref_squeeze %dma_start3A_166 : memref<1x2x1x8x128xf32, #tpu.memory_space<hbm>> -> memref<2x8x128xf32, #tpu.memory_space<hbm>>
      %dma_start3A_168 = arith.constant 0 : i32
      %dma_start3A_169 = arith.constant 0 : i32
      %dma_start3A_170 = arith.constant 0 : i32
      %dma_start3A_171 = tpu.memref_slice %arg5[%add3A_85, %dma_start3A_168, %add3A, %dma_start3A_169, %dma_start3A_170] : memref<200x2x32x8x128xf32, #tpu.memory_space<hbm>> -> memref<1x2x1x8x128xf32, #tpu.memory_space<hbm>>
      %dma_start3A_172 = tpu.memref_squeeze %dma_start3A_171 : memref<1x2x1x8x128xf32, #tpu.memory_space<hbm>> -> memref<2x8x128xf32, #tpu.memory_space<hbm>>
      tpu.enqueue_dma source(%arg13 : memref<2x8x128xf32, #tpu.memory_space<vmem>>) target(%dma_start3A_172 : memref<2x8x128xf32, #tpu.memory_space<hbm>>) target_semaphore(%arg18 : memref<!tpu.dma_semaphore, #tpu.memory_space<semaphore_mem>>)
      %dma_start3A_173 = arith.constant 0 : i32
      %dma_start3A_174 = arith.constant 0 : i32
      %dma_start3A_175 = arith.constant 0 : i32
      %dma_start3A_176 = tpu.memref_slice %arg6[%add3A_85, %dma_start3A_173, %add3A, %dma_start3A_174, %dma_start3A_175] : memref<200x2x32x8x128xf32, #tpu.memory_space<hbm>> -> memref<1x2x1x8x128xf32, #tpu.memory_space<hbm>>
      %dma_start3A_177 = tpu.memref_squeeze %dma_start3A_176 : memref<1x2x1x8x128xf32, #tpu.memory_space<hbm>> -> memref<2x8x128xf32, #tpu.memory_space<hbm>>
      %dma_start3A_178 = arith.constant 0 : i32
      %dma_start3A_179 = arith.constant 0 : i32
      %dma_start3A_180 = arith.constant 0 : i32
      %dma_start3A_181 = tpu.memref_slice %arg6[%add3A_85, %dma_start3A_178, %add3A, %dma_start3A_179, %dma_start3A_180] : memref<200x2x32x8x128xf32, #tpu.memory_space<hbm>> -> memref<1x2x1x8x128xf32, #tpu.memory_space<hbm>>
      %dma_start3A_182 = tpu.memref_squeeze %dma_start3A_181 : memref<1x2x1x8x128xf32, #tpu.memory_space<hbm>> -> memref<2x8x128xf32, #tpu.memory_space<hbm>>
      tpu.enqueue_dma source(%arg14 : memref<2x8x128xf32, #tpu.memory_space<vmem>>) target(%dma_start3A_182 : memref<2x8x128xf32, #tpu.memory_space<hbm>>) target_semaphore(%arg18 : memref<!tpu.dma_semaphore, #tpu.memory_space<semaphore_mem>>)
    }
    %scan3A_37 = arith.constant 100 : i32
    %dma_wait3A = arith.constant 198 : i32
    %dma_wait3A_38 = arith.constant 0 : i32
    %dma_wait3A_39 = arith.constant 0 : i32
    %dma_wait3A_40 = arith.constant 0 : i32
    %dma_wait3A_41 = tpu.memref_slice %arg5[%dma_wait3A, %dma_wait3A_38, %add3A, %dma_wait3A_39, %dma_wait3A_40] : memref<200x2x32x8x128xf32, #tpu.memory_space<hbm>> -> memref<1x2x1x8x128xf32, #tpu.memory_space<hbm>>
    %dma_wait3A_42 = tpu.memref_squeeze %dma_wait3A_41 : memref<1x2x1x8x128xf32, #tpu.memory_space<hbm>> -> memref<2x8x128xf32, #tpu.memory_space<hbm>>
    %dma_wait3A_43 = arith.constant 0 : i32
    %dma_wait3A_44 = arith.constant 0 : i32
    %dma_wait3A_45 = arith.constant 0 : i32
    %dma_wait3A_46 = tpu.memref_slice %arg5[%dma_wait3A, %dma_wait3A_43, %add3A, %dma_wait3A_44, %dma_wait3A_45] : memref<200x2x32x8x128xf32, #tpu.memory_space<hbm>> -> memref<1x2x1x8x128xf32, #tpu.memory_space<hbm>>
    %dma_wait3A_47 = tpu.memref_squeeze %dma_wait3A_46 : memref<1x2x1x8x128xf32, #tpu.memory_space<hbm>> -> memref<2x8x128xf32, #tpu.memory_space<hbm>>
    tpu.wait_dma2 semaphore(%arg17 : memref<!tpu.dma_semaphore, #tpu.memory_space<semaphore_mem>>) src(%arg11 : memref<2x8x128xf32, #tpu.memory_space<vmem>>) dst(%dma_wait3A_47 : memref<2x8x128xf32, #tpu.memory_space<hbm>>)
    %dma_wait3A_48 = arith.constant 198 : i32
    %dma_wait3A_49 = arith.constant 0 : i32
    %dma_wait3A_50 = arith.constant 0 : i32
    %dma_wait3A_51 = arith.constant 0 : i32
    %dma_wait3A_52 = tpu.memref_slice %arg6[%dma_wait3A_48, %dma_wait3A_49, %add3A, %dma_wait3A_50, %dma_wait3A_51] : memref<200x2x32x8x128xf32, #tpu.memory_space<hbm>> -> memref<1x2x1x8x128xf32, #tpu.memory_space<hbm>>
    %dma_wait3A_53 = tpu.memref_squeeze %dma_wait3A_52 : memref<1x2x1x8x128xf32, #tpu.memory_space<hbm>> -> memref<2x8x128xf32, #tpu.memory_space<hbm>>
    %dma_wait3A_54 = arith.constant 0 : i32
    %dma_wait3A_55 = arith.constant 0 : i32
    %dma_wait3A_56 = arith.constant 0 : i32
    %dma_wait3A_57 = tpu.memref_slice %arg6[%dma_wait3A_48, %dma_wait3A_54, %add3A, %dma_wait3A_55, %dma_wait3A_56] : memref<200x2x32x8x128xf32, #tpu.memory_space<hbm>> -> memref<1x2x1x8x128xf32, #tpu.memory_space<hbm>>
    %dma_wait3A_58 = tpu.memref_squeeze %dma_wait3A_57 : memref<1x2x1x8x128xf32, #tpu.memory_space<hbm>> -> memref<2x8x128xf32, #tpu.memory_space<hbm>>
    tpu.wait_dma2 semaphore(%arg17 : memref<!tpu.dma_semaphore, #tpu.memory_space<semaphore_mem>>) src(%arg12 : memref<2x8x128xf32, #tpu.memory_space<vmem>>) dst(%dma_wait3A_58 : memref<2x8x128xf32, #tpu.memory_space<hbm>>)
    %dma_wait3A_59 = arith.constant 199 : i32
    %dma_wait3A_60 = arith.constant 0 : i32
    %dma_wait3A_61 = arith.constant 0 : i32
    %dma_wait3A_62 = arith.constant 0 : i32
    %dma_wait3A_63 = tpu.memref_slice %arg5[%dma_wait3A_59, %dma_wait3A_60, %add3A, %dma_wait3A_61, %dma_wait3A_62] : memref<200x2x32x8x128xf32, #tpu.memory_space<hbm>> -> memref<1x2x1x8x128xf32, #tpu.memory_space<hbm>>
    %dma_wait3A_64 = tpu.memref_squeeze %dma_wait3A_63 : memref<1x2x1x8x128xf32, #tpu.memory_space<hbm>> -> memref<2x8x128xf32, #tpu.memory_space<hbm>>
    %dma_wait3A_65 = arith.constant 0 : i32
    %dma_wait3A_66 = arith.constant 0 : i32
    %dma_wait3A_67 = arith.constant 0 : i32
    %dma_wait3A_68 = tpu.memref_slice %arg5[%dma_wait3A_59, %dma_wait3A_65, %add3A, %dma_wait3A_66, %dma_wait3A_67] : memref<200x2x32x8x128xf32, #tpu.memory_space<hbm>> -> memref<1x2x1x8x128xf32, #tpu.memory_space<hbm>>
    %dma_wait3A_69 = tpu.memref_squeeze %dma_wait3A_68 : memref<1x2x1x8x128xf32, #tpu.memory_space<hbm>> -> memref<2x8x128xf32, #tpu.memory_space<hbm>>
    tpu.wait_dma2 semaphore(%arg18 : memref<!tpu.dma_semaphore, #tpu.memory_space<semaphore_mem>>) src(%arg13 : memref<2x8x128xf32, #tpu.memory_space<vmem>>) dst(%dma_wait3A_69 : memref<2x8x128xf32, #tpu.memory_space<hbm>>)
    %dma_wait3A_70 = arith.constant 199 : i32
    %dma_wait3A_71 = arith.constant 0 : i32
    %dma_wait3A_72 = arith.constant 0 : i32
    %dma_wait3A_73 = arith.constant 0 : i32
    %dma_wait3A_74 = tpu.memref_slice %arg6[%dma_wait3A_70, %dma_wait3A_71, %add3A, %dma_wait3A_72, %dma_wait3A_73] : memref<200x2x32x8x128xf32, #tpu.memory_space<hbm>> -> memref<1x2x1x8x128xf32, #tpu.memory_space<hbm>>
    %dma_wait3A_75 = tpu.memref_squeeze %dma_wait3A_74 : memref<1x2x1x8x128xf32, #tpu.memory_space<hbm>> -> memref<2x8x128xf32, #tpu.memory_space<hbm>>
    %dma_wait3A_76 = arith.constant 0 : i32
    %dma_wait3A_77 = arith.constant 0 : i32
    %dma_wait3A_78 = arith.constant 0 : i32
    %dma_wait3A_79 = tpu.memref_slice %arg6[%dma_wait3A_70, %dma_wait3A_76, %add3A, %dma_wait3A_77, %dma_wait3A_78] : memref<200x2x32x8x128xf32, #tpu.memory_space<hbm>> -> memref<1x2x1x8x128xf32, #tpu.memory_space<hbm>>
    %dma_wait3A_80 = tpu.memref_squeeze %dma_wait3A_79 : memref<1x2x1x8x128xf32, #tpu.memory_space<hbm>> -> memref<2x8x128xf32, #tpu.memory_space<hbm>>
    tpu.wait_dma2 semaphore(%arg18 : memref<!tpu.dma_semaphore, #tpu.memory_space<semaphore_mem>>) src(%arg14 : memref<2x8x128xf32, #tpu.memory_space<vmem>>) dst(%dma_wait3A_80 : memref<2x8x128xf32, #tpu.memory_space<hbm>>)
    return
  }
}

</mosaic_0001>

<sc_bundles>
// kernel: kernel.4.cloned.1.call-start
scs
__scs_entry_jumppad:
0x0: {  	(pc) =	sbr.rel $0x88, $3  }
0x1: {  	(tag) =	ssettag $0x0;
	lr =	simm.s32 $0x1  }
0x2: {  	[smem:$0x3F9F] =	sst lr;
	_ =	strace $0xD0000000  }
0x3: {  	_ = 	snop  }
0x4: {  	_ = 	snop  }
0x5: {  	_ = 	snop  }
0x6: {  	_ = 	snop  }
0x7: {  	_ = 	snop  }
__scs_overlays_trampoline_lowered:
0x8: {  	[smem:$0x3FAE] =	sst s0  }
0x9: {  	[smem:$0x3FAF] =	sst s1  }
0xa: {  	[smem:$0x3FB0] =	sst s2  }
0xb: {  	[smem:$0x3FB1] =	sst s3  }
0xc: {  	[smem:$0x3FB2] =	sst s4  }
0xd: {  	[smem:$0x3FB3] =	sst s5  }
0xe: {  	[smem:$0x3FB4] =	sst s6  }
0xf: {  	[smem:$0x3FB5] =	sst s7  }
0x10: {  	[smem:$0x3FB6] =	sst s8  }
0x11: {  	[smem:$0x3FB7] =	sst s9;
	s0 =	simm.s32 @!p0 $0x0  }
0x12: {  	s1 =	sld [smem:$0x3F9D];
	s0 =	simm.s32 @p0 $0x1  }
0x13: {  	[smem:$0x3FB8] =	sst s0;
	s0 =	simm.s32 @!p1 $0x0  }
0x14: {  	s2 =	sld [smem:$0x3F9C];
	s0 =	simm.s32 @p1 $0x1  }
0x15: {  	[smem:$0x3FB9] =	sst s0;
	s0 =	simm.s32 @!p2 $0x0  }
0x16: {  	s3 =	sld [smem:$0x3FDB];
	s0 =	simm.s32 @p2 $0x1  }
0x17: {  	s4 =	simm.s32 $0x1BF5;
	[smem:$0x3FBB] =	sst s0  }
0x18: {  	s0 =	sld [smem:$0x3F9E];
	_ =	swait.ge [sflag:s4], $0x0  }
0x19: {  	s7 =	sld [smem:$0x3F9F]  }
0x1a: {  	s8 =	sadd.s32 $0xFFFFE003, lr  }
0x1b: {  	s9 =	sadd.s32 $0xFFFFFEF7, lr;
	s5 =	simm.s32 $0xFFFFFFFF;
	p2 =	slt.u32 s8, $0xFFFFF086  }
0x1c: {  	p1 =	slt.u32 s9, $0xF7A;
	s5 =	simm.s32 @!p2 $0x0  }
0x1d: {  	s5 =	simm.s32 @p1 $0x1;
	p0 =	seq.s32 s7, s2  }
0x1e: {  	s7 =	smul.u32 @!p0 $0xF7A, s2;
	p2 =	seq.s32 @!p0 s5, $0x0  }
0x1f: {  	s9 =	smul.u32 $0xF7A, s1;
	s8 =	simm.s32 @!p0 $0x1BF5;
	p2 =	por !p2, p0  }
0x20: {  	[sflag:s8] =	ssyncset.s32 @!p0 $0xFFFFF086;
	s6 =	sadd.s32 @!p0 s3, s7;
	s7 =	simm.s32 @!p0 $0x108  }
0x21: {  	s3 =	sadd.s32 s3, s9;
	s6 =	sadd.s32 @!p0 $0x88, s6;
	s7 =	simm.s32 @p2 $0x1082  }
0x22: {  	[simem:s7], [sflag:s8] =	dma.local @!p0 [hbm:s6], $0xF7A  }
0x23: {  	s9 =	sor.u32 $0xD0000000, s2;
	s6 =	simm.s32 $0x108;
	_ =	swait.ge @!p0 [sflag:s8], $0x0  }
0x24: {  	s3 =	sadd.s32 $0x88, s3;
	s6 =	simm.s32 @!p1 $0x1082;
	[sflag:s4] =	ssyncset.s32 $0xFFFFF086  }
0x25: {  	[simem:s6], [sflag:s4] =	dma.local [hbm:s3], $0xF7A  }
0x26: {  	[smem:$0x3F9F] =	sst s1;
	(tag) =	ssettag s2;
	_ =	strace s9  }
0x27: {  	s1 =	sld [smem:$0x3FAF]  }
0x28: {  	s2 =	sld [smem:$0x3FB0]  }
0x29: {  	s4 =	sld [smem:$0x3FB2]  }
0x2a: {  	p0 =	seq.s32 s5, $0x0;
	s5 =	sld [smem:$0x3FB3]  }
0x2b: {  	s6 =	sld [smem:$0x3FB4]  }
0x2c: {  	s7 =	sld [smem:$0x3FB5]  }
0x2d: {  	s3 =	simm.s32 $0x108;
	s8 =	sld [smem:$0x3FB6]  }
0x2e: {  	s3 =	simm.s32 @!p0 $0x1082;
	s9 =	sld [smem:$0x3FB7]  }
0x2f: {  	lr =	sadd.s32 s0, s3;
	s0 =	sld [smem:$0x3FAE]  }
0x30: {  	s3 =	sld [smem:$0x3FB1]  }
0x31: {  	[smem:$0x3FBA] =	sst s10  }
0x32: {  	s10 =	sld [smem:$0x3FB8];
	_ =	sdelay $0x3  }
0x33: {  	p0 =	seq.s32 s10, $0x1;
	s10 =	sld [smem:$0x3FBA];
	_ =	sdelay $0x3  }
0x34: {  	[smem:$0x3FBA] =	sst s10  }
0x35: {  	s10 =	sld [smem:$0x3FB9];
	_ =	sdelay $0x3  }
0x36: {  	p1 =	seq.s32 s10, $0x1;
	s10 =	sld [smem:$0x3FBA];
	_ =	sdelay $0x3  }
0x37: {  	[smem:$0x3FBA] =	sst s10  }
0x38: {  	s10 =	sld [smem:$0x3FBB]  }
0x39: {  	_ = 	snop;
	(pc) =	sbr.ind lr, $3  }
0x3a: {  	_ = 	snop  }
0x3b: {  	_ = 	snop  }
0x3c: {  	p2 =	seq.s32 s10, $0x1;
	s10 =	sld [smem:$0x3FBA]  }
0x3d: {  	_ =	shalt  }
0x3e: {  	_ =	shalt  }
0x3f: {  	_ =	shalt  }
0x40: {  	_ =	shalt  }
0x41: {  	_ =	shalt  }
0x42: {  	_ =	shalt  }
0x43: {  	_ =	shalt  }
0x44: {  	_ =	shalt  }
0x45: {  	_ =	shalt  }
0x46: {  	_ =	shalt  }
0x47: {  	_ =	shalt  }
0x48: {  	_ =	shalt  }
0x49: {  	_ =	shalt  }
0x4a: {  	_ =	shalt  }
0x4b: {  	_ =	shalt  }
0x4c: {  	_ =	shalt  }
0x4d: {  	_ =	shalt  }
0x4e: {  	_ =	shalt  }
0x4f: {  	_ =	shalt  }
0x50: {  	_ =	shalt  }
0x51: {  	_ =	shalt  }
0x52: {  	_ =	shalt  }
0x53: {  	_ =	shalt  }
0x54: {  	_ =	shalt  }
0x55: {  	_ =	shalt  }
0x56: {  	_ =	shalt  }
0x57: {  	_ =	shalt  }
0x58: {  	_ =	shalt  }
0x59: {  	_ =	shalt  }
0x5a: {  	_ =	shalt  }
0x5b: {  	_ =	shalt  }
0x5c: {  	_ =	shalt  }
0x5d: {  	_ =	shalt  }
0x5e: {  	_ =	shalt  }
0x5f: {  	_ =	shalt  }
0x60: {  	_ =	shalt  }
0x61: {  	_ =	shalt  }
0x62: {  	_ =	shalt  }
0x63: {  	_ =	shalt  }
0x64: {  	_ =	shalt  }
0x65: {  	_ =	shalt  }
0x66: {  	_ =	shalt  }
0x67: {  	_ =	shalt  }
0x68: {  	_ =	shalt  }
0x69: {  	_ =	shalt  }
0x6a: {  	_ =	shalt  }
0x6b: {  	_ =	shalt  }
0x6c: {  	_ =	shalt  }
0x6d: {  	_ =	shalt  }
0x6e: {  	_ =	shalt  }
0x6f: {  	_ =	shalt  }
0x70: {  	_ =	shalt  }
0x71: {  	_ =	shalt  }
0x72: {  	_ =	shalt  }
0x73: {  	_ =	shalt  }
0x74: {  	_ =	shalt  }
0x75: {  	_ =	shalt  }
0x76: {  	_ =	shalt  }
0x77: {  	_ =	shalt  }
0x78: {  	_ =	shalt  }
0x79: {  	_ =	shalt  }
0x7a: {  	_ =	shalt  }
0x7b: {  	_ =	shalt  }
0x7c: {  	_ =	shalt  }
0x7d: {  	_ =	shalt  }
0x7e: {  	_ =	shalt  }
0x7f: {  	_ =	shalt  }
0x80: {  	_ =	shalt  }
0x81: {  	_ =	shalt  }
0x82: {  	_ =	shalt  }
0x83: {  	_ =	shalt  }
0x84: {  	_ =	shalt  }
0x85: {  	_ =	shalt  }
0x86: {  	_ =	shalt  }
0x87: {  	_ =	shalt  }
.Lfunc_end0:
.L_simem_size_0:
called_computation_lowered:
.L_overlay_start_0:
0x88: {  	s2 =	sld [smem:$0x3FD9]  }
0x89: {  	s3 =	sld [smem:$0x3FFE];
	_ =	sdelay $0x1  }
0x8a: {  	s1 =	srdreg.scid  }
0x8b: {  	s0 =	sand.u32 $0x1, s1  }
0x8c: {  	s17 =	sshll.u32 s0, $0xA;
	s2 =	sadd.s32 s3, s2  }
0x8d: {  	s2 =	sadd.s32 s2, s17  }
0x8e: {  	[smem:$0x3FC6] =	sst s2  }
0x8f: {  	_ = 	snop  }
0x90: {  	s2 =	sld [smem:$0x3FC8];
	(tm) =	ssettm $0x1  }
0x91: {  	s18 =	sld [smem:$0x3FFB];
	_ =	sdelay $0x3  }
0x92: {  	_ =	strace s18  }
0x93: {  	s3 =	sld [smem:$0x3FFC];
	_ =	sdelay $0x3  }
0x94: {  	_ =	strace s3  }
0x95: {  	s3 =	sld [smem:$0x3FFD];
	_ =	sdelay $0x3  }
0x96: {  	_ =	strace s3  }
0x97: {  	_ =	strace $0x8FFFFFFF  }
0x98: {  	s19 =	sld [smem:$0x3FDB];
	_ =	sdelay $0x1  }
0x99: {  	s4 =	simm.s32 $_scs_section_size  }
0x9a: {  	s5 =	simm.s32 $_size__tile_overlayer_lowered;
	s6 =	simm.s32 $_tile_overlayer_lowered  }
0x9b: {  	s22 =	simm.s32 $0x1BFF;
	s21 =	sshll.u32 s6, $0x1;
	s3 =	sadd.s32 s4, s19  }
0x9c: {  	s7 =	simm.s32 $0x0;
	s20 =	sshll.u32 s5, $0x1;
	s5 =	sadd.s32 s21, s3  }
0x9d: {  	[timem:s7], [sflag:s22] =	dma.local [hbm:s5], s20  }
0x9e: {  	_ =	swait.ge [sflag:s22], s20  }
0x9f: {  	s4 =	ssub.s32 $0x0, s20;
	[sflag:s22] =	ssyncset.done $0x0  }
0xa0: {  	[sflag:s22] =	ssyncadd.s32 s4;
	_ =	sdelay $0x1  }
0xa1: {  	s23 =	simm.s32 $0x1B8B  }
0xa2: {  	_ =	swait.ge [sflag:s23], $0x1  }
0xa3: {  	[sflag:s23] =	ssyncset.done $0x0  }
0xa4: {  	s25 =	simm.s32 $0x1B8E;
	s24 =	sld [smem:$0x3FFE];
	[sflag:s23] =	ssyncadd.s32 $0xFFFFFFFF  }
0xa5: {  	s26 =	simm.s32 $execute0_lowered;
	[smem:$0x3FD2] =	sst s25  }
0xa6: {  	s5 =	sshll.u32 s26, $0x1;
	_ =	strace $0x80000046;
	[dreg:$0x1] =	wrdreg $0xFFFFFFFF  }
0xa7: {  	s28 =	simm.s32 $_size_execute0_lowered;
	s3 =	sadd.s32 s3, s5;
	[dreg:$0x0] =	wrdreg $0x0  }
0xa8: {  	s5 =	sshll.u32 s28, $0x1;
	[dreg:$0x2] =	wrdreg s3  }
0xa9: {  	[dreg:$0x3] =	wrdreg s5  }
0xaa: {  	[dreg:$0x4] =	wrdreg $0xC0  }
0xab: {  	_ =	task [dreg:s7], $0x5FFFF  }
0xac: {  	[dreg:$0x1] =	wrdreg $0xFFFFFFFF  }
0xad: {  	[dreg:$0x0] =	wrdreg $0x60  }
0xae: {  	[dreg:$0x2] =	wrdreg s2  }
0xaf: {  	[dreg:$0x3] =	wrdreg s24  }
0xb0: {  	[dreg:$0x4] =	wrdreg $0x9  }
0xb1: {  	_ =	task.clear_ibuf [dreg:s7], $0x5FFFF;
	_ =	strace $0x90000046  }
0xb2: {  	s29 =	simm.s32 $0x9;
	_ =	strace $0x80000048  }
0xb3: {  	_ =	swait.ge [sflag:s29], $0x1  }
0xb4: {  	[sflag:s29] =	ssyncadd.s32 $0xFFFFFFFF  }
0xb5: {  	_ =	strace $0x90000048  }
0xb6: {  	_ =	sfence  }
0xb7: {  	s30 =	sld [smem:$0x0];
	_ =	sdelay $0x2  }
0xb8: {  	s31 =	sshll.u32 s1, $0xD;
	s1 =	sshrl.u32 s1, $0x2  }
0xb9: {  	s3 =	sand.u32 $0x4000, s31;
	s1 =	sadd.s32 s1, s30  }
0xba: {  	s0 =	sor.u32 s3, s0;
	s1 =	sshll.u32 s1, $0x11  }
0xbb: {  	s0 =	sor.u32 s1, s0  }
0xbc: {  	s0 =	sadd.s32 $0x8F2B, s0  }
0xbd: {  	[sflag:s0] =	ssyncadd.remote.s32 $0x1  }
0xbe: {  	_ =	sfence.sel $0xFFFF  }
0xbf: {  	[dreg:$0x0] =	wrdreg $0xFFFFFFFF;
	(pc) =	sbr.abs _section_cstart, $3  }
0xc0: {  	[dreg:$0x1] =	wrdreg $0xFFFFFFFF  }
0xc1: {  	_ =	task.clear_ibuf [dreg:s7], $0x2FFFF;
	_ =	strace $0x9FFFFFFF  }
0xc2: {  	(tm) =	ssettm $0x7FFFFFFF  }
0xc3: {  	_ =	shalt  }
tec
execute0_lowered:
.L_overlay_start_1:
0x0: {  	(tag) =	ssettag $0x1  }
0x1: {  	v0 =	vimm.s32 $0x1F80;
	vm0 =	vcmask $0x300  }
0x2: {  	vm1 =	vcmask $0x704;
	v1 =	vimm.s32 $0x5780;
	v0 =	vsel vm0, $0x0, v0  }
0x3: {  	vm2 =	vcmask $0xB08;
	v1 =	vsel vm0, $0x3800, v1;
	v0 =	vsel vm1, $0x80, v0  }
0x4: {  	vm4 =	vcmask $0xF0C;
	v1 =	vsel vm1, $0x3880, v1;
	v0 =	vsel vm2, $0x100, v0  }
0x5: {  	s0 =	rddreg [dreg:$0x0];
	vm5 =	vcmask $0x1310;
	v1 =	vsel vm2, $0x3900, v1;
	v0 =	vsel vm4, $0x180, v0  }
0x6: {  	s7 =	rddreg [dreg:$0x1];
	vm6 =	vcmask $0x1714;
	v1 =	vsel vm4, $0x3980, v1;
	v0 =	vsel vm5, $0x200, v0  }
0x7: {  	s1 =	rddreg [dreg:$0x2];
	s2 =	simm.s32 $0x0;
	vm7 =	vcmask $0x1B18;
	s4 =	srdreg.scid;
	v1 =	vsel vm5, $0x3A00, v1;
	v0 =	vsel vm6, $0x280, v0  }
0x8: {  	s3 =	stileid.u32;
	vm8 =	vcmask $0x1F1C;
	s13 =	simm.s32 $0x7A1400;
	s14 =	simm.s32 $0x1;
	v1 =	vsel vm6, $0x3A80, v1;
	v0 =	vsel vm7, $0x300, v0  }
0x9: {  	vm9 =	vcmask $0x2320;
	s15 =	simm.s32 $0xE000;
	s16 =	simm.s32 $0x2;
	s17 =	simm.s32 $0x7000;
	v1 =	vsel vm7, $0x3B00, v1;
	v0 =	vsel vm8, $0x380, v0  }
0xa: {  	vm10 =	vcmask $0x2724;
	s18 =	simm.s32 $0x15000;
	s19 =	simm.s32 $0x3;
	s20 =	simm.s32 $0x4;
	v1 =	vsel vm8, $0x3B80, v1;
	v0 =	vsel vm9, $0x1C00, v0  }
0xb: {  	vm11 =	vcmask $0x2B28;
	s21 =	simm.s32 $0x0;
	[smem:$0x7FF] =	sst s2;
	s5 =	sand.u32 $0x1, s4;
	v1 =	vsel vm9, $0x5400, v1;
	v0 =	vsel vm10, $0x1C80, v0  }
0xc: {  	vm12 =	vcmask $0x2F2C;
	s6 =	sshll.u32 s3, $0x1;
	s4 =	sadd.s32 $0x1000, s7;
	_ =	strace $0x80000047;
	v1 =	vsel vm10, $0x5480, v1;
	v0 =	vsel vm11, $0x1D00, v0  }
.Ltmp0:
0xd: {  	vm13 =	vcmask $0x3330;
	s8 =	ssub.s32 $0x2, s5;
	s5 =	sor.u32 s5, s6;
	v1 =	vsel vm11, $0x5500, v1;
	v0 =	vsel vm12, $0x1D80, v0;
	(pc) =	sbr.rel .LBB2_1-.Ltmp0, $4  }
0xe: {  	vm14 =	vcmask $0x3734;
	s6 =	sadd.s32 $0x1200, s7;
	s9 =	sshrl.u32 s8, $0x1;
	s10 =	smul.u32 $0x380, s5;
	v1 =	vsel vm12, $0x5580, v1;
	v0 =	vsel vm13, $0x1E00, v0  }
0xf: {  	vm15 =	vcmask $0x3B38;
	s7 =	sadd.s32 $0x3D1A00, s7;
	p0 =	sne.s32 s5, $0x0;
	s11 =	ssub.s32 s8, s9;
	v3 =	vsel vm13, $0x5600, v1;
	v2 =	vsel vm14, $0x1E80, v0  }
0x10: {  	s9 =	sor.u32 $0x40, s5;
	s12 =	sshll.u32 @!p0 s3, $0x6;
	s8 =	sadd.s32 s0, s10;
	v0 =	vlaneseq.u32;
	v1 =	vsel vm15, $0x1F00, v2;
	v2 =	vsel vm14, $0x5680, v3  }
0x11: {  	v4 =	vimm.s32 $0x0;
	s10 =	smax.u32 s11, $0x1;
	s11 =	sor.u32 @!p0 $0x1C05, s12;
	s12 =	simm.s32 $0x1C00;
	v3 =	vor.u32 $0x10, v0;
	v2 =	vsel vm15, $0x5700, v2  }
.LBB2_15:
0x12: {  	s21 =	sadd.s32 $0x1, s21  }
0x13: {  	_ =	swait.ge [sflag:s19], $0x7000;
	p1 =	sne.s32 s21, s10  }
.Ltmp1:
0x14: {  	[sflag:s19] =	ssyncset.done $0x0;
	(pc) =	sbr.rel @!p1 .LBB2_16-.Ltmp1, $4  }
0x15: {  	[sflag:s19] =	ssyncadd.s32 $0xFFFF9000  }
0x16: {  	_ =	swait.ge [sflag:s20], $0x7000  }
0x17: {  	[sflag:s20] =	ssyncset.done $0x0  }
0x18: {  	[sflag:s20] =	ssyncadd.s32 $0xFFFF9000  }
.LBB2_1:
0x19: {  	[hbm:s7], [sflag:s11] =	dma.local @!p0 [hbm:s4], $0x100  }
.Ltmp2:
0x1a: {  	s22 =	simm.s32 @!p0 $0x5;
	(pc) =	sbr.rel .LBB2_2-.Ltmp2, $4  }
0x1b: {  	_ =	swait.ge @!p0 [sflag:s22], $0x100  }
0x1c: {  	[sflag:s22] =	ssyncset.done @!p0 $0x0  }
0x1d: {  	[sflag:s22] =	ssyncadd.s32 @!p0 $0xFFFFFF00;
	s22 =	simm.s32 $0x0  }
0x1e: {  	[tilespmem:s2], [sflag:$0x1] =	stream.strided.gather [hbm4b:s8+s12], $0x7000, s13, s12, $0x38;
	[tilespmem:$0x1C000] =	vst v63  }
.LBB2_14:
0x1f: {  	s22 =	sadd.s32 $0x1, s22  }
0x20: {  	p1 =	sne.s32 s22, $0x12  }
.Ltmp3:
0x21: {  	_ = 	snop;
	(pc) =	sbr.rel @!p1 .LBB2_15-.Ltmp3, $1  }
0x22: {  	_ =	sdelay $0x3  }
.LBB2_2:
0x23: {  	s24 =	sshll.u32 s22, $0x6  }
0x24: {  	s25 =	sor.u32 s24, s5  }
0x25: {  	s23 =	sor.u32 $0x20, s25;
	p3 =	sgt.u32 s25, $0x45B  }
.Ltmp4:
0x26: {  	p2 =	sgt.u32 s23, $0x45B;
	(pc) =	sbr.rel @p3 .LBB2_8-.Ltmp4, $4  }
0x27: {  	s26 =	smul.u32 @!p2 $0x380, s23  }
0x28: {  	p1 =	seq.s32 s22, $0x0;
	s28 =	simm.s32 @!p2 $0x1C00  }
0x29: {  	s29 =	simm.s32 @!p2 $0x7A1400;
	s30 =	simm.s32 @!p2 $0x7000;
	s26 =	sadd.s32 @!p2 s0, s26  }
0x2a: {  	[tilespmem:s30], [sflag:$0x2] =	stream.strided.gather @!p2 [hbm4b:s26+s28], $0x7000, s29, s28, $0x38;
	[tilespmem:$0x1C000] =	vst v63  }
0x2b: {  	_ =	swait.ge [sflag:s14], $0x7000  }
0x2c: {  	[sflag:s14] =	ssyncset.done $0x0  }
0x2d: {  	s26 =	simm.s32 @!p1 $0x3;
	[sflag:s14] =	ssyncadd.s32 $0xFFFF9000  }
0x2e: {  	_ =	swait.ge @!p1 [sflag:s26], $0x7000  }
0x2f: {  	[sflag:s26] =	ssyncset.done @!p1 $0x0  }
0x30: {  	[sflag:s26] =	ssyncadd.s32 @!p1 $0xFFFF9000;
	s26 =	simm.s32 $0x0  }
.LBB2_4:
0x31: {  	v6 =	vadd.s32 s26, v0;
	s28 =	simm.s32 $0x0  }
0x32: {  	v5 =	vand.u32 $0xF, v6;
	v7 =	vand.u32 $0x3, v6;
	v9 =	vmov s28  }
0x33: {  	v8 =	vor.u32 v1, v5;
	v10 =	vshll.u32 v9, $0x3;
	v9 =	vor.u32 s28, v5  }
0x34: {  	vm0 =	vne.s32 v7, $0x0;
	v7 =	vadd.s32 v8, v10;
	vm1 =	veq.s32 v9, $0x0  }
0x35: {  	vm1 =	vmand vm0, vm1  }
0x36: {  	v6 =	vshll.u32 v6, $0x5;
	v9 =	vshrl.u32 v9, $0x2;
	v11 =	vsel vm1, $0xFFFFFFFF, v4  }
0x37: {  	v12 =	vand.u32 $0x60, v6;
	v9 =	vadd.s32 v11, v9  }
0x38: {  	v6 =	vor.u32 v0, v12;
	v11 =	vshll.u32 v9, $0x7  }
0x39: {  	v9 =	vor.u32 v2, v5;
	v13 =	vld.idx.msk [tilespmem:v7+s2+$0x0], $0xffff;
	v14 =	vor.u32 v6, v11  }
0x3a: {  	v10 =	vadd.s32 v9, v10  }
0x3b: {  	s28 =	simm.s32 $0x10  }
0x3c: {  	v7 =	vmov s28  }
0x3d: {  	v15 =	vor.u32 s28, v5;
	v16 =	vshll.u32 v7, $0x3  }
0x3e: {  	v28 =	vand.u32 $0x1F, v15;
	v7 =	vor.u32 v3, v12;
	v29 =	vand.u32 $0x1C00, v16;
	[tilespmem:v14+s15+$0x0] =	vst.idx.msk $0xffff, v13  }
0x3f: {  	v11 =	vor.u32 v7, v11;
	v12 =	vor.u32 v28, v29;
	v10 =	vld.idx.msk [tilespmem:v10+s2+$0x0], $0xffff  }
0x40: {  	v13 =	vadd.s32 v1, v12;
	_ =	sdelay $0x2  }
0x41: {  	v30 =	vshll.u32 v15, $0x5  }
0x42: {  	[tilespmem:v11+s15+$0x0] =	vst.idx.msk $0xffff, v10;
	v10 =	vand.u32 $0x7FFFF380, v30  }
0x43: {  	v11 =	vld.idx.msk [tilespmem:v13+s2+$0x0], $0xffff;
	v31 =	vor.u32 v6, v10  }
0x44: {  	v12 =	vadd.s32 v2, v12  }
0x45: {  	s28 =	simm.s32 $0x20  }
0x46: {  	v32 =	vmov s28  }
0x47: {  	v33 =	vor.u32 s28, v5;
	v14 =	vshll.u32 v32, $0x3  }
0x48: {  	v34 =	vand.u32 $0x1C00, v14;
	[tilespmem:v31+s15+$0x0] =	vst.idx.msk $0xffff, v11;
	v11 =	vand.u32 $0x2F, v33  }
0x49: {  	v10 =	vor.u32 v7, v10;
	v12 =	vld.idx.msk [tilespmem:v12+s2+$0x0], $0xffff;
	v11 =	vor.u32 v11, v34  }
0x4a: {  	v13 =	vadd.s32 v1, v11;
	_ =	sdelay $0x2  }
0x4b: {  	v35 =	vshll.u32 v33, $0x5  }
0x4c: {  	[tilespmem:v10+s15+$0x0] =	vst.idx.msk $0xffff, v12;
	v10 =	vand.u32 $0x7FFFF580, v35  }
0x4d: {  	v12 =	vld.idx.msk [tilespmem:v13+s2+$0x0], $0xffff;
	v36 =	vor.u32 v6, v10  }
0x4e: {  	v11 =	vadd.s32 v2, v11  }
0x4f: {  	s28 =	simm.s32 $0x30  }
0x50: {  	v37 =	vmov s28  }
0x51: {  	v38 =	vor.u32 s28, v5;
	v14 =	vshll.u32 v37, $0x3  }
0x52: {  	v39 =	vand.u32 $0x3F, v38;
	v40 =	vand.u32 $0x1C00, v14;
	[tilespmem:v36+s15+$0x0] =	vst.idx.msk $0xffff, v12  }
0x53: {  	v10 =	vor.u32 v7, v10;
	v12 =	vor.u32 v39, v40;
	v11 =	vld.idx.msk [tilespmem:v11+s2+$0x0], $0xffff  }
0x54: {  	v13 =	vadd.s32 v1, v12;
	_ =	sdelay $0x2  }
0x55: {  	v41 =	vshll.u32 v38, $0x5  }
0x56: {  	[tilespmem:v10+s15+$0x0] =	vst.idx.msk $0xffff, v11;
	v10 =	vand.u32 $0x7FFFF780, v41  }
0x57: {  	v11 =	vld.idx.msk [tilespmem:v13+s2+$0x0], $0xffff;
	v42 =	vor.u32 v6, v10  }
0x58: {  	v12 =	vadd.s32 v2, v12  }
0x59: {  	s28 =	simm.s32 $0x40  }
0x5a: {  	v43 =	vmov s28  }
0x5b: {  	v44 =	vor.u32 s28, v5;
	v14 =	vshll.u32 v43, $0x3  }
0x5c: {  	v45 =	vand.u32 $0x1C00, v14;
	[tilespmem:v42+s15+$0x0] =	vst.idx.msk $0xffff, v11;
	v11 =	vand.u32 $0x4F, v44  }
0x5d: {  	v10 =	vor.u32 v7, v10;
	v12 =	vld.idx.msk [tilespmem:v12+s2+$0x0], $0xffff;
	v11 =	vor.u32 v11, v45  }
0x5e: {  	v13 =	vadd.s32 v1, v11;
	_ =	sdelay $0x2  }
0x5f: {  	v46 =	vshll.u32 v44, $0x5  }
0x60: {  	[tilespmem:v10+s15+$0x0] =	vst.idx.msk $0xffff, v12;
	v10 =	vand.u32 $0x7FFFF980, v46  }
0x61: {  	v12 =	vld.idx.msk [tilespmem:v13+s2+$0x0], $0xffff;
	v47 =	vor.u32 v6, v10  }
0x62: {  	v11 =	vadd.s32 v2, v11  }
0x63: {  	s28 =	simm.s32 $0x50  }
0x64: {  	v48 =	vmov s28  }
0x65: {  	v49 =	vor.u32 s28, v5;
	v14 =	vshll.u32 v48, $0x3  }
0x66: {  	v50 =	vand.u32 $0x5F, v49;
	v51 =	vand.u32 $0x1C00, v14;
	[tilespmem:v47+s15+$0x0] =	vst.idx.msk $0xffff, v12  }
0x67: {  	v10 =	vor.u32 v7, v10;
	v12 =	vor.u32 v50, v51;
	v11 =	vld.idx.msk [tilespmem:v11+s2+$0x0], $0xffff  }
0x68: {  	v13 =	vadd.s32 v1, v12;
	_ =	sdelay $0x2  }
0x69: {  	v52 =	vshll.u32 v49, $0x5  }
0x6a: {  	[tilespmem:v10+s15+$0x0] =	vst.idx.msk $0xffff, v11;
	v10 =	vand.u32 $0x7FFFFB80, v52  }
0x6b: {  	v11 =	vld.idx.msk [tilespmem:v13+s2+$0x0], $0xffff;
	v53 =	vor.u32 v6, v10  }
0x6c: {  	v12 =	vadd.s32 v2, v12  }
0x6d: {  	s28 =	simm.s32 $0x60  }
0x6e: {  	v54 =	vmov s28  }
0x6f: {  	v55 =	vor.u32 s28, v5;
	v14 =	vshll.u32 v54, $0x3  }
0x70: {  	v56 =	vand.u32 $0x1C00, v14;
	[tilespmem:v53+s15+$0x0] =	vst.idx.msk $0xffff, v11;
	v11 =	vand.u32 $0x6F, v55  }
0x71: {  	v10 =	vor.u32 v7, v10;
	v12 =	vld.idx.msk [tilespmem:v12+s2+$0x0], $0xffff;
	v11 =	vor.u32 v11, v56  }
0x72: {  	v13 =	vadd.s32 v1, v11;
	_ =	sdelay $0x2  }
0x73: {  	v57 =	vshll.u32 v55, $0x5  }
0x74: {  	[tilespmem:v10+s15+$0x0] =	vst.idx.msk $0xffff, v12;
	v10 =	vand.u32 $0x7FFFFD80, v57  }
0x75: {  	v12 =	vld.idx.msk [tilespmem:v13+s2+$0x0], $0xffff;
	v58 =	vor.u32 v6, v10  }
0x76: {  	v11 =	vadd.s32 v2, v11  }
0x77: {  	s28 =	simm.s32 $0x70  }
0x78: {  	v59 =	vmov s28  }
0x79: {  	v60 =	vor.u32 s28, v5;
	v14 =	vshll.u32 v59, $0x3  }
0x7a: {  	v61 =	vand.u32 $0x7F, v60;
	v62 =	vand.u32 $0x1C00, v14;
	[tilespmem:v58+s15+$0x0] =	vst.idx.msk $0xffff, v12  }
0x7b: {  	v10 =	vor.u32 v7, v10;
	v12 =	vor.u32 v61, v62;
	v11 =	vld.idx.msk [tilespmem:v11+s2+$0x0], $0xffff  }
0x7c: {  	v13 =	vadd.s32 v1, v12;
	_ =	sdelay $0x2  }
0x7d: {  	v63 =	vshll.u32 v60, $0x5  }
0x7e: {  	[tilespmem:v10+s15+$0x0] =	vst.idx.msk $0xffff, v11;
	v10 =	vand.u32 $0x7FFFFF80, v63  }
0x7f: {  	v13 =	vld.idx.msk [tilespmem:v13+s2+$0x0], $0xffff;
	v14 =	vor.u32 v6, v10  }
0x80: {  	v11 =	vadd.s32 v2, v12;
	_ =	sdelay $0x3  }
0x81: {  	s30 =	simm.s32 $0x80;
	s29 =	simm.s32 $0x170;
	s28 =	simm.s32 $0xF0;
	[tilespmem:v14+s15+$0x0] =	vst.idx.msk $0xffff, v13  }
.LBB2_5:
0x82: {  	p3 =	sne.s32 s29, $0x370;
	v12 =	vmov s30;
	v11 =	vld.idx.msk [tilespmem:v11+s2+$0x0], $0xffff  }
0x83: {  	v10 =	vor.u32 v7, v10;
	v12 =	vshll.u32 v12, $0x3  }
0x84: {  	v13 =	vor.u32 s30, v5;
	v14 =	vadd.s32 v8, v12  }
0x85: {  	vm1 =	veq.s32 v13, $0x0  }
0x86: {  	vm1 =	vmand vm0, vm1  }
0x87: {  	v13 =	vshrl.u32 v13, $0x2;
	v15 =	vsel vm1, $0xFFFFFFFF, v4  }
0x88: {  	v13 =	vadd.s32 v15, v13;
	[tilespmem:v10+s15+$0x0] =	vst.idx.msk $0xffff, v11  }
0x89: {  	v11 =	vshll.u32 v13, $0x7;
	v10 =	vld.idx.msk [tilespmem:v14+s2+$0x0], $0xffff  }
0x8a: {  	v13 =	vor.u32 v6, v11  }
0x8b: {  	v12 =	vadd.s32 v9, v12;
	_ =	sdelay $0x1  }
0x8c: {  	s30 =	sadd.s32 $0xFFFFFFA0, s28  }
0x8d: {  	v14 =	vmov s30  }
0x8e: {  	[tilespmem:v13+s15+$0x0] =	vst.idx.msk $0xffff, v10;
	v10 =	vor.u32 s30, v5;
	v13 =	vshll.u32 v14, $0x3  }
0x8f: {  	v12 =	vld.idx.msk [tilespmem:v12+s2+$0x0], $0xffff;
	v14 =	vand.u32 $0x1F, v10;
	v13 =	vand.u32 $0x1C00, v13  }
0x90: {  	v11 =	vor.u32 v7, v11;
	v13 =	vor.u32 v14, v13  }
0x91: {  	v14 =	vadd.s32 v1, v13;
	_ =	sdelay $0x3  }
0x92: {  	v10 =	vshll.u32 v10, $0x5;
	[tilespmem:v11+s15+$0x0] =	vst.idx.msk $0xffff, v12  }
0x93: {  	v10 =	vand.u32 $0x7FFFF380, v10;
	v11 =	vld.idx.msk [tilespmem:v14+s2+$0x0], $0xffff  }
0x94: {  	v12 =	vor.u32 v6, v10  }
0x95: {  	v13 =	vadd.s32 v2, v13;
	_ =	sdelay $0x1  }
0x96: {  	s30 =	sadd.s32 $0xFFFFFFB0, s28  }
0x97: {  	v14 =	vmov s30  }
0x98: {  	[tilespmem:v12+s15+$0x0] =	vst.idx.msk $0xffff, v11;
	v11 =	vor.u32 s30, v5;
	v12 =	vshll.u32 v14, $0x3  }
0x99: {  	v13 =	vld.idx.msk [tilespmem:v13+s2+$0x0], $0xffff;
	v14 =	vand.u32 $0x2F, v11;
	v12 =	vand.u32 $0x1C00, v12  }
0x9a: {  	v10 =	vor.u32 v7, v10;
	v12 =	vor.u32 v14, v12  }
0x9b: {  	v14 =	vadd.s32 v1, v12;
	_ =	sdelay $0x3  }
0x9c: {  	[tilespmem:v10+s15+$0x0] =	vst.idx.msk $0xffff, v13;
	v10 =	vshll.u32 v11, $0x5  }
0x9d: {  	v11 =	vld.idx.msk [tilespmem:v14+s2+$0x0], $0xffff;
	v10 =	vand.u32 $0x7FFFF580, v10  }
0x9e: {  	v13 =	vor.u32 v6, v10  }
0x9f: {  	v12 =	vadd.s32 v2, v12;
	_ =	sdelay $0x1  }
0xa0: {  	s30 =	sadd.s32 $0xFFFFFFC0, s28  }
0xa1: {  	v14 =	vmov s30  }
0xa2: {  	[tilespmem:v13+s15+$0x0] =	vst.idx.msk $0xffff, v11;
	v11 =	vor.u32 s30, v5;
	v13 =	vshll.u32 v14, $0x3  }
0xa3: {  	v12 =	vld.idx.msk [tilespmem:v12+s2+$0x0], $0xffff;
	v14 =	vand.u32 $0x3F, v11;
	v13 =	vand.u32 $0x1C00, v13  }
0xa4: {  	v10 =	vor.u32 v7, v10;
	v13 =	vor.u32 v14, v13  }
0xa5: {  	v14 =	vadd.s32 v1, v13;
	_ =	sdelay $0x3  }
0xa6: {  	[tilespmem:v10+s15+$0x0] =	vst.idx.msk $0xffff, v12;
	v10 =	vshll.u32 v11, $0x5  }
0xa7: {  	v11 =	vld.idx.msk [tilespmem:v14+s2+$0x0], $0xffff;
	v10 =	vand.u32 $0x7FFFF780, v10  }
0xa8: {  	v12 =	vor.u32 v6, v10  }
0xa9: {  	v13 =	vadd.s32 v2, v13;
	_ =	sdelay $0x1  }
0xaa: {  	s30 =	sadd.s32 $0xFFFFFFD0, s28  }
0xab: {  	v14 =	vmov s30  }
0xac: {  	[tilespmem:v12+s15+$0x0] =	vst.idx.msk $0xffff, v11;
	v11 =	vor.u32 s30, v5;
	v12 =	vshll.u32 v14, $0x3  }
0xad: {  	v13 =	vld.idx.msk [tilespmem:v13+s2+$0x0], $0xffff;
	v14 =	vand.u32 $0x4F, v11;
	v12 =	vand.u32 $0x1C00, v12  }
0xae: {  	v10 =	vor.u32 v7, v10;
	v12 =	vor.u32 v14, v12  }
0xaf: {  	v14 =	vadd.s32 v1, v12;
	_ =	sdelay $0x3  }
0xb0: {  	[tilespmem:v10+s15+$0x0] =	vst.idx.msk $0xffff, v13;
	v10 =	vshll.u32 v11, $0x5  }
0xb1: {  	v11 =	vld.idx.msk [tilespmem:v14+s2+$0x0], $0xffff;
	v10 =	vand.u32 $0x7FFFF980, v10  }
0xb2: {  	v13 =	vor.u32 v6, v10  }
0xb3: {  	v12 =	vadd.s32 v2, v12;
	_ =	sdelay $0x1  }
0xb4: {  	s30 =	sadd.s32 $0xFFFFFFE0, s28  }
0xb5: {  	v14 =	vmov s30  }
0xb6: {  	[tilespmem:v13+s15+$0x0] =	vst.idx.msk $0xffff, v11;
	v11 =	vor.u32 s30, v5;
	v13 =	vshll.u32 v14, $0x3  }
0xb7: {  	v12 =	vld.idx.msk [tilespmem:v12+s2+$0x0], $0xffff;
	v14 =	vand.u32 $0x5F, v11;
	v13 =	vand.u32 $0x1C00, v13  }
0xb8: {  	v10 =	vor.u32 v7, v10;
	v13 =	vor.u32 v14, v13  }
0xb9: {  	v14 =	vadd.s32 v1, v13;
	_ =	sdelay $0x3  }
0xba: {  	[tilespmem:v10+s15+$0x0] =	vst.idx.msk $0xffff, v12;
	v10 =	vshll.u32 v11, $0x5  }
0xbb: {  	v11 =	vld.idx.msk [tilespmem:v14+s2+$0x0], $0xffff;
	v10 =	vand.u32 $0x7FFFFB80, v10  }
0xbc: {  	v12 =	vor.u32 v6, v10  }
0xbd: {  	v13 =	vadd.s32 v2, v13;
	_ =	sdelay $0x1  }
0xbe: {  	s30 =	sadd.s32 $0xFFFFFFF0, s28  }
0xbf: {  	v14 =	vmov s30  }
0xc0: {  	[tilespmem:v12+s15+$0x0] =	vst.idx.msk $0xffff, v11;
	v11 =	vor.u32 s30, v5;
	v12 =	vshll.u32 v14, $0x3  }
0xc1: {  	v13 =	vld.idx.msk [tilespmem:v13+s2+$0x0], $0xffff;
	v14 =	vand.u32 $0x6F, v11;
	v12 =	vand.u32 $0x1C00, v12  }
0xc2: {  	v10 =	vor.u32 v7, v10;
	v12 =	vor.u32 v14, v12  }
0xc3: {  	v14 =	vadd.s32 v1, v12;
	_ =	sdelay $0x3  }
0xc4: {  	[tilespmem:v10+s15+$0x0] =	vst.idx.msk $0xffff, v13;
	v10 =	vshll.u32 v11, $0x5  }
0xc5: {  	v11 =	vld.idx.msk [tilespmem:v14+s2+$0x0], $0xffff;
	v10 =	vand.u32 $0x7FFFFD80, v10  }
0xc6: {  	v13 =	vor.u32 v6, v10  }
0xc7: {  	v12 =	vadd.s32 v2, v12;
	_ =	sdelay $0x2  }
0xc8: {  	v14 =	vmov s28  }
0xc9: {  	[tilespmem:v13+s15+$0x0] =	vst.idx.msk $0xffff, v11;
	v11 =	vor.u32 s28, v5;
	v13 =	vshll.u32 v14, $0x3;
	s28 =	smov.u32 s29  }
0xca: {  	v12 =	vld.idx.msk [tilespmem:v12+s2+$0x0], $0xffff;
	v14 =	vand.u32 $0x7F, v11;
	v13 =	vand.u32 $0x1C00, v13  }
0xcb: {  	v10 =	vor.u32 v7, v10;
	v13 =	vor.u32 v14, v13  }
0xcc: {  	v14 =	vadd.s32 v1, v13;
	_ =	sdelay $0x3  }
0xcd: {  	[tilespmem:v10+s15+$0x0] =	vst.idx.msk $0xffff, v12;
	v10 =	vshll.u32 v11, $0x5  }
0xce: {  	v12 =	vld.idx.msk [tilespmem:v14+s2+$0x0], $0xffff;
	v10 =	vand.u32 $0x7FFFFF80, v10  }
0xcf: {  	v14 =	vor.u32 v6, v10  }
.Ltmp5:
0xd0: {  	v11 =	vadd.s32 v2, v13;
	(pc) =	sbr.rel @p3 .LBB2_5-.Ltmp5, $2  }
0xd1: {  	_ =	sdelay $0x2  }
0xd2: {  	s29 =	sadd.s32 $0x80, s29;
	s30 =	sadd.s32 $0xFFFFFF90, s28;
	[tilespmem:v14+s15+$0x0] =	vst.idx.msk $0xffff, v12  }
0xd3: {  	_ =	sdelay $0x2  }
0xd4: {  	v12 =	vmov s30  }
0xd5: {  	v11 =	vld.idx.msk [tilespmem:v11+s2+$0x0], $0xffff;
	v10 =	vor.u32 v7, v10;
	v13 =	vor.u32 s30, v5;
	v12 =	vshll.u32 v12, $0x3  }
0xd6: {  	vm1 =	veq.s32 v13, $0x0;
	v8 =	vadd.s32 v8, v12  }
0xd7: {  	vm0 =	vmand vm0, vm1  }
0xd8: {  	v13 =	vshrl.u32 v13, $0x2;
	v14 =	vsel vm0, $0xFFFFFFFF, v4  }
0xd9: {  	v13 =	vadd.s32 v14, v13  }
0xda: {  	[tilespmem:v10+s15+$0x0] =	vst.idx.msk $0xffff, v11;
	v17 =	vshll.u32 v13, $0x7  }
0xdb: {  	v18 =	vor.u32 v6, v17;
	v8 =	vld.idx.msk [tilespmem:v8+s2+$0x0], $0xffff  }
0xdc: {  	v9 =	vadd.s32 v9, v12  }
0xdd: {  	s29 =	sadd.s32 $0xFFFFFFA0, s28  }
0xde: {  	v19 =	vmov s29  }
0xdf: {  	v20 =	vor.u32 s29, v5;
	v12 =	vshll.u32 v19, $0x3  }
0xe0: {  	v21 =	vand.u32 $0x1F, v20;
	v22 =	vand.u32 $0x1C00, v12;
	[tilespmem:v18+s15+$0x0] =	vst.idx.msk $0xffff, v8  }
0xe1: {  	v10 =	vor.u32 v7, v17;
	v8 =	vor.u32 v21, v22;
	v9 =	vld.idx.msk [tilespmem:v9+s2+$0x0], $0xffff  }
0xe2: {  	v11 =	vadd.s32 v1, v8;
	_ =	sdelay $0x2  }
0xe3: {  	v23 =	vshll.u32 v20, $0x5  }
0xe4: {  	v24 =	vand.u32 $0x7FFFF380, v23;
	[tilespmem:v10+s15+$0x0] =	vst.idx.msk $0xffff, v9  }
0xe5: {  	v25 =	vor.u32 v6, v24;
	v10 =	vld.idx.msk [tilespmem:v11+s2+$0x0], $0xffff  }
0xe6: {  	v8 =	vadd.s32 v2, v8  }
0xe7: {  	s31 =	sadd.s32 $0xFFFFFFB0, s28  }
0xe8: {  	v26 =	vmov s31  }
0xe9: {  	v27 =	vor.u32 s31, v5;
	v12 =	vshll.u32 v26, $0x3  }
0xea: {  	v28 =	vand.u32 $0x2F, v27;
	v29 =	vand.u32 $0x1C00, v12;
	[tilespmem:v25+s15+$0x0] =	vst.idx.msk $0xffff, v10  }
0xeb: {  	v9 =	vor.u32 v7, v24;
	v10 =	vor.u32 v28, v29;
	v8 =	vld.idx.msk [tilespmem:v8+s2+$0x0], $0xffff  }
0xec: {  	v11 =	vadd.s32 v1, v10;
	_ =	sdelay $0x2  }
0xed: {  	v30 =	vshll.u32 v27, $0x5  }
0xee: {  	v31 =	vand.u32 $0x7FFFF580, v30;
	[tilespmem:v9+s15+$0x0] =	vst.idx.msk $0xffff, v8  }
0xef: {  	v32 =	vor.u32 v6, v31;
	v9 =	vld.idx.msk [tilespmem:v11+s2+$0x0], $0xffff  }
0xf0: {  	v10 =	vadd.s32 v2, v10  }
0xf1: {  	s30 =	sadd.s32 $0xFFFFFFC0, s28  }
0xf2: {  	v33 =	vmov s30  }
0xf3: {  	v34 =	vor.u32 s30, v5;
	v12 =	vshll.u32 v33, $0x3  }
0xf4: {  	v35 =	vand.u32 $0x3F, v34;
	v36 =	vand.u32 $0x1C00, v12;
	[tilespmem:v32+s15+$0x0] =	vst.idx.msk $0xffff, v9  }
0xf5: {  	v8 =	vor.u32 v7, v31;
	v9 =	vor.u32 v35, v36;
	v10 =	vld.idx.msk [tilespmem:v10+s2+$0x0], $0xffff  }
0xf6: {  	v11 =	vadd.s32 v1, v9;
	_ =	sdelay $0x2  }
0xf7: {  	v37 =	vshll.u32 v34, $0x5  }
0xf8: {  	v38 =	vand.u32 $0x7FFFF780, v37;
	[tilespmem:v8+s15+$0x0] =	vst.idx.msk $0xffff, v10  }
0xf9: {  	v39 =	vor.u32 v6, v38;
	v10 =	vld.idx.msk [tilespmem:v11+s2+$0x0], $0xffff  }
0xfa: {  	v9 =	vadd.s32 v2, v9  }
0xfb: {  	s31 =	sadd.s32 $0xFFFFFFD0, s28  }
0xfc: {  	v40 =	vmov s31  }
0xfd: {  	v41 =	vor.u32 s31, v5;
	v12 =	vshll.u32 v40, $0x3  }
0xfe: {  	v42 =	vand.u32 $0x4F, v41;
	v43 =	vand.u32 $0x1C00, v12;
	[tilespmem:v39+s15+$0x0] =	vst.idx.msk $0xffff, v10  }
0xff: {  	v8 =	vor.u32 v7, v38;
	v10 =	vor.u32 v42, v43;
	v9 =	vld.idx.msk [tilespmem:v9+s2+$0x0], $0xffff  }
0x100: {  	v11 =	vadd.s32 v1, v10;
	_ =	sdelay $0x2  }
0x101: {  	v44 =	vshll.u32 v41, $0x5  }
0x102: {  	v45 =	vand.u32 $0x7FFFF980, v44;
	[tilespmem:v8+s15+$0x0] =	vst.idx.msk $0xffff, v9  }
0x103: {  	v46 =	vor.u32 v6, v45;
	v9 =	vld.idx.msk [tilespmem:v11+s2+$0x0], $0xffff  }
0x104: {  	v10 =	vadd.s32 v2, v10  }
0x105: {  	s30 =	sadd.s32 $0xFFFFFFE0, s28  }
0x106: {  	v47 =	vmov s30  }
0x107: {  	v48 =	vor.u32 s30, v5;
	v12 =	vshll.u32 v47, $0x3  }
0x108: {  	v49 =	vand.u32 $0x5F, v48;
	v50 =	vand.u32 $0x1C00, v12;
	[tilespmem:v46+s15+$0x0] =	vst.idx.msk $0xffff, v9  }
0x109: {  	v8 =	vor.u32 v7, v45;
	v9 =	vor.u32 v49, v50;
	v10 =	vld.idx.msk [tilespmem:v10+s2+$0x0], $0xffff  }
0x10a: {  	v11 =	vadd.s32 v1, v9;
	_ =	sdelay $0x2  }
0x10b: {  	v51 =	vshll.u32 v48, $0x5  }
0x10c: {  	v52 =	vand.u32 $0x7FFFFB80, v51;
	[tilespmem:v8+s15+$0x0] =	vst.idx.msk $0xffff, v10  }
0x10d: {  	v53 =	vor.u32 v6, v52;
	v10 =	vld.idx.msk [tilespmem:v11+s2+$0x0], $0xffff  }
0x10e: {  	v9 =	vadd.s32 v2, v9  }
0x10f: {  	s31 =	sadd.s32 $0xFFFFFFF0, s28  }
0x110: {  	v54 =	vmov s31  }
0x111: {  	v55 =	vor.u32 s31, v5;
	v12 =	vshll.u32 v54, $0x3  }
0x112: {  	v56 =	vand.u32 $0x6F, v55;
	v57 =	vand.u32 $0x1C00, v12;
	[tilespmem:v53+s15+$0x0] =	vst.idx.msk $0xffff, v10  }
0x113: {  	v8 =	vor.u32 v7, v52;
	v10 =	vor.u32 v56, v57;
	v9 =	vld.idx.msk [tilespmem:v9+s2+$0x0], $0xffff  }
0x114: {  	v11 =	vadd.s32 v1, v10;
	_ =	sdelay $0x2  }
0x115: {  	v58 =	vshll.u32 v55, $0x5  }
0x116: {  	v59 =	vand.u32 $0x7FFFFD80, v58;
	[tilespmem:v8+s15+$0x0] =	vst.idx.msk $0xffff, v9  }
0x117: {  	v60 =	vor.u32 v6, v59;
	v9 =	vld.idx.msk [tilespmem:v11+s2+$0x0], $0xffff  }
0x118: {  	v10 =	vadd.s32 v2, v10;
	_ =	sdelay $0x1  }
0x119: {  	v61 =	vmov s28  }
0x11a: {  	v5 =	vor.u32 s28, v5;
	v12 =	vshll.u32 v61, $0x3  }
0x11b: {  	v62 =	vand.u32 $0x7F, v5;
	v63 =	vand.u32 $0x1C00, v12;
	[tilespmem:v60+s15+$0x0] =	vst.idx.msk $0xffff, v9  }
0x11c: {  	v8 =	vor.u32 v7, v59;
	v9 =	vor.u32 v62, v63;
	v10 =	vld.idx.msk [tilespmem:v10+s2+$0x0], $0xffff  }
0x11d: {  	v11 =	vadd.s32 v1, v9;
	_ =	sdelay $0x2  }
0x11e: {  	v5 =	vshll.u32 v5, $0x5  }
0x11f: {  	v5 =	vand.u32 $0x7FFFFF80, v5;
	[tilespmem:v8+s15+$0x0] =	vst.idx.msk $0xffff, v10  }
0x120: {  	v6 =	vor.u32 v6, v5;
	v8 =	vld.idx.msk [tilespmem:v11+s2+$0x0], $0xffff  }
0x121: {  	v9 =	vadd.s32 v2, v9;
	_ =	sdelay $0x3  }
0x122: {  	s26 =	sadd.s32 $0x1, s26;
	[tilespmem:v6+s15+$0x0] =	vst.idx.msk $0xffff, v8  }
0x123: {  	p3 =	sne.s32 s26, $0x10;
	v5 =	vor.u32 v7, v5;
	v6 =	vld.idx.msk [tilespmem:v9+s2+$0x0], $0xffff  }
.Ltmp6:
0x124: {  	_ = 	snop;
	(pc) =	sbr.rel @p3 .LBB2_4-.Ltmp6, $2  }
0x125: {  	_ =	sdelay $0x2  }
0x126: {  	[tilespmem:v5+s15+$0x0] =	vst.idx.msk $0xffff, v6  }
0x127: {  	s25 =	smul.u32 $0xE00, s25;
	_ =	sdelay $0x1  }
0x128: {  	s25 =	sadd.s32 s6, s25  }
0x129: {  	[hbm4b:s25+s2] =	stream.linear.scatter [tilespmem:s15], [sflag:$0x3], $0x7000, $0x38;
	[tilespmem:$0x1C000] =	vst v63  }
.LBB2_8:
0x12a: {  	s24 =	sadd.s32 s9, s24  }
.Ltmp7:
0x12b: {  	p3 =	sgt.u32 s24, $0x45B;
	(pc) =	sbr.rel @p2 .LBB2_14-.Ltmp7, $4  }
0x12c: {  	s24 =	smul.u32 @!p3 $0x380, s24  }
0x12d: {  	s25 =	simm.s32 @!p3 $0x1C00  }
0x12e: {  	s26 =	simm.s32 @!p3 $0x7A1400;
	s28 =	simm.s32 @!p3 $0x0;
	s24 =	sadd.s32 @!p3 s0, s24  }
0x12f: {  	[tilespmem:s28], [sflag:$0x1] =	stream.strided.gather @!p3 [hbm4b:s24+s25], $0x7000, s26, s25, $0x38;
	[tilespmem:$0x1C000] =	vst v63  }
0x130: {  	_ =	swait.ge [sflag:s16], $0x7000  }
0x131: {  	[sflag:s16] =	ssyncset.done $0x0  }
0x132: {  	s24 =	simm.s32 @!p1 $0x4;
	[sflag:s16] =	ssyncadd.s32 $0xFFFF9000  }
0x133: {  	_ =	swait.ge @!p1 [sflag:s24], $0x7000  }
0x134: {  	[sflag:s24] =	ssyncset.done @!p1 $0x0  }
0x135: {  	[sflag:s24] =	ssyncadd.s32 @!p1 $0xFFFF9000;
	s24 =	simm.s32 $0x0  }
.LBB2_10:
0x136: {  	v6 =	vadd.s32 s24, v0;
	s25 =	simm.s32 $0x0  }
0x137: {  	v5 =	vand.u32 $0xF, v6;
	v7 =	vand.u32 $0x3, v6;
	v9 =	vmov s25  }
0x138: {  	v8 =	vor.u32 v1, v5;
	v10 =	vshll.u32 v9, $0x3;
	v9 =	vor.u32 s25, v5  }
0x139: {  	vm0 =	vne.s32 v7, $0x0;
	v7 =	vadd.s32 v8, v10;
	vm1 =	veq.s32 v9, $0x0  }
0x13a: {  	vm1 =	vmand vm0, vm1  }
0x13b: {  	v6 =	vshll.u32 v6, $0x5;
	v9 =	vshrl.u32 v9, $0x2;
	v11 =	vsel vm1, $0xFFFFFFFF, v4  }
0x13c: {  	v12 =	vand.u32 $0x60, v6;
	v9 =	vadd.s32 v11, v9  }
0x13d: {  	v6 =	vor.u32 v0, v12;
	v11 =	vshll.u32 v9, $0x7  }
0x13e: {  	v9 =	vor.u32 v2, v5;
	v13 =	vld.idx.msk [tilespmem:v7+s17+$0x0], $0xffff;
	v14 =	vor.u32 v6, v11  }
0x13f: {  	v10 =	vadd.s32 v9, v10  }
0x140: {  	s29 =	simm.s32 $0x10  }
0x141: {  	v7 =	vmov s29  }
0x142: {  	v15 =	vor.u32 s29, v5;
	v16 =	vshll.u32 v7, $0x3  }
0x143: {  	v28 =	vand.u32 $0x1F, v15;
	v7 =	vor.u32 v3, v12;
	v29 =	vand.u32 $0x1C00, v16;
	[tilespmem:v14+s18+$0x0] =	vst.idx.msk $0xffff, v13  }
0x144: {  	v11 =	vor.u32 v7, v11;
	v12 =	vor.u32 v28, v29;
	v10 =	vld.idx.msk [tilespmem:v10+s17+$0x0], $0xffff  }
0x145: {  	v13 =	vadd.s32 v1, v12;
	_ =	sdelay $0x2  }
0x146: {  	v30 =	vshll.u32 v15, $0x5  }
0x147: {  	[tilespmem:v11+s18+$0x0] =	vst.idx.msk $0xffff, v10;
	v10 =	vand.u32 $0x7FFFF380, v30  }
0x148: {  	v11 =	vld.idx.msk [tilespmem:v13+s17+$0x0], $0xffff;
	v31 =	vor.u32 v6, v10  }
0x149: {  	v12 =	vadd.s32 v2, v12  }
0x14a: {  	s30 =	simm.s32 $0x20  }
0x14b: {  	v32 =	vmov s30  }
0x14c: {  	v33 =	vor.u32 s30, v5;
	v14 =	vshll.u32 v32, $0x3  }
0x14d: {  	v34 =	vand.u32 $0x1C00, v14;
	[tilespmem:v31+s18+$0x0] =	vst.idx.msk $0xffff, v11;
	v11 =	vand.u32 $0x2F, v33  }
0x14e: {  	v10 =	vor.u32 v7, v10;
	v12 =	vld.idx.msk [tilespmem:v12+s17+$0x0], $0xffff;
	v11 =	vor.u32 v11, v34  }
0x14f: {  	v13 =	vadd.s32 v1, v11;
	_ =	sdelay $0x2  }
0x150: {  	v35 =	vshll.u32 v33, $0x5  }
0x151: {  	[tilespmem:v10+s18+$0x0] =	vst.idx.msk $0xffff, v12;
	v10 =	vand.u32 $0x7FFFF580, v35  }
0x152: {  	v12 =	vld.idx.msk [tilespmem:v13+s17+$0x0], $0xffff;
	v36 =	vor.u32 v6, v10  }
0x153: {  	v11 =	vadd.s32 v2, v11  }
0x154: {  	s31 =	simm.s32 $0x30  }
0x155: {  	v37 =	vmov s31  }
0x156: {  	v38 =	vor.u32 s31, v5;
	v14 =	vshll.u32 v37, $0x3  }
0x157: {  	v39 =	vand.u32 $0x3F, v38;
	v40 =	vand.u32 $0x1C00, v14;
	[tilespmem:v36+s18+$0x0] =	vst.idx.msk $0xffff, v12  }
0x158: {  	v10 =	vor.u32 v7, v10;
	v12 =	vor.u32 v39, v40;
	v11 =	vld.idx.msk [tilespmem:v11+s17+$0x0], $0xffff  }
0x159: {  	v13 =	vadd.s32 v1, v12;
	_ =	sdelay $0x2  }
0x15a: {  	v41 =	vshll.u32 v38, $0x5  }
0x15b: {  	[tilespmem:v10+s18+$0x0] =	vst.idx.msk $0xffff, v11;
	v10 =	vand.u32 $0x7FFFF780, v41  }
0x15c: {  	v11 =	vld.idx.msk [tilespmem:v13+s17+$0x0], $0xffff;
	v42 =	vor.u32 v6, v10  }
0x15d: {  	v12 =	vadd.s32 v2, v12  }
0x15e: {  	s26 =	simm.s32 $0x40  }
0x15f: {  	v43 =	vmov s26  }
0x160: {  	v44 =	vor.u32 s26, v5;
	v14 =	vshll.u32 v43, $0x3  }
0x161: {  	v45 =	vand.u32 $0x1C00, v14;
	[tilespmem:v42+s18+$0x0] =	vst.idx.msk $0xffff, v11;
	v11 =	vand.u32 $0x4F, v44  }
0x162: {  	v10 =	vor.u32 v7, v10;
	v12 =	vld.idx.msk [tilespmem:v12+s17+$0x0], $0xffff;
	v11 =	vor.u32 v11, v45  }
0x163: {  	v13 =	vadd.s32 v1, v11;
	_ =	sdelay $0x2  }
0x164: {  	v46 =	vshll.u32 v44, $0x5  }
0x165: {  	[tilespmem:v10+s18+$0x0] =	vst.idx.msk $0xffff, v12;
	v10 =	vand.u32 $0x7FFFF980, v46  }
0x166: {  	v12 =	vld.idx.msk [tilespmem:v13+s17+$0x0], $0xffff;
	v47 =	vor.u32 v6, v10  }
0x167: {  	v11 =	vadd.s32 v2, v11  }
0x168: {  	s29 =	simm.s32 $0x50  }
0x169: {  	v48 =	vmov s29  }
0x16a: {  	v49 =	vor.u32 s29, v5;
	v14 =	vshll.u32 v48, $0x3  }
0x16b: {  	v50 =	vand.u32 $0x5F, v49;
	v51 =	vand.u32 $0x1C00, v14;
	[tilespmem:v47+s18+$0x0] =	vst.idx.msk $0xffff, v12  }
0x16c: {  	v10 =	vor.u32 v7, v10;
	v12 =	vor.u32 v50, v51;
	v11 =	vld.idx.msk [tilespmem:v11+s17+$0x0], $0xffff  }
0x16d: {  	v13 =	vadd.s32 v1, v12;
	_ =	sdelay $0x2  }
0x16e: {  	v52 =	vshll.u32 v49, $0x5  }
0x16f: {  	[tilespmem:v10+s18+$0x0] =	vst.idx.msk $0xffff, v11;
	v10 =	vand.u32 $0x7FFFFB80, v52  }
0x170: {  	v11 =	vld.idx.msk [tilespmem:v13+s17+$0x0], $0xffff;
	v53 =	vor.u32 v6, v10  }
0x171: {  	v12 =	vadd.s32 v2, v12  }
0x172: {  	s30 =	simm.s32 $0x60  }
0x173: {  	v54 =	vmov s30  }
0x174: {  	v55 =	vor.u32 s30, v5;
	v14 =	vshll.u32 v54, $0x3  }
0x175: {  	v56 =	vand.u32 $0x1C00, v14;
	[tilespmem:v53+s18+$0x0] =	vst.idx.msk $0xffff, v11;
	v11 =	vand.u32 $0x6F, v55  }
0x176: {  	v10 =	vor.u32 v7, v10;
	v12 =	vld.idx.msk [tilespmem:v12+s17+$0x0], $0xffff;
	v11 =	vor.u32 v11, v56  }
0x177: {  	v13 =	vadd.s32 v1, v11;
	_ =	sdelay $0x2  }
0x178: {  	v57 =	vshll.u32 v55, $0x5  }
0x179: {  	[tilespmem:v10+s18+$0x0] =	vst.idx.msk $0xffff, v12;
	v10 =	vand.u32 $0x7FFFFD80, v57  }
0x17a: {  	v12 =	vld.idx.msk [tilespmem:v13+s17+$0x0], $0xffff;
	v58 =	vor.u32 v6, v10  }
0x17b: {  	v11 =	vadd.s32 v2, v11  }
0x17c: {  	s31 =	simm.s32 $0x70  }
0x17d: {  	v59 =	vmov s31  }
0x17e: {  	v60 =	vor.u32 s31, v5;
	v14 =	vshll.u32 v59, $0x3  }
0x17f: {  	v61 =	vand.u32 $0x7F, v60;
	v62 =	vand.u32 $0x1C00, v14;
	[tilespmem:v58+s18+$0x0] =	vst.idx.msk $0xffff, v12  }
0x180: {  	v10 =	vor.u32 v7, v10;
	v12 =	vor.u32 v61, v62;
	v11 =	vld.idx.msk [tilespmem:v11+s17+$0x0], $0xffff  }
0x181: {  	v13 =	vadd.s32 v1, v12;
	_ =	sdelay $0x2  }
0x182: {  	v63 =	vshll.u32 v60, $0x5  }
0x183: {  	[tilespmem:v10+s18+$0x0] =	vst.idx.msk $0xffff, v11;
	v10 =	vand.u32 $0x7FFFFF80, v63  }
0x184: {  	v13 =	vld.idx.msk [tilespmem:v13+s17+$0x0], $0xffff;
	v14 =	vor.u32 v6, v10  }
0x185: {  	v11 =	vadd.s32 v2, v12;
	_ =	sdelay $0x3  }
0x186: {  	s28 =	simm.s32 $0x80;
	s25 =	simm.s32 $0xF0;
	s26 =	simm.s32 $0x170;
	[tilespmem:v14+s18+$0x0] =	vst.idx.msk $0xffff, v13  }
.LBB2_11:
0x187: {  	p1 =	sne.s32 s26, $0x370;
	v12 =	vmov s28;
	v11 =	vld.idx.msk [tilespmem:v11+s17+$0x0], $0xffff  }
0x188: {  	v10 =	vor.u32 v7, v10;
	v12 =	vshll.u32 v12, $0x3  }
0x189: {  	v13 =	vor.u32 s28, v5;
	v14 =	vadd.s32 v8, v12  }
0x18a: {  	vm1 =	veq.s32 v13, $0x0  }
0x18b: {  	vm1 =	vmand vm0, vm1  }
0x18c: {  	v13 =	vshrl.u32 v13, $0x2;
	v15 =	vsel vm1, $0xFFFFFFFF, v4  }
0x18d: {  	v13 =	vadd.s32 v15, v13;
	[tilespmem:v10+s18+$0x0] =	vst.idx.msk $0xffff, v11  }
0x18e: {  	v11 =	vshll.u32 v13, $0x7;
	v10 =	vld.idx.msk [tilespmem:v14+s17+$0x0], $0xffff  }
0x18f: {  	v13 =	vor.u32 v6, v11  }
0x190: {  	v12 =	vadd.s32 v9, v12;
	_ =	sdelay $0x1  }
0x191: {  	s28 =	sadd.s32 $0xFFFFFFA0, s25  }
0x192: {  	v14 =	vmov s28  }
0x193: {  	[tilespmem:v13+s18+$0x0] =	vst.idx.msk $0xffff, v10;
	v10 =	vor.u32 s28, v5;
	v13 =	vshll.u32 v14, $0x3  }
0x194: {  	v12 =	vld.idx.msk [tilespmem:v12+s17+$0x0], $0xffff;
	v14 =	vand.u32 $0x1F, v10;
	v13 =	vand.u32 $0x1C00, v13  }
0x195: {  	v11 =	vor.u32 v7, v11;
	v13 =	vor.u32 v14, v13  }
0x196: {  	v14 =	vadd.s32 v1, v13;
	_ =	sdelay $0x3  }
0x197: {  	v10 =	vshll.u32 v10, $0x5;
	[tilespmem:v11+s18+$0x0] =	vst.idx.msk $0xffff, v12  }
0x198: {  	v10 =	vand.u32 $0x7FFFF380, v10;
	v11 =	vld.idx.msk [tilespmem:v14+s17+$0x0], $0xffff  }
0x199: {  	v12 =	vor.u32 v6, v10  }
0x19a: {  	v13 =	vadd.s32 v2, v13;
	_ =	sdelay $0x1  }
0x19b: {  	s28 =	sadd.s32 $0xFFFFFFB0, s25  }
0x19c: {  	v14 =	vmov s28  }
0x19d: {  	[tilespmem:v12+s18+$0x0] =	vst.idx.msk $0xffff, v11;
	v11 =	vor.u32 s28, v5;
	v12 =	vshll.u32 v14, $0x3  }
0x19e: {  	v13 =	vld.idx.msk [tilespmem:v13+s17+$0x0], $0xffff;
	v14 =	vand.u32 $0x2F, v11;
	v12 =	vand.u32 $0x1C00, v12  }
0x19f: {  	v10 =	vor.u32 v7, v10;
	v12 =	vor.u32 v14, v12  }
0x1a0: {  	v14 =	vadd.s32 v1, v12;
	_ =	sdelay $0x3  }
0x1a1: {  	[tilespmem:v10+s18+$0x0] =	vst.idx.msk $0xffff, v13;
	v10 =	vshll.u32 v11, $0x5  }
0x1a2: {  	v11 =	vld.idx.msk [tilespmem:v14+s17+$0x0], $0xffff;
	v10 =	vand.u32 $0x7FFFF580, v10  }
0x1a3: {  	v13 =	vor.u32 v6, v10  }
0x1a4: {  	v12 =	vadd.s32 v2, v12;
	_ =	sdelay $0x1  }
0x1a5: {  	s28 =	sadd.s32 $0xFFFFFFC0, s25  }
0x1a6: {  	v14 =	vmov s28  }
0x1a7: {  	[tilespmem:v13+s18+$0x0] =	vst.idx.msk $0xffff, v11;
	v11 =	vor.u32 s28, v5;
	v13 =	vshll.u32 v14, $0x3  }
0x1a8: {  	v12 =	vld.idx.msk [tilespmem:v12+s17+$0x0], $0xffff;
	v14 =	vand.u32 $0x3F, v11;
	v13 =	vand.u32 $0x1C00, v13  }
0x1a9: {  	v10 =	vor.u32 v7, v10;
	v13 =	vor.u32 v14, v13  }
0x1aa: {  	v14 =	vadd.s32 v1, v13;
	_ =	sdelay $0x3  }
0x1ab: {  	[tilespmem:v10+s18+$0x0] =	vst.idx.msk $0xffff, v12;
	v10 =	vshll.u32 v11, $0x5  }
0x1ac: {  	v11 =	vld.idx.msk [tilespmem:v14+s17+$0x0], $0xffff;
	v10 =	vand.u32 $0x7FFFF780, v10  }
0x1ad: {  	v12 =	vor.u32 v6, v10  }
0x1ae: {  	v13 =	vadd.s32 v2, v13;
	_ =	sdelay $0x1  }
0x1af: {  	s28 =	sadd.s32 $0xFFFFFFD0, s25  }
0x1b0: {  	v14 =	vmov s28  }
0x1b1: {  	[tilespmem:v12+s18+$0x0] =	vst.idx.msk $0xffff, v11;
	v11 =	vor.u32 s28, v5;
	v12 =	vshll.u32 v14, $0x3  }
0x1b2: {  	v13 =	vld.idx.msk [tilespmem:v13+s17+$0x0], $0xffff;
	v14 =	vand.u32 $0x4F, v11;
	v12 =	vand.u32 $0x1C00, v12  }
0x1b3: {  	v10 =	vor.u32 v7, v10;
	v12 =	vor.u32 v14, v12  }
0x1b4: {  	v14 =	vadd.s32 v1, v12;
	_ =	sdelay $0x3  }
0x1b5: {  	[tilespmem:v10+s18+$0x0] =	vst.idx.msk $0xffff, v13;
	v10 =	vshll.u32 v11, $0x5  }
0x1b6: {  	v11 =	vld.idx.msk [tilespmem:v14+s17+$0x0], $0xffff;
	v10 =	vand.u32 $0x7FFFF980, v10  }
0x1b7: {  	v13 =	vor.u32 v6, v10  }
0x1b8: {  	v12 =	vadd.s32 v2, v12;
	_ =	sdelay $0x1  }
0x1b9: {  	s28 =	sadd.s32 $0xFFFFFFE0, s25  }
0x1ba: {  	v14 =	vmov s28  }
0x1bb: {  	[tilespmem:v13+s18+$0x0] =	vst.idx.msk $0xffff, v11;
	v11 =	vor.u32 s28, v5;
	v13 =	vshll.u32 v14, $0x3  }
0x1bc: {  	v12 =	vld.idx.msk [tilespmem:v12+s17+$0x0], $0xffff;
	v14 =	vand.u32 $0x5F, v11;
	v13 =	vand.u32 $0x1C00, v13  }
0x1bd: {  	v10 =	vor.u32 v7, v10;
	v13 =	vor.u32 v14, v13  }
0x1be: {  	v14 =	vadd.s32 v1, v13;
	_ =	sdelay $0x3  }
0x1bf: {  	[tilespmem:v10+s18+$0x0] =	vst.idx.msk $0xffff, v12;
	v10 =	vshll.u32 v11, $0x5  }
0x1c0: {  	v11 =	vld.idx.msk [tilespmem:v14+s17+$0x0], $0xffff;
	v10 =	vand.u32 $0x7FFFFB80, v10  }
0x1c1: {  	v12 =	vor.u32 v6, v10  }
0x1c2: {  	v13 =	vadd.s32 v2, v13;
	_ =	sdelay $0x1  }
0x1c3: {  	s28 =	sadd.s32 $0xFFFFFFF0, s25  }
0x1c4: {  	v14 =	vmov s28  }
0x1c5: {  	[tilespmem:v12+s18+$0x0] =	vst.idx.msk $0xffff, v11;
	v11 =	vor.u32 s28, v5;
	v12 =	vshll.u32 v14, $0x3  }
0x1c6: {  	v13 =	vld.idx.msk [tilespmem:v13+s17+$0x0], $0xffff;
	v14 =	vand.u32 $0x6F, v11;
	v12 =	vand.u32 $0x1C00, v12  }
0x1c7: {  	v10 =	vor.u32 v7, v10;
	v12 =	vor.u32 v14, v12  }
0x1c8: {  	v14 =	vadd.s32 v1, v12;
	_ =	sdelay $0x3  }
0x1c9: {  	[tilespmem:v10+s18+$0x0] =	vst.idx.msk $0xffff, v13;
	v10 =	vshll.u32 v11, $0x5  }
0x1ca: {  	v11 =	vld.idx.msk [tilespmem:v14+s17+$0x0], $0xffff;
	v10 =	vand.u32 $0x7FFFFD80, v10  }
0x1cb: {  	v13 =	vor.u32 v6, v10  }
0x1cc: {  	v12 =	vadd.s32 v2, v12;
	_ =	sdelay $0x2  }
0x1cd: {  	v14 =	vmov s25  }
0x1ce: {  	[tilespmem:v13+s18+$0x0] =	vst.idx.msk $0xffff, v11;
	v11 =	vor.u32 s25, v5;
	v13 =	vshll.u32 v14, $0x3;
	s25 =	smov.u32 s26  }
0x1cf: {  	v12 =	vld.idx.msk [tilespmem:v12+s17+$0x0], $0xffff;
	v14 =	vand.u32 $0x7F, v11;
	v13 =	vand.u32 $0x1C00, v13  }
0x1d0: {  	v10 =	vor.u32 v7, v10;
	v13 =	vor.u32 v14, v13  }
0x1d1: {  	v14 =	vadd.s32 v1, v13;
	_ =	sdelay $0x3  }
0x1d2: {  	[tilespmem:v10+s18+$0x0] =	vst.idx.msk $0xffff, v12;
	v10 =	vshll.u32 v11, $0x5  }
0x1d3: {  	v12 =	vld.idx.msk [tilespmem:v14+s17+$0x0], $0xffff;
	v10 =	vand.u32 $0x7FFFFF80, v10  }
0x1d4: {  	v14 =	vor.u32 v6, v10  }
.Ltmp8:
0x1d5: {  	v11 =	vadd.s32 v2, v13;
	(pc) =	sbr.rel @p1 .LBB2_11-.Ltmp8, $2  }
0x1d6: {  	_ =	sdelay $0x2  }
0x1d7: {  	s26 =	sadd.s32 $0x80, s26;
	s28 =	sadd.s32 $0xFFFFFF90, s25;
	[tilespmem:v14+s18+$0x0] =	vst.idx.msk $0xffff, v12  }
0x1d8: {  	_ =	sdelay $0x2  }
0x1d9: {  	v12 =	vmov s28  }
0x1da: {  	v11 =	vld.idx.msk [tilespmem:v11+s17+$0x0], $0xffff;
	v10 =	vor.u32 v7, v10;
	v13 =	vor.u32 s28, v5;
	v12 =	vshll.u32 v12, $0x3  }
0x1db: {  	vm1 =	veq.s32 v13, $0x0;
	v8 =	vadd.s32 v8, v12  }
0x1dc: {  	vm0 =	vmand vm0, vm1  }
0x1dd: {  	v13 =	vshrl.u32 v13, $0x2;
	v14 =	vsel vm0, $0xFFFFFFFF, v4  }
0x1de: {  	v13 =	vadd.s32 v14, v13  }
0x1df: {  	[tilespmem:v10+s18+$0x0] =	vst.idx.msk $0xffff, v11;
	v17 =	vshll.u32 v13, $0x7  }
0x1e0: {  	v18 =	vor.u32 v6, v17;
	v8 =	vld.idx.msk [tilespmem:v8+s17+$0x0], $0xffff  }
0x1e1: {  	v9 =	vadd.s32 v9, v12  }
0x1e2: {  	s26 =	sadd.s32 $0xFFFFFFA0, s25  }
0x1e3: {  	v19 =	vmov s26  }
0x1e4: {  	v20 =	vor.u32 s26, v5;
	v12 =	vshll.u32 v19, $0x3  }
0x1e5: {  	v21 =	vand.u32 $0x1F, v20;
	v22 =	vand.u32 $0x1C00, v12;
	[tilespmem:v18+s18+$0x0] =	vst.idx.msk $0xffff, v8  }
0x1e6: {  	v10 =	vor.u32 v7, v17;
	v8 =	vor.u32 v21, v22;
	v9 =	vld.idx.msk [tilespmem:v9+s17+$0x0], $0xffff  }
0x1e7: {  	v11 =	vadd.s32 v1, v8;
	_ =	sdelay $0x2  }
0x1e8: {  	v23 =	vshll.u32 v20, $0x5  }
0x1e9: {  	v24 =	vand.u32 $0x7FFFF380, v23;
	[tilespmem:v10+s18+$0x0] =	vst.idx.msk $0xffff, v9  }
0x1ea: {  	v25 =	vor.u32 v6, v24;
	v10 =	vld.idx.msk [tilespmem:v11+s17+$0x0], $0xffff  }
0x1eb: {  	v8 =	vadd.s32 v2, v8  }
0x1ec: {  	s31 =	sadd.s32 $0xFFFFFFB0, s25  }
0x1ed: {  	v26 =	vmov s31  }
0x1ee: {  	v27 =	vor.u32 s31, v5;
	v12 =	vshll.u32 v26, $0x3  }
0x1ef: {  	v28 =	vand.u32 $0x2F, v27;
	v29 =	vand.u32 $0x1C00, v12;
	[tilespmem:v25+s18+$0x0] =	vst.idx.msk $0xffff, v10  }
0x1f0: {  	v9 =	vor.u32 v7, v24;
	v10 =	vor.u32 v28, v29;
	v8 =	vld.idx.msk [tilespmem:v8+s17+$0x0], $0xffff  }
0x1f1: {  	v11 =	vadd.s32 v1, v10;
	_ =	sdelay $0x2  }
0x1f2: {  	v30 =	vshll.u32 v27, $0x5  }
0x1f3: {  	v31 =	vand.u32 $0x7FFFF580, v30;
	[tilespmem:v9+s18+$0x0] =	vst.idx.msk $0xffff, v8  }
0x1f4: {  	v32 =	vor.u32 v6, v31;
	v9 =	vld.idx.msk [tilespmem:v11+s17+$0x0], $0xffff  }
0x1f5: {  	v10 =	vadd.s32 v2, v10  }
0x1f6: {  	s28 =	sadd.s32 $0xFFFFFFC0, s25  }
0x1f7: {  	v33 =	vmov s28  }
0x1f8: {  	v34 =	vor.u32 s28, v5;
	v12 =	vshll.u32 v33, $0x3  }
0x1f9: {  	v35 =	vand.u32 $0x3F, v34;
	v36 =	vand.u32 $0x1C00, v12;
	[tilespmem:v32+s18+$0x0] =	vst.idx.msk $0xffff, v9  }
0x1fa: {  	v8 =	vor.u32 v7, v31;
	v9 =	vor.u32 v35, v36;
	v10 =	vld.idx.msk [tilespmem:v10+s17+$0x0], $0xffff  }
0x1fb: {  	v11 =	vadd.s32 v1, v9;
	_ =	sdelay $0x2  }
0x1fc: {  	v37 =	vshll.u32 v34, $0x5  }
0x1fd: {  	v38 =	vand.u32 $0x7FFFF780, v37;
	[tilespmem:v8+s18+$0x0] =	vst.idx.msk $0xffff, v10  }
0x1fe: {  	v39 =	vor.u32 v6, v38;
	v10 =	vld.idx.msk [tilespmem:v11+s17+$0x0], $0xffff  }
0x1ff: {  	v9 =	vadd.s32 v2, v9  }
0x200: {  	s29 =	sadd.s32 $0xFFFFFFD0, s25  }
0x201: {  	v40 =	vmov s29  }
0x202: {  	v41 =	vor.u32 s29, v5;
	v12 =	vshll.u32 v40, $0x3  }
0x203: {  	v42 =	vand.u32 $0x4F, v41;
	v43 =	vand.u32 $0x1C00, v12;
	[tilespmem:v39+s18+$0x0] =	vst.idx.msk $0xffff, v10  }
0x204: {  	v8 =	vor.u32 v7, v38;
	v10 =	vor.u32 v42, v43;
	v9 =	vld.idx.msk [tilespmem:v9+s17+$0x0], $0xffff  }
0x205: {  	v11 =	vadd.s32 v1, v10;
	_ =	sdelay $0x2  }
0x206: {  	v44 =	vshll.u32 v41, $0x5  }
0x207: {  	v45 =	vand.u32 $0x7FFFF980, v44;
	[tilespmem:v8+s18+$0x0] =	vst.idx.msk $0xffff, v9  }
0x208: {  	v46 =	vor.u32 v6, v45;
	v9 =	vld.idx.msk [tilespmem:v11+s17+$0x0], $0xffff  }
0x209: {  	v10 =	vadd.s32 v2, v10  }
0x20a: {  	s30 =	sadd.s32 $0xFFFFFFE0, s25  }
0x20b: {  	v47 =	vmov s30  }
0x20c: {  	v48 =	vor.u32 s30, v5;
	v12 =	vshll.u32 v47, $0x3  }
0x20d: {  	v49 =	vand.u32 $0x5F, v48;
	v50 =	vand.u32 $0x1C00, v12;
	[tilespmem:v46+s18+$0x0] =	vst.idx.msk $0xffff, v9  }
0x20e: {  	v8 =	vor.u32 v7, v45;
	v9 =	vor.u32 v49, v50;
	v10 =	vld.idx.msk [tilespmem:v10+s17+$0x0], $0xffff  }
0x20f: {  	v11 =	vadd.s32 v1, v9;
	_ =	sdelay $0x2  }
0x210: {  	v51 =	vshll.u32 v48, $0x5  }
0x211: {  	v52 =	vand.u32 $0x7FFFFB80, v51;
	[tilespmem:v8+s18+$0x0] =	vst.idx.msk $0xffff, v10  }
0x212: {  	v53 =	vor.u32 v6, v52;
	v10 =	vld.idx.msk [tilespmem:v11+s17+$0x0], $0xffff  }
0x213: {  	v9 =	vadd.s32 v2, v9  }
0x214: {  	s31 =	sadd.s32 $0xFFFFFFF0, s25  }
0x215: {  	v54 =	vmov s31  }
0x216: {  	v55 =	vor.u32 s31, v5;
	v12 =	vshll.u32 v54, $0x3  }
0x217: {  	v56 =	vand.u32 $0x6F, v55;
	v57 =	vand.u32 $0x1C00, v12;
	[tilespmem:v53+s18+$0x0] =	vst.idx.msk $0xffff, v10  }
0x218: {  	v8 =	vor.u32 v7, v52;
	v10 =	vor.u32 v56, v57;
	v9 =	vld.idx.msk [tilespmem:v9+s17+$0x0], $0xffff  }
0x219: {  	v11 =	vadd.s32 v1, v10;
	_ =	sdelay $0x2  }
0x21a: {  	v58 =	vshll.u32 v55, $0x5  }
0x21b: {  	v59 =	vand.u32 $0x7FFFFD80, v58;
	[tilespmem:v8+s18+$0x0] =	vst.idx.msk $0xffff, v9  }
0x21c: {  	v60 =	vor.u32 v6, v59;
	v9 =	vld.idx.msk [tilespmem:v11+s17+$0x0], $0xffff  }
0x21d: {  	v10 =	vadd.s32 v2, v10;
	_ =	sdelay $0x1  }
0x21e: {  	v61 =	vmov s25  }
0x21f: {  	v5 =	vor.u32 s25, v5;
	v12 =	vshll.u32 v61, $0x3  }
0x220: {  	v62 =	vand.u32 $0x7F, v5;
	v63 =	vand.u32 $0x1C00, v12;
	[tilespmem:v60+s18+$0x0] =	vst.idx.msk $0xffff, v9  }
0x221: {  	v8 =	vor.u32 v7, v59;
	v9 =	vor.u32 v62, v63;
	v10 =	vld.idx.msk [tilespmem:v10+s17+$0x0], $0xffff  }
0x222: {  	v11 =	vadd.s32 v1, v9;
	_ =	sdelay $0x2  }
0x223: {  	v5 =	vshll.u32 v5, $0x5  }
0x224: {  	v5 =	vand.u32 $0x7FFFFF80, v5;
	[tilespmem:v8+s18+$0x0] =	vst.idx.msk $0xffff, v10  }
0x225: {  	v6 =	vor.u32 v6, v5;
	v8 =	vld.idx.msk [tilespmem:v11+s17+$0x0], $0xffff  }
0x226: {  	v9 =	vadd.s32 v2, v9;
	_ =	sdelay $0x3  }
0x227: {  	s24 =	sadd.s32 $0x1, s24;
	[tilespmem:v6+s18+$0x0] =	vst.idx.msk $0xffff, v8  }
0x228: {  	p1 =	sne.s32 s24, $0x10;
	v5 =	vor.u32 v7, v5;
	v6 =	vld.idx.msk [tilespmem:v9+s17+$0x0], $0xffff  }
.Ltmp9:
0x229: {  	_ = 	snop;
	(pc) =	sbr.rel @p1 .LBB2_10-.Ltmp9, $2  }
0x22a: {  	_ =	sdelay $0x2  }
0x22b: {  	[tilespmem:v5+s18+$0x0] =	vst.idx.msk $0xffff, v6  }
.Ltmp10:
0x22c: {  	(pc) =	sbr.rel .LBB2_14-.Ltmp10, $3  }
0x22d: {  	s23 =	smul.u32 $0xE00, s23;
	_ =	sdelay $0x1  }
0x22e: {  	s23 =	sadd.s32 s6, s23  }
0x22f: {  	[hbm4b:s23+s2] =	stream.linear.scatter [tilespmem:s18], [sflag:$0x4], $0x7000, $0x38;
	[tilespmem:$0x1C000] =	vst v63  }
.LBB2_16:
0x230: {  	_ =	sfence.sel $0x180000  }
0x231: {  	[bflag:$0x0] =	sbarrier.arrive $0xFFFF  }
0x232: {  	p0 =	sne.s32 s3, $0x0;
	_ =	strace $0x90000047  }
0x233: {  	s0 =	sadd.s32 @!p0 $0x100000, s1;
	[bflag:$0x2] =	sbarrier.arrive $0xFFFF  }
0x234: {  	[sflag:s0] =	ssyncadd.tile.s32 @!p0 $0x1;
	_ =	shalt  }
.Lfunc_end2:
_tile_overlayer_lowered:
.L_overlay_start_2:
0x235: {  	(tag) =	ssettag $0x2  }
0x236: {  	s0 =	rddreg [dreg:$0x0];
	s2 =	stileid.u32  }
0x237: {  	s1 =	rddreg [dreg:$0x1];
	p0 =	sne.s32 s2, $0x0  }
0x238: {  	s3 =	rddreg [dreg:$0x2];
	[bflag:$0x3] =	sbarrier.arrive $0xFFFF;
	s2 =	simm.s32 @!p0 $0x1C05  }
0x239: {  	[timem:s3], [sflag:s2] =	dma.local @!p0 [hbm:s0], s1  }
0x23a: {  	s0 =	simm.s32 @!p0 $0x5  }
0x23b: {  	_ =	swait.ge @!p0 [sflag:s0], s1  }
0x23c: {  	s1 =	ssub.s32 @!p0 $0x0, s1;
	[sflag:s0] =	ssyncset.done @!p0 $0x0  }
0x23d: {  	[sflag:s0] =	ssyncadd.s32 @!p0 s1  }
0x23e: {  	[bflag:$0x3] =	sbarrier.arrive $0xFFFF  }
0x23f: {  	_ =	shalt  }

// kernel: kernel.7.cloned.1.call-start
scs
__scs_entry_jumppad:
0x0: {  	(pc) =	sbr.rel $0x88, $3  }
0x1: {  	(tag) =	ssettag $0x0;
	lr =	simm.s32 $0x1  }
0x2: {  	[smem:$0x3F9F] =	sst lr;
	_ =	strace $0xD0000000  }
0x3: {  	_ = 	snop  }
0x4: {  	_ = 	snop  }
0x5: {  	_ = 	snop  }
0x6: {  	_ = 	snop  }
0x7: {  	_ = 	snop  }
__scs_overlays_trampoline_lowered:
0x8: {  	[smem:$0x3FAE] =	sst s0  }
0x9: {  	[smem:$0x3FAF] =	sst s1  }
0xa: {  	[smem:$0x3FB0] =	sst s2  }
0xb: {  	[smem:$0x3FB1] =	sst s3  }
0xc: {  	[smem:$0x3FB2] =	sst s4  }
0xd: {  	[smem:$0x3FB3] =	sst s5  }
0xe: {  	[smem:$0x3FB4] =	sst s6  }
0xf: {  	[smem:$0x3FB5] =	sst s7  }
0x10: {  	[smem:$0x3FB6] =	sst s8  }
0x11: {  	[smem:$0x3FB7] =	sst s9;
	s0 =	simm.s32 @!p0 $0x0  }
0x12: {  	s1 =	sld [smem:$0x3F9D];
	s0 =	simm.s32 @p0 $0x1  }
0x13: {  	[smem:$0x3FB8] =	sst s0;
	s0 =	simm.s32 @!p1 $0x0  }
0x14: {  	s2 =	sld [smem:$0x3F9C];
	s0 =	simm.s32 @p1 $0x1  }
0x15: {  	[smem:$0x3FB9] =	sst s0;
	s0 =	simm.s32 @!p2 $0x0  }
0x16: {  	s3 =	sld [smem:$0x3FDB];
	s0 =	simm.s32 @p2 $0x1  }
0x17: {  	s4 =	simm.s32 $0x1BF5;
	[smem:$0x3FBB] =	sst s0  }
0x18: {  	s0 =	sld [smem:$0x3F9E];
	_ =	swait.ge [sflag:s4], $0x0  }
0x19: {  	s7 =	sld [smem:$0x3F9F]  }
0x1a: {  	s8 =	sadd.s32 $0xFFFFE003, lr  }
0x1b: {  	s9 =	sadd.s32 $0xFFFFFEF7, lr;
	s5 =	simm.s32 $0xFFFFFFFF;
	p2 =	slt.u32 s8, $0xFFFFF086  }
0x1c: {  	p1 =	slt.u32 s9, $0xF7A;
	s5 =	simm.s32 @!p2 $0x0  }
0x1d: {  	s5 =	simm.s32 @p1 $0x1;
	p0 =	seq.s32 s7, s2  }
0x1e: {  	s7 =	smul.u32 @!p0 $0xF7A, s2;
	p2 =	seq.s32 @!p0 s5, $0x0  }
0x1f: {  	s9 =	smul.u32 $0xF7A, s1;
	s8 =	simm.s32 @!p0 $0x1BF5;
	p2 =	por !p2, p0  }
0x20: {  	[sflag:s8] =	ssyncset.s32 @!p0 $0xFFFFF086;
	s6 =	sadd.s32 @!p0 s3, s7;
	s7 =	simm.s32 @!p0 $0x108  }
0x21: {  	s3 =	sadd.s32 s3, s9;
	s6 =	sadd.s32 @!p0 $0x88, s6;
	s7 =	simm.s32 @p2 $0x1082  }
0x22: {  	[simem:s7], [sflag:s8] =	dma.local @!p0 [hbm:s6], $0xF7A  }
0x23: {  	s9 =	sor.u32 $0xD0000000, s2;
	s6 =	simm.s32 $0x108;
	_ =	swait.ge @!p0 [sflag:s8], $0x0  }
0x24: {  	s3 =	sadd.s32 $0x88, s3;
	s6 =	simm.s32 @!p1 $0x1082;
	[sflag:s4] =	ssyncset.s32 $0xFFFFF086  }
0x25: {  	[simem:s6], [sflag:s4] =	dma.local [hbm:s3], $0xF7A  }
0x26: {  	[smem:$0x3F9F] =	sst s1;
	(tag) =	ssettag s2;
	_ =	strace s9  }
0x27: {  	s1 =	sld [smem:$0x3FAF]  }
0x28: {  	s2 =	sld [smem:$0x3FB0]  }
0x29: {  	s4 =	sld [smem:$0x3FB2]  }
0x2a: {  	p0 =	seq.s32 s5, $0x0;
	s5 =	sld [smem:$0x3FB3]  }
0x2b: {  	s6 =	sld [smem:$0x3FB4]  }
0x2c: {  	s7 =	sld [smem:$0x3FB5]  }
0x2d: {  	s3 =	simm.s32 $0x108;
	s8 =	sld [smem:$0x3FB6]  }
0x2e: {  	s3 =	simm.s32 @!p0 $0x1082;
	s9 =	sld [smem:$0x3FB7]  }
0x2f: {  	lr =	sadd.s32 s0, s3;
	s0 =	sld [smem:$0x3FAE]  }
0x30: {  	s3 =	sld [smem:$0x3FB1]  }
0x31: {  	[smem:$0x3FBA] =	sst s10  }
0x32: {  	s10 =	sld [smem:$0x3FB8];
	_ =	sdelay $0x3  }
0x33: {  	p0 =	seq.s32 s10, $0x1;
	s10 =	sld [smem:$0x3FBA];
	_ =	sdelay $0x3  }
0x34: {  	[smem:$0x3FBA] =	sst s10  }
0x35: {  	s10 =	sld [smem:$0x3FB9];
	_ =	sdelay $0x3  }
0x36: {  	p1 =	seq.s32 s10, $0x1;
	s10 =	sld [smem:$0x3FBA];
	_ =	sdelay $0x3  }
0x37: {  	[smem:$0x3FBA] =	sst s10  }
0x38: {  	s10 =	sld [smem:$0x3FBB]  }
0x39: {  	_ = 	snop;
	(pc) =	sbr.ind lr, $3  }
0x3a: {  	_ = 	snop  }
0x3b: {  	_ = 	snop  }
0x3c: {  	p2 =	seq.s32 s10, $0x1;
	s10 =	sld [smem:$0x3FBA]  }
0x3d: {  	_ =	shalt  }
0x3e: {  	_ =	shalt  }
0x3f: {  	_ =	shalt  }
0x40: {  	_ =	shalt  }
0x41: {  	_ =	shalt  }
0x42: {  	_ =	shalt  }
0x43: {  	_ =	shalt  }
0x44: {  	_ =	shalt  }
0x45: {  	_ =	shalt  }
0x46: {  	_ =	shalt  }
0x47: {  	_ =	shalt  }
0x48: {  	_ =	shalt  }
0x49: {  	_ =	shalt  }
0x4a: {  	_ =	shalt  }
0x4b: {  	_ =	shalt  }
0x4c: {  	_ =	shalt  }
0x4d: {  	_ =	shalt  }
0x4e: {  	_ =	shalt  }
0x4f: {  	_ =	shalt  }
0x50: {  	_ =	shalt  }
0x51: {  	_ =	shalt  }
0x52: {  	_ =	shalt  }
0x53: {  	_ =	shalt  }
0x54: {  	_ =	shalt  }
0x55: {  	_ =	shalt  }
0x56: {  	_ =	shalt  }
0x57: {  	_ =	shalt  }
0x58: {  	_ =	shalt  }
0x59: {  	_ =	shalt  }
0x5a: {  	_ =	shalt  }
0x5b: {  	_ =	shalt  }
0x5c: {  	_ =	shalt  }
0x5d: {  	_ =	shalt  }
0x5e: {  	_ =	shalt  }
0x5f: {  	_ =	shalt  }
0x60: {  	_ =	shalt  }
0x61: {  	_ =	shalt  }
0x62: {  	_ =	shalt  }
0x63: {  	_ =	shalt  }
0x64: {  	_ =	shalt  }
0x65: {  	_ =	shalt  }
0x66: {  	_ =	shalt  }
0x67: {  	_ =	shalt  }
0x68: {  	_ =	shalt  }
0x69: {  	_ =	shalt  }
0x6a: {  	_ =	shalt  }
0x6b: {  	_ =	shalt  }
0x6c: {  	_ =	shalt  }
0x6d: {  	_ =	shalt  }
0x6e: {  	_ =	shalt  }
0x6f: {  	_ =	shalt  }
0x70: {  	_ =	shalt  }
0x71: {  	_ =	shalt  }
0x72: {  	_ =	shalt  }
0x73: {  	_ =	shalt  }
0x74: {  	_ =	shalt  }
0x75: {  	_ =	shalt  }
0x76: {  	_ =	shalt  }
0x77: {  	_ =	shalt  }
0x78: {  	_ =	shalt  }
0x79: {  	_ =	shalt  }
0x7a: {  	_ =	shalt  }
0x7b: {  	_ =	shalt  }
0x7c: {  	_ =	shalt  }
0x7d: {  	_ =	shalt  }
0x7e: {  	_ =	shalt  }
0x7f: {  	_ =	shalt  }
0x80: {  	_ =	shalt  }
0x81: {  	_ =	shalt  }
0x82: {  	_ =	shalt  }
0x83: {  	_ =	shalt  }
0x84: {  	_ =	shalt  }
0x85: {  	_ =	shalt  }
0x86: {  	_ =	shalt  }
0x87: {  	_ =	shalt  }
.Lfunc_end0:
.L_simem_size_0:
called_computation.1_lowered:
.L_overlay_start_0:
0x88: {  	s2 =	sld [smem:$0x3FD9]  }
0x89: {  	s3 =	sld [smem:$0x3FFE];
	_ =	sdelay $0x1  }
0x8a: {  	s1 =	srdreg.scid  }
0x8b: {  	s0 =	sand.u32 $0x1, s1  }
0x8c: {  	s17 =	sshll.u32 s0, $0xA;
	s2 =	sadd.s32 s3, s2  }
0x8d: {  	s2 =	sadd.s32 s2, s17  }
0x8e: {  	[smem:$0x3FC6] =	sst s2  }
0x8f: {  	_ = 	snop  }
0x90: {  	s2 =	sld [smem:$0x3FD0];
	(tm) =	ssettm $0x1  }
0x91: {  	s18 =	sld [smem:$0x3FFB];
	_ =	sdelay $0x3  }
0x92: {  	_ =	strace s18  }
0x93: {  	s3 =	sld [smem:$0x3FFC];
	_ =	sdelay $0x3  }
0x94: {  	_ =	strace s3  }
0x95: {  	s3 =	sld [smem:$0x3FFD];
	_ =	sdelay $0x3  }
0x96: {  	_ =	strace s3  }
0x97: {  	_ =	strace $0x8FFFFFFF  }
0x98: {  	s19 =	sld [smem:$0x3FDB];
	_ =	sdelay $0x1  }
0x99: {  	s4 =	simm.s32 $_scs_section_size  }
0x9a: {  	s5 =	simm.s32 $_size__tile_overlayer_lowered;
	s6 =	simm.s32 $_tile_overlayer_lowered  }
0x9b: {  	s22 =	simm.s32 $0x1BFF;
	s21 =	sshll.u32 s6, $0x1;
	s3 =	sadd.s32 s4, s19  }
0x9c: {  	s7 =	simm.s32 $0x0;
	s20 =	sshll.u32 s5, $0x1;
	s5 =	sadd.s32 s21, s3  }
0x9d: {  	[timem:s7], [sflag:s22] =	dma.local [hbm:s5], s20  }
0x9e: {  	_ =	swait.ge [sflag:s22], s20  }
0x9f: {  	s4 =	ssub.s32 $0x0, s20;
	[sflag:s22] =	ssyncset.done $0x0  }
0xa0: {  	[sflag:s22] =	ssyncadd.s32 s4;
	_ =	sdelay $0x1  }
0xa1: {  	s23 =	simm.s32 $0x1B8B  }
0xa2: {  	_ =	swait.ge [sflag:s23], $0x1  }
0xa3: {  	[sflag:s23] =	ssyncset.done $0x0  }
0xa4: {  	s25 =	simm.s32 $0x1B8E;
	s24 =	sld [smem:$0x3FFE];
	[sflag:s23] =	ssyncadd.s32 $0xFFFFFFFF  }
0xa5: {  	s26 =	simm.s32 $execute0_lowered;
	[smem:$0x3FD2] =	sst s25  }
0xa6: {  	s5 =	sshll.u32 s26, $0x1;
	_ =	strace $0x80000049;
	[dreg:$0x1] =	wrdreg $0xFFFFFFFF  }
0xa7: {  	s28 =	simm.s32 $_size_execute0_lowered;
	s3 =	sadd.s32 s3, s5;
	[dreg:$0x0] =	wrdreg $0x0  }
0xa8: {  	s5 =	sshll.u32 s28, $0x1;
	[dreg:$0x2] =	wrdreg s3  }
0xa9: {  	[dreg:$0x3] =	wrdreg s5  }
0xaa: {  	[dreg:$0x4] =	wrdreg $0xC0  }
0xab: {  	_ =	task [dreg:s7], $0x5FFFF  }
0xac: {  	[dreg:$0x1] =	wrdreg $0xFFFFFFFF  }
0xad: {  	[dreg:$0x0] =	wrdreg $0x60  }
0xae: {  	[dreg:$0x2] =	wrdreg s24  }
0xaf: {  	[dreg:$0x3] =	wrdreg s2  }
0xb0: {  	[dreg:$0x4] =	wrdreg $0x9  }
0xb1: {  	_ =	task.clear_ibuf [dreg:s7], $0x5FFFF;
	_ =	strace $0x90000049  }
0xb2: {  	s29 =	simm.s32 $0x9;
	_ =	strace $0x8000004B  }
0xb3: {  	_ =	swait.ge [sflag:s29], $0x1  }
0xb4: {  	[sflag:s29] =	ssyncadd.s32 $0xFFFFFFFF  }
0xb5: {  	_ =	strace $0x9000004B  }
0xb6: {  	_ =	sfence  }
0xb7: {  	s30 =	sld [smem:$0x0];
	_ =	sdelay $0x2  }
0xb8: {  	s31 =	sshll.u32 s1, $0xD;
	s1 =	sshrl.u32 s1, $0x2  }
0xb9: {  	s3 =	sand.u32 $0x4000, s31;
	s1 =	sadd.s32 s1, s30  }
0xba: {  	s0 =	sor.u32 s3, s0;
	s1 =	sshll.u32 s1, $0x11  }
0xbb: {  	s0 =	sor.u32 s1, s0  }
0xbc: {  	s0 =	sadd.s32 $0x8F2B, s0  }
0xbd: {  	[sflag:s0] =	ssyncadd.remote.s32 $0x1  }
0xbe: {  	_ =	sfence.sel $0xFFFF  }
0xbf: {  	[dreg:$0x0] =	wrdreg $0xFFFFFFFF;
	(pc) =	sbr.abs _section_cstart, $3  }
0xc0: {  	[dreg:$0x1] =	wrdreg $0xFFFFFFFF  }
0xc1: {  	_ =	task.clear_ibuf [dreg:s7], $0x2FFFF;
	_ =	strace $0x9FFFFFFF  }
0xc2: {  	(tm) =	ssettm $0x7FFFFFFF  }
0xc3: {  	_ =	shalt  }
tec
execute0_lowered:
.L_overlay_start_1:
0x0: {  	(tag) =	ssettag $0x1  }
0x1: {  	s5 =	rddreg [dreg:$0x0];
	s1 =	srdreg.scid  }
0x2: {  	s0 =	stileid.u32;
	s7 =	rddreg [dreg:$0x1];
	s2 =	simm.s32 $0x0  }
0x3: {  	s12 =	simm.s32 $0x80;
	s13 =	simm.s32 $0xC800;
	s14 =	simm.s32 $0x10800  }
0x4: {  	s15 =	simm.s32 $0x1;
	s16 =	simm.s32 $0x14800;
	s17 =	simm.s32 $0x15000  }
0x5: {  	v0 =	vlaneseq.u32;
	s18 =	simm.s32 $0x400;
	s19 =	simm.s32 $0x8000;
	s20 =	simm.s32 $0x2  }
0x6: {  	s21 =	simm.s32 $0x4;
	s22 =	simm.s32 $0x15800;
	s23 =	simm.s32 $0x16000;
	v1 =	vor.u32 $0x10, v0;
	v2 =	vor.u32 $0x20, v0  }
0x7: {  	s24 =	simm.s32 $0x3;
	s4 =	sand.u32 $0x1, s1;
	s3 =	sshll.u32 s0, $0x1;
	v3 =	vor.u32 $0x30, v0;
	v4 =	vor.u32 $0x40, v0;
	v5 =	vmul.u32 $0x80, v0  }
0x8: {  	s25 =	simm.s32 $0x0;
	[smem:$0x7FF] =	sst s2;
	v6 =	vor.u32 $0x50, v0;
	v7 =	vor.u32 $0x60, v0;
	v8 =	vor.u32 $0x70, v0;
	s8 =	sor.u32 s4, s3  }
0x9: {  	_ =	strace $0x8000004A;
	s3 =	sadd.s32 $0x1200, s5;
	s10 =	ssub.s32 $0x2, s4;
	v9 =	vor.u32 $0x10, v5;
	v10 =	vor.u32 $0x800, v5;
	v11 =	vor.u32 $0x810, v5  }
0xa: {  	s4 =	sadd.s32 $0x3EAC00, s5;
	s9 =	smul.u32 $0xC80, s8;
	s11 =	sshrl.u32 s10, $0x1;
	v12 =	vor.u32 $0x1000, v5;
	v13 =	vor.u32 $0x1010, v5;
	v14 =	vor.u32 $0x1800, v5  }
0xb: {  	s8 =	sshll.u32 s8, $0xA;
	v15 =	vor.u32 $0x1810, v5;
	v16 =	vor.u32 $0x2000, v5;
	v17 =	vor.u32 $0x2010, v5;
	s10 =	ssub.s32 s10, s11;
	s11 =	simm.s32 $0x6400  }
0xc: {  	v18 =	vor.u32 $0x2800, v5;
	v19 =	vor.u32 $0x2810, v5;
	v20 =	vor.u32 $0x3000, v5;
	s6 =	sadd.s32 s9, s5;
	s5 =	sadd.s32 $0x57AC00, s5;
	s7 =	sadd.s32 s7, s9  }
0xd: {  	v21 =	vor.u32 $0x3010, v5;
	v22 =	vor.u32 $0x3800, v5;
	v23 =	vor.u32 $0x3810, v5;
	s9 =	smax.u32 s10, $0x1;
	s10 =	simm.s32 $0x5;
	s6 =	sadd.s32 $0x3D1C00, s6  }
.LBB2_1:
0xe: {  	[tilespmem:s2], [sflag:$0x5] =	stream.linear.gather [hbm4b:s6+s2], $0x6400, $0x38;
	[tilespmem:$0x16800] =	vst v63  }
0xf: {  	_ =	swait.ge [sflag:s10], $0x6400  }
0x10: {  	[sflag:s10] =	ssyncset.done $0x0  }
0x11: {  	[sflag:s10] =	ssyncadd.s32 $0xFFFF9C00  }
0x12: {  	[tilespmem:s11], [sflag:$0x5] =	stream.linear.gather [hbm4b:s7+s2], $0x6400, $0x38;
	[tilespmem:$0x16800] =	vst v63  }
0x13: {  	_ =	swait.ge [sflag:s10], $0x6400  }
0x14: {  	[sflag:s10] =	ssyncset.done $0x0  }
0x15: {  	s26 =	simm.s32 $0x0;
	[sflag:s10] =	ssyncadd.s32 $0xFFFF9C00  }
0x16: {  	[tilespmem:s13], [sflag:$0x1] =	stream.indirect.gather [hbm4b:s3+s12], $0x80, s2, s12, $0xb8;
	[tilespmem:$0x16800] =	vst v63  }
.LBB2_2:
0x17: {  	s28 =	sshllo.u32 s26, $0x1  }
0x18: {  	s29 =	sshll.u32 s28, $0x7  }
0x19: {  	s30 =	sand.u32 $0x3FFFFF80, s29  }
0x1a: {  	[tilespmem:s14], [sflag:$0x2] =	stream.indirect.gather [hbm4b:s3+s12], $0x80, s30, s12, $0xb8;
	[tilespmem:$0x16800] =	vst v63  }
0x1b: {  	_ =	swait.ge [sflag:s15], $0x4000  }
0x1c: {  	p0 =	seq.s32 s26, $0x0;
	[sflag:s15] =	ssyncset.done $0x0  }
0x1d: {  	s31 =	simm.s32 @!p0 $0x3;
	s30 =	sshll.u32 s26, $0x1;
	[sflag:s15] =	ssyncadd.s32 $0xFFFFC000  }
0x1e: {  	s30 =	sshll.u32 s30, $0x7;
	_ =	swait.ge @!p0 [sflag:s31], $0x800  }
0x1f: {  	v24 =	vor.u32 s30, v0;
	[sflag:s31] =	ssyncset.done @!p0 $0x0  }
0x20: {  	[sflag:s31] =	ssyncadd.s32 @!p0 $0xFFFFF800  }
0x21: {  	_ =	swait.ge @!p0 [sflag:s31], $0x800  }
0x22: {  	[sflag:s31] =	ssyncset.done @!p0 $0x0  }
0x23: {  	[sflag:s31] =	ssyncadd.s32 @!p0 $0xFFFFF800  }
0x24: {  	v30 =	vld.idx.msk [tilespmem:v24+s11+$0x0], $0xffff;
	_ =	sdelay $0x1  }
0x25: {  	s31 =	simm.s32 $0x0  }
0x26: {  	v25 =	vadd.s32 s31, v0  }
0x27: {  	v26 =	vor.u32 s30, v2;
	v32 =	vand.u32 $0xF, v25  }
0x28: {  	v24 =	vor.u32 s30, v1;
	v33 =	vadd.s32 v30, v32  }
0x29: {  	v34 =	vadd.s32 v5, v33  }
0x2a: {  	v27 =	vor.u32 s30, v3  }
0x2b: {  	v35 =	vor.u32 s30, v4  }
0x2c: {  	v36 =	vor.u32 s30, v7;
	v29 =	vld.idx.msk [tilespmem:v26+s11+$0x0], $0xffff;
	v25 =	vshll.u32 v25, $0x7  }
0x2d: {  	v38 =	vand.u32 $0x780, v25;
	v31 =	vld.idx.msk [tilespmem:v24+s11+$0x0], $0xffff;
	v24 =	vor.u32 s30, v6  }
0x2e: {  	v37 =	vor.u32 s30, v8;
	v39 =	vor.u32 v0, v38;
	v34 =	vld.idx.msk [tilespmem:v34+s13+$0x0], $0xffff  }
0x2f: {  	v28 =	vld.idx.msk [tilespmem:v27+s11+$0x0], $0xffff;
	v33 =	vadd.s32 v9, v33  }
0x30: {  	v27 =	vld.idx.msk [tilespmem:v35+s11+$0x0], $0xffff  }
0x31: {  	v25 =	vld.idx.msk [tilespmem:v36+s11+$0x0], $0xffff  }
0x32: {  	v26 =	vld.idx.msk [tilespmem:v24+s11+$0x0], $0xffff  }
0x33: {  	v24 =	vld.idx.msk [tilespmem:v37+s11+$0x0], $0xffff;
	[tilespmem:v39+s16+$0x0] =	vst.idx.msk $0xffff, v34  }
0x34: {  	v43 =	vadd.s32 v31, v32;
	v33 =	vld.idx.msk [tilespmem:v33+s13+$0x0], $0xffff  }
0x35: {  	v44 =	vadd.s32 v10, v43;
	_ =	sdelay $0x3  }
0x36: {  	[tilespmem:v39+s17+$0x0] =	vst.idx.msk $0xffff, v33  }
0x37: {  	v45 =	vor.u32 v1, v38;
	v33 =	vld.idx.msk [tilespmem:v44+s13+$0x0], $0xffff  }
0x38: {  	v34 =	vadd.s32 v11, v43;
	_ =	sdelay $0x3  }
0x39: {  	[tilespmem:v45+s16+$0x0] =	vst.idx.msk $0xffff, v33  }
0x3a: {  	v46 =	vadd.s32 v29, v32;
	v33 =	vld.idx.msk [tilespmem:v34+s13+$0x0], $0xffff  }
0x3b: {  	v47 =	vadd.s32 v12, v46;
	_ =	sdelay $0x3  }
0x3c: {  	[tilespmem:v45+s17+$0x0] =	vst.idx.msk $0xffff, v33  }
0x3d: {  	v48 =	vor.u32 v2, v38;
	v33 =	vld.idx.msk [tilespmem:v47+s13+$0x0], $0xffff  }
0x3e: {  	v34 =	vadd.s32 v13, v46;
	_ =	sdelay $0x3  }
0x3f: {  	[tilespmem:v48+s16+$0x0] =	vst.idx.msk $0xffff, v33  }
0x40: {  	v49 =	vadd.s32 v28, v32;
	v33 =	vld.idx.msk [tilespmem:v34+s13+$0x0], $0xffff  }
0x41: {  	v50 =	vadd.s32 v14, v49;
	_ =	sdelay $0x3  }
0x42: {  	[tilespmem:v48+s17+$0x0] =	vst.idx.msk $0xffff, v33  }
0x43: {  	v51 =	vor.u32 v3, v38;
	v33 =	vld.idx.msk [tilespmem:v50+s13+$0x0], $0xffff  }
0x44: {  	v34 =	vadd.s32 v15, v49;
	_ =	sdelay $0x3  }
0x45: {  	[tilespmem:v51+s16+$0x0] =	vst.idx.msk $0xffff, v33  }
0x46: {  	v52 =	vadd.s32 v27, v32;
	v33 =	vld.idx.msk [tilespmem:v34+s13+$0x0], $0xffff  }
0x47: {  	v53 =	vadd.s32 v16, v52;
	_ =	sdelay $0x3  }
0x48: {  	[tilespmem:v51+s17+$0x0] =	vst.idx.msk $0xffff, v33  }
0x49: {  	v54 =	vor.u32 v4, v38;
	v33 =	vld.idx.msk [tilespmem:v53+s13+$0x0], $0xffff  }
0x4a: {  	v34 =	vadd.s32 v17, v52;
	_ =	sdelay $0x3  }
0x4b: {  	[tilespmem:v54+s16+$0x0] =	vst.idx.msk $0xffff, v33  }
0x4c: {  	v55 =	vadd.s32 v26, v32;
	v33 =	vld.idx.msk [tilespmem:v34+s13+$0x0], $0xffff  }
0x4d: {  	v56 =	vadd.s32 v18, v55;
	_ =	sdelay $0x3  }
0x4e: {  	[tilespmem:v54+s17+$0x0] =	vst.idx.msk $0xffff, v33  }
0x4f: {  	v57 =	vor.u32 v6, v38;
	v33 =	vld.idx.msk [tilespmem:v56+s13+$0x0], $0xffff  }
0x50: {  	v34 =	vadd.s32 v19, v55;
	_ =	sdelay $0x3  }
0x51: {  	[tilespmem:v57+s16+$0x0] =	vst.idx.msk $0xffff, v33  }
0x52: {  	v58 =	vadd.s32 v25, v32;
	v33 =	vld.idx.msk [tilespmem:v34+s13+$0x0], $0xffff  }
0x53: {  	v59 =	vadd.s32 v20, v58;
	_ =	sdelay $0x3  }
0x54: {  	[tilespmem:v57+s17+$0x0] =	vst.idx.msk $0xffff, v33  }
0x55: {  	v60 =	vor.u32 v7, v38;
	v33 =	vld.idx.msk [tilespmem:v59+s13+$0x0], $0xffff  }
0x56: {  	v34 =	vadd.s32 v21, v58;
	_ =	sdelay $0x3  }
0x57: {  	[tilespmem:v60+s16+$0x0] =	vst.idx.msk $0xffff, v33  }
0x58: {  	v32 =	vadd.s32 v24, v32;
	v33 =	vld.idx.msk [tilespmem:v34+s13+$0x0], $0xffff  }
0x59: {  	v61 =	vadd.s32 v22, v32;
	_ =	sdelay $0x3  }
0x5a: {  	[tilespmem:v60+s17+$0x0] =	vst.idx.msk $0xffff, v33  }
0x5b: {  	v62 =	vor.u32 v8, v38;
	v33 =	vld.idx.msk [tilespmem:v61+s13+$0x0], $0xffff  }
0x5c: {  	v32 =	vadd.s32 v23, v32;
	_ =	sdelay $0x1  }
0x5d: {  	s30 =	simm.s32 $0x1  }
0x5e: {  	v63 =	vadd.s32 s30, v0  }
0x5f: {  	v40 =	vand.u32 $0xF, v63;
	[tilespmem:v62+s16+$0x0] =	vst.idx.msk $0xffff, v33  }
0x60: {  	v41 =	vadd.s32 v30, v40;
	v32 =	vld.idx.msk [tilespmem:v32+s13+$0x0], $0xffff  }
0x61: {  	v42 =	vadd.s32 v5, v41;
	_ =	sdelay $0x2  }
0x62: {  	v35 =	vshll.u32 v63, $0x7  }
0x63: {  	v43 =	vand.u32 $0x780, v35;
	[tilespmem:v62+s17+$0x0] =	vst.idx.msk $0xffff, v32  }
0x64: {  	v35 =	vor.u32 v0, v43;
	v34 =	vld.idx.msk [tilespmem:v42+s13+$0x0], $0xffff  }
0x65: {  	v36 =	vadd.s32 v9, v41;
	_ =	sdelay $0x3  }
0x66: {  	[tilespmem:v35+s16+$0x0] =	vst.idx.msk $0xffff, v34  }
0x67: {  	v44 =	vadd.s32 v31, v40;
	v34 =	vld.idx.msk [tilespmem:v36+s13+$0x0], $0xffff  }
0x68: {  	v45 =	vadd.s32 v10, v44;
	_ =	sdelay $0x3  }
0x69: {  	[tilespmem:v35+s17+$0x0] =	vst.idx.msk $0xffff, v34  }
0x6a: {  	v46 =	vor.u32 v1, v43;
	v34 =	vld.idx.msk [tilespmem:v45+s13+$0x0], $0xffff  }
0x6b: {  	v36 =	vadd.s32 v11, v44;
	_ =	sdelay $0x3  }
0x6c: {  	[tilespmem:v46+s16+$0x0] =	vst.idx.msk $0xffff, v34  }
0x6d: {  	v47 =	vadd.s32 v29, v40;
	v34 =	vld.idx.msk [tilespmem:v36+s13+$0x0], $0xffff  }
0x6e: {  	v48 =	vadd.s32 v12, v47;
	_ =	sdelay $0x3  }
0x6f: {  	[tilespmem:v46+s17+$0x0] =	vst.idx.msk $0xffff, v34  }
0x70: {  	v49 =	vor.u32 v2, v43;
	v34 =	vld.idx.msk [tilespmem:v48+s13+$0x0], $0xffff  }
0x71: {  	v36 =	vadd.s32 v13, v47;
	_ =	sdelay $0x3  }
0x72: {  	[tilespmem:v49+s16+$0x0] =	vst.idx.msk $0xffff, v34  }
0x73: {  	v50 =	vadd.s32 v28, v40;
	v34 =	vld.idx.msk [tilespmem:v36+s13+$0x0], $0xffff  }
0x74: {  	v51 =	vadd.s32 v14, v50;
	_ =	sdelay $0x3  }
0x75: {  	[tilespmem:v49+s17+$0x0] =	vst.idx.msk $0xffff, v34  }
0x76: {  	v52 =	vor.u32 v3, v43;
	v34 =	vld.idx.msk [tilespmem:v51+s13+$0x0], $0xffff  }
0x77: {  	v36 =	vadd.s32 v15, v50;
	_ =	sdelay $0x3  }
0x78: {  	[tilespmem:v52+s16+$0x0] =	vst.idx.msk $0xffff, v34  }
0x79: {  	v53 =	vadd.s32 v27, v40;
	v34 =	vld.idx.msk [tilespmem:v36+s13+$0x0], $0xffff  }
0x7a: {  	v54 =	vadd.s32 v16, v53;
	_ =	sdelay $0x3  }
0x7b: {  	[tilespmem:v52+s17+$0x0] =	vst.idx.msk $0xffff, v34  }
0x7c: {  	v55 =	vor.u32 v4, v43;
	v34 =	vld.idx.msk [tilespmem:v54+s13+$0x0], $0xffff  }
0x7d: {  	v36 =	vadd.s32 v17, v53;
	_ =	sdelay $0x3  }
0x7e: {  	[tilespmem:v55+s16+$0x0] =	vst.idx.msk $0xffff, v34  }
0x7f: {  	v56 =	vadd.s32 v26, v40;
	v34 =	vld.idx.msk [tilespmem:v36+s13+$0x0], $0xffff  }
0x80: {  	v57 =	vadd.s32 v18, v56;
	_ =	sdelay $0x3  }
0x81: {  	[tilespmem:v55+s17+$0x0] =	vst.idx.msk $0xffff, v34  }
0x82: {  	v58 =	vor.u32 v6, v43;
	v34 =	vld.idx.msk [tilespmem:v57+s13+$0x0], $0xffff  }
0x83: {  	v36 =	vadd.s32 v19, v56;
	_ =	sdelay $0x3  }
0x84: {  	[tilespmem:v58+s16+$0x0] =	vst.idx.msk $0xffff, v34  }
0x85: {  	v59 =	vadd.s32 v25, v40;
	v34 =	vld.idx.msk [tilespmem:v36+s13+$0x0], $0xffff  }
0x86: {  	v60 =	vadd.s32 v20, v59;
	_ =	sdelay $0x3  }
0x87: {  	[tilespmem:v58+s17+$0x0] =	vst.idx.msk $0xffff, v34  }
0x88: {  	v61 =	vor.u32 v7, v43;
	v34 =	vld.idx.msk [tilespmem:v60+s13+$0x0], $0xffff  }
0x89: {  	v36 =	vadd.s32 v21, v59;
	_ =	sdelay $0x3  }
0x8a: {  	[tilespmem:v61+s16+$0x0] =	vst.idx.msk $0xffff, v34  }
0x8b: {  	v62 =	vadd.s32 v24, v40;
	v34 =	vld.idx.msk [tilespmem:v36+s13+$0x0], $0xffff  }
0x8c: {  	v33 =	vadd.s32 v22, v62;
	_ =	sdelay $0x3  }
0x8d: {  	[tilespmem:v61+s17+$0x0] =	vst.idx.msk $0xffff, v34  }
0x8e: {  	v63 =	vld.idx.msk [tilespmem:v33+s13+$0x0], $0xffff;
	v33 =	vor.u32 v8, v43  }
0x8f: {  	v35 =	vadd.s32 v23, v62;
	_ =	sdelay $0x2  }
0x90: {  	s30 =	simm.s32 $0x2  }
0x91: {  	s31 =	simm.s32 $0x4;
	v34 =	vadd.s32 s30, v0;
	[tilespmem:v33+s16+$0x0] =	vst.idx.msk $0xffff, v63  }
.LBB2_3:
0x92: {  	p1 =	sne.s32 s31, $0xE;
	v32 =	vand.u32 $0xF, v34;
	v35 =	vld.idx.msk [tilespmem:v35+s13+$0x0], $0xffff  }
0x93: {  	v36 =	vadd.s32 v30, v32  }
0x94: {  	v37 =	vadd.s32 v5, v36;
	_ =	sdelay $0x3  }
0x95: {  	v34 =	vshll.u32 v34, $0x7;
	[tilespmem:v33+s17+$0x0] =	vst.idx.msk $0xffff, v35  }
0x96: {  	v33 =	vand.u32 $0x780, v34;
	v35 =	vld.idx.msk [tilespmem:v37+s13+$0x0], $0xffff  }
0x97: {  	v34 =	vor.u32 v0, v33  }
0x98: {  	v36 =	vadd.s32 v9, v36;
	_ =	sdelay $0x3  }
0x99: {  	[tilespmem:v34+s16+$0x0] =	vst.idx.msk $0xffff, v35  }
0x9a: {  	v35 =	vld.idx.msk [tilespmem:v36+s13+$0x0], $0xffff  }
0x9b: {  	v36 =	vadd.s32 v31, v32  }
0x9c: {  	v37 =	vadd.s32 v10, v36;
	_ =	sdelay $0x3  }
0x9d: {  	[tilespmem:v34+s17+$0x0] =	vst.idx.msk $0xffff, v35  }
0x9e: {  	v34 =	vld.idx.msk [tilespmem:v37+s13+$0x0], $0xffff  }
0x9f: {  	v35 =	vor.u32 v1, v33  }
0xa0: {  	v36 =	vadd.s32 v11, v36;
	_ =	sdelay $0x3  }
0xa1: {  	[tilespmem:v35+s16+$0x0] =	vst.idx.msk $0xffff, v34  }
0xa2: {  	v34 =	vld.idx.msk [tilespmem:v36+s13+$0x0], $0xffff  }
0xa3: {  	v36 =	vadd.s32 v29, v32  }
0xa4: {  	v37 =	vadd.s32 v12, v36;
	_ =	sdelay $0x3  }
0xa5: {  	[tilespmem:v35+s17+$0x0] =	vst.idx.msk $0xffff, v34  }
0xa6: {  	v34 =	vld.idx.msk [tilespmem:v37+s13+$0x0], $0xffff  }
0xa7: {  	v35 =	vor.u32 v2, v33  }
0xa8: {  	v36 =	vadd.s32 v13, v36;
	_ =	sdelay $0x3  }
0xa9: {  	[tilespmem:v35+s16+$0x0] =	vst.idx.msk $0xffff, v34  }
0xaa: {  	v34 =	vld.idx.msk [tilespmem:v36+s13+$0x0], $0xffff  }
0xab: {  	v36 =	vadd.s32 v28, v32  }
0xac: {  	v37 =	vadd.s32 v14, v36;
	_ =	sdelay $0x3  }
0xad: {  	[tilespmem:v35+s17+$0x0] =	vst.idx.msk $0xffff, v34  }
0xae: {  	v34 =	vld.idx.msk [tilespmem:v37+s13+$0x0], $0xffff  }
0xaf: {  	v35 =	vor.u32 v3, v33  }
0xb0: {  	v36 =	vadd.s32 v15, v36;
	_ =	sdelay $0x3  }
0xb1: {  	[tilespmem:v35+s16+$0x0] =	vst.idx.msk $0xffff, v34  }
0xb2: {  	v34 =	vld.idx.msk [tilespmem:v36+s13+$0x0], $0xffff  }
0xb3: {  	v36 =	vadd.s32 v27, v32  }
0xb4: {  	v37 =	vadd.s32 v16, v36;
	_ =	sdelay $0x3  }
0xb5: {  	[tilespmem:v35+s17+$0x0] =	vst.idx.msk $0xffff, v34  }
0xb6: {  	v34 =	vld.idx.msk [tilespmem:v37+s13+$0x0], $0xffff  }
0xb7: {  	v35 =	vor.u32 v4, v33  }
0xb8: {  	v36 =	vadd.s32 v17, v36;
	_ =	sdelay $0x3  }
0xb9: {  	[tilespmem:v35+s16+$0x0] =	vst.idx.msk $0xffff, v34  }
0xba: {  	v34 =	vld.idx.msk [tilespmem:v36+s13+$0x0], $0xffff  }
0xbb: {  	v36 =	vadd.s32 v26, v32  }
0xbc: {  	v37 =	vadd.s32 v18, v36;
	_ =	sdelay $0x3  }
0xbd: {  	[tilespmem:v35+s17+$0x0] =	vst.idx.msk $0xffff, v34  }
0xbe: {  	v34 =	vld.idx.msk [tilespmem:v37+s13+$0x0], $0xffff  }
0xbf: {  	v35 =	vor.u32 v6, v33  }
0xc0: {  	v36 =	vadd.s32 v19, v36;
	_ =	sdelay $0x3  }
0xc1: {  	[tilespmem:v35+s16+$0x0] =	vst.idx.msk $0xffff, v34  }
0xc2: {  	v34 =	vld.idx.msk [tilespmem:v36+s13+$0x0], $0xffff  }
0xc3: {  	v36 =	vadd.s32 v25, v32  }
0xc4: {  	v37 =	vadd.s32 v20, v36;
	_ =	sdelay $0x3  }
0xc5: {  	[tilespmem:v35+s17+$0x0] =	vst.idx.msk $0xffff, v34  }
0xc6: {  	v34 =	vld.idx.msk [tilespmem:v37+s13+$0x0], $0xffff  }
0xc7: {  	v35 =	vor.u32 v7, v33  }
0xc8: {  	v36 =	vadd.s32 v21, v36;
	_ =	sdelay $0x3  }
0xc9: {  	[tilespmem:v35+s16+$0x0] =	vst.idx.msk $0xffff, v34  }
0xca: {  	v34 =	vld.idx.msk [tilespmem:v36+s13+$0x0], $0xffff  }
0xcb: {  	v32 =	vadd.s32 v24, v32  }
0xcc: {  	v36 =	vadd.s32 v22, v32;
	_ =	sdelay $0x3  }
0xcd: {  	[tilespmem:v35+s17+$0x0] =	vst.idx.msk $0xffff, v34  }
0xce: {  	v34 =	vld.idx.msk [tilespmem:v36+s13+$0x0], $0xffff  }
0xcf: {  	v33 =	vor.u32 v8, v33  }
0xd0: {  	v32 =	vadd.s32 v23, v32;
	_ =	sdelay $0x2  }
0xd1: {  	s1 =	sadd.s32 $0x1, s30;
	s30 =	smov.u32 s31  }
0xd2: {  	[tilespmem:v33+s16+$0x0] =	vst.idx.msk $0xffff, v34;
	v34 =	vadd.s32 s1, v0  }
0xd3: {  	v35 =	vld.idx.msk [tilespmem:v32+s13+$0x0], $0xffff;
	v32 =	vand.u32 $0xF, v34  }
0xd4: {  	v36 =	vadd.s32 v30, v32  }
0xd5: {  	v37 =	vadd.s32 v5, v36;
	_ =	sdelay $0x3  }
0xd6: {  	[tilespmem:v33+s17+$0x0] =	vst.idx.msk $0xffff, v35;
	v33 =	vshll.u32 v34, $0x7  }
0xd7: {  	v34 =	vld.idx.msk [tilespmem:v37+s13+$0x0], $0xffff;
	v33 =	vand.u32 $0x780, v33  }
0xd8: {  	v35 =	vor.u32 v0, v33  }
0xd9: {  	v36 =	vadd.s32 v9, v36;
	_ =	sdelay $0x3  }
0xda: {  	[tilespmem:v35+s16+$0x0] =	vst.idx.msk $0xffff, v34  }
0xdb: {  	v34 =	vld.idx.msk [tilespmem:v36+s13+$0x0], $0xffff  }
0xdc: {  	v36 =	vadd.s32 v31, v32  }
0xdd: {  	v37 =	vadd.s32 v10, v36;
	_ =	sdelay $0x3  }
0xde: {  	[tilespmem:v35+s17+$0x0] =	vst.idx.msk $0xffff, v34  }
0xdf: {  	v34 =	vld.idx.msk [tilespmem:v37+s13+$0x0], $0xffff  }
0xe0: {  	v35 =	vor.u32 v1, v33  }
0xe1: {  	v36 =	vadd.s32 v11, v36;
	_ =	sdelay $0x3  }
0xe2: {  	[tilespmem:v35+s16+$0x0] =	vst.idx.msk $0xffff, v34  }
0xe3: {  	v34 =	vld.idx.msk [tilespmem:v36+s13+$0x0], $0xffff  }
0xe4: {  	v36 =	vadd.s32 v29, v32  }
0xe5: {  	v37 =	vadd.s32 v12, v36;
	_ =	sdelay $0x3  }
0xe6: {  	[tilespmem:v35+s17+$0x0] =	vst.idx.msk $0xffff, v34  }
0xe7: {  	v34 =	vld.idx.msk [tilespmem:v37+s13+$0x0], $0xffff  }
0xe8: {  	v35 =	vor.u32 v2, v33  }
0xe9: {  	v36 =	vadd.s32 v13, v36;
	_ =	sdelay $0x3  }
0xea: {  	[tilespmem:v35+s16+$0x0] =	vst.idx.msk $0xffff, v34  }
0xeb: {  	v34 =	vld.idx.msk [tilespmem:v36+s13+$0x0], $0xffff  }
0xec: {  	v36 =	vadd.s32 v28, v32  }
0xed: {  	v37 =	vadd.s32 v14, v36;
	_ =	sdelay $0x3  }
0xee: {  	[tilespmem:v35+s17+$0x0] =	vst.idx.msk $0xffff, v34  }
0xef: {  	v34 =	vld.idx.msk [tilespmem:v37+s13+$0x0], $0xffff  }
0xf0: {  	v35 =	vor.u32 v3, v33  }
0xf1: {  	v36 =	vadd.s32 v15, v36;
	_ =	sdelay $0x3  }
0xf2: {  	[tilespmem:v35+s16+$0x0] =	vst.idx.msk $0xffff, v34  }
0xf3: {  	v34 =	vld.idx.msk [tilespmem:v36+s13+$0x0], $0xffff  }
0xf4: {  	v36 =	vadd.s32 v27, v32  }
0xf5: {  	v37 =	vadd.s32 v16, v36;
	_ =	sdelay $0x3  }
0xf6: {  	[tilespmem:v35+s17+$0x0] =	vst.idx.msk $0xffff, v34  }
0xf7: {  	v34 =	vld.idx.msk [tilespmem:v37+s13+$0x0], $0xffff  }
0xf8: {  	v35 =	vor.u32 v4, v33  }
0xf9: {  	v36 =	vadd.s32 v17, v36;
	_ =	sdelay $0x3  }
0xfa: {  	[tilespmem:v35+s16+$0x0] =	vst.idx.msk $0xffff, v34  }
0xfb: {  	v34 =	vld.idx.msk [tilespmem:v36+s13+$0x0], $0xffff  }
0xfc: {  	v36 =	vadd.s32 v26, v32  }
0xfd: {  	v37 =	vadd.s32 v18, v36;
	_ =	sdelay $0x3  }
0xfe: {  	[tilespmem:v35+s17+$0x0] =	vst.idx.msk $0xffff, v34  }
0xff: {  	v34 =	vld.idx.msk [tilespmem:v37+s13+$0x0], $0xffff  }
0x100: {  	v35 =	vor.u32 v6, v33  }
0x101: {  	v36 =	vadd.s32 v19, v36;
	_ =	sdelay $0x3  }
0x102: {  	[tilespmem:v35+s16+$0x0] =	vst.idx.msk $0xffff, v34  }
0x103: {  	v34 =	vld.idx.msk [tilespmem:v36+s13+$0x0], $0xffff  }
0x104: {  	v36 =	vadd.s32 v25, v32  }
0x105: {  	v37 =	vadd.s32 v20, v36;
	_ =	sdelay $0x3  }
0x106: {  	[tilespmem:v35+s17+$0x0] =	vst.idx.msk $0xffff, v34  }
0x107: {  	v34 =	vld.idx.msk [tilespmem:v37+s13+$0x0], $0xffff  }
0x108: {  	v35 =	vor.u32 v7, v33  }
0x109: {  	v36 =	vadd.s32 v21, v36;
	_ =	sdelay $0x3  }
0x10a: {  	[tilespmem:v35+s16+$0x0] =	vst.idx.msk $0xffff, v34  }
0x10b: {  	v34 =	vld.idx.msk [tilespmem:v36+s13+$0x0], $0xffff  }
0x10c: {  	v32 =	vadd.s32 v24, v32  }
0x10d: {  	v36 =	vadd.s32 v22, v32;
	_ =	sdelay $0x3  }
0x10e: {  	[tilespmem:v35+s17+$0x0] =	vst.idx.msk $0xffff, v34  }
0x10f: {  	v36 =	vld.idx.msk [tilespmem:v36+s13+$0x0], $0xffff  }
0x110: {  	v33 =	vor.u32 v8, v33  }
.Ltmp0:
0x111: {  	v35 =	vadd.s32 v23, v32;
	(pc) =	sbr.rel @p1 .LBB2_3-.Ltmp0, $2  }
0x112: {  	_ =	sdelay $0x2  }
0x113: {  	s31 =	sadd.s32 $0x2, s31;
	v34 =	vadd.s32 s30, v0;
	[tilespmem:v33+s16+$0x0] =	vst.idx.msk $0xffff, v36  }
0x114: {  	_ =	sdelay $0x2  }
0x115: {  	v32 =	vand.u32 $0xF, v34  }
0x116: {  	v35 =	vld.idx.msk [tilespmem:v35+s13+$0x0], $0xffff;
	v36 =	vadd.s32 v30, v32  }
0x117: {  	v37 =	vadd.s32 v5, v36;
	_ =	sdelay $0x2  }
0x118: {  	v39 =	vshll.u32 v34, $0x7  }
0x119: {  	v40 =	vand.u32 $0x780, v39;
	[tilespmem:v33+s17+$0x0] =	vst.idx.msk $0xffff, v35  }
0x11a: {  	v42 =	vor.u32 v0, v40;
	v41 =	vld.idx.msk [tilespmem:v37+s13+$0x0], $0xffff  }
0x11b: {  	v36 =	vadd.s32 v9, v36;
	_ =	sdelay $0x3  }
0x11c: {  	[tilespmem:v42+s16+$0x0] =	vst.idx.msk $0xffff, v41  }
0x11d: {  	v43 =	vadd.s32 v31, v32;
	v34 =	vld.idx.msk [tilespmem:v36+s13+$0x0], $0xffff  }
0x11e: {  	v44 =	vadd.s32 v10, v43;
	_ =	sdelay $0x3  }
0x11f: {  	[tilespmem:v42+s17+$0x0] =	vst.idx.msk $0xffff, v34  }
0x120: {  	v45 =	vor.u32 v1, v40;
	v34 =	vld.idx.msk [tilespmem:v44+s13+$0x0], $0xffff  }
0x121: {  	v36 =	vadd.s32 v11, v43;
	_ =	sdelay $0x3  }
0x122: {  	[tilespmem:v45+s16+$0x0] =	vst.idx.msk $0xffff, v34  }
0x123: {  	v46 =	vadd.s32 v29, v32;
	v34 =	vld.idx.msk [tilespmem:v36+s13+$0x0], $0xffff  }
0x124: {  	v47 =	vadd.s32 v12, v46;
	_ =	sdelay $0x3  }
0x125: {  	[tilespmem:v45+s17+$0x0] =	vst.idx.msk $0xffff, v34  }
0x126: {  	v48 =	vor.u32 v2, v40;
	v34 =	vld.idx.msk [tilespmem:v47+s13+$0x0], $0xffff  }
0x127: {  	v36 =	vadd.s32 v13, v46;
	_ =	sdelay $0x3  }
0x128: {  	[tilespmem:v48+s16+$0x0] =	vst.idx.msk $0xffff, v34  }
0x129: {  	v49 =	vadd.s32 v28, v32;
	v34 =	vld.idx.msk [tilespmem:v36+s13+$0x0], $0xffff  }
0x12a: {  	v50 =	vadd.s32 v14, v49;
	_ =	sdelay $0x3  }
0x12b: {  	[tilespmem:v48+s17+$0x0] =	vst.idx.msk $0xffff, v34  }
0x12c: {  	v51 =	vor.u32 v3, v40;
	v34 =	vld.idx.msk [tilespmem:v50+s13+$0x0], $0xffff  }
0x12d: {  	v36 =	vadd.s32 v15, v49;
	_ =	sdelay $0x3  }
0x12e: {  	[tilespmem:v51+s16+$0x0] =	vst.idx.msk $0xffff, v34  }
0x12f: {  	v52 =	vadd.s32 v27, v32;
	v34 =	vld.idx.msk [tilespmem:v36+s13+$0x0], $0xffff  }
0x130: {  	v53 =	vadd.s32 v16, v52;
	_ =	sdelay $0x3  }
0x131: {  	[tilespmem:v51+s17+$0x0] =	vst.idx.msk $0xffff, v34  }
0x132: {  	v54 =	vor.u32 v4, v40;
	v34 =	vld.idx.msk [tilespmem:v53+s13+$0x0], $0xffff  }
0x133: {  	v36 =	vadd.s32 v17, v52;
	_ =	sdelay $0x3  }
0x134: {  	[tilespmem:v54+s16+$0x0] =	vst.idx.msk $0xffff, v34  }
0x135: {  	v55 =	vadd.s32 v26, v32;
	v34 =	vld.idx.msk [tilespmem:v36+s13+$0x0], $0xffff  }
0x136: {  	v56 =	vadd.s32 v18, v55;
	_ =	sdelay $0x3  }
0x137: {  	[tilespmem:v54+s17+$0x0] =	vst.idx.msk $0xffff, v34  }
0x138: {  	v57 =	vor.u32 v6, v40;
	v34 =	vld.idx.msk [tilespmem:v56+s13+$0x0], $0xffff  }
0x139: {  	v36 =	vadd.s32 v19, v55;
	_ =	sdelay $0x3  }
0x13a: {  	[tilespmem:v57+s16+$0x0] =	vst.idx.msk $0xffff, v34  }
0x13b: {  	v58 =	vadd.s32 v25, v32;
	v34 =	vld.idx.msk [tilespmem:v36+s13+$0x0], $0xffff  }
0x13c: {  	v59 =	vadd.s32 v20, v58;
	_ =	sdelay $0x3  }
0x13d: {  	[tilespmem:v57+s17+$0x0] =	vst.idx.msk $0xffff, v34  }
0x13e: {  	v60 =	vor.u32 v7, v40;
	v34 =	vld.idx.msk [tilespmem:v59+s13+$0x0], $0xffff  }
0x13f: {  	v36 =	vadd.s32 v21, v58;
	_ =	sdelay $0x3  }
0x140: {  	[tilespmem:v60+s16+$0x0] =	vst.idx.msk $0xffff, v34  }
0x141: {  	v32 =	vadd.s32 v24, v32;
	v34 =	vld.idx.msk [tilespmem:v36+s13+$0x0], $0xffff  }
0x142: {  	v61 =	vadd.s32 v22, v32;
	_ =	sdelay $0x3  }
0x143: {  	[tilespmem:v60+s17+$0x0] =	vst.idx.msk $0xffff, v34  }
0x144: {  	v33 =	vor.u32 v8, v40;
	v34 =	vld.idx.msk [tilespmem:v61+s13+$0x0], $0xffff  }
0x145: {  	v32 =	vadd.s32 v23, v32;
	_ =	sdelay $0x1  }
0x146: {  	s1 =	sadd.s32 $0x1, s30  }
0x147: {  	v62 =	vadd.s32 s1, v0  }
0x148: {  	v63 =	vand.u32 $0xF, v62;
	[tilespmem:v33+s16+$0x0] =	vst.idx.msk $0xffff, v34  }
0x149: {  	v40 =	vadd.s32 v30, v63;
	v32 =	vld.idx.msk [tilespmem:v32+s13+$0x0], $0xffff  }
0x14a: {  	v41 =	vadd.s32 v5, v40;
	_ =	sdelay $0x2  }
0x14b: {  	v35 =	vshll.u32 v62, $0x7  }
0x14c: {  	v42 =	vand.u32 $0x780, v35;
	[tilespmem:v33+s17+$0x0] =	vst.idx.msk $0xffff, v32  }
0x14d: {  	v35 =	vor.u32 v0, v42;
	v33 =	vld.idx.msk [tilespmem:v41+s13+$0x0], $0xffff  }
0x14e: {  	v30 =	vadd.s32 v9, v40;
	_ =	sdelay $0x3  }
0x14f: {  	[tilespmem:v35+s16+$0x0] =	vst.idx.msk $0xffff, v33  }
0x150: {  	v43 =	vadd.s32 v31, v63;
	v30 =	vld.idx.msk [tilespmem:v30+s13+$0x0], $0xffff  }
0x151: {  	v44 =	vadd.s32 v10, v43;
	_ =	sdelay $0x3  }
0x152: {  	[tilespmem:v35+s17+$0x0] =	vst.idx.msk $0xffff, v30  }
0x153: {  	v45 =	vor.u32 v1, v42;
	v30 =	vld.idx.msk [tilespmem:v44+s13+$0x0], $0xffff  }
0x154: {  	v31 =	vadd.s32 v11, v43;
	_ =	sdelay $0x3  }
0x155: {  	[tilespmem:v45+s16+$0x0] =	vst.idx.msk $0xffff, v30  }
0x156: {  	v46 =	vadd.s32 v29, v63;
	v30 =	vld.idx.msk [tilespmem:v31+s13+$0x0], $0xffff  }
0x157: {  	v47 =	vadd.s32 v12, v46;
	_ =	sdelay $0x3  }
0x158: {  	[tilespmem:v45+s17+$0x0] =	vst.idx.msk $0xffff, v30  }
0x159: {  	v48 =	vor.u32 v2, v42;
	v30 =	vld.idx.msk [tilespmem:v47+s13+$0x0], $0xffff  }
0x15a: {  	v29 =	vadd.s32 v13, v46;
	_ =	sdelay $0x3  }
0x15b: {  	[tilespmem:v48+s16+$0x0] =	vst.idx.msk $0xffff, v30  }
0x15c: {  	v49 =	vadd.s32 v28, v63;
	v29 =	vld.idx.msk [tilespmem:v29+s13+$0x0], $0xffff  }
0x15d: {  	v50 =	vadd.s32 v14, v49;
	_ =	sdelay $0x3  }
0x15e: {  	[tilespmem:v48+s17+$0x0] =	vst.idx.msk $0xffff, v29  }
0x15f: {  	v51 =	vor.u32 v3, v42;
	v29 =	vld.idx.msk [tilespmem:v50+s13+$0x0], $0xffff  }
0x160: {  	v28 =	vadd.s32 v15, v49;
	_ =	sdelay $0x3  }
0x161: {  	[tilespmem:v51+s16+$0x0] =	vst.idx.msk $0xffff, v29  }
0x162: {  	v52 =	vadd.s32 v27, v63;
	v28 =	vld.idx.msk [tilespmem:v28+s13+$0x0], $0xffff  }
0x163: {  	v53 =	vadd.s32 v16, v52;
	_ =	sdelay $0x3  }
0x164: {  	[tilespmem:v51+s17+$0x0] =	vst.idx.msk $0xffff, v28  }
0x165: {  	v54 =	vor.u32 v4, v42;
	v28 =	vld.idx.msk [tilespmem:v53+s13+$0x0], $0xffff  }
0x166: {  	v27 =	vadd.s32 v17, v52;
	_ =	sdelay $0x3  }
0x167: {  	[tilespmem:v54+s16+$0x0] =	vst.idx.msk $0xffff, v28  }
0x168: {  	v55 =	vadd.s32 v26, v63;
	v27 =	vld.idx.msk [tilespmem:v27+s13+$0x0], $0xffff  }
0x169: {  	v56 =	vadd.s32 v18, v55;
	_ =	sdelay $0x3  }
0x16a: {  	[tilespmem:v54+s17+$0x0] =	vst.idx.msk $0xffff, v27  }
0x16b: {  	v57 =	vor.u32 v6, v42;
	v27 =	vld.idx.msk [tilespmem:v56+s13+$0x0], $0xffff  }
0x16c: {  	v26 =	vadd.s32 v19, v55;
	_ =	sdelay $0x3  }
0x16d: {  	[tilespmem:v57+s16+$0x0] =	vst.idx.msk $0xffff, v27  }
0x16e: {  	v58 =	vadd.s32 v25, v63;
	v26 =	vld.idx.msk [tilespmem:v26+s13+$0x0], $0xffff  }
0x16f: {  	v59 =	vadd.s32 v20, v58;
	_ =	sdelay $0x3  }
0x170: {  	[tilespmem:v57+s17+$0x0] =	vst.idx.msk $0xffff, v26  }
0x171: {  	v60 =	vor.u32 v7, v42;
	v26 =	vld.idx.msk [tilespmem:v59+s13+$0x0], $0xffff  }
0x172: {  	v25 =	vadd.s32 v21, v58;
	_ =	sdelay $0x3  }
0x173: {  	[tilespmem:v60+s16+$0x0] =	vst.idx.msk $0xffff, v26  }
0x174: {  	v61 =	vadd.s32 v24, v63;
	v25 =	vld.idx.msk [tilespmem:v25+s13+$0x0], $0xffff  }
0x175: {  	v62 =	vadd.s32 v22, v61;
	_ =	sdelay $0x3  }
0x176: {  	[tilespmem:v60+s17+$0x0] =	vst.idx.msk $0xffff, v25  }
0x177: {  	v63 =	vor.u32 v8, v42;
	v25 =	vld.idx.msk [tilespmem:v62+s13+$0x0], $0xffff  }
0x178: {  	v24 =	vadd.s32 v23, v61;
	_ =	sdelay $0x3  }
0x179: {  	[tilespmem:v63+s16+$0x0] =	vst.idx.msk $0xffff, v25  }
0x17a: {  	v24 =	vld.idx.msk [tilespmem:v24+s13+$0x0], $0xffff;
	_ =	sdelay $0x1  }
0x17b: {  	s30 =	sshll.u32 s26, $0x11  }
0x17c: {  	p1 =	sne.s32 s26, $0x63;
	s1 =	sor.u32 s8, s30  }
.Ltmp1:
0x17d: {  	s1 =	sshrl.u32 s1, $0x3;
	(pc) =	sbr.rel @p1 .LBB2_6-.Ltmp1, $4  }
0x17e: {  	s31 =	sadd.s32 s4, s1;
	[tilespmem:v63+s17+$0x0] =	vst.idx.msk $0xffff, v24  }
0x17f: {  	[hbm4b:s31+s18] =	stream.strided.scatter [tilespmem:s16], [sflag:$0x3], $0x800, s19, s18, $0x38;
	[tilespmem:$0x16800] =	vst v63  }
0x180: {  	s1 =	sadd.s32 s5, s1  }
0x181: {  	[hbm4b:s1+s18] =	stream.strided.scatter [tilespmem:s17], [sflag:$0x3], $0x800, s19, s18, $0x38;
	[tilespmem:$0x16800] =	vst v63  }
.Ltmp2:
0x182: {  	(pc) =	sbr.rel .LBB2_7-.Ltmp2, $4  }
0x183: {  	_ = 	snop  }
0x184: {  	_ =	swait.ge [sflag:s20], $0x4000  }
0x185: {  	[sflag:s20] =	ssyncset.done $0x0  }
0x186: {  	[sflag:s20] =	ssyncadd.s32 $0xFFFFC000  }
.LBB2_6:
0x187: {  	s1 =	sshll.u32 s26, $0x8  }
0x188: {  	s1 =	sand.u32 $0x3FFFFF00, s1  }
.Ltmp3:
0x189: {  	s1 =	sadd.s32 $0x100, s1;
	(pc) =	sbr.rel @p0 .LBB2_8-.Ltmp3, $4  }
0x18a: {  	[tilespmem:s13], [sflag:$0x1] =	stream.indirect.gather [hbm4b:s3+s12], $0x80, s1, s12, $0xb8;
	[tilespmem:$0x16800] =	vst v63  }
0x18b: {  	_ =	swait.ge [sflag:s20], $0x4000  }
0x18c: {  	[sflag:s20] =	ssyncset.done $0x0  }
0x18d: {  	[sflag:s20] =	ssyncadd.s32 $0xFFFFC000  }
.LBB2_7:
0x18e: {  	_ =	swait.ge [sflag:s21], $0x800  }
0x18f: {  	[sflag:s21] =	ssyncset.done $0x0  }
0x190: {  	[sflag:s21] =	ssyncadd.s32 $0xFFFFF800  }
0x191: {  	_ =	swait.ge [sflag:s21], $0x800  }
0x192: {  	[sflag:s21] =	ssyncset.done $0x0  }
0x193: {  	[sflag:s21] =	ssyncadd.s32 $0xFFFFF800  }
.LBB2_8:
0x194: {  	v24 =	vor.u32 s29, v0;
	_ =	sdelay $0x4  }
0x195: {  	v30 =	vld.idx.msk [tilespmem:v24+s11+$0x0], $0xffff;
	_ =	sdelay $0x1  }
0x196: {  	s1 =	simm.s32 $0x0  }
0x197: {  	v25 =	vadd.s32 s1, v0  }
0x198: {  	v26 =	vor.u32 s29, v2;
	v32 =	vand.u32 $0xF, v25  }
0x199: {  	v24 =	vor.u32 s29, v1;
	v33 =	vadd.s32 v30, v32  }
0x19a: {  	v34 =	vadd.s32 v5, v33  }
0x19b: {  	v27 =	vor.u32 s29, v3  }
0x19c: {  	v35 =	vor.u32 s29, v4  }
0x19d: {  	v36 =	vor.u32 s29, v7;
	v25 =	vshll.u32 v25, $0x7;
	v29 =	vld.idx.msk [tilespmem:v26+s11+$0x0], $0xffff  }
0x19e: {  	v38 =	vand.u32 $0x780, v25;
	v31 =	vld.idx.msk [tilespmem:v24+s11+$0x0], $0xffff;
	v24 =	vor.u32 s29, v6  }
0x19f: {  	v37 =	vor.u32 s29, v8;
	v39 =	vor.u32 v0, v38;
	v34 =	vld.idx.msk [tilespmem:v34+s14+$0x0], $0xffff  }
0x1a0: {  	v28 =	vld.idx.msk [tilespmem:v27+s11+$0x0], $0xffff;
	v33 =	vadd.s32 v9, v33  }
0x1a1: {  	v27 =	vld.idx.msk [tilespmem:v35+s11+$0x0], $0xffff  }
0x1a2: {  	v25 =	vld.idx.msk [tilespmem:v36+s11+$0x0], $0xffff  }
0x1a3: {  	v26 =	vld.idx.msk [tilespmem:v24+s11+$0x0], $0xffff  }
0x1a4: {  	v24 =	vld.idx.msk [tilespmem:v37+s11+$0x0], $0xffff;
	[tilespmem:v39+s22+$0x0] =	vst.idx.msk $0xffff, v34  }
0x1a5: {  	v43 =	vadd.s32 v31, v32;
	v33 =	vld.idx.msk [tilespmem:v33+s14+$0x0], $0xffff  }
0x1a6: {  	v44 =	vadd.s32 v10, v43;
	_ =	sdelay $0x3  }
0x1a7: {  	[tilespmem:v39+s23+$0x0] =	vst.idx.msk $0xffff, v33  }
0x1a8: {  	v45 =	vor.u32 v1, v38;
	v33 =	vld.idx.msk [tilespmem:v44+s14+$0x0], $0xffff  }
0x1a9: {  	v34 =	vadd.s32 v11, v43;
	_ =	sdelay $0x3  }
0x1aa: {  	[tilespmem:v45+s22+$0x0] =	vst.idx.msk $0xffff, v33  }
0x1ab: {  	v46 =	vadd.s32 v29, v32;
	v33 =	vld.idx.msk [tilespmem:v34+s14+$0x0], $0xffff  }
0x1ac: {  	v47 =	vadd.s32 v12, v46;
	_ =	sdelay $0x3  }
0x1ad: {  	[tilespmem:v45+s23+$0x0] =	vst.idx.msk $0xffff, v33  }
0x1ae: {  	v48 =	vor.u32 v2, v38;
	v33 =	vld.idx.msk [tilespmem:v47+s14+$0x0], $0xffff  }
0x1af: {  	v34 =	vadd.s32 v13, v46;
	_ =	sdelay $0x3  }
0x1b0: {  	[tilespmem:v48+s22+$0x0] =	vst.idx.msk $0xffff, v33  }
0x1b1: {  	v49 =	vadd.s32 v28, v32;
	v33 =	vld.idx.msk [tilespmem:v34+s14+$0x0], $0xffff  }
0x1b2: {  	v50 =	vadd.s32 v14, v49;
	_ =	sdelay $0x3  }
0x1b3: {  	[tilespmem:v48+s23+$0x0] =	vst.idx.msk $0xffff, v33  }
0x1b4: {  	v51 =	vor.u32 v3, v38;
	v33 =	vld.idx.msk [tilespmem:v50+s14+$0x0], $0xffff  }
0x1b5: {  	v34 =	vadd.s32 v15, v49;
	_ =	sdelay $0x3  }
0x1b6: {  	[tilespmem:v51+s22+$0x0] =	vst.idx.msk $0xffff, v33  }
0x1b7: {  	v52 =	vadd.s32 v27, v32;
	v33 =	vld.idx.msk [tilespmem:v34+s14+$0x0], $0xffff  }
0x1b8: {  	v53 =	vadd.s32 v16, v52;
	_ =	sdelay $0x3  }
0x1b9: {  	[tilespmem:v51+s23+$0x0] =	vst.idx.msk $0xffff, v33  }
0x1ba: {  	v54 =	vor.u32 v4, v38;
	v33 =	vld.idx.msk [tilespmem:v53+s14+$0x0], $0xffff  }
0x1bb: {  	v34 =	vadd.s32 v17, v52;
	_ =	sdelay $0x3  }
0x1bc: {  	[tilespmem:v54+s22+$0x0] =	vst.idx.msk $0xffff, v33  }
0x1bd: {  	v55 =	vadd.s32 v26, v32;
	v33 =	vld.idx.msk [tilespmem:v34+s14+$0x0], $0xffff  }
0x1be: {  	v56 =	vadd.s32 v18, v55;
	_ =	sdelay $0x3  }
0x1bf: {  	[tilespmem:v54+s23+$0x0] =	vst.idx.msk $0xffff, v33  }
0x1c0: {  	v57 =	vor.u32 v6, v38;
	v33 =	vld.idx.msk [tilespmem:v56+s14+$0x0], $0xffff  }
0x1c1: {  	v34 =	vadd.s32 v19, v55;
	_ =	sdelay $0x3  }
0x1c2: {  	[tilespmem:v57+s22+$0x0] =	vst.idx.msk $0xffff, v33  }
0x1c3: {  	v58 =	vadd.s32 v25, v32;
	v33 =	vld.idx.msk [tilespmem:v34+s14+$0x0], $0xffff  }
0x1c4: {  	v59 =	vadd.s32 v20, v58;
	_ =	sdelay $0x3  }
0x1c5: {  	[tilespmem:v57+s23+$0x0] =	vst.idx.msk $0xffff, v33  }
0x1c6: {  	v60 =	vor.u32 v7, v38;
	v33 =	vld.idx.msk [tilespmem:v59+s14+$0x0], $0xffff  }
0x1c7: {  	v34 =	vadd.s32 v21, v58;
	_ =	sdelay $0x3  }
0x1c8: {  	[tilespmem:v60+s22+$0x0] =	vst.idx.msk $0xffff, v33  }
0x1c9: {  	v32 =	vadd.s32 v24, v32;
	v33 =	vld.idx.msk [tilespmem:v34+s14+$0x0], $0xffff  }
0x1ca: {  	v61 =	vadd.s32 v22, v32;
	_ =	sdelay $0x3  }
0x1cb: {  	[tilespmem:v60+s23+$0x0] =	vst.idx.msk $0xffff, v33  }
0x1cc: {  	v62 =	vor.u32 v8, v38;
	v33 =	vld.idx.msk [tilespmem:v61+s14+$0x0], $0xffff  }
0x1cd: {  	v32 =	vadd.s32 v23, v32;
	_ =	sdelay $0x1  }
0x1ce: {  	s31 =	simm.s32 $0x1  }
0x1cf: {  	v63 =	vadd.s32 s31, v0  }
0x1d0: {  	v40 =	vand.u32 $0xF, v63;
	[tilespmem:v62+s22+$0x0] =	vst.idx.msk $0xffff, v33  }
0x1d1: {  	v41 =	vadd.s32 v30, v40;
	v32 =	vld.idx.msk [tilespmem:v32+s14+$0x0], $0xffff  }
0x1d2: {  	v42 =	vadd.s32 v5, v41;
	_ =	sdelay $0x2  }
0x1d3: {  	v35 =	vshll.u32 v63, $0x7  }
0x1d4: {  	v43 =	vand.u32 $0x780, v35;
	[tilespmem:v62+s23+$0x0] =	vst.idx.msk $0xffff, v32  }
0x1d5: {  	v35 =	vor.u32 v0, v43;
	v34 =	vld.idx.msk [tilespmem:v42+s14+$0x0], $0xffff  }
0x1d6: {  	v36 =	vadd.s32 v9, v41;
	_ =	sdelay $0x3  }
0x1d7: {  	[tilespmem:v35+s22+$0x0] =	vst.idx.msk $0xffff, v34  }
0x1d8: {  	v44 =	vadd.s32 v31, v40;
	v34 =	vld.idx.msk [tilespmem:v36+s14+$0x0], $0xffff  }
0x1d9: {  	v45 =	vadd.s32 v10, v44;
	_ =	sdelay $0x3  }
0x1da: {  	[tilespmem:v35+s23+$0x0] =	vst.idx.msk $0xffff, v34  }
0x1db: {  	v46 =	vor.u32 v1, v43;
	v34 =	vld.idx.msk [tilespmem:v45+s14+$0x0], $0xffff  }
0x1dc: {  	v36 =	vadd.s32 v11, v44;
	_ =	sdelay $0x3  }
0x1dd: {  	[tilespmem:v46+s22+$0x0] =	vst.idx.msk $0xffff, v34  }
0x1de: {  	v47 =	vadd.s32 v29, v40;
	v34 =	vld.idx.msk [tilespmem:v36+s14+$0x0], $0xffff  }
0x1df: {  	v48 =	vadd.s32 v12, v47;
	_ =	sdelay $0x3  }
0x1e0: {  	[tilespmem:v46+s23+$0x0] =	vst.idx.msk $0xffff, v34  }
0x1e1: {  	v49 =	vor.u32 v2, v43;
	v34 =	vld.idx.msk [tilespmem:v48+s14+$0x0], $0xffff  }
0x1e2: {  	v36 =	vadd.s32 v13, v47;
	_ =	sdelay $0x3  }
0x1e3: {  	[tilespmem:v49+s22+$0x0] =	vst.idx.msk $0xffff, v34  }
0x1e4: {  	v50 =	vadd.s32 v28, v40;
	v34 =	vld.idx.msk [tilespmem:v36+s14+$0x0], $0xffff  }
0x1e5: {  	v51 =	vadd.s32 v14, v50;
	_ =	sdelay $0x3  }
0x1e6: {  	[tilespmem:v49+s23+$0x0] =	vst.idx.msk $0xffff, v34  }
0x1e7: {  	v52 =	vor.u32 v3, v43;
	v34 =	vld.idx.msk [tilespmem:v51+s14+$0x0], $0xffff  }
0x1e8: {  	v36 =	vadd.s32 v15, v50;
	_ =	sdelay $0x3  }
0x1e9: {  	[tilespmem:v52+s22+$0x0] =	vst.idx.msk $0xffff, v34  }
0x1ea: {  	v53 =	vadd.s32 v27, v40;
	v34 =	vld.idx.msk [tilespmem:v36+s14+$0x0], $0xffff  }
0x1eb: {  	v54 =	vadd.s32 v16, v53;
	_ =	sdelay $0x3  }
0x1ec: {  	[tilespmem:v52+s23+$0x0] =	vst.idx.msk $0xffff, v34  }
0x1ed: {  	v55 =	vor.u32 v4, v43;
	v34 =	vld.idx.msk [tilespmem:v54+s14+$0x0], $0xffff  }
0x1ee: {  	v36 =	vadd.s32 v17, v53;
	_ =	sdelay $0x3  }
0x1ef: {  	[tilespmem:v55+s22+$0x0] =	vst.idx.msk $0xffff, v34  }
0x1f0: {  	v56 =	vadd.s32 v26, v40;
	v34 =	vld.idx.msk [tilespmem:v36+s14+$0x0], $0xffff  }
0x1f1: {  	v57 =	vadd.s32 v18, v56;
	_ =	sdelay $0x3  }
0x1f2: {  	[tilespmem:v55+s23+$0x0] =	vst.idx.msk $0xffff, v34  }
0x1f3: {  	v58 =	vor.u32 v6, v43;
	v34 =	vld.idx.msk [tilespmem:v57+s14+$0x0], $0xffff  }
0x1f4: {  	v36 =	vadd.s32 v19, v56;
	_ =	sdelay $0x3  }
0x1f5: {  	[tilespmem:v58+s22+$0x0] =	vst.idx.msk $0xffff, v34  }
0x1f6: {  	v59 =	vadd.s32 v25, v40;
	v34 =	vld.idx.msk [tilespmem:v36+s14+$0x0], $0xffff  }
0x1f7: {  	v60 =	vadd.s32 v20, v59;
	_ =	sdelay $0x3  }
0x1f8: {  	[tilespmem:v58+s23+$0x0] =	vst.idx.msk $0xffff, v34  }
0x1f9: {  	v61 =	vor.u32 v7, v43;
	v34 =	vld.idx.msk [tilespmem:v60+s14+$0x0], $0xffff  }
0x1fa: {  	v36 =	vadd.s32 v21, v59;
	_ =	sdelay $0x3  }
0x1fb: {  	[tilespmem:v61+s22+$0x0] =	vst.idx.msk $0xffff, v34  }
0x1fc: {  	v62 =	vadd.s32 v24, v40;
	v34 =	vld.idx.msk [tilespmem:v36+s14+$0x0], $0xffff  }
0x1fd: {  	v33 =	vadd.s32 v22, v62;
	_ =	sdelay $0x3  }
0x1fe: {  	[tilespmem:v61+s23+$0x0] =	vst.idx.msk $0xffff, v34  }
0x1ff: {  	v63 =	vld.idx.msk [tilespmem:v33+s14+$0x0], $0xffff;
	v33 =	vor.u32 v8, v43  }
0x200: {  	v35 =	vadd.s32 v23, v62;
	_ =	sdelay $0x2  }
0x201: {  	s29 =	simm.s32 $0x2  }
0x202: {  	s30 =	simm.s32 $0x4;
	v34 =	vadd.s32 s29, v0;
	[tilespmem:v33+s22+$0x0] =	vst.idx.msk $0xffff, v63  }
.LBB2_9:
0x203: {  	p0 =	sne.s32 s30, $0xE;
	v32 =	vand.u32 $0xF, v34;
	v35 =	vld.idx.msk [tilespmem:v35+s14+$0x0], $0xffff  }
0x204: {  	v36 =	vadd.s32 v30, v32  }
0x205: {  	v37 =	vadd.s32 v5, v36;
	_ =	sdelay $0x3  }
0x206: {  	v34 =	vshll.u32 v34, $0x7;
	[tilespmem:v33+s23+$0x0] =	vst.idx.msk $0xffff, v35  }
0x207: {  	v33 =	vand.u32 $0x780, v34;
	v35 =	vld.idx.msk [tilespmem:v37+s14+$0x0], $0xffff  }
0x208: {  	v34 =	vor.u32 v0, v33  }
0x209: {  	v36 =	vadd.s32 v9, v36;
	_ =	sdelay $0x3  }
0x20a: {  	[tilespmem:v34+s22+$0x0] =	vst.idx.msk $0xffff, v35  }
0x20b: {  	v35 =	vld.idx.msk [tilespmem:v36+s14+$0x0], $0xffff  }
0x20c: {  	v36 =	vadd.s32 v31, v32  }
0x20d: {  	v37 =	vadd.s32 v10, v36;
	_ =	sdelay $0x3  }
0x20e: {  	[tilespmem:v34+s23+$0x0] =	vst.idx.msk $0xffff, v35  }
0x20f: {  	v34 =	vld.idx.msk [tilespmem:v37+s14+$0x0], $0xffff  }
0x210: {  	v35 =	vor.u32 v1, v33  }
0x211: {  	v36 =	vadd.s32 v11, v36;
	_ =	sdelay $0x3  }
0x212: {  	[tilespmem:v35+s22+$0x0] =	vst.idx.msk $0xffff, v34  }
0x213: {  	v34 =	vld.idx.msk [tilespmem:v36+s14+$0x0], $0xffff  }
0x214: {  	v36 =	vadd.s32 v29, v32  }
0x215: {  	v37 =	vadd.s32 v12, v36;
	_ =	sdelay $0x3  }
0x216: {  	[tilespmem:v35+s23+$0x0] =	vst.idx.msk $0xffff, v34  }
0x217: {  	v34 =	vld.idx.msk [tilespmem:v37+s14+$0x0], $0xffff  }
0x218: {  	v35 =	vor.u32 v2, v33  }
0x219: {  	v36 =	vadd.s32 v13, v36;
	_ =	sdelay $0x3  }
0x21a: {  	[tilespmem:v35+s22+$0x0] =	vst.idx.msk $0xffff, v34  }
0x21b: {  	v34 =	vld.idx.msk [tilespmem:v36+s14+$0x0], $0xffff  }
0x21c: {  	v36 =	vadd.s32 v28, v32  }
0x21d: {  	v37 =	vadd.s32 v14, v36;
	_ =	sdelay $0x3  }
0x21e: {  	[tilespmem:v35+s23+$0x0] =	vst.idx.msk $0xffff, v34  }
0x21f: {  	v34 =	vld.idx.msk [tilespmem:v37+s14+$0x0], $0xffff  }
0x220: {  	v35 =	vor.u32 v3, v33  }
0x221: {  	v36 =	vadd.s32 v15, v36;
	_ =	sdelay $0x3  }
0x222: {  	[tilespmem:v35+s22+$0x0] =	vst.idx.msk $0xffff, v34  }
0x223: {  	v34 =	vld.idx.msk [tilespmem:v36+s14+$0x0], $0xffff  }
0x224: {  	v36 =	vadd.s32 v27, v32  }
0x225: {  	v37 =	vadd.s32 v16, v36;
	_ =	sdelay $0x3  }
0x226: {  	[tilespmem:v35+s23+$0x0] =	vst.idx.msk $0xffff, v34  }
0x227: {  	v34 =	vld.idx.msk [tilespmem:v37+s14+$0x0], $0xffff  }
0x228: {  	v35 =	vor.u32 v4, v33  }
0x229: {  	v36 =	vadd.s32 v17, v36;
	_ =	sdelay $0x3  }
0x22a: {  	[tilespmem:v35+s22+$0x0] =	vst.idx.msk $0xffff, v34  }
0x22b: {  	v34 =	vld.idx.msk [tilespmem:v36+s14+$0x0], $0xffff  }
0x22c: {  	v36 =	vadd.s32 v26, v32  }
0x22d: {  	v37 =	vadd.s32 v18, v36;
	_ =	sdelay $0x3  }
0x22e: {  	[tilespmem:v35+s23+$0x0] =	vst.idx.msk $0xffff, v34  }
0x22f: {  	v34 =	vld.idx.msk [tilespmem:v37+s14+$0x0], $0xffff  }
0x230: {  	v35 =	vor.u32 v6, v33  }
0x231: {  	v36 =	vadd.s32 v19, v36;
	_ =	sdelay $0x3  }
0x232: {  	[tilespmem:v35+s22+$0x0] =	vst.idx.msk $0xffff, v34  }
0x233: {  	v34 =	vld.idx.msk [tilespmem:v36+s14+$0x0], $0xffff  }
0x234: {  	v36 =	vadd.s32 v25, v32  }
0x235: {  	v37 =	vadd.s32 v20, v36;
	_ =	sdelay $0x3  }
0x236: {  	[tilespmem:v35+s23+$0x0] =	vst.idx.msk $0xffff, v34  }
0x237: {  	v34 =	vld.idx.msk [tilespmem:v37+s14+$0x0], $0xffff  }
0x238: {  	v35 =	vor.u32 v7, v33  }
0x239: {  	v36 =	vadd.s32 v21, v36;
	_ =	sdelay $0x3  }
0x23a: {  	[tilespmem:v35+s22+$0x0] =	vst.idx.msk $0xffff, v34  }
0x23b: {  	v34 =	vld.idx.msk [tilespmem:v36+s14+$0x0], $0xffff  }
0x23c: {  	v32 =	vadd.s32 v24, v32  }
0x23d: {  	v36 =	vadd.s32 v22, v32;
	_ =	sdelay $0x3  }
0x23e: {  	[tilespmem:v35+s23+$0x0] =	vst.idx.msk $0xffff, v34  }
0x23f: {  	v34 =	vld.idx.msk [tilespmem:v36+s14+$0x0], $0xffff  }
0x240: {  	v33 =	vor.u32 v8, v33  }
0x241: {  	v32 =	vadd.s32 v23, v32;
	_ =	sdelay $0x2  }
0x242: {  	s1 =	sadd.s32 $0x1, s29;
	s29 =	smov.u32 s30  }
0x243: {  	[tilespmem:v33+s22+$0x0] =	vst.idx.msk $0xffff, v34;
	v34 =	vadd.s32 s1, v0  }
0x244: {  	v35 =	vld.idx.msk [tilespmem:v32+s14+$0x0], $0xffff;
	v32 =	vand.u32 $0xF, v34  }
0x245: {  	v36 =	vadd.s32 v30, v32  }
0x246: {  	v37 =	vadd.s32 v5, v36;
	_ =	sdelay $0x3  }
0x247: {  	[tilespmem:v33+s23+$0x0] =	vst.idx.msk $0xffff, v35;
	v33 =	vshll.u32 v34, $0x7  }
0x248: {  	v34 =	vld.idx.msk [tilespmem:v37+s14+$0x0], $0xffff;
	v33 =	vand.u32 $0x780, v33  }
0x249: {  	v35 =	vor.u32 v0, v33  }
0x24a: {  	v36 =	vadd.s32 v9, v36;
	_ =	sdelay $0x3  }
0x24b: {  	[tilespmem:v35+s22+$0x0] =	vst.idx.msk $0xffff, v34  }
0x24c: {  	v34 =	vld.idx.msk [tilespmem:v36+s14+$0x0], $0xffff  }
0x24d: {  	v36 =	vadd.s32 v31, v32  }
0x24e: {  	v37 =	vadd.s32 v10, v36;
	_ =	sdelay $0x3  }
0x24f: {  	[tilespmem:v35+s23+$0x0] =	vst.idx.msk $0xffff, v34  }
0x250: {  	v34 =	vld.idx.msk [tilespmem:v37+s14+$0x0], $0xffff  }
0x251: {  	v35 =	vor.u32 v1, v33  }
0x252: {  	v36 =	vadd.s32 v11, v36;
	_ =	sdelay $0x3  }
0x253: {  	[tilespmem:v35+s22+$0x0] =	vst.idx.msk $0xffff, v34  }
0x254: {  	v34 =	vld.idx.msk [tilespmem:v36+s14+$0x0], $0xffff  }
0x255: {  	v36 =	vadd.s32 v29, v32  }
0x256: {  	v37 =	vadd.s32 v12, v36;
	_ =	sdelay $0x3  }
0x257: {  	[tilespmem:v35+s23+$0x0] =	vst.idx.msk $0xffff, v34  }
0x258: {  	v34 =	vld.idx.msk [tilespmem:v37+s14+$0x0], $0xffff  }
0x259: {  	v35 =	vor.u32 v2, v33  }
0x25a: {  	v36 =	vadd.s32 v13, v36;
	_ =	sdelay $0x3  }
0x25b: {  	[tilespmem:v35+s22+$0x0] =	vst.idx.msk $0xffff, v34  }
0x25c: {  	v34 =	vld.idx.msk [tilespmem:v36+s14+$0x0], $0xffff  }
0x25d: {  	v36 =	vadd.s32 v28, v32  }
0x25e: {  	v37 =	vadd.s32 v14, v36;
	_ =	sdelay $0x3  }
0x25f: {  	[tilespmem:v35+s23+$0x0] =	vst.idx.msk $0xffff, v34  }
0x260: {  	v34 =	vld.idx.msk [tilespmem:v37+s14+$0x0], $0xffff  }
0x261: {  	v35 =	vor.u32 v3, v33  }
0x262: {  	v36 =	vadd.s32 v15, v36;
	_ =	sdelay $0x3  }
0x263: {  	[tilespmem:v35+s22+$0x0] =	vst.idx.msk $0xffff, v34  }
0x264: {  	v34 =	vld.idx.msk [tilespmem:v36+s14+$0x0], $0xffff  }
0x265: {  	v36 =	vadd.s32 v27, v32  }
0x266: {  	v37 =	vadd.s32 v16, v36;
	_ =	sdelay $0x3  }
0x267: {  	[tilespmem:v35+s23+$0x0] =	vst.idx.msk $0xffff, v34  }
0x268: {  	v34 =	vld.idx.msk [tilespmem:v37+s14+$0x0], $0xffff  }
0x269: {  	v35 =	vor.u32 v4, v33  }
0x26a: {  	v36 =	vadd.s32 v17, v36;
	_ =	sdelay $0x3  }
0x26b: {  	[tilespmem:v35+s22+$0x0] =	vst.idx.msk $0xffff, v34  }
0x26c: {  	v34 =	vld.idx.msk [tilespmem:v36+s14+$0x0], $0xffff  }
0x26d: {  	v36 =	vadd.s32 v26, v32  }
0x26e: {  	v37 =	vadd.s32 v18, v36;
	_ =	sdelay $0x3  }
0x26f: {  	[tilespmem:v35+s23+$0x0] =	vst.idx.msk $0xffff, v34  }
0x270: {  	v34 =	vld.idx.msk [tilespmem:v37+s14+$0x0], $0xffff  }
0x271: {  	v35 =	vor.u32 v6, v33  }
0x272: {  	v36 =	vadd.s32 v19, v36;
	_ =	sdelay $0x3  }
0x273: {  	[tilespmem:v35+s22+$0x0] =	vst.idx.msk $0xffff, v34  }
0x274: {  	v34 =	vld.idx.msk [tilespmem:v36+s14+$0x0], $0xffff  }
0x275: {  	v36 =	vadd.s32 v25, v32  }
0x276: {  	v37 =	vadd.s32 v20, v36;
	_ =	sdelay $0x3  }
0x277: {  	[tilespmem:v35+s23+$0x0] =	vst.idx.msk $0xffff, v34  }
0x278: {  	v34 =	vld.idx.msk [tilespmem:v37+s14+$0x0], $0xffff  }
0x279: {  	v35 =	vor.u32 v7, v33  }
0x27a: {  	v36 =	vadd.s32 v21, v36;
	_ =	sdelay $0x3  }
0x27b: {  	[tilespmem:v35+s22+$0x0] =	vst.idx.msk $0xffff, v34  }
0x27c: {  	v34 =	vld.idx.msk [tilespmem:v36+s14+$0x0], $0xffff  }
0x27d: {  	v32 =	vadd.s32 v24, v32  }
0x27e: {  	v36 =	vadd.s32 v22, v32;
	_ =	sdelay $0x3  }
0x27f: {  	[tilespmem:v35+s23+$0x0] =	vst.idx.msk $0xffff, v34  }
0x280: {  	v36 =	vld.idx.msk [tilespmem:v36+s14+$0x0], $0xffff  }
0x281: {  	v33 =	vor.u32 v8, v33  }
.Ltmp4:
0x282: {  	v35 =	vadd.s32 v23, v32;
	(pc) =	sbr.rel @p0 .LBB2_9-.Ltmp4, $2  }
0x283: {  	_ =	sdelay $0x2  }
0x284: {  	s30 =	sadd.s32 $0x2, s30;
	v34 =	vadd.s32 s29, v0;
	[tilespmem:v33+s22+$0x0] =	vst.idx.msk $0xffff, v36  }
0x285: {  	_ =	sdelay $0x2  }
0x286: {  	v32 =	vand.u32 $0xF, v34  }
0x287: {  	v35 =	vld.idx.msk [tilespmem:v35+s14+$0x0], $0xffff;
	v36 =	vadd.s32 v30, v32  }
0x288: {  	v37 =	vadd.s32 v5, v36;
	_ =	sdelay $0x2  }
0x289: {  	v39 =	vshll.u32 v34, $0x7  }
0x28a: {  	v40 =	vand.u32 $0x780, v39;
	[tilespmem:v33+s23+$0x0] =	vst.idx.msk $0xffff, v35  }
0x28b: {  	v42 =	vor.u32 v0, v40;
	v41 =	vld.idx.msk [tilespmem:v37+s14+$0x0], $0xffff  }
0x28c: {  	v36 =	vadd.s32 v9, v36;
	_ =	sdelay $0x3  }
0x28d: {  	[tilespmem:v42+s22+$0x0] =	vst.idx.msk $0xffff, v41  }
0x28e: {  	v43 =	vadd.s32 v31, v32;
	v34 =	vld.idx.msk [tilespmem:v36+s14+$0x0], $0xffff  }
0x28f: {  	v44 =	vadd.s32 v10, v43;
	_ =	sdelay $0x3  }
0x290: {  	[tilespmem:v42+s23+$0x0] =	vst.idx.msk $0xffff, v34  }
0x291: {  	v45 =	vor.u32 v1, v40;
	v34 =	vld.idx.msk [tilespmem:v44+s14+$0x0], $0xffff  }
0x292: {  	v36 =	vadd.s32 v11, v43;
	_ =	sdelay $0x3  }
0x293: {  	[tilespmem:v45+s22+$0x0] =	vst.idx.msk $0xffff, v34  }
0x294: {  	v46 =	vadd.s32 v29, v32;
	v34 =	vld.idx.msk [tilespmem:v36+s14+$0x0], $0xffff  }
0x295: {  	v47 =	vadd.s32 v12, v46;
	_ =	sdelay $0x3  }
0x296: {  	[tilespmem:v45+s23+$0x0] =	vst.idx.msk $0xffff, v34  }
0x297: {  	v48 =	vor.u32 v2, v40;
	v34 =	vld.idx.msk [tilespmem:v47+s14+$0x0], $0xffff  }
0x298: {  	v36 =	vadd.s32 v13, v46;
	_ =	sdelay $0x3  }
0x299: {  	[tilespmem:v48+s22+$0x0] =	vst.idx.msk $0xffff, v34  }
0x29a: {  	v49 =	vadd.s32 v28, v32;
	v34 =	vld.idx.msk [tilespmem:v36+s14+$0x0], $0xffff  }
0x29b: {  	v50 =	vadd.s32 v14, v49;
	_ =	sdelay $0x3  }
0x29c: {  	[tilespmem:v48+s23+$0x0] =	vst.idx.msk $0xffff, v34  }
0x29d: {  	v51 =	vor.u32 v3, v40;
	v34 =	vld.idx.msk [tilespmem:v50+s14+$0x0], $0xffff  }
0x29e: {  	v36 =	vadd.s32 v15, v49;
	_ =	sdelay $0x3  }
0x29f: {  	[tilespmem:v51+s22+$0x0] =	vst.idx.msk $0xffff, v34  }
0x2a0: {  	v52 =	vadd.s32 v27, v32;
	v34 =	vld.idx.msk [tilespmem:v36+s14+$0x0], $0xffff  }
0x2a1: {  	v53 =	vadd.s32 v16, v52;
	_ =	sdelay $0x3  }
0x2a2: {  	[tilespmem:v51+s23+$0x0] =	vst.idx.msk $0xffff, v34  }
0x2a3: {  	v54 =	vor.u32 v4, v40;
	v34 =	vld.idx.msk [tilespmem:v53+s14+$0x0], $0xffff  }
0x2a4: {  	v36 =	vadd.s32 v17, v52;
	_ =	sdelay $0x3  }
0x2a5: {  	[tilespmem:v54+s22+$0x0] =	vst.idx.msk $0xffff, v34  }
0x2a6: {  	v55 =	vadd.s32 v26, v32;
	v34 =	vld.idx.msk [tilespmem:v36+s14+$0x0], $0xffff  }
0x2a7: {  	v56 =	vadd.s32 v18, v55;
	_ =	sdelay $0x3  }
0x2a8: {  	[tilespmem:v54+s23+$0x0] =	vst.idx.msk $0xffff, v34  }
0x2a9: {  	v57 =	vor.u32 v6, v40;
	v34 =	vld.idx.msk [tilespmem:v56+s14+$0x0], $0xffff  }
0x2aa: {  	v36 =	vadd.s32 v19, v55;
	_ =	sdelay $0x3  }
0x2ab: {  	[tilespmem:v57+s22+$0x0] =	vst.idx.msk $0xffff, v34  }
0x2ac: {  	v58 =	vadd.s32 v25, v32;
	v34 =	vld.idx.msk [tilespmem:v36+s14+$0x0], $0xffff  }
0x2ad: {  	v59 =	vadd.s32 v20, v58;
	_ =	sdelay $0x3  }
0x2ae: {  	[tilespmem:v57+s23+$0x0] =	vst.idx.msk $0xffff, v34  }
0x2af: {  	v60 =	vor.u32 v7, v40;
	v34 =	vld.idx.msk [tilespmem:v59+s14+$0x0], $0xffff  }
0x2b0: {  	v36 =	vadd.s32 v21, v58;
	_ =	sdelay $0x3  }
0x2b1: {  	[tilespmem:v60+s22+$0x0] =	vst.idx.msk $0xffff, v34  }
0x2b2: {  	v32 =	vadd.s32 v24, v32;
	v34 =	vld.idx.msk [tilespmem:v36+s14+$0x0], $0xffff  }
0x2b3: {  	v61 =	vadd.s32 v22, v32;
	_ =	sdelay $0x3  }
0x2b4: {  	[tilespmem:v60+s23+$0x0] =	vst.idx.msk $0xffff, v34  }
0x2b5: {  	v33 =	vor.u32 v8, v40;
	v34 =	vld.idx.msk [tilespmem:v61+s14+$0x0], $0xffff  }
0x2b6: {  	v32 =	vadd.s32 v23, v32;
	_ =	sdelay $0x1  }
0x2b7: {  	s1 =	sadd.s32 $0x1, s29  }
0x2b8: {  	v62 =	vadd.s32 s1, v0  }
0x2b9: {  	v63 =	vand.u32 $0xF, v62;
	[tilespmem:v33+s22+$0x0] =	vst.idx.msk $0xffff, v34  }
0x2ba: {  	v40 =	vadd.s32 v30, v63;
	v32 =	vld.idx.msk [tilespmem:v32+s14+$0x0], $0xffff  }
0x2bb: {  	v41 =	vadd.s32 v5, v40;
	_ =	sdelay $0x2  }
0x2bc: {  	v35 =	vshll.u32 v62, $0x7  }
0x2bd: {  	v42 =	vand.u32 $0x780, v35;
	[tilespmem:v33+s23+$0x0] =	vst.idx.msk $0xffff, v32  }
0x2be: {  	v35 =	vor.u32 v0, v42;
	v33 =	vld.idx.msk [tilespmem:v41+s14+$0x0], $0xffff  }
0x2bf: {  	v30 =	vadd.s32 v9, v40;
	_ =	sdelay $0x3  }
0x2c0: {  	[tilespmem:v35+s22+$0x0] =	vst.idx.msk $0xffff, v33  }
0x2c1: {  	v43 =	vadd.s32 v31, v63;
	v30 =	vld.idx.msk [tilespmem:v30+s14+$0x0], $0xffff  }
0x2c2: {  	v44 =	vadd.s32 v10, v43;
	_ =	sdelay $0x3  }
0x2c3: {  	[tilespmem:v35+s23+$0x0] =	vst.idx.msk $0xffff, v30  }
0x2c4: {  	v45 =	vor.u32 v1, v42;
	v30 =	vld.idx.msk [tilespmem:v44+s14+$0x0], $0xffff  }
0x2c5: {  	v31 =	vadd.s32 v11, v43;
	_ =	sdelay $0x3  }
0x2c6: {  	[tilespmem:v45+s22+$0x0] =	vst.idx.msk $0xffff, v30  }
0x2c7: {  	v46 =	vadd.s32 v29, v63;
	v30 =	vld.idx.msk [tilespmem:v31+s14+$0x0], $0xffff  }
0x2c8: {  	v47 =	vadd.s32 v12, v46;
	_ =	sdelay $0x3  }
0x2c9: {  	[tilespmem:v45+s23+$0x0] =	vst.idx.msk $0xffff, v30  }
0x2ca: {  	v48 =	vor.u32 v2, v42;
	v30 =	vld.idx.msk [tilespmem:v47+s14+$0x0], $0xffff  }
0x2cb: {  	v29 =	vadd.s32 v13, v46;
	_ =	sdelay $0x3  }
0x2cc: {  	[tilespmem:v48+s22+$0x0] =	vst.idx.msk $0xffff, v30  }
0x2cd: {  	v49 =	vadd.s32 v28, v63;
	v29 =	vld.idx.msk [tilespmem:v29+s14+$0x0], $0xffff  }
0x2ce: {  	v50 =	vadd.s32 v14, v49;
	_ =	sdelay $0x3  }
0x2cf: {  	[tilespmem:v48+s23+$0x0] =	vst.idx.msk $0xffff, v29  }
0x2d0: {  	v51 =	vor.u32 v3, v42;
	v29 =	vld.idx.msk [tilespmem:v50+s14+$0x0], $0xffff  }
0x2d1: {  	v28 =	vadd.s32 v15, v49;
	_ =	sdelay $0x3  }
0x2d2: {  	[tilespmem:v51+s22+$0x0] =	vst.idx.msk $0xffff, v29  }
0x2d3: {  	v52 =	vadd.s32 v27, v63;
	v28 =	vld.idx.msk [tilespmem:v28+s14+$0x0], $0xffff  }
0x2d4: {  	v53 =	vadd.s32 v16, v52;
	_ =	sdelay $0x3  }
0x2d5: {  	[tilespmem:v51+s23+$0x0] =	vst.idx.msk $0xffff, v28  }
0x2d6: {  	v54 =	vor.u32 v4, v42;
	v28 =	vld.idx.msk [tilespmem:v53+s14+$0x0], $0xffff  }
0x2d7: {  	v27 =	vadd.s32 v17, v52;
	_ =	sdelay $0x3  }
0x2d8: {  	[tilespmem:v54+s22+$0x0] =	vst.idx.msk $0xffff, v28  }
0x2d9: {  	v55 =	vadd.s32 v26, v63;
	v27 =	vld.idx.msk [tilespmem:v27+s14+$0x0], $0xffff  }
0x2da: {  	v56 =	vadd.s32 v18, v55;
	_ =	sdelay $0x3  }
0x2db: {  	[tilespmem:v54+s23+$0x0] =	vst.idx.msk $0xffff, v27  }
0x2dc: {  	v57 =	vor.u32 v6, v42;
	v27 =	vld.idx.msk [tilespmem:v56+s14+$0x0], $0xffff  }
0x2dd: {  	v26 =	vadd.s32 v19, v55;
	_ =	sdelay $0x3  }
0x2de: {  	[tilespmem:v57+s22+$0x0] =	vst.idx.msk $0xffff, v27  }
0x2df: {  	v58 =	vadd.s32 v25, v63;
	v26 =	vld.idx.msk [tilespmem:v26+s14+$0x0], $0xffff  }
0x2e0: {  	v59 =	vadd.s32 v20, v58;
	_ =	sdelay $0x3  }
0x2e1: {  	[tilespmem:v57+s23+$0x0] =	vst.idx.msk $0xffff, v26  }
0x2e2: {  	v60 =	vor.u32 v7, v42;
	v26 =	vld.idx.msk [tilespmem:v59+s14+$0x0], $0xffff  }
0x2e3: {  	v25 =	vadd.s32 v21, v58;
	_ =	sdelay $0x3  }
0x2e4: {  	[tilespmem:v60+s22+$0x0] =	vst.idx.msk $0xffff, v26  }
0x2e5: {  	v61 =	vadd.s32 v24, v63;
	v25 =	vld.idx.msk [tilespmem:v25+s14+$0x0], $0xffff  }
0x2e6: {  	v62 =	vadd.s32 v22, v61;
	_ =	sdelay $0x3  }
0x2e7: {  	[tilespmem:v60+s23+$0x0] =	vst.idx.msk $0xffff, v25  }
0x2e8: {  	v63 =	vor.u32 v8, v42;
	v25 =	vld.idx.msk [tilespmem:v62+s14+$0x0], $0xffff  }
0x2e9: {  	v24 =	vadd.s32 v23, v61;
	_ =	sdelay $0x3  }
0x2ea: {  	[tilespmem:v63+s22+$0x0] =	vst.idx.msk $0xffff, v25  }
0x2eb: {  	v24 =	vld.idx.msk [tilespmem:v24+s14+$0x0], $0xffff;
	_ =	sdelay $0x1  }
0x2ec: {  	s30 =	sshll.u32 s28, $0x10;
	s26 =	sadd.s32 $0x1, s26  }
0x2ed: {  	s1 =	sor.u32 s8, s30;
	p0 =	sne.s32 s26, $0x64  }
.Ltmp5:
0x2ee: {  	s1 =	sshrl.u32 s1, $0x3;
	(pc) =	sbr.rel @p0 .LBB2_2-.Ltmp5, $4  }
0x2ef: {  	s31 =	sadd.s32 s4, s1;
	[tilespmem:v63+s23+$0x0] =	vst.idx.msk $0xffff, v24  }
0x2f0: {  	[hbm4b:s31+s18] =	stream.strided.scatter [tilespmem:s22], [sflag:$0x4], $0x800, s19, s18, $0x38;
	[tilespmem:$0x16800] =	vst v63  }
0x2f1: {  	s1 =	sadd.s32 s5, s1  }
0x2f2: {  	[hbm4b:s1+s18] =	stream.strided.scatter [tilespmem:s23], [sflag:$0x4], $0x800, s19, s18, $0x38;
	[tilespmem:$0x16800] =	vst v63  }
0x2f3: {  	_ =	swait.ge [sflag:s24], $0x800  }
0x2f4: {  	[sflag:s24] =	ssyncset.done $0x0  }
0x2f5: {  	[sflag:s24] =	ssyncadd.s32 $0xFFFFF800  }
0x2f6: {  	_ =	swait.ge [sflag:s24], $0x800  }
0x2f7: {  	[sflag:s24] =	ssyncset.done $0x0  }
0x2f8: {  	s25 =	sadd.s32 $0x1, s25;
	[sflag:s24] =	ssyncadd.s32 $0xFFFFF800  }
0x2f9: {  	p0 =	sne.s32 s25, s9;
	_ =	swait.ge [sflag:s21], $0x800  }
.Ltmp6:
0x2fa: {  	[sflag:s21] =	ssyncset.done $0x0;
	(pc) =	sbr.rel @p0 .LBB2_1-.Ltmp6, $4  }
0x2fb: {  	[sflag:s21] =	ssyncadd.s32 $0xFFFFF800  }
0x2fc: {  	_ =	swait.ge [sflag:s21], $0x800  }
0x2fd: {  	[sflag:s21] =	ssyncset.done $0x0  }
0x2fe: {  	[sflag:s21] =	ssyncadd.s32 $0xFFFFF800  }
0x2ff: {  	_ =	sfence.sel $0x180000  }
0x300: {  	[bflag:$0x0] =	sbarrier.arrive $0xFFFF  }
0x301: {  	_ =	strace $0x9000004A  }
0x302: {  	[bflag:$0x2] =	sbarrier.arrive $0xFFFF  }
0x303: {  	p0 =	sne.s32 s0, $0x0;
	s0 =	rddreg [dreg:$0x2]  }
0x304: {  	s0 =	sadd.s32 @!p0 $0x100000, s0  }
0x305: {  	[sflag:s0] =	ssyncadd.tile.s32 @!p0 $0x1;
	_ =	shalt  }
.Lfunc_end2:
_tile_overlayer_lowered:
.L_overlay_start_2:
0x306: {  	(tag) =	ssettag $0x2  }
0x307: {  	s0 =	rddreg [dreg:$0x0];
	s2 =	stileid.u32  }
0x308: {  	s1 =	rddreg [dreg:$0x1];
	p0 =	sne.s32 s2, $0x0  }
0x309: {  	s3 =	rddreg [dreg:$0x2];
	[bflag:$0x3] =	sbarrier.arrive $0xFFFF;
	s2 =	simm.s32 @!p0 $0x1C05  }
0x30a: {  	[timem:s3], [sflag:s2] =	dma.local @!p0 [hbm:s0], s1  }
0x30b: {  	s0 =	simm.s32 @!p0 $0x5  }
0x30c: {  	_ =	swait.ge @!p0 [sflag:s0], s1  }
0x30d: {  	s1 =	ssub.s32 @!p0 $0x0, s1;
	[sflag:s0] =	ssyncset.done @!p0 $0x0  }
0x30e: {  	[sflag:s0] =	ssyncadd.s32 @!p0 s1  }
0x30f: {  	[bflag:$0x3] =	sbarrier.arrive $0xFFFF  }
0x310: {  	_ =	shalt  }

</sc_bundles>
